<compile_context>
chip_gen: v7x
topology: tpu7x:2x2x1
jax: 0.10.2.dev20260603
libtpu: 0.0.44.dev20260713+nightly
codegen_flags: <defaults>
</compile_context>

<pallas_src>
import functools

import numpy as np
import jax
import jax.numpy as jnp
from jax.experimental import pallas as pl
from jax.experimental.pallas import tpu as pltpu
from jax.experimental.pallas import tpu_sc as plsc

_EPS = 1e-8
_F32 = jnp.float32



def _pick_br(rows, mult, cap):
    best = mult
    k = 1
    while True:
        cand = mult * (k + 1)
        if cand > cap or cand > rows:
            break
        k += 1
        if rows % cand == 0:
            best = cand
    return best if rows % best == 0 else rows


def _stats_update(s_ref, y):
    c = y.shape[-1]
    row0 = jnp.sum(y, axis=0, keepdims=True)
    row1 = jnp.sum(y * y, axis=0, keepdims=True)
    upd = jnp.concatenate(
        [row0, row1, jnp.zeros((6, c), dtype=y.dtype)], axis=0)

    @pl.when(pl.program_id(0) == 0)
    def _():
        s_ref[...] = jnp.zeros_like(s_ref)

    s_ref[...] += upd


def _mm0_body(x_ref, wt_ref, b_ref, y_ref, s_ref):
    y = jnp.dot(x_ref[...], wt_ref[...],
                preferred_element_type=_F32) + b_ref[...]
    y_ref[...] = y
    _stats_update(s_ref, y)


def _mm1_body(x_ref, a_ref, c_ref, wt_ref, b_ref, y_ref, s_ref):
    h = jnp.maximum(x_ref[...] * a_ref[...] + c_ref[...], 0.0)
    y = jnp.dot(h, wt_ref[...], preferred_element_type=_F32) + b_ref[...]
    y_ref[...] = y
    _stats_update(s_ref, y)


def _mm2_body(x1_ref, a1_ref, c1_ref, x2_ref, a2_ref, c2_ref,
              wt_ref, b_ref, y_ref, s_ref):
    pre = (x1_ref[...] * a1_ref[...] + c1_ref[...]
           + x2_ref[...] * a2_ref[...] + c2_ref[...])
    h = jnp.maximum(pre, 0.0)
    y = jnp.dot(h, wt_ref[...], preferred_element_type=_F32) + b_ref[...]
    y_ref[...] = y
    _stats_update(s_ref, y)


def _mm1_pool_body(x_ref, a_ref, c_ref, wt_ref, b_ref, o_ref, s_ref, *, k):
    h = jnp.maximum(x_ref[...] * a_ref[...] + c_ref[...], 0.0)
    y = jnp.dot(h, wt_ref[...], preferred_element_type=_F32) + b_ref[...]
    _stats_update(s_ref, y)
    br, cout = y.shape
    o_ref[...] = jnp.max(y.reshape(br // k, k, cout), axis=1)


def _sum_mm_body(x_ref, a_ref, c_ref, wt_ref, b_ref, o_ref, *, k):
    h = jnp.maximum(x_ref[...] * a_ref[...] + c_ref[...], 0.0)
    br, cin = h.shape
    hp = jnp.sum(h.reshape(br // k, k, cin), axis=1)
    o_ref[...] = jnp.dot(hp, wt_ref[...],
                         preferred_element_type=_F32) + b_ref[...]


def _affine_relu_body(x_ref, a_ref, c_ref, o_ref):
    o_ref[...] = jnp.maximum(x_ref[...] * a_ref[...] + c_ref[...], 0.0)


def _pool_body(x_ref, a_ref, c_ref, o_ref, *, relu, mode):
    h = x_ref[...] * a_ref[...] + c_ref[...]
    if relu:
        h = jnp.maximum(h, 0.0)
    if mode == "max":
        o_ref[...] = jnp.max(h, axis=1)
    else:
        o_ref[...] = jnp.sum(h, axis=1)


def _mm_stats(x, wt, b, affine=None, x2=None, affine2=None):
    rows, cin = x.shape
    cout = wt.shape[1]
    pcin = -(-cin // 128) * 128
    pcout = -(-cout // 128) * 128
    nin = 2 if x2 is not None else 1
    cap = max(8, (4 << 20) // (8 * (nin * pcin + pcout)))
    br = _pick_br(rows, 8, min(cap, rows))
    grid = (rows // br,)
    b2 = b.reshape(1, cout)
    out_shape = [jax.ShapeDtypeStruct((rows, cout), _F32),
                 jax.ShapeDtypeStruct((8, cout), _F32)]
    out_specs = [pl.BlockSpec((br, cout), lambda i: (i, 0)),
                 pl.BlockSpec((8, cout), lambda i: (0, 0))]
    w_spec = pl.BlockSpec((cin, cout), lambda i: (0, 0))
    bias_spec = pl.BlockSpec((1, cout), lambda i: (0, 0))
    row_spec = pl.BlockSpec((br, cin), lambda i: (i, 0))
    vec_spec = pl.BlockSpec((1, cin), lambda i: (0, 0))

    if affine is None:
        y, s = pl.pallas_call(
            _mm0_body, grid=grid,
            in_specs=[row_spec, w_spec, bias_spec],
            out_specs=out_specs, out_shape=out_shape,
        )(x, wt, b2)
    elif x2 is None:
        a, c = affine
        y, s = pl.pallas_call(
            _mm1_body, grid=grid,
            in_specs=[row_spec, vec_spec, vec_spec, w_spec, bias_spec],
            out_specs=out_specs, out_shape=out_shape,
        )(x, a.reshape(1, cin), c.reshape(1, cin), wt, b2)
    else:
        a1, c1 = affine
        a2, c2 = affine2
        y, s = pl.pallas_call(
            _mm2_body, grid=grid,
            in_specs=[row_spec, vec_spec, vec_spec,
                      row_spec, vec_spec, vec_spec, w_spec, bias_spec],
            out_specs=out_specs, out_shape=out_shape,
        )(x, a1.reshape(1, cin), c1.reshape(1, cin),
          x2, a2.reshape(1, cin), c2.reshape(1, cin), wt, b2)
    return y, s


def _l0_stats_body(xp_ref, xf_ref, wl_ref, bl_ref, wf_ref, bf_ref,
                   sl_ref, sf_ref):
    yl = jnp.dot(xp_ref[...], wl_ref[...],
                 preferred_element_type=_F32) + bl_ref[...]
    _stats_update(sl_ref, yl)
    yf = jnp.dot(xf_ref[...], wf_ref[...],
                 preferred_element_type=_F32) + bf_ref[...]
    _stats_update(sf_ref, yf)


def _l0_mm2_body(xp_ref, xf_ref, wl_ref, bl_ref, wf_ref, bf_ref,
                 al_ref, cl_ref, af_ref, cf_ref, wt_ref, b_ref,
                 y_ref, s_ref):
    yl = jnp.dot(xp_ref[...], wl_ref[...],
                 preferred_element_type=_F32) + bl_ref[...]
    yf = jnp.dot(xf_ref[...], wf_ref[...],
                 preferred_element_type=_F32) + bf_ref[...]
    h = jnp.maximum(yl * al_ref[...] + cl_ref[...]
                    + yf * af_ref[...] + cf_ref[...], 0.0)
    y = jnp.dot(h, wt_ref[...], preferred_element_type=_F32) + b_ref[...]
    y_ref[...] = y
    _stats_update(s_ref, y)


def _l0_specs(br, cp, cf, c0):
    return [pl.BlockSpec((br, cp), lambda i: (i, 0)),
            pl.BlockSpec((br, cf), lambda i: (i, 0)),
            pl.BlockSpec((cp, c0), lambda i: (0, 0)),
            pl.BlockSpec((1, c0), lambda i: (0, 0)),
            pl.BlockSpec((cf, c0), lambda i: (0, 0)),
            pl.BlockSpec((1, c0), lambda i: (0, 0))]


def _l0_br(rows, cp, cf, c0, cout):
    pcf = -(-cf // 128) * 128
    pcout = -(-max(c0, cout) // 128) * 128
    cap = max(8, (4 << 20) // (8 * (128 + pcf + 2 * pcout)))
    return _pick_br(rows, 8, min(cap, rows))


def _l0_stats(xp, xf, wlt, bl, wft, bf):
    rows, cp = xp.shape
    cf = xf.shape[1]
    c0 = wlt.shape[1]
    br = _l0_br(rows, cp, cf, c0, c0)
    sl, sf = pl.pallas_call(
        _l0_stats_body, grid=(rows // br,),
        in_specs=_l0_specs(br, cp, cf, c0),
        out_specs=[pl.BlockSpec((8, c0), lambda i: (0, 0)),
                   pl.BlockSpec((8, c0), lambda i: (0, 0))],
        out_shape=[jax.ShapeDtypeStruct((8, c0), _F32),
                   jax.ShapeDtypeStruct((8, c0), _F32)],
    )(xp, xf, wlt, bl.reshape(1, c0), wft, bf.reshape(1, c0))
    return sl, sf


def _l0_mm2(xp, xf, wlt, bl, wft, bf, aff_l, aff_f, wt, b):
    rows, cp = xp.shape
    cf = xf.shape[1]
    c0 = wlt.shape[1]
    cout = wt.shape[1]
    br = _l0_br(rows, cp, cf, c0, cout)
    v = lambda x: x.reshape(1, -1)
    y, s = pl.pallas_call(
        _l0_mm2_body, grid=(rows // br,),
        in_specs=_l0_specs(br, cp, cf, c0) + [
            pl.BlockSpec((1, c0), lambda i: (0, 0)),
            pl.BlockSpec((1, c0), lambda i: (0, 0)),
            pl.BlockSpec((1, c0), lambda i: (0, 0)),
            pl.BlockSpec((1, c0), lambda i: (0, 0)),
            pl.BlockSpec((c0, cout), lambda i: (0, 0)),
            pl.BlockSpec((1, cout), lambda i: (0, 0))],
        out_specs=[pl.BlockSpec((br, cout), lambda i: (i, 0)),
                   pl.BlockSpec((8, cout), lambda i: (0, 0))],
        out_shape=[jax.ShapeDtypeStruct((rows, cout), _F32),
                   jax.ShapeDtypeStruct((8, cout), _F32)],
    )(xp, xf, wlt, v(bl), wft, v(bf),
      v(aff_l[0]), v(aff_l[1]), v(aff_f[0]), v(aff_f[1]), wt, v(b))
    return y, s


def _mm_pool_stats(x, wt, b, affine, k):
    rows, cin = x.shape
    cout = wt.shape[1]
    pcin = -(-cin // 128) * 128
    pcout = -(-cout // 128) * 128
    cap = max(8 * k, (4 << 20) // (8 * (pcin + pcout)))
    br = _pick_br(rows, 8 * k, min(cap, rows))
    grid = (rows // br,)
    a, c = affine
    y, s = pl.pallas_call(
        lambda *refs: _mm1_pool_body(*refs, k=k),
        grid=grid,
        in_specs=[pl.BlockSpec((br, cin), lambda i: (i, 0)),
                  pl.BlockSpec((1, cin), lambda i: (0, 0)),
                  pl.BlockSpec((1, cin), lambda i: (0, 0)),
                  pl.BlockSpec((cin, cout), lambda i: (0, 0)),
                  pl.BlockSpec((1, cout), lambda i: (0, 0))],
        out_specs=[pl.BlockSpec((br // k, cout), lambda i: (i, 0)),
                   pl.BlockSpec((8, cout), lambda i: (0, 0))],
        out_shape=[jax.ShapeDtypeStruct((rows // k, cout), _F32),
                   jax.ShapeDtypeStruct((8, cout), _F32)],
    )(x, a.reshape(1, cin), c.reshape(1, cin), wt, b.reshape(1, cout))
    return y, s


def _sum_mm(x, wt, bsum, affine, k):
    rows, cin = x.shape
    cout = wt.shape[1]
    pcin = -(-cin // 128) * 128
    cap = max(8 * k, (4 << 20) // (8 * 2 * pcin))
    br = _pick_br(rows, 8 * k, min(cap, rows))
    a, c = affine
    return pl.pallas_call(
        lambda *refs: _sum_mm_body(*refs, k=k),
        grid=(rows // br,),
        in_specs=[pl.BlockSpec((br, cin), lambda i: (i, 0)),
                  pl.BlockSpec((1, cin), lambda i: (0, 0)),
                  pl.BlockSpec((1, cin), lambda i: (0, 0)),
                  pl.BlockSpec((cin, cout), lambda i: (0, 0)),
                  pl.BlockSpec((1, cout), lambda i: (0, 0))],
        out_specs=pl.BlockSpec((br // k, cout), lambda i: (i, 0)),
        out_shape=jax.ShapeDtypeStruct((rows // k, cout), _F32),
    )(x, a.reshape(1, cin), c.reshape(1, cin), wt, bsum.reshape(1, cout))


def _affine_relu(x, a, c):
    rows, cin = x.shape
    pcin = -(-cin // 128) * 128
    br = _pick_br(rows, 8, max(8, (2 << 20) // (8 * pcin)))
    return pl.pallas_call(
        _affine_relu_body,
        grid=(rows // br,),
        in_specs=[pl.BlockSpec((br, cin), lambda i: (i, 0)),
                  pl.BlockSpec((1, cin), lambda i: (0, 0)),
                  pl.BlockSpec((1, cin), lambda i: (0, 0))],
        out_specs=pl.BlockSpec((br, cin), lambda i: (i, 0)),
        out_shape=jax.ShapeDtypeStruct((rows, cin), _F32),
    )(x, a.reshape(1, cin), c.reshape(1, cin))


def _bn_affine(stats, rows, gamma, beta):
    mean = stats[0] / rows
    var = stats[1] / rows - mean * mean
    a = gamma / jnp.sqrt(var + 1e-5)
    c = beta - mean * a
    return a, c


def _pool(x, a, c, k, relu, mode):
    rows, cin = x.shape
    groups = rows // k
    x3 = x.reshape(groups, k, cin)
    pcin = -(-cin // 128) * 128
    gb = _pick_br(groups, 8, max(8, (1 << 21) // (4 * k * pcin)))
    if groups % gb != 0 or groups < 8:
        gb = groups
    y = pl.pallas_call(
        lambda x_ref, a_ref, c_ref, o_ref: _pool_body(
            x_ref, a_ref, c_ref, o_ref, relu=relu, mode=mode),
        grid=(groups // gb,),
        in_specs=[pl.BlockSpec((gb, k, cin), lambda i: (i, 0, 0)),
                  pl.BlockSpec((1, 1, cin), lambda i: (0, 0, 0)),
                  pl.BlockSpec((1, 1, cin), lambda i: (0, 0, 0))],
        out_specs=pl.BlockSpec((gb, cin), lambda i: (i, 0)),
        out_shape=jax.ShapeDtypeStruct((groups, cin), _F32),
    )(x3, a.reshape(1, 1, cin), c.reshape(1, 1, cin))
    return y


def _cls_body(x_ref, w1_ref, b1_ref, g1_ref, t1_ref,
              w2_ref, b2_ref, g2_ref, t2_ref,
              w3_ref, b3_ref, o_ref):
    def bn_relu(y, g, t):
        mean = jnp.mean(y, axis=0, keepdims=True)
        var = jnp.mean(y * y, axis=0, keepdims=True) - mean * mean
        return jnp.maximum(g * (y - mean) / jnp.sqrt(var + 1e-5) + t, 0.0)

    h = jnp.dot(x_ref[...], w1_ref[...], preferred_element_type=_F32) \
        + b1_ref[...]
    h = bn_relu(h, g1_ref[...], t1_ref[...])
    h = jnp.dot(h, w2_ref[...], preferred_element_type=_F32) + b2_ref[...]
    h = bn_relu(h, g2_ref[...], t2_ref[...])
    z = jnp.dot(h, w3_ref[...], preferred_element_type=_F32) + b3_ref[...]
    m = jnp.max(z, axis=-1, keepdims=True)
    lse = m + jnp.log(jnp.sum(jnp.exp(z - m), axis=-1, keepdims=True))
    o_ref[...] = z - lse


def _classifier(feat, cp):
    b = feat.shape[0]
    args = (feat,
            cp['W1'].T, cp['b1'].reshape(1, -1),
            cp['g1'].reshape(1, -1), cp['bt1'].reshape(1, -1),
            cp['W2'].T, cp['b2'].reshape(1, -1),
            cp['g2'].reshape(1, -1), cp['bt2'].reshape(1, -1),
            cp['W3'].T, cp['b3'].reshape(1, -1))
    return pl.pallas_call(
        _cls_body,
        out_shape=jax.ShapeDtypeStruct((b, cp['W3'].shape[0]), _F32),
    )(*args)



_SC_CH = 128
_SC_NC = 2
_SC_NS = 16
_SC_NW = _SC_NC * _SC_NS


def _sc_gather_call(rows, d, n_chunks):
    mesh = plsc.VectorSubcoreMesh(core_axis_name="c", subcore_axis_name="s")
    nc = _SC_NC
    b_per_w = n_chunks * _SC_CH

    @functools.partial(
        pl.kernel, mesh=mesh,
        out_type=jax.ShapeDtypeStruct((rows, d), jnp.float32),
        scratch_types=[pltpu.VMEM((_SC_CH,), jnp.int32),
                       pltpu.VMEM((_SC_CH, d), jnp.float32),
                       pltpu.SemaphoreType.DMA],
    )
    def gather_k(table_hbm, idx_hbm, out_hbm, idx_v, rows_v, sem):
        wid = jax.lax.axis_index("s") * nc + jax.lax.axis_index("c")
        base = wid * b_per_w

        def body(i, carry):
            off = base + i * _SC_CH
            pltpu.sync_copy(idx_hbm.at[pl.ds(off, _SC_CH)], idx_v)
            pltpu.async_copy(table_hbm.at[idx_v], rows_v, sem).wait()
            pltpu.sync_copy(rows_v, out_hbm.at[pl.ds(off, _SC_CH)])
            return carry

        jax.lax.fori_loop(0, n_chunks, body, 0)

    return gather_k


def _sc_gather(table, idx):
    t, c = table.shape
    d = -(-c // 128) * 128
    if d != c:
        table = jnp.pad(table, ((0, 0), (0, d - c)))
    unit = _SC_NW * _SC_CH
    r = idx.shape[0]
    rp = -(-r // unit) * unit
    if rp != r:
        idx = jnp.pad(idx, (0, rp - r))
    out = _sc_gather_call(rp, d, rp // unit)(table, idx)
    return out[:r, :c]


def _gather_rows(src, idx):
    b, n, c = src.shape
    off = (jnp.arange(b, dtype=jnp.int32) * n).reshape(
        (b,) + (1,) * (idx.ndim - 1))
    flat = _sc_gather(src.reshape(b * n, c),
                      (idx.astype(jnp.int32) + off).reshape(-1))
    return flat.reshape(idx.shape + (c,))



def _xyz2sphere(xyz):
    rho = jnp.sqrt(jnp.sum(xyz ** 2, axis=-1, keepdims=True))
    rho_c = jnp.maximum(rho, _EPS)
    theta = jnp.arccos(jnp.clip(xyz[..., 2:3] / rho_c, -1.0, 1.0)) / np.pi
    phi = jnp.arctan2(xyz[..., 1:2], xyz[..., 0:1]) / (2 * np.pi) + 0.5
    return jnp.concatenate([rho, theta, phi], axis=-1)


def _index_points(points, idx):
    return jax.vmap(lambda p, i: p[i])(points, idx)


def _sq_dist(src, dst):
    return jnp.sum((src[:, :, None, :] - dst[:, None, :, :]) ** 2, axis=-1)


def _fps_body(xt_ref, o_ref, *, npoint):
    b, _, n = xt_ref.shape
    xt = xt_ref[...]
    iota = jax.lax.broadcasted_iota(jnp.int32, (b, n), 1)
    col = jax.lax.broadcasted_iota(jnp.int32, (b, npoint), 1)

    def step(i, carry):
        dists, idxs = carry
        m = jnp.max(dists, axis=1, keepdims=True)
        far = jnp.min(jnp.where(dists == m, iota, n), axis=1, keepdims=True)
        idxs = jnp.where(col == i, jnp.broadcast_to(far, (b, npoint)), idxs)
        oh = jnp.broadcast_to(far, (b, n)) == iota
        xf = jnp.sum(jnp.where(oh[:, None, :], xt, 0.0), axis=2)
        dx = xt[:, 0, :] - xf[:, 0:1]
        dy = xt[:, 1, :] - xf[:, 1:2]
        dz = xt[:, 2, :] - xf[:, 2:3]
        d = dx * dx + dy * dy + dz * dz
        dists = jnp.minimum(dists, d)
        return dists, idxs

    row = jax.lax.broadcasted_iota(jnp.int32, (b, npoint), 0)
    init = (jnp.full((b, n), 1e10, dtype=_F32),
            jnp.minimum(col + row, 0))
    o_ref[...] = jax.lax.fori_loop(0, npoint, step, init)[1]


def _fps(xyz, npoint):
    b, n, _ = xyz.shape
    xt = jnp.transpose(xyz, (0, 2, 1))
    return pl.pallas_call(
        lambda xt_ref, o_ref: _fps_body(xt_ref, o_ref, npoint=npoint),
        out_shape=jax.ShapeDtypeStruct((b, npoint), jnp.int32),
    )(xt)


def _pair_dists(q_ref, xt_ref):
    q = q_ref[0]
    dx = q[:, 0:1] - xt_ref[0, 0:1, :]
    dy = q[:, 1:2] - xt_ref[0, 1:2, :]
    dz = q[:, 2:3] - xt_ref[0, 2:3, :]
    return dx * dx + dy * dy + dz * dz


def _concrete_zero_i32(shape):
    a = jax.lax.broadcasted_iota(jnp.int32, shape, 0)
    b = jax.lax.broadcasted_iota(jnp.int32, shape, 1)
    return jnp.minimum(a + b, 0)


def _knn_body(q_ref, xt_ref, o_ref, *, k):
    qn, n = q_ref.shape[1], xt_ref.shape[2]
    d = _pair_dists(q_ref, xt_ref)
    iota = jax.lax.broadcasted_iota(jnp.int32, (qn, n), 1)
    colk = jax.lax.broadcasted_iota(jnp.int32, (qn, k), 1)
    out = _concrete_zero_i32((qn, k))

    def round_(i, carry):
        d, out = carry
        m = jnp.min(d, axis=1, keepdims=True)
        j = jnp.min(jnp.where(d == m, iota, n), axis=1, keepdims=True)
        out = jnp.where(colk == i, jnp.broadcast_to(j, (qn, k)), out)
        d = jnp.where(jnp.broadcast_to(j, (qn, n)) == iota, jnp.inf, d)
        return d, out

    o_ref[0] = jax.lax.fori_loop(0, k, round_, (d, out))[1]


def _knn(k, xyz):
    b, n, _ = xyz.shape
    xt = jnp.transpose(xyz, (0, 2, 1))
    qb = min(n, 256)
    return pl.pallas_call(
        lambda q_ref, xt_ref, o_ref: _knn_body(q_ref, xt_ref, o_ref, k=k),
        grid=(b, n // qb),
        in_specs=[pl.BlockSpec((1, qb, 3), lambda i, j: (i, j, 0)),
                  pl.BlockSpec((1, 3, n), lambda i, j: (i, 0, 0))],
        out_specs=pl.BlockSpec((1, qb, k), lambda i, j: (i, j, 0)),
        out_shape=jax.ShapeDtypeStruct((b, n, k), jnp.int32),
    )(xyz, xt)


def _ball_body(q_ref, xt_ref, o_ref, *, nsample, r2):
    qn, n = q_ref.shape[1], xt_ref.shape[2]
    d = _pair_dists(q_ref, xt_ref)
    iota = jax.lax.broadcasted_iota(jnp.int32, (qn, n), 1)
    colk = jax.lax.broadcasted_iota(jnp.int32, (qn, nsample), 1)
    key = jnp.where(d > r2, n, iota)
    out = _concrete_zero_i32((qn, nsample))

    def round_(i, carry):
        key, out = carry
        j = jnp.min(key, axis=1, keepdims=True)
        out = jnp.where(colk == i, jnp.broadcast_to(j, (qn, nsample)), out)
        key = jnp.where(jnp.broadcast_to(j, (qn, n)) == iota, n, key)
        return key, out

    out = jax.lax.fori_loop(0, nsample, round_, (key, out))[1]
    first = jnp.broadcast_to(out[:, 0:1], (qn, nsample))
    o_ref[0] = jnp.where(out == n, first, out)


def _ball_query(radius, nsample, xyz, new_xyz):
    b, n, _ = xyz.shape
    s = new_xyz.shape[1]
    xt = jnp.transpose(xyz, (0, 2, 1))
    qb = min(s, 512)
    return pl.pallas_call(
        lambda q_ref, xt_ref, o_ref: _ball_body(
            q_ref, xt_ref, o_ref, nsample=nsample, r2=radius ** 2),
        grid=(b, s // qb),
        in_specs=[pl.BlockSpec((1, qb, 3), lambda i, j: (i, j, 0)),
                  pl.BlockSpec((1, 3, n), lambda i, j: (i, 0, 0))],
        out_specs=pl.BlockSpec((1, qb, nsample), lambda i, j: (i, j, 0)),
        out_shape=jax.ShapeDtypeStruct((b, s, nsample), jnp.int32),
    )(new_xyz, xt)



def _umbrella_surface(center, p, k):
    b, n, _ = center.shape
    idx = _knn(k, center)
    gxyz = _gather_rows(center, idx[:, :, 1:])
    gnorm = gxyz - center[:, :, None, :]
    phi = _xyz2sphere(gnorm)[..., 2]
    kk1 = k - 1
    ar = jnp.arange(kk1)
    lt = phi[..., None, :] < phi[..., :, None]
    eq = (phi[..., None, :] == phi[..., :, None]) & (ar[None, :] < ar[:, None])
    rank = jnp.sum(lt | eq, axis=-1)
    perm = (rank[..., None, :] == ar[:, None]).astype(_F32)
    sg = jnp.matmul(perm, gnorm)[:, :, :, None, :]
    sgr = jnp.roll(sg, -1, axis=2)
    g = jnp.concatenate([jnp.zeros_like(sg), sg, sgr], axis=-2)

    e1 = g[..., 1, :] - g[..., 0, :]
    e2 = g[..., 2, :] - g[..., 0, :]
    nor = jnp.cross(e1, e2)
    unit = nor / jnp.maximum(
        jnp.linalg.norm(nor, axis=-1, keepdims=True), _EPS)
    pos_mask = (unit[..., 0:1, 0] > 0).astype(_F32) * 2.0 - 1.0
    unit = unit * pos_mask[..., None]
    gc = jnp.mean(g, axis=-2)
    gpolar = _xyz2sphere(gc)
    gpos = jnp.sum(unit * gc, axis=-1, keepdims=True) / np.sqrt(3.0)
    feat = jnp.concatenate([gc, gpolar, unit, gpos], axis=-1)
    feat = jnp.nan_to_num(feat)

    kk = k - 1
    rows = b * n * kk
    x = feat.reshape(rows, feat.shape[-1])
    y1, s1 = _mm_stats(x, p['W1'].T, p['b1'])
    a1, c1 = _bn_affine(s1, rows, p['g1'], p['bt1'])
    y2, _ = _mm_stats(y1, p['W2'].T, p['b2'], affine=(a1, c1))
    out = _pool(y2, jnp.ones_like(p['b2']), jnp.zeros_like(p['b2']),
                kk, relu=False, mode="sum")
    return out.reshape(b, n, -1)


def _sa_stage(center, normal, feature, p, npoint, radius, nsample,
              pos_channel, group_all):
    b = center.shape[0]
    if group_all:
        new_center = jnp.zeros((b, 1, 3), dtype=center.dtype)
        new_normal = jnp.zeros((b, 1, normal.shape[-1]), dtype=normal.dtype)
        parts = [center[:, None], normal[:, None]]
        if feature is not None:
            parts.append(feature[:, None])
        nf = jnp.concatenate(parts, axis=-1)
        k = center.shape[1]
        s = nf.shape[1]
        rows = b * s * k
        cin = nf.shape[-1]
        flat = nf.reshape(rows, cin)
        xp = flat[:, :pos_channel]
        xf = flat[:, pos_channel:]
    else:
        parts = [center, normal]
        if feature is not None:
            parts.append(feature)
        table = jnp.concatenate(parts, axis=-1)
        fps_idx = _fps(center, npoint)
        sampled = _gather_rows(table, fps_idx)
        new_center = sampled[..., :3]
        new_normal = sampled[..., 3:3 + normal.shape[-1]]
        idx = _ball_query(radius, nsample, center, new_center)
        nbr = _gather_rows(table, idx)
        k = nsample
        s = npoint
        rows = b * s * k
        cin = table.shape[-1]
        flat = nbr.reshape(rows, cin)
        xp = (flat[:, :pos_channel]
              - jnp.broadcast_to(new_center[:, :, None, :],
                                 (b, s, k, 3)).reshape(rows, 3))
        xf = flat[:, pos_channel:]

    wlt, wft = p['Wl0'].T, p['Wf0'].T
    sl, sf = _l0_stats(xp, xf, wlt, p['bl0'], wft, p['bf0'])
    aff_l = _bn_affine(sl, rows, p['gl0'], p['btl0'])
    aff_f = _bn_affine(sf, rows, p['gf0'], p['btf0'])

    lays = p['layers']
    y, st = _l0_mm2(xp, xf, wlt, p['bl0'], wft, p['bf0'],
                    aff_l, aff_f, lays[0]['W'].T, lays[0]['b'])
    aff = _bn_affine(st, rows, lays[0]['g'], lays[0]['bt'])
    for lay in lays[1:-1]:
        y, st = _mm_stats(y, lay['W'].T, lay['b'], affine=aff)
        aff = _bn_affine(st, rows, lay['g'], lay['bt'])
    y, st = _mm_pool_stats(y, lays[-1]['W'].T, lays[-1]['b'], aff, k)
    aff = _bn_affine(st, rows, lays[-1]['g'], lays[-1]['bt'])
    f = _affine_relu(y, aff[0], aff[1])
    return new_center, new_normal, f.reshape(b, s, -1)


def kernel(points, params):
    center = jnp.transpose(points[:, :3, :], (0, 2, 1))
    normal = _umbrella_surface(center, params['umb'], 9)
    c, n, f = _sa_stage(center, normal, None, params['sa1'],
                        512, 0.1, 24, 3, False)
    c, n, f = _sa_stage(c, n, f, params['sa2'], 128, 0.2, 24, 3, False)
    c, n, f = _sa_stage(c, n, f, params['sa3'], 32, 0.4, 24, 3, False)
    c, n, f = _sa_stage(c, n, f, params['sa4'], None, None, None, 3, True)
    feat = f.reshape(-1, 2048)
    return _classifier(feat, params['cls'])

# --- scband reference (transcript-rebuilt; emitter-appended) ---
"""Pipeline reference for scband-model-38474317038066 (READ-ONLY COPY).

The authoritative reference and input builder live on the scoring server;
editing this copy changes nothing except your own understanding.
"""

import jax, jax.numpy as jnp
import numpy as np

EPS = 1e-8

def xyz2sphere(xyz):
    rho = jnp.sqrt(jnp.sum(xyz ** 2, axis=-1, keepdims=True))
    rho_c = jnp.maximum(rho, EPS)
    theta = jnp.arccos(jnp.clip(xyz[..., 2:3] / rho_c, -1.0, 1.0)) / np.pi
    phi = jnp.arctan2(xyz[..., 1:2], xyz[..., 0:1]) / (2 * np.pi) + 0.5
    return jnp.concatenate([rho, theta, phi], axis=-1)

def index_points(points, idx):
    return jax.vmap(lambda p, i: p[i])(points, idx)

def square_distance(src, dst):
    return jnp.sum((src[:, :, None, :] - dst[:, None, :, :]) ** 2, axis=-1)

def knn_point(k, xyz, new_xyz):
    d = square_distance(new_xyz, xyz)
    return jnp.argsort(d, axis=-1)[:, :, :k]

def farthest_point_sample(xyz, npoint):
    xyz = jax.lax.stop_gradient(xyz)
    N = xyz.shape[1]
    def single(x):
        def body(i, state):
            dists, farthest, idxs = state
            idxs = idxs.at[i].set(farthest)
            d = jnp.sum((x - x[farthest]) ** 2, axis=-1)
            dists = jnp.minimum(dists, d)
            return dists, jnp.argmax(dists).astype(jnp.int32), idxs
        state = (jnp.full((N,), 1e10, dtype=jnp.float32), jnp.int32(0), jnp.zeros((npoint,), jnp.int32))
        return jax.lax.fori_loop(0, npoint, body, state)[2]
    return jax.vmap(single)(xyz)

def query_ball_point(radius, nsample, xyz, new_xyz):
    B, N, _ = xyz.shape
    S = new_xyz.shape[1]
    sqrdists = square_distance(new_xyz, xyz)
    gidx = jnp.broadcast_to(jnp.arange(N, dtype=jnp.int32), (B, S, N))
    gidx = jnp.where(sqrdists > radius ** 2, N, gidx)
    gidx = jnp.sort(gidx, axis=-1)[:, :, :nsample]
    first = gidx[:, :, 0:1]
    return jnp.where(gidx == N, first, gidx)

def batch_norm(x, gamma, beta):
    axes = tuple(range(x.ndim - 1))
    mean = jnp.mean(x, axis=axes, keepdims=True)
    var = jnp.var(x, axis=axes, keepdims=True)
    return gamma * (x - mean) / jnp.sqrt(var + 1e-5) + beta

def group_by_umbrella(xyz, k):
    idx = knn_point(k, xyz, xyz)
    gxyz = index_points(xyz, idx)[:, :, 1:]
    gnorm = gxyz - xyz[:, :, None, :]
    phi = xyz2sphere(gnorm)[..., 2]
    sidx = jnp.argsort(phi, axis=-1)
    sg = jnp.take_along_axis(gnorm, jnp.broadcast_to(sidx[..., None], gnorm.shape), axis=2)[:, :, :, None, :]
    sgr = jnp.roll(sg, -1, axis=2)
    return jnp.concatenate([jnp.zeros_like(sg), sg, sgr], axis=-2)

def umbrella_surface(center, p, k):
    g = group_by_umbrella(center, k)
    e1 = g[..., 1, :] - g[..., 0, :]
    e2 = g[..., 2, :] - g[..., 0, :]
    nor = jnp.cross(e1, e2)
    unit = nor / jnp.maximum(jnp.linalg.norm(nor, axis=-1, keepdims=True), EPS)
    pos_mask = (unit[..., 0:1, 0] > 0).astype(jnp.float32) * 2.0 - 1.0
    unit = unit * pos_mask[..., None]
    gc = jnp.mean(g, axis=-2)
    gpolar = xyz2sphere(gc)
    gpos = jnp.sum(unit * gc, axis=-1, keepdims=True) / np.sqrt(3.0)
    feat = jnp.concatenate([gc, gpolar, unit, gpos], axis=-1)
    feat = jnp.nan_to_num(feat)
    h = feat @ p['W1'].T + p['b1']
    h = jax.nn.relu(batch_norm(h, p['g1'], p['bt1']))
    h = h @ p['W2'].T + p['b2']
    return jnp.sum(h, axis=2)

def surface_abstraction_cd(center, normal, feature, p, npoint, radius, nsample, pos_channel, group_all):
    if group_all:
        B = center.shape[0]
        new_center = jnp.zeros((B, 1, 3), dtype=center.dtype)
        new_normal = jnp.zeros((B, 1, normal.shape[-1]), dtype=normal.dtype)
        parts = [center[:, None], normal[:, None]]
        if feature is not None:
            parts.append(feature[:, None])
        nf = jnp.concatenate(parts, axis=-1)
    else:
        fps_idx = farthest_point_sample(center, npoint)
        new_center = index_points(center, fps_idx)
        new_normal = index_points(normal, fps_idx)
        idx = query_ball_point(radius, nsample, center, new_center)
        gpos = index_points(center, idx) - new_center[:, :, None, :]
        parts = [gpos, index_points(normal, idx)]
        if feature is not None:
            parts.append(index_points(feature, idx))
        nf = jnp.concatenate(parts, axis=-1)
    loc = batch_norm(nf[..., :pos_channel] @ p['Wl0'].T + p['bl0'], p['gl0'], p['btl0'])
    ft = batch_norm(nf[..., pos_channel:] @ p['Wf0'].T + p['bf0'], p['gf0'], p['btf0'])
    h = jax.nn.relu(loc + ft)
    for lay in p['layers']:
        h = jax.nn.relu(batch_norm(h @ lay['W'].T + lay['b'], lay['g'], lay['bt']))
    return new_center, new_normal, jnp.max(h, axis=2)

def _forward(points, params):
    center = jnp.transpose(points[:, :3, :], (0, 2, 1))
    normal = umbrella_surface(center, params['umb'], 9)
    c, n, f = surface_abstraction_cd(center, normal, None, params['sa1'], 512, 0.1, 24, 3, False)
    c, n, f = surface_abstraction_cd(c, n, f, params['sa2'], 128, 0.2, 24, 3, False)
    c, n, f = surface_abstraction_cd(c, n, f, params['sa3'], 32, 0.4, 24, 3, False)
    c, n, f = surface_abstraction_cd(c, n, f, params['sa4'], None, None, None, 3, True)
    feat = f.reshape(-1, 2048)
    cp = params['cls']
    h = jax.nn.relu(batch_norm(feat @ cp['W1'].T + cp['b1'], cp['g1'], cp['bt1']))
    h = jax.nn.relu(batch_norm(h @ cp['W2'].T + cp['b2'], cp['g2'], cp['bt2']))
    logits = h @ cp['W3'].T + cp['b3']
    return jax.nn.log_softmax(logits, axis=-1)

def _mk_sa(key, pos_c, feat_c, mlp):
    ks = jax.random.split(key, 2 + len(mlp) - 1)
    p = {'Wl0': jax.random.normal(ks[0], (mlp[0], pos_c)) * 0.05,
         'bl0': jnp.zeros((mlp[0],)), 'gl0': jnp.ones((mlp[0],)), 'btl0': jnp.zeros((mlp[0],)),
         'Wf0': jax.random.normal(ks[1], (mlp[0], feat_c)) * 0.05,
         'bf0': jnp.zeros((mlp[0],)), 'gf0': jnp.ones((mlp[0],)), 'btf0': jnp.zeros((mlp[0],)),
         'layers': []}
    last = mlp[0]
    for i, oc in enumerate(mlp[1:]):
        p['layers'].append({'W': jax.random.normal(ks[2 + i], (oc, last)) * 0.05,
                            'b': jnp.zeros((oc,)), 'g': jnp.ones((oc,)), 'bt': jnp.zeros((oc,))})
        last = oc
    return p

def setup_inputs(seed: int = 0):
    key = jax.random.key(seed)
    ks = jax.random.split(key, 10)
    points = jax.random.normal(ks[0], (16, 3, 1024), dtype=jnp.float32)
    params = {
        'umb': {'W1': jax.random.normal(ks[1], (10, 10)) * 0.1, 'b1': jnp.zeros((10,)),
                'g1': jnp.ones((10,)), 'bt1': jnp.zeros((10,)),
                'W2': jax.random.normal(ks[2], (10, 10)) * 0.1, 'b2': jnp.zeros((10,))},
        'sa1': _mk_sa(ks[3], 3, 10, [128, 128, 256]),
        'sa2': _mk_sa(ks[4], 3, 266, [256, 256, 512]),
        'sa3': _mk_sa(ks[5], 3, 522, [512, 512, 1024]),
        'sa4': _mk_sa(ks[6], 3, 1034, [1024, 1024, 2048]),
        'cls': {'W1': jax.random.normal(ks[7], (512, 2048)) * 0.02, 'b1': jnp.zeros((512,)),
                'g1': jnp.ones((512,)), 'bt1': jnp.zeros((512,)),
                'W2': jax.random.normal(ks[8], (256, 512)) * 0.02, 'b2': jnp.zeros((256,)),
                'g2': jnp.ones((256,)), 'bt2': jnp.zeros((256,)),
                'W3': jax.random.normal(ks[9], (40, 256)) * 0.02, 'b3': jnp.zeros((40,))}}
    return {'points': points, 'params': params}

def reference(points, params):
    return _forward(points, params)

if __name__ == "__main__":
    import jax
    _d = setup_inputs()
    print(jax.jit(kernel)(*tuple(_d.values())))

</pallas_src>

<mosaic_0001>
#map = affine_map<(d0, d1) -> (0, 0)>
#map1 = affine_map<(d0, d1) -> (0)>
module attributes {stable_mosaic.version = 14 : i64} {
  func.func @gather_k(%arg0: i32, %arg1: i32, %arg2: memref<16384x128xf32, #tpu.memory_space<hbm>>, %arg3: memref<196608xi32, #tpu.memory_space<hbm>>, %arg4: memref<196608x128xf32, #tpu.memory_space<hbm>>, %arg5: memref<128xi32, #tpu.memory_space<vmem>>, %arg6: memref<128x128xf32, #tpu.memory_space<vmem>>, %arg7: memref<!tpu.dma_semaphore, #tpu.memory_space<semaphore_mem>>) attributes {dimension_semantics = [#tpu.dimension_semantics<core_parallel>, #tpu.dimension_semantics<subcore_parallel>], iteration_bounds = array<i64: 2, 16>, scalar_prefetch = 0 : i64, scratch_operands = 3 : i64, tpu.core_type = #tpu.core_type<sc_vector_subcore>, window_params = [{transform_indices = #map}, {transform_indices = #map1}, {transform_indices = #map}]} {
    %mul3A = arith.constant 2 : i32
    %mul3A_0 = arith.muli %arg1, %mul3A : i32
    %add3A = arith.addi %mul3A_0, %arg0 : i32
    %mul3A_1 = arith.constant 6144 : i32
    %mul3A_2 = arith.muli %add3A, %mul3A_1 : i32
    %scan3A = arith.constant 0 : i32
    %scan3A_3 = arith.constant 0 : i32
    %scan3A_4 = arith.constant 48 : i32
    %scan3A_5 = arith.addi %scan3A_3, %scan3A_4 : i32
    %scan3A_6 = arith.constant 1 : i32
    scf.for %scan3A_8 = %scan3A_3 to %scan3A_5 step %scan3A_6  : i32 {
      %mul3A_9 = arith.constant 128 : i32
      %mul3A_10 = arith.muli %scan3A_8, %mul3A_9 : i32
      %add3A_11 = arith.addi %mul3A_2, %mul3A_10 : i32
      "tpu.region"() ({
        %run_scoped3A = tpu.sem_alloc : memref<!tpu.dma_semaphore, #tpu.memory_space<semaphore_mem>>
        %dma_start3A_16 = tpu.memref_slice %arg3[%add3A_11] : memref<196608xi32, #tpu.memory_space<hbm>> -> memref<128xi32, #tpu.memory_space<hbm>>
        %dma_start3A_17 = tpu.memref_slice %arg3[%add3A_11] : memref<196608xi32, #tpu.memory_space<hbm>> -> memref<128xi32, #tpu.memory_space<hbm>>
        tpu.enqueue_dma source(%dma_start3A_17 : memref<128xi32, #tpu.memory_space<hbm>>) target(%arg5 : memref<128xi32, #tpu.memory_space<vmem>>) target_semaphore(%run_scoped3A : memref<!tpu.dma_semaphore, #tpu.memory_space<semaphore_mem>>)
        %dma_wait3A_18 = tpu.memref_slice %arg3[%add3A_11] : memref<196608xi32, #tpu.memory_space<hbm>> -> memref<128xi32, #tpu.memory_space<hbm>>
        %dma_wait3A_19 = tpu.memref_slice %arg3[%add3A_11] : memref<196608xi32, #tpu.memory_space<hbm>> -> memref<128xi32, #tpu.memory_space<hbm>>
        tpu.wait_dma2 semaphore(%run_scoped3A : memref<!tpu.dma_semaphore, #tpu.memory_space<semaphore_mem>>) src(%dma_wait3A_19 : memref<128xi32, #tpu.memory_space<hbm>>) dst(%arg5 : memref<128xi32, #tpu.memory_space<vmem>>)
        tpu.yield
      }) : () -> ()
      %dma_start3A = arith.constant 0 : i32
      %dma_start3A_12 = arith.constant 0 : i32
      %dma_start3A_13 = tpu.memref_slice %arg2[%dma_start3A, %dma_start3A_12] : memref<16384x128xf32, #tpu.memory_space<hbm>> -> memref<16384x128xf32, #tpu.memory_space<hbm>>
      tpu.enqueue_indirect_dma source(%dma_start3A_13 : memref<16384x128xf32, #tpu.memory_space<hbm>>) target(%arg6 : memref<128x128xf32, #tpu.memory_space<vmem>>) offsets(%arg5 : memref<128xi32, #tpu.memory_space<vmem>>) semaphore(%arg7 : memref<!tpu.dma_semaphore, #tpu.memory_space<semaphore_mem>>)
      %dma_wait3A = arith.constant 0 : i32
      %dma_wait3A_14 = arith.constant 0 : i32
      %dma_wait3A_15 = tpu.memref_slice %arg2[%dma_wait3A, %dma_wait3A_14] : memref<16384x128xf32, #tpu.memory_space<hbm>> -> memref<16384x128xf32, #tpu.memory_space<hbm>>
      tpu.wait_indirect_dma semaphore(%arg7 : memref<!tpu.dma_semaphore, #tpu.memory_space<semaphore_mem>>) src(%dma_wait3A_15 : memref<16384x128xf32, #tpu.memory_space<hbm>>) dst(%arg6 : memref<128x128xf32, #tpu.memory_space<vmem>>)
      "tpu.region"() ({
        %run_scoped3A = tpu.sem_alloc : memref<!tpu.dma_semaphore, #tpu.memory_space<semaphore_mem>>
        %dma_start3A_16 = arith.constant 0 : i32
        %dma_start3A_17 = tpu.memref_slice %arg4[%add3A_11, %dma_start3A_16] : memref<196608x128xf32, #tpu.memory_space<hbm>> -> memref<128x128xf32, #tpu.memory_space<hbm>>
        %dma_start3A_18 = arith.constant 0 : i32
        %dma_start3A_19 = tpu.memref_slice %arg4[%add3A_11, %dma_start3A_18] : memref<196608x128xf32, #tpu.memory_space<hbm>> -> memref<128x128xf32, #tpu.memory_space<hbm>>
        tpu.enqueue_dma source(%arg6 : memref<128x128xf32, #tpu.memory_space<vmem>>) target(%dma_start3A_19 : memref<128x128xf32, #tpu.memory_space<hbm>>) target_semaphore(%run_scoped3A : memref<!tpu.dma_semaphore, #tpu.memory_space<semaphore_mem>>)
        %dma_wait3A_20 = arith.constant 0 : i32
        %dma_wait3A_21 = tpu.memref_slice %arg4[%add3A_11, %dma_wait3A_20] : memref<196608x128xf32, #tpu.memory_space<hbm>> -> memref<128x128xf32, #tpu.memory_space<hbm>>
        %dma_wait3A_22 = arith.constant 0 : i32
        %dma_wait3A_23 = tpu.memref_slice %arg4[%add3A_11, %dma_wait3A_22] : memref<196608x128xf32, #tpu.memory_space<hbm>> -> memref<128x128xf32, #tpu.memory_space<hbm>>
        tpu.wait_dma2 semaphore(%run_scoped3A : memref<!tpu.dma_semaphore, #tpu.memory_space<semaphore_mem>>) src(%arg6 : memref<128x128xf32, #tpu.memory_space<vmem>>) dst(%dma_wait3A_23 : memref<128x128xf32, #tpu.memory_space<hbm>>)
        tpu.yield
      }) : () -> ()
    }
    %scan3A_7 = arith.constant 48 : i32
    return
  }
}

#map = affine_map<(d0, d1) -> (0, 0)>
#map1 = affine_map<(d0, d1) -> (0)>
module attributes {stable_mosaic.version = 14 : i64} {
  func.func @gather_k(%arg0: i32, %arg1: i32, %arg2: memref<16384x128xf32, #tpu.memory_space<hbm>>, %arg3: memref<131072xi32, #tpu.memory_space<hbm>>, %arg4: memref<131072x128xf32, #tpu.memory_space<hbm>>, %arg5: memref<128xi32, #tpu.memory_space<vmem>>, %arg6: memref<128x128xf32, #tpu.memory_space<vmem>>, %arg7: memref<!tpu.dma_semaphore, #tpu.memory_space<semaphore_mem>>) attributes {dimension_semantics = [#tpu.dimension_semantics<core_parallel>, #tpu.dimension_semantics<subcore_parallel>], iteration_bounds = array<i64: 2, 16>, scalar_prefetch = 0 : i64, scratch_operands = 3 : i64, tpu.core_type = #tpu.core_type<sc_vector_subcore>, window_params = [{transform_indices = #map}, {transform_indices = #map1}, {transform_indices = #map}]} {
    %mul3A = arith.constant 2 : i32
    %mul3A_0 = arith.muli %arg1, %mul3A : i32
    %add3A = arith.addi %mul3A_0, %arg0 : i32
    %mul3A_1 = arith.constant 4096 : i32
    %mul3A_2 = arith.muli %add3A, %mul3A_1 : i32
    %scan3A = arith.constant 0 : i32
    %scan3A_3 = arith.constant 0 : i32
    %scan3A_4 = arith.constant 32 : i32
    %scan3A_5 = arith.addi %scan3A_3, %scan3A_4 : i32
    %scan3A_6 = arith.constant 1 : i32
    scf.for %scan3A_8 = %scan3A_3 to %scan3A_5 step %scan3A_6  : i32 {
      %mul3A_9 = arith.constant 128 : i32
      %mul3A_10 = arith.muli %scan3A_8, %mul3A_9 : i32
      %add3A_11 = arith.addi %mul3A_2, %mul3A_10 : i32
      "tpu.region"() ({
        %run_scoped3A = tpu.sem_alloc : memref<!tpu.dma_semaphore, #tpu.memory_space<semaphore_mem>>
        %dma_start3A_16 = tpu.memref_slice %arg3[%add3A_11] : memref<131072xi32, #tpu.memory_space<hbm>> -> memref<128xi32, #tpu.memory_space<hbm>>
        %dma_start3A_17 = tpu.memref_slice %arg3[%add3A_11] : memref<131072xi32, #tpu.memory_space<hbm>> -> memref<128xi32, #tpu.memory_space<hbm>>
        tpu.enqueue_dma source(%dma_start3A_17 : memref<128xi32, #tpu.memory_space<hbm>>) target(%arg5 : memref<128xi32, #tpu.memory_space<vmem>>) target_semaphore(%run_scoped3A : memref<!tpu.dma_semaphore, #tpu.memory_space<semaphore_mem>>)
        %dma_wait3A_18 = tpu.memref_slice %arg3[%add3A_11] : memref<131072xi32, #tpu.memory_space<hbm>> -> memref<128xi32, #tpu.memory_space<hbm>>
        %dma_wait3A_19 = tpu.memref_slice %arg3[%add3A_11] : memref<131072xi32, #tpu.memory_space<hbm>> -> memref<128xi32, #tpu.memory_space<hbm>>
        tpu.wait_dma2 semaphore(%run_scoped3A : memref<!tpu.dma_semaphore, #tpu.memory_space<semaphore_mem>>) src(%dma_wait3A_19 : memref<128xi32, #tpu.memory_space<hbm>>) dst(%arg5 : memref<128xi32, #tpu.memory_space<vmem>>)
        tpu.yield
      }) : () -> ()
      %dma_start3A = arith.constant 0 : i32
      %dma_start3A_12 = arith.constant 0 : i32
      %dma_start3A_13 = tpu.memref_slice %arg2[%dma_start3A, %dma_start3A_12] : memref<16384x128xf32, #tpu.memory_space<hbm>> -> memref<16384x128xf32, #tpu.memory_space<hbm>>
      tpu.enqueue_indirect_dma source(%dma_start3A_13 : memref<16384x128xf32, #tpu.memory_space<hbm>>) target(%arg6 : memref<128x128xf32, #tpu.memory_space<vmem>>) offsets(%arg5 : memref<128xi32, #tpu.memory_space<vmem>>) semaphore(%arg7 : memref<!tpu.dma_semaphore, #tpu.memory_space<semaphore_mem>>)
      %dma_wait3A = arith.constant 0 : i32
      %dma_wait3A_14 = arith.constant 0 : i32
      %dma_wait3A_15 = tpu.memref_slice %arg2[%dma_wait3A, %dma_wait3A_14] : memref<16384x128xf32, #tpu.memory_space<hbm>> -> memref<16384x128xf32, #tpu.memory_space<hbm>>
      tpu.wait_indirect_dma semaphore(%arg7 : memref<!tpu.dma_semaphore, #tpu.memory_space<semaphore_mem>>) src(%dma_wait3A_15 : memref<16384x128xf32, #tpu.memory_space<hbm>>) dst(%arg6 : memref<128x128xf32, #tpu.memory_space<vmem>>)
      "tpu.region"() ({
        %run_scoped3A = tpu.sem_alloc : memref<!tpu.dma_semaphore, #tpu.memory_space<semaphore_mem>>
        %dma_start3A_16 = arith.constant 0 : i32
        %dma_start3A_17 = tpu.memref_slice %arg4[%add3A_11, %dma_start3A_16] : memref<131072x128xf32, #tpu.memory_space<hbm>> -> memref<128x128xf32, #tpu.memory_space<hbm>>
        %dma_start3A_18 = arith.constant 0 : i32
        %dma_start3A_19 = tpu.memref_slice %arg4[%add3A_11, %dma_start3A_18] : memref<131072x128xf32, #tpu.memory_space<hbm>> -> memref<128x128xf32, #tpu.memory_space<hbm>>
        tpu.enqueue_dma source(%arg6 : memref<128x128xf32, #tpu.memory_space<vmem>>) target(%dma_start3A_19 : memref<128x128xf32, #tpu.memory_space<hbm>>) target_semaphore(%run_scoped3A : memref<!tpu.dma_semaphore, #tpu.memory_space<semaphore_mem>>)
        %dma_wait3A_20 = arith.constant 0 : i32
        %dma_wait3A_21 = tpu.memref_slice %arg4[%add3A_11, %dma_wait3A_20] : memref<131072x128xf32, #tpu.memory_space<hbm>> -> memref<128x128xf32, #tpu.memory_space<hbm>>
        %dma_wait3A_22 = arith.constant 0 : i32
        %dma_wait3A_23 = tpu.memref_slice %arg4[%add3A_11, %dma_wait3A_22] : memref<131072x128xf32, #tpu.memory_space<hbm>> -> memref<128x128xf32, #tpu.memory_space<hbm>>
        tpu.wait_dma2 semaphore(%run_scoped3A : memref<!tpu.dma_semaphore, #tpu.memory_space<semaphore_mem>>) src(%arg6 : memref<128x128xf32, #tpu.memory_space<vmem>>) dst(%dma_wait3A_23 : memref<128x128xf32, #tpu.memory_space<hbm>>)
        tpu.yield
      }) : () -> ()
    }
    %scan3A_7 = arith.constant 32 : i32
    return
  }
}

#map = affine_map<(d0, d1) -> (0, 0)>
#map1 = affine_map<(d0, d1) -> (0)>
module attributes {stable_mosaic.version = 14 : i64} {
  func.func @gather_k(%arg0: i32, %arg1: i32, %arg2: memref<8192x384xf32, #tpu.memory_space<hbm>>, %arg3: memref<4096xi32, #tpu.memory_space<hbm>>, %arg4: memref<4096x384xf32, #tpu.memory_space<hbm>>, %arg5: memref<128xi32, #tpu.memory_space<vmem>>, %arg6: memref<128x384xf32, #tpu.memory_space<vmem>>, %arg7: memref<!tpu.dma_semaphore, #tpu.memory_space<semaphore_mem>>) attributes {dimension_semantics = [#tpu.dimension_semantics<core_parallel>, #tpu.dimension_semantics<subcore_parallel>], iteration_bounds = array<i64: 2, 16>, scalar_prefetch = 0 : i64, scratch_operands = 3 : i64, tpu.core_type = #tpu.core_type<sc_vector_subcore>, window_params = [{transform_indices = #map}, {transform_indices = #map1}, {transform_indices = #map}]} {
    %mul3A = arith.constant 2 : i32
    %mul3A_0 = arith.muli %arg1, %mul3A : i32
    %add3A = arith.addi %mul3A_0, %arg0 : i32
    %mul3A_1 = arith.constant 128 : i32
    %mul3A_2 = arith.muli %add3A, %mul3A_1 : i32
    %scan3A = arith.constant 0 : i32
    %scan3A_3 = arith.constant 0 : i32
    %mul3A_4 = arith.constant 128 : i32
    %mul3A_5 = arith.muli %scan3A_3, %mul3A_4 : i32
    %add3A_6 = arith.addi %mul3A_2, %mul3A_5 : i32
    "tpu.region"() ({
      %run_scoped3A = tpu.sem_alloc : memref<!tpu.dma_semaphore, #tpu.memory_space<semaphore_mem>>
      %dma_start3A_12 = tpu.memref_slice %arg3[%add3A_6] : memref<4096xi32, #tpu.memory_space<hbm>> -> memref<128xi32, #tpu.memory_space<hbm>>
      %dma_start3A_13 = tpu.memref_slice %arg3[%add3A_6] : memref<4096xi32, #tpu.memory_space<hbm>> -> memref<128xi32, #tpu.memory_space<hbm>>
      tpu.enqueue_dma source(%dma_start3A_13 : memref<128xi32, #tpu.memory_space<hbm>>) target(%arg5 : memref<128xi32, #tpu.memory_space<vmem>>) target_semaphore(%run_scoped3A : memref<!tpu.dma_semaphore, #tpu.memory_space<semaphore_mem>>)
      %dma_wait3A_14 = tpu.memref_slice %arg3[%add3A_6] : memref<4096xi32, #tpu.memory_space<hbm>> -> memref<128xi32, #tpu.memory_space<hbm>>
      %dma_wait3A_15 = tpu.memref_slice %arg3[%add3A_6] : memref<4096xi32, #tpu.memory_space<hbm>> -> memref<128xi32, #tpu.memory_space<hbm>>
      tpu.wait_dma2 semaphore(%run_scoped3A : memref<!tpu.dma_semaphore, #tpu.memory_space<semaphore_mem>>) src(%dma_wait3A_15 : memref<128xi32, #tpu.memory_space<hbm>>) dst(%arg5 : memref<128xi32, #tpu.memory_space<vmem>>)
      tpu.yield
    }) : () -> ()
    %dma_start3A = arith.constant 0 : i32
    %dma_start3A_7 = arith.constant 0 : i32
    %dma_start3A_8 = tpu.memref_slice %arg2[%dma_start3A, %dma_start3A_7] : memref<8192x384xf32, #tpu.memory_space<hbm>> -> memref<8192x384xf32, #tpu.memory_space<hbm>>
    tpu.enqueue_indirect_dma source(%dma_start3A_8 : memref<8192x384xf32, #tpu.memory_space<hbm>>) target(%arg6 : memref<128x384xf32, #tpu.memory_space<vmem>>) offsets(%arg5 : memref<128xi32, #tpu.memory_space<vmem>>) semaphore(%arg7 : memref<!tpu.dma_semaphore, #tpu.memory_space<semaphore_mem>>)
    %dma_wait3A = arith.constant 0 : i32
    %dma_wait3A_9 = arith.constant 0 : i32
    %dma_wait3A_10 = tpu.memref_slice %arg2[%dma_wait3A, %dma_wait3A_9] : memref<8192x384xf32, #tpu.memory_space<hbm>> -> memref<8192x384xf32, #tpu.memory_space<hbm>>
    tpu.wait_indirect_dma semaphore(%arg7 : memref<!tpu.dma_semaphore, #tpu.memory_space<semaphore_mem>>) src(%dma_wait3A_10 : memref<8192x384xf32, #tpu.memory_space<hbm>>) dst(%arg6 : memref<128x384xf32, #tpu.memory_space<vmem>>)
    "tpu.region"() ({
      %run_scoped3A = tpu.sem_alloc : memref<!tpu.dma_semaphore, #tpu.memory_space<semaphore_mem>>
      %dma_start3A_12 = arith.constant 0 : i32
      %dma_start3A_13 = tpu.memref_slice %arg4[%add3A_6, %dma_start3A_12] : memref<4096x384xf32, #tpu.memory_space<hbm>> -> memref<128x384xf32, #tpu.memory_space<hbm>>
      %dma_start3A_14 = arith.constant 0 : i32
      %dma_start3A_15 = tpu.memref_slice %arg4[%add3A_6, %dma_start3A_14] : memref<4096x384xf32, #tpu.memory_space<hbm>> -> memref<128x384xf32, #tpu.memory_space<hbm>>
      tpu.enqueue_dma source(%arg6 : memref<128x384xf32, #tpu.memory_space<vmem>>) target(%dma_start3A_15 : memref<128x384xf32, #tpu.memory_space<hbm>>) target_semaphore(%run_scoped3A : memref<!tpu.dma_semaphore, #tpu.memory_space<semaphore_mem>>)
      %dma_wait3A_16 = arith.constant 0 : i32
      %dma_wait3A_17 = tpu.memref_slice %arg4[%add3A_6, %dma_wait3A_16] : memref<4096x384xf32, #tpu.memory_space<hbm>> -> memref<128x384xf32, #tpu.memory_space<hbm>>
      %dma_wait3A_18 = arith.constant 0 : i32
      %dma_wait3A_19 = tpu.memref_slice %arg4[%add3A_6, %dma_wait3A_18] : memref<4096x384xf32, #tpu.memory_space<hbm>> -> memref<128x384xf32, #tpu.memory_space<hbm>>
      tpu.wait_dma2 semaphore(%run_scoped3A : memref<!tpu.dma_semaphore, #tpu.memory_space<semaphore_mem>>) src(%arg6 : memref<128x384xf32, #tpu.memory_space<vmem>>) dst(%dma_wait3A_19 : memref<128x384xf32, #tpu.memory_space<hbm>>)
      tpu.yield
    }) : () -> ()
    %scan3A_11 = arith.constant 1 : i32
    return
  }
}

#map = affine_map<(d0, d1) -> (0, 0)>
#map1 = affine_map<(d0, d1) -> (0)>
module attributes {stable_mosaic.version = 14 : i64} {
  func.func @gather_k(%arg0: i32, %arg1: i32, %arg2: memref<16384x128xf32, #tpu.memory_space<hbm>>, %arg3: memref<8192xi32, #tpu.memory_space<hbm>>, %arg4: memref<8192x128xf32, #tpu.memory_space<hbm>>, %arg5: memref<128xi32, #tpu.memory_space<vmem>>, %arg6: memref<128x128xf32, #tpu.memory_space<vmem>>, %arg7: memref<!tpu.dma_semaphore, #tpu.memory_space<semaphore_mem>>) attributes {dimension_semantics = [#tpu.dimension_semantics<core_parallel>, #tpu.dimension_semantics<subcore_parallel>], iteration_bounds = array<i64: 2, 16>, scalar_prefetch = 0 : i64, scratch_operands = 3 : i64, tpu.core_type = #tpu.core_type<sc_vector_subcore>, window_params = [{transform_indices = #map}, {transform_indices = #map1}, {transform_indices = #map}]} {
    %mul3A = arith.constant 2 : i32
    %mul3A_0 = arith.muli %arg1, %mul3A : i32
    %add3A = arith.addi %mul3A_0, %arg0 : i32
    %mul3A_1 = arith.constant 256 : i32
    %mul3A_2 = arith.muli %add3A, %mul3A_1 : i32
    %scan3A = arith.constant 0 : i32
    %scan3A_3 = arith.constant 0 : i32
    %scan3A_4 = arith.constant 2 : i32
    %scan3A_5 = arith.addi %scan3A_3, %scan3A_4 : i32
    %scan3A_6 = arith.constant 1 : i32
    scf.for %scan3A_8 = %scan3A_3 to %scan3A_5 step %scan3A_6  : i32 {
      %mul3A_9 = arith.constant 128 : i32
      %mul3A_10 = arith.muli %scan3A_8, %mul3A_9 : i32
      %add3A_11 = arith.addi %mul3A_2, %mul3A_10 : i32
      "tpu.region"() ({
        %run_scoped3A = tpu.sem_alloc : memref<!tpu.dma_semaphore, #tpu.memory_space<semaphore_mem>>
        %dma_start3A_16 = tpu.memref_slice %arg3[%add3A_11] : memref<8192xi32, #tpu.memory_space<hbm>> -> memref<128xi32, #tpu.memory_space<hbm>>
        %dma_start3A_17 = tpu.memref_slice %arg3[%add3A_11] : memref<8192xi32, #tpu.memory_space<hbm>> -> memref<128xi32, #tpu.memory_space<hbm>>
        tpu.enqueue_dma source(%dma_start3A_17 : memref<128xi32, #tpu.memory_space<hbm>>) target(%arg5 : memref<128xi32, #tpu.memory_space<vmem>>) target_semaphore(%run_scoped3A : memref<!tpu.dma_semaphore, #tpu.memory_space<semaphore_mem>>)
        %dma_wait3A_18 = tpu.memref_slice %arg3[%add3A_11] : memref<8192xi32, #tpu.memory_space<hbm>> -> memref<128xi32, #tpu.memory_space<hbm>>
        %dma_wait3A_19 = tpu.memref_slice %arg3[%add3A_11] : memref<8192xi32, #tpu.memory_space<hbm>> -> memref<128xi32, #tpu.memory_space<hbm>>
        tpu.wait_dma2 semaphore(%run_scoped3A : memref<!tpu.dma_semaphore, #tpu.memory_space<semaphore_mem>>) src(%dma_wait3A_19 : memref<128xi32, #tpu.memory_space<hbm>>) dst(%arg5 : memref<128xi32, #tpu.memory_space<vmem>>)
        tpu.yield
      }) : () -> ()
      %dma_start3A = arith.constant 0 : i32
      %dma_start3A_12 = arith.constant 0 : i32
      %dma_start3A_13 = tpu.memref_slice %arg2[%dma_start3A, %dma_start3A_12] : memref<16384x128xf32, #tpu.memory_space<hbm>> -> memref<16384x128xf32, #tpu.memory_space<hbm>>
      tpu.enqueue_indirect_dma source(%dma_start3A_13 : memref<16384x128xf32, #tpu.memory_space<hbm>>) target(%arg6 : memref<128x128xf32, #tpu.memory_space<vmem>>) offsets(%arg5 : memref<128xi32, #tpu.memory_space<vmem>>) semaphore(%arg7 : memref<!tpu.dma_semaphore, #tpu.memory_space<semaphore_mem>>)
      %dma_wait3A = arith.constant 0 : i32
      %dma_wait3A_14 = arith.constant 0 : i32
      %dma_wait3A_15 = tpu.memref_slice %arg2[%dma_wait3A, %dma_wait3A_14] : memref<16384x128xf32, #tpu.memory_space<hbm>> -> memref<16384x128xf32, #tpu.memory_space<hbm>>
      tpu.wait_indirect_dma semaphore(%arg7 : memref<!tpu.dma_semaphore, #tpu.memory_space<semaphore_mem>>) src(%dma_wait3A_15 : memref<16384x128xf32, #tpu.memory_space<hbm>>) dst(%arg6 : memref<128x128xf32, #tpu.memory_space<vmem>>)
      "tpu.region"() ({
        %run_scoped3A = tpu.sem_alloc : memref<!tpu.dma_semaphore, #tpu.memory_space<semaphore_mem>>
        %dma_start3A_16 = arith.constant 0 : i32
        %dma_start3A_17 = tpu.memref_slice %arg4[%add3A_11, %dma_start3A_16] : memref<8192x128xf32, #tpu.memory_space<hbm>> -> memref<128x128xf32, #tpu.memory_space<hbm>>
        %dma_start3A_18 = arith.constant 0 : i32
        %dma_start3A_19 = tpu.memref_slice %arg4[%add3A_11, %dma_start3A_18] : memref<8192x128xf32, #tpu.memory_space<hbm>> -> memref<128x128xf32, #tpu.memory_space<hbm>>
        tpu.enqueue_dma source(%arg6 : memref<128x128xf32, #tpu.memory_space<vmem>>) target(%dma_start3A_19 : memref<128x128xf32, #tpu.memory_space<hbm>>) target_semaphore(%run_scoped3A : memref<!tpu.dma_semaphore, #tpu.memory_space<semaphore_mem>>)
        %dma_wait3A_20 = arith.constant 0 : i32
        %dma_wait3A_21 = tpu.memref_slice %arg4[%add3A_11, %dma_wait3A_20] : memref<8192x128xf32, #tpu.memory_space<hbm>> -> memref<128x128xf32, #tpu.memory_space<hbm>>
        %dma_wait3A_22 = arith.constant 0 : i32
        %dma_wait3A_23 = tpu.memref_slice %arg4[%add3A_11, %dma_wait3A_22] : memref<8192x128xf32, #tpu.memory_space<hbm>> -> memref<128x128xf32, #tpu.memory_space<hbm>>
        tpu.wait_dma2 semaphore(%run_scoped3A : memref<!tpu.dma_semaphore, #tpu.memory_space<semaphore_mem>>) src(%arg6 : memref<128x128xf32, #tpu.memory_space<vmem>>) dst(%dma_wait3A_23 : memref<128x128xf32, #tpu.memory_space<hbm>>)
        tpu.yield
      }) : () -> ()
    }
    %scan3A_7 = arith.constant 2 : i32
    return
  }
}

#map = affine_map<(d0, d1) -> (0, 0)>
#map1 = affine_map<(d0, d1) -> (0)>
module attributes {stable_mosaic.version = 14 : i64} {
  func.func @gather_k(%arg0: i32, %arg1: i32, %arg2: memref<8192x384xf32, #tpu.memory_space<hbm>>, %arg3: memref<49152xi32, #tpu.memory_space<hbm>>, %arg4: memref<49152x384xf32, #tpu.memory_space<hbm>>, %arg5: memref<128xi32, #tpu.memory_space<vmem>>, %arg6: memref<128x384xf32, #tpu.memory_space<vmem>>, %arg7: memref<!tpu.dma_semaphore, #tpu.memory_space<semaphore_mem>>) attributes {dimension_semantics = [#tpu.dimension_semantics<core_parallel>, #tpu.dimension_semantics<subcore_parallel>], iteration_bounds = array<i64: 2, 16>, scalar_prefetch = 0 : i64, scratch_operands = 3 : i64, tpu.core_type = #tpu.core_type<sc_vector_subcore>, window_params = [{transform_indices = #map}, {transform_indices = #map1}, {transform_indices = #map}]} {
    %mul3A = arith.constant 2 : i32
    %mul3A_0 = arith.muli %arg1, %mul3A : i32
    %add3A = arith.addi %mul3A_0, %arg0 : i32
    %mul3A_1 = arith.constant 1536 : i32
    %mul3A_2 = arith.muli %add3A, %mul3A_1 : i32
    %scan3A = arith.constant 0 : i32
    %scan3A_3 = arith.constant 0 : i32
    %scan3A_4 = arith.constant 12 : i32
    %scan3A_5 = arith.addi %scan3A_3, %scan3A_4 : i32
    %scan3A_6 = arith.constant 1 : i32
    scf.for %scan3A_8 = %scan3A_3 to %scan3A_5 step %scan3A_6  : i32 {
      %mul3A_9 = arith.constant 128 : i32
      %mul3A_10 = arith.muli %scan3A_8, %mul3A_9 : i32
      %add3A_11 = arith.addi %mul3A_2, %mul3A_10 : i32
      "tpu.region"() ({
        %run_scoped3A = tpu.sem_alloc : memref<!tpu.dma_semaphore, #tpu.memory_space<semaphore_mem>>
        %dma_start3A_16 = tpu.memref_slice %arg3[%add3A_11] : memref<49152xi32, #tpu.memory_space<hbm>> -> memref<128xi32, #tpu.memory_space<hbm>>
        %dma_start3A_17 = tpu.memref_slice %arg3[%add3A_11] : memref<49152xi32, #tpu.memory_space<hbm>> -> memref<128xi32, #tpu.memory_space<hbm>>
        tpu.enqueue_dma source(%dma_start3A_17 : memref<128xi32, #tpu.memory_space<hbm>>) target(%arg5 : memref<128xi32, #tpu.memory_space<vmem>>) target_semaphore(%run_scoped3A : memref<!tpu.dma_semaphore, #tpu.memory_space<semaphore_mem>>)
        %dma_wait3A_18 = tpu.memref_slice %arg3[%add3A_11] : memref<49152xi32, #tpu.memory_space<hbm>> -> memref<128xi32, #tpu.memory_space<hbm>>
        %dma_wait3A_19 = tpu.memref_slice %arg3[%add3A_11] : memref<49152xi32, #tpu.memory_space<hbm>> -> memref<128xi32, #tpu.memory_space<hbm>>
        tpu.wait_dma2 semaphore(%run_scoped3A : memref<!tpu.dma_semaphore, #tpu.memory_space<semaphore_mem>>) src(%dma_wait3A_19 : memref<128xi32, #tpu.memory_space<hbm>>) dst(%arg5 : memref<128xi32, #tpu.memory_space<vmem>>)
        tpu.yield
      }) : () -> ()
      %dma_start3A = arith.constant 0 : i32
      %dma_start3A_12 = arith.constant 0 : i32
      %dma_start3A_13 = tpu.memref_slice %arg2[%dma_start3A, %dma_start3A_12] : memref<8192x384xf32, #tpu.memory_space<hbm>> -> memref<8192x384xf32, #tpu.memory_space<hbm>>
      tpu.enqueue_indirect_dma source(%dma_start3A_13 : memref<8192x384xf32, #tpu.memory_space<hbm>>) target(%arg6 : memref<128x384xf32, #tpu.memory_space<vmem>>) offsets(%arg5 : memref<128xi32, #tpu.memory_space<vmem>>) semaphore(%arg7 : memref<!tpu.dma_semaphore, #tpu.memory_space<semaphore_mem>>)
      %dma_wait3A = arith.constant 0 : i32
      %dma_wait3A_14 = arith.constant 0 : i32
      %dma_wait3A_15 = tpu.memref_slice %arg2[%dma_wait3A, %dma_wait3A_14] : memref<8192x384xf32, #tpu.memory_space<hbm>> -> memref<8192x384xf32, #tpu.memory_space<hbm>>
      tpu.wait_indirect_dma semaphore(%arg7 : memref<!tpu.dma_semaphore, #tpu.memory_space<semaphore_mem>>) src(%dma_wait3A_15 : memref<8192x384xf32, #tpu.memory_space<hbm>>) dst(%arg6 : memref<128x384xf32, #tpu.memory_space<vmem>>)
      "tpu.region"() ({
        %run_scoped3A = tpu.sem_alloc : memref<!tpu.dma_semaphore, #tpu.memory_space<semaphore_mem>>
        %dma_start3A_16 = arith.constant 0 : i32
        %dma_start3A_17 = tpu.memref_slice %arg4[%add3A_11, %dma_start3A_16] : memref<49152x384xf32, #tpu.memory_space<hbm>> -> memref<128x384xf32, #tpu.memory_space<hbm>>
        %dma_start3A_18 = arith.constant 0 : i32
        %dma_start3A_19 = tpu.memref_slice %arg4[%add3A_11, %dma_start3A_18] : memref<49152x384xf32, #tpu.memory_space<hbm>> -> memref<128x384xf32, #tpu.memory_space<hbm>>
        tpu.enqueue_dma source(%arg6 : memref<128x384xf32, #tpu.memory_space<vmem>>) target(%dma_start3A_19 : memref<128x384xf32, #tpu.memory_space<hbm>>) target_semaphore(%run_scoped3A : memref<!tpu.dma_semaphore, #tpu.memory_space<semaphore_mem>>)
        %dma_wait3A_20 = arith.constant 0 : i32
        %dma_wait3A_21 = tpu.memref_slice %arg4[%add3A_11, %dma_wait3A_20] : memref<49152x384xf32, #tpu.memory_space<hbm>> -> memref<128x384xf32, #tpu.memory_space<hbm>>
        %dma_wait3A_22 = arith.constant 0 : i32
        %dma_wait3A_23 = tpu.memref_slice %arg4[%add3A_11, %dma_wait3A_22] : memref<49152x384xf32, #tpu.memory_space<hbm>> -> memref<128x384xf32, #tpu.memory_space<hbm>>
        tpu.wait_dma2 semaphore(%run_scoped3A : memref<!tpu.dma_semaphore, #tpu.memory_space<semaphore_mem>>) src(%arg6 : memref<128x384xf32, #tpu.memory_space<vmem>>) dst(%dma_wait3A_23 : memref<128x384xf32, #tpu.memory_space<hbm>>)
        tpu.yield
      }) : () -> ()
    }
    %scan3A_7 = arith.constant 12 : i32
    return
  }
}

#map = affine_map<(d0, d1) -> (0, 0)>
#map1 = affine_map<(d0, d1) -> (0)>
module attributes {stable_mosaic.version = 14 : i64} {
  func.func @gather_k(%arg0: i32, %arg1: i32, %arg2: memref<2048x640xf32, #tpu.memory_space<hbm>>, %arg3: memref<12288xi32, #tpu.memory_space<hbm>>, %arg4: memref<12288x640xf32, #tpu.memory_space<hbm>>, %arg5: memref<128xi32, #tpu.memory_space<vmem>>, %arg6: memref<128x640xf32, #tpu.memory_space<vmem>>, %arg7: memref<!tpu.dma_semaphore, #tpu.memory_space<semaphore_mem>>) attributes {dimension_semantics = [#tpu.dimension_semantics<core_parallel>, #tpu.dimension_semantics<subcore_parallel>], iteration_bounds = array<i64: 2, 16>, scalar_prefetch = 0 : i64, scratch_operands = 3 : i64, tpu.core_type = #tpu.core_type<sc_vector_subcore>, window_params = [{transform_indices = #map}, {transform_indices = #map1}, {transform_indices = #map}]} {
    %mul3A = arith.constant 2 : i32
    %mul3A_0 = arith.muli %arg1, %mul3A : i32
    %add3A = arith.addi %mul3A_0, %arg0 : i32
    %mul3A_1 = arith.constant 384 : i32
    %mul3A_2 = arith.muli %add3A, %mul3A_1 : i32
    %scan3A = arith.constant 0 : i32
    %scan3A_3 = arith.constant 0 : i32
    %scan3A_4 = arith.constant 3 : i32
    %scan3A_5 = arith.addi %scan3A_3, %scan3A_4 : i32
    %scan3A_6 = arith.constant 1 : i32
    scf.for %scan3A_8 = %scan3A_3 to %scan3A_5 step %scan3A_6  : i32 {
      %mul3A_9 = arith.constant 128 : i32
      %mul3A_10 = arith.muli %scan3A_8, %mul3A_9 : i32
      %add3A_11 = arith.addi %mul3A_2, %mul3A_10 : i32
      "tpu.region"() ({
        %run_scoped3A = tpu.sem_alloc : memref<!tpu.dma_semaphore, #tpu.memory_space<semaphore_mem>>
        %dma_start3A_16 = tpu.memref_slice %arg3[%add3A_11] : memref<12288xi32, #tpu.memory_space<hbm>> -> memref<128xi32, #tpu.memory_space<hbm>>
        %dma_start3A_17 = tpu.memref_slice %arg3[%add3A_11] : memref<12288xi32, #tpu.memory_space<hbm>> -> memref<128xi32, #tpu.memory_space<hbm>>
        tpu.enqueue_dma source(%dma_start3A_17 : memref<128xi32, #tpu.memory_space<hbm>>) target(%arg5 : memref<128xi32, #tpu.memory_space<vmem>>) target_semaphore(%run_scoped3A : memref<!tpu.dma_semaphore, #tpu.memory_space<semaphore_mem>>)
        %dma_wait3A_18 = tpu.memref_slice %arg3[%add3A_11] : memref<12288xi32, #tpu.memory_space<hbm>> -> memref<128xi32, #tpu.memory_space<hbm>>
        %dma_wait3A_19 = tpu.memref_slice %arg3[%add3A_11] : memref<12288xi32, #tpu.memory_space<hbm>> -> memref<128xi32, #tpu.memory_space<hbm>>
        tpu.wait_dma2 semaphore(%run_scoped3A : memref<!tpu.dma_semaphore, #tpu.memory_space<semaphore_mem>>) src(%dma_wait3A_19 : memref<128xi32, #tpu.memory_space<hbm>>) dst(%arg5 : memref<128xi32, #tpu.memory_space<vmem>>)
        tpu.yield
      }) : () -> ()
      %dma_start3A = arith.constant 0 : i32
      %dma_start3A_12 = arith.constant 0 : i32
      %dma_start3A_13 = tpu.memref_slice %arg2[%dma_start3A, %dma_start3A_12] : memref<2048x640xf32, #tpu.memory_space<hbm>> -> memref<2048x640xf32, #tpu.memory_space<hbm>>
      tpu.enqueue_indirect_dma source(%dma_start3A_13 : memref<2048x640xf32, #tpu.memory_space<hbm>>) target(%arg6 : memref<128x640xf32, #tpu.memory_space<vmem>>) offsets(%arg5 : memref<128xi32, #tpu.memory_space<vmem>>) semaphore(%arg7 : memref<!tpu.dma_semaphore, #tpu.memory_space<semaphore_mem>>)
      %dma_wait3A = arith.constant 0 : i32
      %dma_wait3A_14 = arith.constant 0 : i32
      %dma_wait3A_15 = tpu.memref_slice %arg2[%dma_wait3A, %dma_wait3A_14] : memref<2048x640xf32, #tpu.memory_space<hbm>> -> memref<2048x640xf32, #tpu.memory_space<hbm>>
      tpu.wait_indirect_dma semaphore(%arg7 : memref<!tpu.dma_semaphore, #tpu.memory_space<semaphore_mem>>) src(%dma_wait3A_15 : memref<2048x640xf32, #tpu.memory_space<hbm>>) dst(%arg6 : memref<128x640xf32, #tpu.memory_space<vmem>>)
      "tpu.region"() ({
        %run_scoped3A = tpu.sem_alloc : memref<!tpu.dma_semaphore, #tpu.memory_space<semaphore_mem>>
        %dma_start3A_16 = arith.constant 0 : i32
        %dma_start3A_17 = tpu.memref_slice %arg4[%add3A_11, %dma_start3A_16] : memref<12288x640xf32, #tpu.memory_space<hbm>> -> memref<128x640xf32, #tpu.memory_space<hbm>>
        %dma_start3A_18 = arith.constant 0 : i32
        %dma_start3A_19 = tpu.memref_slice %arg4[%add3A_11, %dma_start3A_18] : memref<12288x640xf32, #tpu.memory_space<hbm>> -> memref<128x640xf32, #tpu.memory_space<hbm>>
        tpu.enqueue_dma source(%arg6 : memref<128x640xf32, #tpu.memory_space<vmem>>) target(%dma_start3A_19 : memref<128x640xf32, #tpu.memory_space<hbm>>) target_semaphore(%run_scoped3A : memref<!tpu.dma_semaphore, #tpu.memory_space<semaphore_mem>>)
        %dma_wait3A_20 = arith.constant 0 : i32
        %dma_wait3A_21 = tpu.memref_slice %arg4[%add3A_11, %dma_wait3A_20] : memref<12288x640xf32, #tpu.memory_space<hbm>> -> memref<128x640xf32, #tpu.memory_space<hbm>>
        %dma_wait3A_22 = arith.constant 0 : i32
        %dma_wait3A_23 = tpu.memref_slice %arg4[%add3A_11, %dma_wait3A_22] : memref<12288x640xf32, #tpu.memory_space<hbm>> -> memref<128x640xf32, #tpu.memory_space<hbm>>
        tpu.wait_dma2 semaphore(%run_scoped3A : memref<!tpu.dma_semaphore, #tpu.memory_space<semaphore_mem>>) src(%arg6 : memref<128x640xf32, #tpu.memory_space<vmem>>) dst(%dma_wait3A_23 : memref<128x640xf32, #tpu.memory_space<hbm>>)
        tpu.yield
      }) : () -> ()
    }
    %scan3A_7 = arith.constant 3 : i32
    return
  }
}

#map = affine_map<(d0, d1) -> (0, 0)>
#map1 = affine_map<(d0, d1) -> (0)>
module attributes {stable_mosaic.version = 14 : i64} {
  func.func @gather_k(%arg0: i32, %arg1: i32, %arg2: memref<2048x640xf32, #tpu.memory_space<hbm>>, %arg3: memref<4096xi32, #tpu.memory_space<hbm>>, %arg4: memref<4096x640xf32, #tpu.memory_space<hbm>>, %arg5: memref<128xi32, #tpu.memory_space<vmem>>, %arg6: memref<128x640xf32, #tpu.memory_space<vmem>>, %arg7: memref<!tpu.dma_semaphore, #tpu.memory_space<semaphore_mem>>) attributes {dimension_semantics = [#tpu.dimension_semantics<core_parallel>, #tpu.dimension_semantics<subcore_parallel>], iteration_bounds = array<i64: 2, 16>, scalar_prefetch = 0 : i64, scratch_operands = 3 : i64, tpu.core_type = #tpu.core_type<sc_vector_subcore>, window_params = [{transform_indices = #map}, {transform_indices = #map1}, {transform_indices = #map}]} {
    %mul3A = arith.constant 2 : i32
    %mul3A_0 = arith.muli %arg1, %mul3A : i32
    %add3A = arith.addi %mul3A_0, %arg0 : i32
    %mul3A_1 = arith.constant 128 : i32
    %mul3A_2 = arith.muli %add3A, %mul3A_1 : i32
    %scan3A = arith.constant 0 : i32
    %scan3A_3 = arith.constant 0 : i32
    %mul3A_4 = arith.constant 128 : i32
    %mul3A_5 = arith.muli %scan3A_3, %mul3A_4 : i32
    %add3A_6 = arith.addi %mul3A_2, %mul3A_5 : i32
    "tpu.region"() ({
      %run_scoped3A = tpu.sem_alloc : memref<!tpu.dma_semaphore, #tpu.memory_space<semaphore_mem>>
      %dma_start3A_12 = tpu.memref_slice %arg3[%add3A_6] : memref<4096xi32, #tpu.memory_space<hbm>> -> memref<128xi32, #tpu.memory_space<hbm>>
      %dma_start3A_13 = tpu.memref_slice %arg3[%add3A_6] : memref<4096xi32, #tpu.memory_space<hbm>> -> memref<128xi32, #tpu.memory_space<hbm>>
      tpu.enqueue_dma source(%dma_start3A_13 : memref<128xi32, #tpu.memory_space<hbm>>) target(%arg5 : memref<128xi32, #tpu.memory_space<vmem>>) target_semaphore(%run_scoped3A : memref<!tpu.dma_semaphore, #tpu.memory_space<semaphore_mem>>)
      %dma_wait3A_14 = tpu.memref_slice %arg3[%add3A_6] : memref<4096xi32, #tpu.memory_space<hbm>> -> memref<128xi32, #tpu.memory_space<hbm>>
      %dma_wait3A_15 = tpu.memref_slice %arg3[%add3A_6] : memref<4096xi32, #tpu.memory_space<hbm>> -> memref<128xi32, #tpu.memory_space<hbm>>
      tpu.wait_dma2 semaphore(%run_scoped3A : memref<!tpu.dma_semaphore, #tpu.memory_space<semaphore_mem>>) src(%dma_wait3A_15 : memref<128xi32, #tpu.memory_space<hbm>>) dst(%arg5 : memref<128xi32, #tpu.memory_space<vmem>>)
      tpu.yield
    }) : () -> ()
    %dma_start3A = arith.constant 0 : i32
    %dma_start3A_7 = arith.constant 0 : i32
    %dma_start3A_8 = tpu.memref_slice %arg2[%dma_start3A, %dma_start3A_7] : memref<2048x640xf32, #tpu.memory_space<hbm>> -> memref<2048x640xf32, #tpu.memory_space<hbm>>
    tpu.enqueue_indirect_dma source(%dma_start3A_8 : memref<2048x640xf32, #tpu.memory_space<hbm>>) target(%arg6 : memref<128x640xf32, #tpu.memory_space<vmem>>) offsets(%arg5 : memref<128xi32, #tpu.memory_space<vmem>>) semaphore(%arg7 : memref<!tpu.dma_semaphore, #tpu.memory_space<semaphore_mem>>)
    %dma_wait3A = arith.constant 0 : i32
    %dma_wait3A_9 = arith.constant 0 : i32
    %dma_wait3A_10 = tpu.memref_slice %arg2[%dma_wait3A, %dma_wait3A_9] : memref<2048x640xf32, #tpu.memory_space<hbm>> -> memref<2048x640xf32, #tpu.memory_space<hbm>>
    tpu.wait_indirect_dma semaphore(%arg7 : memref<!tpu.dma_semaphore, #tpu.memory_space<semaphore_mem>>) src(%dma_wait3A_10 : memref<2048x640xf32, #tpu.memory_space<hbm>>) dst(%arg6 : memref<128x640xf32, #tpu.memory_space<vmem>>)
    "tpu.region"() ({
      %run_scoped3A = tpu.sem_alloc : memref<!tpu.dma_semaphore, #tpu.memory_space<semaphore_mem>>
      %dma_start3A_12 = arith.constant 0 : i32
      %dma_start3A_13 = tpu.memref_slice %arg4[%add3A_6, %dma_start3A_12] : memref<4096x640xf32, #tpu.memory_space<hbm>> -> memref<128x640xf32, #tpu.memory_space<hbm>>
      %dma_start3A_14 = arith.constant 0 : i32
      %dma_start3A_15 = tpu.memref_slice %arg4[%add3A_6, %dma_start3A_14] : memref<4096x640xf32, #tpu.memory_space<hbm>> -> memref<128x640xf32, #tpu.memory_space<hbm>>
      tpu.enqueue_dma source(%arg6 : memref<128x640xf32, #tpu.memory_space<vmem>>) target(%dma_start3A_15 : memref<128x640xf32, #tpu.memory_space<hbm>>) target_semaphore(%run_scoped3A : memref<!tpu.dma_semaphore, #tpu.memory_space<semaphore_mem>>)
      %dma_wait3A_16 = arith.constant 0 : i32
      %dma_wait3A_17 = tpu.memref_slice %arg4[%add3A_6, %dma_wait3A_16] : memref<4096x640xf32, #tpu.memory_space<hbm>> -> memref<128x640xf32, #tpu.memory_space<hbm>>
      %dma_wait3A_18 = arith.constant 0 : i32
      %dma_wait3A_19 = tpu.memref_slice %arg4[%add3A_6, %dma_wait3A_18] : memref<4096x640xf32, #tpu.memory_space<hbm>> -> memref<128x640xf32, #tpu.memory_space<hbm>>
      tpu.wait_dma2 semaphore(%run_scoped3A : memref<!tpu.dma_semaphore, #tpu.memory_space<semaphore_mem>>) src(%arg6 : memref<128x640xf32, #tpu.memory_space<vmem>>) dst(%dma_wait3A_19 : memref<128x640xf32, #tpu.memory_space<hbm>>)
      tpu.yield
    }) : () -> ()
    %scan3A_11 = arith.constant 1 : i32
    return
  }
}

module attributes {stable_mosaic.version = 14 : i64} {
  func.func @_lambda_(%arg0: i32, %arg1: i32, %arg2: memref<1x256x3xf32, #tpu.memory_space<vmem>>, %arg3: memref<1x3x1024xf32, #tpu.memory_space<vmem>>, %arg4: memref<1x256x9xi32, #tpu.memory_space<vmem>>) attributes {dimension_semantics = [#tpu.dimension_semantics<arbitrary>, #tpu.dimension_semantics<arbitrary>], iteration_bounds = array<i64: 16, 4>, scalar_prefetch = 0 : i64, scratch_operands = 0 : i64, tpu.core_type = #tpu.core_type<tc>, window_params = [{transform_indices = @transform_0, window_bounds = array<i64: 1, 256, 3>}, {transform_indices = @transform_1, window_bounds = array<i64: 1, 3, 1024>}, {transform_indices = @transform_2, window_bounds = array<i64: 1, 256, 9>}]} {
    %get3A = arith.constant 0 : index
    %get3A_0 = arith.constant 0 : index
    %get3A_1 = arith.constant 0 : index
    %get3A_2 = vector.load %arg2[%get3A, %get3A_0, %get3A_1] : memref<1x256x3xf32, #tpu.memory_space<vmem>>, vector<1x256x3xf32>
    %get3A_3 = vector.shape_cast %get3A_2 : vector<1x256x3xf32> to vector<256x3xf32>
    %slice3A = vector.extract_strided_slice %get3A_3 {offsets = [0, 0], sizes = [256, 1], strides = [1, 1]} : vector<256x3xf32> to vector<256x1xf32>
    %get3A_4 = arith.constant 0 : index
    %get3A_5 = arith.constant 0 : index
    %get3A_6 = arith.constant 0 : index
    %get3A_7 = vector.load %arg3[%get3A_4, %get3A_5, %get3A_6] : memref<1x3x1024xf32, #tpu.memory_space<vmem>>, vector<1x1x1024xf32>
    %get3A_8 = vector.shape_cast %get3A_7 : vector<1x1x1024xf32> to vector<1x1024xf32>
    %sub3A = vector.broadcast %slice3A : vector<256x1xf32> to vector<256x1024xf32>
    %sub3A_9 = vector.broadcast %get3A_8 : vector<1x1024xf32> to vector<256x1024xf32>
    %sub3A_10 = arith.subf %sub3A, %sub3A_9 : vector<256x1024xf32>
    %slice3A_11 = vector.extract_strided_slice %get3A_3 {offsets = [0, 1], sizes = [256, 1], strides = [1, 1]} : vector<256x3xf32> to vector<256x1xf32>
    %get3A_12 = arith.constant 0 : index
    %get3A_13 = arith.constant 1 : index
    %get3A_14 = arith.constant 0 : index
    %get3A_15 = vector.load %arg3[%get3A_12, %get3A_13, %get3A_14] : memref<1x3x1024xf32, #tpu.memory_space<vmem>>, vector<1x1x1024xf32>
    %get3A_16 = vector.shape_cast %get3A_15 : vector<1x1x1024xf32> to vector<1x1024xf32>
    %sub3A_17 = vector.broadcast %slice3A_11 : vector<256x1xf32> to vector<256x1024xf32>
    %sub3A_18 = vector.broadcast %get3A_16 : vector<1x1024xf32> to vector<256x1024xf32>
    %sub3A_19 = arith.subf %sub3A_17, %sub3A_18 : vector<256x1024xf32>
    %slice3A_20 = vector.extract_strided_slice %get3A_3 {offsets = [0, 2], sizes = [256, 1], strides = [1, 1]} : vector<256x3xf32> to vector<256x1xf32>
    %get3A_21 = arith.constant 0 : index
    %get3A_22 = arith.constant 2 : index
    %get3A_23 = arith.constant 0 : index
    %get3A_24 = vector.load %arg3[%get3A_21, %get3A_22, %get3A_23] : memref<1x3x1024xf32, #tpu.memory_space<vmem>>, vector<1x1x1024xf32>
    %get3A_25 = vector.shape_cast %get3A_24 : vector<1x1x1024xf32> to vector<1x1024xf32>
    %sub3A_26 = vector.broadcast %slice3A_20 : vector<256x1xf32> to vector<256x1024xf32>
    %sub3A_27 = vector.broadcast %get3A_25 : vector<1x1024xf32> to vector<256x1024xf32>
    %sub3A_28 = arith.subf %sub3A_26, %sub3A_27 : vector<256x1024xf32>
    %mul3A = arith.mulf %sub3A_10, %sub3A_10 : vector<256x1024xf32>
    %mul3A_29 = arith.mulf %sub3A_19, %sub3A_19 : vector<256x1024xf32>
    %add3A = arith.addf %mul3A, %mul3A_29 : vector<256x1024xf32>
    %mul3A_30 = arith.mulf %sub3A_28, %sub3A_28 : vector<256x1024xf32>
    %add3A_31 = arith.addf %add3A, %mul3A_30 : vector<256x1024xf32>
    %iota3A = tpu.iota {dimensions = array<i32: 1>} : vector<256x1024xi32>
    %iota3A_32 = tpu.iota {dimensions = array<i32: 1>} : vector<256x9xi32>
    %iota3A_33 = tpu.iota {dimensions = array<i32: 0>} : vector<256x9xi32>
    %iota3A_34 = tpu.iota {dimensions = array<i32: 1>} : vector<256x9xi32>
    %add3A_35 = arith.addi %iota3A_33, %iota3A_34 : vector<256x9xi32>
    %min3A = arith.constant 0 : i32
    %min3A_36 = vector.broadcast %min3A : i32 to vector<256x9xi32>
    %min3A_37 = arith.minsi %add3A_35, %min3A_36 : vector<256x9xi32>
    %scan3A = arith.constant 0 : i32
    %scan3A_38 = arith.constant 9 : i32
    %scan3A_39 = arith.addi %scan3A, %scan3A_38 : i32
    %scan3A_40 = arith.constant 1 : i32
    %scan3A_41:2 = scf.for %scan3A_48 = %scan3A to %scan3A_39 step %scan3A_40 iter_args(%scan3A_49 = %add3A_31, %scan3A_50 = %min3A_37) -> (vector<256x1024xf32>, vector<256x9xi32>)  : i32 {
      %reduce_min3A = arith.constant dense<0x7F800000> : vector<256xf32>
      %reduce_min3A_51 = vector.multi_reduction <minimumf>, %scan3A_49, %reduce_min3A [1] : vector<256x1024xf32> to vector<256xf32>
      %broadcast_in_dim3A = vector.shape_cast %reduce_min3A_51 : vector<256xf32> to vector<256x1xf32>
      %eq3A = vector.broadcast %broadcast_in_dim3A : vector<256x1xf32> to vector<256x1024xf32>
      %eq3A_52 = arith.cmpf oeq, %scan3A_49, %eq3A : vector<256x1024xf32>
      %jit3A = arith.constant 1024 : i32
      %broadcast_in_dim3A_53 = vector.broadcast %jit3A : i32 to vector<256x1024xi32>
      %select_n3A = arith.select %eq3A_52, %iota3A, %broadcast_in_dim3A_53 : vector<256x1024xi1>, vector<256x1024xi32>
      %reduce_min3A_54 = arith.constant dense<2147483647> : vector<256xi32>
      %reduce_min3A_55 = vector.multi_reduction <minsi>, %select_n3A, %reduce_min3A_54 [1] : vector<256x1024xi32> to vector<256xi32>
      %broadcast_in_dim3A_56 = vector.shape_cast %reduce_min3A_55 : vector<256xi32> to vector<256x1xi32>
      %eq3A_57 = vector.broadcast %scan3A_48 : i32 to vector<256x9xi32>
      %eq3A_58 = arith.cmpi eq, %iota3A_32, %eq3A_57 : vector<256x9xi32>
      %broadcast_in_dim3A_59 = vector.shape_cast %broadcast_in_dim3A_56 : vector<256x1xi32> to vector<256x1xi32>
      %broadcast_in_dim3A_60 = vector.broadcast %broadcast_in_dim3A_59 : vector<256x1xi32> to vector<256x9xi32>
      %select_n3A_61 = arith.select %eq3A_58, %broadcast_in_dim3A_60, %scan3A_50 : vector<256x9xi1>, vector<256x9xi32>
      %broadcast_in_dim3A_62 = vector.shape_cast %broadcast_in_dim3A_56 : vector<256x1xi32> to vector<256x1xi32>
      %broadcast_in_dim3A_63 = vector.broadcast %broadcast_in_dim3A_62 : vector<256x1xi32> to vector<256x1024xi32>
      %eq3A_64 = arith.cmpi eq, %broadcast_in_dim3A_63, %iota3A : vector<256x1024xi32>
      %jit3A_65 = arith.constant 0x7F800000 : f32
      %broadcast_in_dim3A_66 = vector.broadcast %jit3A_65 : f32 to vector<256x1024xf32>
      %select_n3A_67 = arith.select %eq3A_64, %broadcast_in_dim3A_66, %scan3A_49 : vector<256x1024xi1>, vector<256x1024xf32>
      scf.yield %select_n3A_67, %select_n3A_61 : vector<256x1024xf32>, vector<256x9xi32>
    }
    %scan3A_42 = arith.constant 9 : i32
    %swap3A = arith.constant 0 : index
    %swap3A_43 = arith.constant 0 : index
    %swap3A_44 = arith.constant 0 : index
    %swap3A_45 = vector.load %arg4[%swap3A, %swap3A_43, %swap3A_44] : memref<1x256x9xi32, #tpu.memory_space<vmem>>, vector<1x256x9xi32>
    %swap3A_46 = vector.shape_cast %swap3A_45 : vector<1x256x9xi32> to vector<256x9xi32>
    %swap3A_47 = vector.shape_cast %scan3A_41#1 : vector<256x9xi32> to vector<1x256x9xi32>
    tpu.vector_store %arg4[%swap3A, %swap3A_43, %swap3A_44], %swap3A_47 {strides = array<i32>} : memref<1x256x9xi32, #tpu.memory_space<vmem>>, vector<1x256x9xi32>,
    return
  }
  func.func @transform_0(%arg0: i32, %arg1: i32) -> (i32, i32, i32) {
    %c0_i32 = arith.constant 0 : i32
    %c0_i32_0 = arith.constant 0 : i32
    return %arg0, %arg1, %c0_i32 : i32, i32, i32
  }
  func.func @transform_1(%arg0: i32, %arg1: i32) -> (i32, i32, i32) {
    %c0_i32 = arith.constant 0 : i32
    %c0_i32_0 = arith.constant 0 : i32
    %c0_i32_1 = arith.constant 0 : i32
    return %arg0, %c0_i32, %c0_i32_0 : i32, i32, i32
  }
  func.func @transform_2(%arg0: i32, %arg1: i32) -> (i32, i32, i32) {
    %c0_i32 = arith.constant 0 : i32
    %c0_i32_0 = arith.constant 0 : i32
    return %arg0, %arg1, %c0_i32 : i32, i32, i32
  }
}

module attributes {stable_mosaic.version = 14 : i64} {
  func.func @_lambda_(%arg0: memref<16x3x1024xf32, #tpu.memory_space<vmem>>, %arg1: memref<16x512xi32, #tpu.memory_space<vmem>>) attributes {dimension_semantics = [], scalar_prefetch = 0 : i64, scratch_operands = 0 : i64, tpu.core_type = #tpu.core_type<tc>} {
    %get3A = arith.constant 0 : index
    %get3A_0 = arith.constant 0 : index
    %get3A_1 = arith.constant 0 : index
    %get3A_2 = vector.load %arg0[%get3A, %get3A_0, %get3A_1] : memref<16x3x1024xf32, #tpu.memory_space<vmem>>, vector<16x3x1024xf32>
    %iota3A = tpu.iota {dimensions = array<i32: 1>} : vector<16x1024xi32>
    %iota3A_3 = tpu.iota {dimensions = array<i32: 1>} : vector<16x512xi32>
    %iota3A_4 = tpu.iota {dimensions = array<i32: 0>} : vector<16x512xi32>
    %broadcast_in_dim3A = arith.constant 1.000000e+10 : f32
    %broadcast_in_dim3A_5 = vector.broadcast %broadcast_in_dim3A : f32 to vector<16x1024xf32>
    %add3A = arith.addi %iota3A_3, %iota3A_4 : vector<16x512xi32>
    %min3A = arith.constant 0 : i32
    %min3A_6 = vector.broadcast %min3A : i32 to vector<16x512xi32>
    %min3A_7 = arith.minsi %add3A, %min3A_6 : vector<16x512xi32>
    %scan3A = arith.constant 0 : i32
    %scan3A_8 = arith.constant 512 : i32
    %scan3A_9 = arith.addi %scan3A, %scan3A_8 : i32
    %scan3A_10 = arith.constant 1 : i32
    %scan3A_11:2 = scf.for %scan3A_15 = %scan3A to %scan3A_9 step %scan3A_10 iter_args(%scan3A_16 = %broadcast_in_dim3A_5, %scan3A_17 = %min3A_7) -> (vector<16x1024xf32>, vector<16x512xi32>)  : i32 {
      %reduce_max3A = arith.constant dense<0xFF800000> : vector<16xf32>
      %reduce_max3A_18 = vector.multi_reduction <maximumf>, %scan3A_16, %reduce_max3A [1] : vector<16x1024xf32> to vector<16xf32>
      %broadcast_in_dim3A_19 = vector.shape_cast %reduce_max3A_18 : vector<16xf32> to vector<16x1xf32>
      %eq3A = vector.broadcast %broadcast_in_dim3A_19 : vector<16x1xf32> to vector<16x1024xf32>
      %eq3A_20 = arith.cmpf oeq, %scan3A_16, %eq3A : vector<16x1024xf32>
      %jit3A = arith.constant 1024 : i32
      %broadcast_in_dim3A_21 = vector.broadcast %jit3A : i32 to vector<16x1024xi32>
      %select_n3A = arith.select %eq3A_20, %iota3A, %broadcast_in_dim3A_21 : vector<16x1024xi1>, vector<16x1024xi32>
      %reduce_min3A = arith.constant dense<2147483647> : vector<16xi32>
      %reduce_min3A_22 = vector.multi_reduction <minsi>, %select_n3A, %reduce_min3A [1] : vector<16x1024xi32> to vector<16xi32>
      %broadcast_in_dim3A_23 = vector.shape_cast %reduce_min3A_22 : vector<16xi32> to vector<16x1xi32>
      %eq3A_24 = vector.broadcast %scan3A_15 : i32 to vector<16x512xi32>
      %eq3A_25 = arith.cmpi eq, %iota3A_3, %eq3A_24 : vector<16x512xi32>
      %broadcast_in_dim3A_26 = vector.shape_cast %broadcast_in_dim3A_23 : vector<16x1xi32> to vector<16x1xi32>
      %broadcast_in_dim3A_27 = vector.broadcast %broadcast_in_dim3A_26 : vector<16x1xi32> to vector<16x512xi32>
      %select_n3A_28 = arith.select %eq3A_25, %broadcast_in_dim3A_27, %scan3A_17 : vector<16x512xi1>, vector<16x512xi32>
      %broadcast_in_dim3A_29 = vector.shape_cast %broadcast_in_dim3A_23 : vector<16x1xi32> to vector<16x1xi32>
      %broadcast_in_dim3A_30 = vector.broadcast %broadcast_in_dim3A_29 : vector<16x1xi32> to vector<16x1024xi32>
      %eq3A_31 = arith.cmpi eq, %broadcast_in_dim3A_30, %iota3A : vector<16x1024xi32>
      %broadcast_in_dim3A_32 = vector.shape_cast %eq3A_31 : vector<16x1024xi1> to vector<16x1x1024xi1>
      %jit3A_33 = arith.constant 0.000000e+00 : f32
      %broadcast_in_dim3A_34 = vector.shape_cast %broadcast_in_dim3A_32 : vector<16x1x1024xi1> to vector<16x1x1024xi1>
      %broadcast_in_dim3A_35 = vector.broadcast %broadcast_in_dim3A_34 : vector<16x1x1024xi1> to vector<16x3x1024xi1>
      %broadcast_in_dim3A_36 = vector.broadcast %jit3A_33 : f32 to vector<16x3x1024xf32>
      %select_n3A_37 = arith.select %broadcast_in_dim3A_35, %get3A_2, %broadcast_in_dim3A_36 : vector<16x3x1024xi1>, vector<16x3x1024xf32>
      %reduce_sum3A = arith.constant dense<0.000000e+00> : vector<16x3xf32>
      %reduce_sum3A_38 = vector.multi_reduction <add>, %select_n3A_37, %reduce_sum3A [2] : vector<16x3x1024xf32> to vector<16x3xf32>
      %slice3A = vector.extract_strided_slice %get3A_2 {offsets = [0, 0, 0], sizes = [16, 1, 1024], strides = [1, 1, 1]} : vector<16x3x1024xf32> to vector<16x1x1024xf32>
      %squeeze3A = vector.shape_cast %slice3A : vector<16x1x1024xf32> to vector<16x1024xf32>
      %slice3A_39 = vector.extract_strided_slice %reduce_sum3A_38 {offsets = [0, 0], sizes = [16, 1], strides = [1, 1]} : vector<16x3xf32> to vector<16x1xf32>
      %sub3A = vector.broadcast %slice3A_39 : vector<16x1xf32> to vector<16x1024xf32>
      %sub3A_40 = arith.subf %squeeze3A, %sub3A : vector<16x1024xf32>
      %slice3A_41 = vector.extract_strided_slice %get3A_2 {offsets = [0, 1, 0], sizes = [16, 1, 1024], strides = [1, 1, 1]} : vector<16x3x1024xf32> to vector<16x1x1024xf32>
      %squeeze3A_42 = vector.shape_cast %slice3A_41 : vector<16x1x1024xf32> to vector<16x1024xf32>
      %slice3A_43 = vector.extract_strided_slice %reduce_sum3A_38 {offsets = [0, 1], sizes = [16, 1], strides = [1, 1]} : vector<16x3xf32> to vector<16x1xf32>
      %sub3A_44 = vector.broadcast %slice3A_43 : vector<16x1xf32> to vector<16x1024xf32>
      %sub3A_45 = arith.subf %squeeze3A_42, %sub3A_44 : vector<16x1024xf32>
      %slice3A_46 = vector.extract_strided_slice %get3A_2 {offsets = [0, 2, 0], sizes = [16, 1, 1024], strides = [1, 1, 1]} : vector<16x3x1024xf32> to vector<16x1x1024xf32>
      %squeeze3A_47 = vector.shape_cast %slice3A_46 : vector<16x1x1024xf32> to vector<16x1024xf32>
      %slice3A_48 = vector.extract_strided_slice %reduce_sum3A_38 {offsets = [0, 2], sizes = [16, 1], strides = [1, 1]} : vector<16x3xf32> to vector<16x1xf32>
      %sub3A_49 = vector.broadcast %slice3A_48 : vector<16x1xf32> to vector<16x1024xf32>
      %sub3A_50 = arith.subf %squeeze3A_47, %sub3A_49 : vector<16x1024xf32>
      %mul3A = arith.mulf %sub3A_40, %sub3A_40 : vector<16x1024xf32>
      %mul3A_51 = arith.mulf %sub3A_45, %sub3A_45 : vector<16x1024xf32>
      %add3A_52 = arith.addf %mul3A, %mul3A_51 : vector<16x1024xf32>
      %mul3A_53 = arith.mulf %sub3A_50, %sub3A_50 : vector<16x1024xf32>
      %add3A_54 = arith.addf %add3A_52, %mul3A_53 : vector<16x1024xf32>
      %min3A_55 = arith.minimumf %scan3A_16, %add3A_54 : vector<16x1024xf32>
      scf.yield %min3A_55, %select_n3A_28 : vector<16x1024xf32>, vector<16x512xi32>
    }
    %scan3A_12 = arith.constant 512 : i32
    %swap3A = arith.constant 0 : index
    %swap3A_13 = arith.constant 0 : index
    %swap3A_14 = vector.load %arg1[%swap3A, %swap3A_13] : memref<16x512xi32, #tpu.memory_space<vmem>>, vector<16x512xi32>
    tpu.vector_store %arg1[%swap3A, %swap3A_13], %scan3A_11#1 {strides = array<i32>} : memref<16x512xi32, #tpu.memory_space<vmem>>, vector<16x512xi32>,
    return
  }
}

module attributes {stable_mosaic.version = 14 : i64} {
  func.func @_mm0_body(%arg0: i32, %arg1: memref<2048x10xf32, #tpu.memory_space<vmem>>, %arg2: memref<10x10xf32, #tpu.memory_space<vmem>>, %arg3: memref<1x10xf32, #tpu.memory_space<vmem>>, %arg4: memref<2048x10xf32, #tpu.memory_space<vmem>>, %arg5: memref<8x10xf32, #tpu.memory_space<vmem>>) attributes {dimension_semantics = [#tpu.dimension_semantics<arbitrary>], iteration_bounds = array<i64: 64>, scalar_prefetch = 0 : i64, scratch_operands = 0 : i64, tpu.core_type = #tpu.core_type<tc>, window_params = [{transform_indices = @transform_0, window_bounds = array<i64: 2048, 10>}, {pipeline_mode = #tpu.pipeline_mode<synchronous>, transform_indices = @transform_1, window_bounds = array<i64: 10, 10>}, {pipeline_mode = #tpu.pipeline_mode<synchronous>, transform_indices = @transform_2, window_bounds = array<i64: 1, 10>}, {transform_indices = @transform_3, window_bounds = array<i64: 2048, 10>}, {pipeline_mode = #tpu.pipeline_mode<synchronous>, transform_indices = @transform_4, window_bounds = array<i64: 8, 10>}]} {
    %get3A = arith.constant 0 : index
    %get3A_0 = arith.constant 0 : index
    %get3A_1 = vector.load %arg1[%get3A, %get3A_0] : memref<2048x10xf32, #tpu.memory_space<vmem>>, vector<2048x10xf32>
    %get3A_2 = arith.constant 0 : index
    %get3A_3 = arith.constant 0 : index
    %get3A_4 = vector.load %arg2[%get3A_2, %get3A_3] : memref<10x10xf32, #tpu.memory_space<vmem>>, vector<10x10xf32>
    %dot_general3A = arith.constant dense<0.000000e+00> : vector<2048x10xf32>
    %dot_general3A_5 = tpu.matmul %get3A_1, %get3A_4, %dot_general3A {dimension_numbers = #tpu.dot_dimension_numbers<[1], [0], [0], [1], [0, 0, 1, 1], [], []>, transpose_lhs_hint = false} : vector<2048x10xf32>, vector<10x10xf32>, vector<2048x10xf32> -> vector<2048x10xf32>
    %get3A_6 = arith.constant 0 : index
    %get3A_7 = arith.constant 0 : index
    %get3A_8 = vector.load %arg3[%get3A_6, %get3A_7] : memref<1x10xf32, #tpu.memory_space<vmem>>, vector<1x10xf32>
    %add3A = vector.broadcast %get3A_8 : vector<1x10xf32> to vector<2048x10xf32>
    %add3A_9 = arith.addf %dot_general3A_5, %add3A : vector<2048x10xf32>
    %swap3A = arith.constant 0 : index
    %swap3A_10 = arith.constant 0 : index
    %swap3A_11 = vector.load %arg4[%swap3A, %swap3A_10] : memref<2048x10xf32, #tpu.memory_space<vmem>>, vector<2048x10xf32>
    tpu.vector_store %arg4[%swap3A, %swap3A_10], %add3A_9 {strides = array<i32>} : memref<2048x10xf32, #tpu.memory_space<vmem>>, vector<2048x10xf32>,
    %reduce_sum3A = arith.constant dense<0.000000e+00> : vector<10xf32>
    %reduce_sum3A_12 = vector.multi_reduction <add>, %add3A_9, %reduce_sum3A [0] : vector<2048x10xf32> to vector<10xf32>
    %broadcast_in_dim3A = vector.shape_cast %reduce_sum3A_12 : vector<10xf32> to vector<1x10xf32>
    %mul3A = arith.mulf %add3A_9, %add3A_9 : vector<2048x10xf32>
    %reduce_sum3A_13 = arith.constant dense<0.000000e+00> : vector<10xf32>
    %reduce_sum3A_14 = vector.multi_reduction <add>, %mul3A, %reduce_sum3A_13 [0] : vector<2048x10xf32> to vector<10xf32>
    %broadcast_in_dim3A_15 = vector.shape_cast %reduce_sum3A_14 : vector<10xf32> to vector<1x10xf32>
    %broadcast_in_dim3A_16 = arith.constant 0.000000e+00 : f32
    %broadcast_in_dim3A_17 = vector.broadcast %broadcast_in_dim3A_16 : f32 to vector<6x10xf32>
    %concatenate3A = tpu.concatenate %broadcast_in_dim3A, %broadcast_in_dim3A_15, %broadcast_in_dim3A_17 in 0 : vector<1x10xf32>, vector<1x10xf32>, vector<6x10xf32> -> vector<8x10xf32>
    %eq3A = arith.constant 0 : i32
    %eq3A_18 = arith.cmpi eq, %arg0, %eq3A : i32
    %convert_element_type3A = arith.extui %eq3A_18 : i1 to i32
    %cond3A = arith.constant 0 : i32
    %cond3A_19 = arith.cmpi ne, %convert_element_type3A, %cond3A : i32
    scf.if %cond3A_19 {
      %broadcast_in_dim3A_27 = arith.constant 0.000000e+00 : f32
      %broadcast_in_dim3A_28 = vector.broadcast %broadcast_in_dim3A_27 : f32 to vector<8x10xf32>
      %swap3A_29 = arith.constant 0 : index
      %swap3A_30 = arith.constant 0 : index
      %swap3A_31 = vector.load %arg5[%swap3A_29, %swap3A_30] : memref<8x10xf32, #tpu.memory_space<vmem>>, vector<8x10xf32>
      tpu.vector_store %arg5[%swap3A_29, %swap3A_30], %broadcast_in_dim3A_28 {strides = array<i32>} : memref<8x10xf32, #tpu.memory_space<vmem>>, vector<8x10xf32>,
    } else {
    }
    %get3A_20 = arith.constant 0 : index
    %get3A_21 = arith.constant 0 : index
    %get3A_22 = vector.load %arg5[%get3A_20, %get3A_21] : memref<8x10xf32, #tpu.memory_space<vmem>>, vector<8x10xf32>
    %add3A_23 = arith.addf %get3A_22, %concatenate3A : vector<8x10xf32>
    %swap3A_24 = arith.constant 0 : index
    %swap3A_25 = arith.constant 0 : index
    %swap3A_26 = vector.load %arg5[%swap3A_24, %swap3A_25] : memref<8x10xf32, #tpu.memory_space<vmem>>, vector<8x10xf32>
    tpu.vector_store %arg5[%swap3A_24, %swap3A_25], %add3A_23 {strides = array<i32>} : memref<8x10xf32, #tpu.memory_space<vmem>>, vector<8x10xf32>,
    return
  }
  func.func @transform_0(%arg0: i32) -> (i32, i32) {
    %c0_i32 = arith.constant 0 : i32
    %c0_i32_0 = arith.constant 0 : i32
    return %arg0, %c0_i32 : i32, i32
  }
  func.func @transform_1(%arg0: i32) -> (i32, i32) {
    %c0_i32 = arith.constant 0 : i32
    %c0_i32_0 = arith.constant 0 : i32
    %c0_i32_1 = arith.constant 0 : i32
    return %c0_i32, %c0_i32_0 : i32, i32
  }
  func.func @transform_2(%arg0: i32) -> (i32, i32) {
    %c0_i32 = arith.constant 0 : i32
    %c0_i32_0 = arith.constant 0 : i32
    %c0_i32_1 = arith.constant 0 : i32
    return %c0_i32, %c0_i32_0 : i32, i32
  }
  func.func @transform_3(%arg0: i32) -> (i32, i32) {
    %c0_i32 = arith.constant 0 : i32
    %c0_i32_0 = arith.constant 0 : i32
    return %arg0, %c0_i32 : i32, i32
  }
  func.func @transform_4(%arg0: i32) -> (i32, i32) {
    %c0_i32 = arith.constant 0 : i32
    %c0_i32_0 = arith.constant 0 : i32
    %c0_i32_1 = arith.constant 0 : i32
    return %c0_i32, %c0_i32_0 : i32, i32
  }
}

module attributes {stable_mosaic.version = 14 : i64} {
  func.func @_mm1_body(%arg0: i32, %arg1: memref<2048x10xf32, #tpu.memory_space<vmem>>, %arg2: memref<1x10xf32, #tpu.memory_space<vmem>>, %arg3: memref<1x10xf32, #tpu.memory_space<vmem>>, %arg4: memref<10x10xf32, #tpu.memory_space<vmem>>, %arg5: memref<1x10xf32, #tpu.memory_space<vmem>>, %arg6: memref<2048x10xf32, #tpu.memory_space<vmem>>, %arg7: memref<8x10xf32, #tpu.memory_space<vmem>>) attributes {dimension_semantics = [#tpu.dimension_semantics<arbitrary>], iteration_bounds = array<i64: 64>, scalar_prefetch = 0 : i64, scratch_operands = 0 : i64, tpu.core_type = #tpu.core_type<tc>, window_params = [{transform_indices = @transform_0, window_bounds = array<i64: 2048, 10>}, {pipeline_mode = #tpu.pipeline_mode<synchronous>, transform_indices = @transform_1, window_bounds = array<i64: 1, 10>}, {pipeline_mode = #tpu.pipeline_mode<synchronous>, transform_indices = @transform_2, window_bounds = array<i64: 1, 10>}, {pipeline_mode = #tpu.pipeline_mode<synchronous>, transform_indices = @transform_3, window_bounds = array<i64: 10, 10>}, {pipeline_mode = #tpu.pipeline_mode<synchronous>, transform_indices = @transform_4, window_bounds = array<i64: 1, 10>}, {transform_indices = @transform_5, window_bounds = array<i64: 2048, 10>}, {pipeline_mode = #tpu.pipeline_mode<synchronous>, transform_indices = @transform_6, window_bounds = array<i64: 8, 10>}]} {
    %get3A = arith.constant 0 : index
    %get3A_0 = arith.constant 0 : index
    %get3A_1 = vector.load %arg1[%get3A, %get3A_0] : memref<2048x10xf32, #tpu.memory_space<vmem>>, vector<2048x10xf32>
    %get3A_2 = arith.constant 0 : index
    %get3A_3 = arith.constant 0 : index
    %get3A_4 = vector.load %arg2[%get3A_2, %get3A_3] : memref<1x10xf32, #tpu.memory_space<vmem>>, vector<1x10xf32>
    %mul3A = vector.broadcast %get3A_4 : vector<1x10xf32> to vector<2048x10xf32>
    %mul3A_5 = arith.mulf %get3A_1, %mul3A : vector<2048x10xf32>
    %get3A_6 = arith.constant 0 : index
    %get3A_7 = arith.constant 0 : index
    %get3A_8 = vector.load %arg3[%get3A_6, %get3A_7] : memref<1x10xf32, #tpu.memory_space<vmem>>, vector<1x10xf32>
    %add3A = vector.broadcast %get3A_8 : vector<1x10xf32> to vector<2048x10xf32>
    %add3A_9 = arith.addf %mul3A_5, %add3A : vector<2048x10xf32>
    %max3A = arith.constant 0.000000e+00 : f32
    %max3A_10 = vector.broadcast %max3A : f32 to vector<2048x10xf32>
    %max3A_11 = arith.maximumf %add3A_9, %max3A_10 : vector<2048x10xf32>
    %get3A_12 = arith.constant 0 : index
    %get3A_13 = arith.constant 0 : index
    %get3A_14 = vector.load %arg4[%get3A_12, %get3A_13] : memref<10x10xf32, #tpu.memory_space<vmem>>, vector<10x10xf32>
    %dot_general3A = arith.constant dense<0.000000e+00> : vector<2048x10xf32>
    %dot_general3A_15 = tpu.matmul %max3A_11, %get3A_14, %dot_general3A {dimension_numbers = #tpu.dot_dimension_numbers<[1], [0], [0], [1], [0, 0, 1, 1], [], []>, transpose_lhs_hint = false} : vector<2048x10xf32>, vector<10x10xf32>, vector<2048x10xf32> -> vector<2048x10xf32>
    %get3A_16 = arith.constant 0 : index
    %get3A_17 = arith.constant 0 : index
    %get3A_18 = vector.load %arg5[%get3A_16, %get3A_17] : memref<1x10xf32, #tpu.memory_space<vmem>>, vector<1x10xf32>
    %add3A_19 = vector.broadcast %get3A_18 : vector<1x10xf32> to vector<2048x10xf32>
    %add3A_20 = arith.addf %dot_general3A_15, %add3A_19 : vector<2048x10xf32>
    %swap3A = arith.constant 0 : index
    %swap3A_21 = arith.constant 0 : index
    %swap3A_22 = vector.load %arg6[%swap3A, %swap3A_21] : memref<2048x10xf32, #tpu.memory_space<vmem>>, vector<2048x10xf32>
    tpu.vector_store %arg6[%swap3A, %swap3A_21], %add3A_20 {strides = array<i32>} : memref<2048x10xf32, #tpu.memory_space<vmem>>, vector<2048x10xf32>,
    %reduce_sum3A = arith.constant dense<0.000000e+00> : vector<10xf32>
    %reduce_sum3A_23 = vector.multi_reduction <add>, %add3A_20, %reduce_sum3A [0] : vector<2048x10xf32> to vector<10xf32>
    %broadcast_in_dim3A = vector.shape_cast %reduce_sum3A_23 : vector<10xf32> to vector<1x10xf32>
    %mul3A_24 = arith.mulf %add3A_20, %add3A_20 : vector<2048x10xf32>
    %reduce_sum3A_25 = arith.constant dense<0.000000e+00> : vector<10xf32>
    %reduce_sum3A_26 = vector.multi_reduction <add>, %mul3A_24, %reduce_sum3A_25 [0] : vector<2048x10xf32> to vector<10xf32>
    %broadcast_in_dim3A_27 = vector.shape_cast %reduce_sum3A_26 : vector<10xf32> to vector<1x10xf32>
    %broadcast_in_dim3A_28 = arith.constant 0.000000e+00 : f32
    %broadcast_in_dim3A_29 = vector.broadcast %broadcast_in_dim3A_28 : f32 to vector<6x10xf32>
    %concatenate3A = tpu.concatenate %broadcast_in_dim3A, %broadcast_in_dim3A_27, %broadcast_in_dim3A_29 in 0 : vector<1x10xf32>, vector<1x10xf32>, vector<6x10xf32> -> vector<8x10xf32>
    %eq3A = arith.constant 0 : i32
    %eq3A_30 = arith.cmpi eq, %arg0, %eq3A : i32
    %convert_element_type3A = arith.extui %eq3A_30 : i1 to i32
    %cond3A = arith.constant 0 : i32
    %cond3A_31 = arith.cmpi ne, %convert_element_type3A, %cond3A : i32
    scf.if %cond3A_31 {
      %broadcast_in_dim3A_39 = arith.constant 0.000000e+00 : f32
      %broadcast_in_dim3A_40 = vector.broadcast %broadcast_in_dim3A_39 : f32 to vector<8x10xf32>
      %swap3A_41 = arith.constant 0 : index
      %swap3A_42 = arith.constant 0 : index
      %swap3A_43 = vector.load %arg7[%swap3A_41, %swap3A_42] : memref<8x10xf32, #tpu.memory_space<vmem>>, vector<8x10xf32>
      tpu.vector_store %arg7[%swap3A_41, %swap3A_42], %broadcast_in_dim3A_40 {strides = array<i32>} : memref<8x10xf32, #tpu.memory_space<vmem>>, vector<8x10xf32>,
    } else {
    }
    %get3A_32 = arith.constant 0 : index
    %get3A_33 = arith.constant 0 : index
    %get3A_34 = vector.load %arg7[%get3A_32, %get3A_33] : memref<8x10xf32, #tpu.memory_space<vmem>>, vector<8x10xf32>
    %add3A_35 = arith.addf %get3A_34, %concatenate3A : vector<8x10xf32>
    %swap3A_36 = arith.constant 0 : index
    %swap3A_37 = arith.constant 0 : index
    %swap3A_38 = vector.load %arg7[%swap3A_36, %swap3A_37] : memref<8x10xf32, #tpu.memory_space<vmem>>, vector<8x10xf32>
    tpu.vector_store %arg7[%swap3A_36, %swap3A_37], %add3A_35 {strides = array<i32>} : memref<8x10xf32, #tpu.memory_space<vmem>>, vector<8x10xf32>,
    return
  }
  func.func @transform_0(%arg0: i32) -> (i32, i32) {
    %c0_i32 = arith.constant 0 : i32
    %c0_i32_0 = arith.constant 0 : i32
    return %arg0, %c0_i32 : i32, i32
  }
  func.func @transform_1(%arg0: i32) -> (i32, i32) {
    %c0_i32 = arith.constant 0 : i32
    %c0_i32_0 = arith.constant 0 : i32
    %c0_i32_1 = arith.constant 0 : i32
    return %c0_i32, %c0_i32_0 : i32, i32
  }
  func.func @transform_2(%arg0: i32) -> (i32, i32) {
    %c0_i32 = arith.constant 0 : i32
    %c0_i32_0 = arith.constant 0 : i32
    %c0_i32_1 = arith.constant 0 : i32
    return %c0_i32, %c0_i32_0 : i32, i32
  }
  func.func @transform_3(%arg0: i32) -> (i32, i32) {
    %c0_i32 = arith.constant 0 : i32
    %c0_i32_0 = arith.constant 0 : i32
    %c0_i32_1 = arith.constant 0 : i32
    return %c0_i32, %c0_i32_0 : i32, i32
  }
  func.func @transform_4(%arg0: i32) -> (i32, i32) {
    %c0_i32 = arith.constant 0 : i32
    %c0_i32_0 = arith.constant 0 : i32
    %c0_i32_1 = arith.constant 0 : i32
    return %c0_i32, %c0_i32_0 : i32, i32
  }
  func.func @transform_5(%arg0: i32) -> (i32, i32) {
    %c0_i32 = arith.constant 0 : i32
    %c0_i32_0 = arith.constant 0 : i32
    return %arg0, %c0_i32 : i32, i32
  }
  func.func @transform_6(%arg0: i32) -> (i32, i32) {
    %c0_i32 = arith.constant 0 : i32
    %c0_i32_0 = arith.constant 0 : i32
    %c0_i32_1 = arith.constant 0 : i32
    return %c0_i32, %c0_i32_0 : i32, i32
  }
}

module attributes {stable_mosaic.version = 14 : i64} {
  func.func @_lambda_(%arg0: i32, %arg1: memref<512x8x10xf32, #tpu.memory_space<vmem>>, %arg2: memref<1x1x10xf32, #tpu.memory_space<vmem>>, %arg3: memref<1x1x10xf32, #tpu.memory_space<vmem>>, %arg4: memref<512x10xf32, #tpu.memory_space<vmem>>) attributes {dimension_semantics = [#tpu.dimension_semantics<arbitrary>], iteration_bounds = array<i64: 32>, scalar_prefetch = 0 : i64, scratch_operands = 0 : i64, tpu.core_type = #tpu.core_type<tc>, window_params = [{transform_indices = @transform_0, window_bounds = array<i64: 512, 8, 10>}, {pipeline_mode = #tpu.pipeline_mode<synchronous>, transform_indices = @transform_1, window_bounds = array<i64: 1, 1, 10>}, {pipeline_mode = #tpu.pipeline_mode<synchronous>, transform_indices = @transform_2, window_bounds = array<i64: 1, 1, 10>}, {transform_indices = @transform_3, window_bounds = array<i64: 512, 10>}]} {
    %get3A = arith.constant 0 : index
    %get3A_0 = arith.constant 0 : index
    %get3A_1 = arith.constant 0 : index
    %get3A_2 = vector.load %arg1[%get3A, %get3A_0, %get3A_1] : memref<512x8x10xf32, #tpu.memory_space<vmem>>, vector<512x8x10xf32>
    %get3A_3 = arith.constant 0 : index
    %get3A_4 = arith.constant 0 : index
    %get3A_5 = arith.constant 0 : index
    %get3A_6 = vector.load %arg2[%get3A_3, %get3A_4, %get3A_5] : memref<1x1x10xf32, #tpu.memory_space<vmem>>, vector<1x1x10xf32>
    %mul3A = vector.broadcast %get3A_6 : vector<1x1x10xf32> to vector<512x8x10xf32>
    %mul3A_7 = arith.mulf %get3A_2, %mul3A : vector<512x8x10xf32>
    %get3A_8 = arith.constant 0 : index
    %get3A_9 = arith.constant 0 : index
    %get3A_10 = arith.constant 0 : index
    %get3A_11 = vector.load %arg3[%get3A_8, %get3A_9, %get3A_10] : memref<1x1x10xf32, #tpu.memory_space<vmem>>, vector<1x1x10xf32>
    %add3A = vector.broadcast %get3A_11 : vector<1x1x10xf32> to vector<512x8x10xf32>
    %add3A_12 = arith.addf %mul3A_7, %add3A : vector<512x8x10xf32>
    %reduce_sum3A = arith.constant dense<0.000000e+00> : vector<512x10xf32>
    %reduce_sum3A_13 = vector.multi_reduction <add>, %add3A_12, %reduce_sum3A [1] : vector<512x8x10xf32> to vector<512x10xf32>
    %swap3A = arith.constant 0 : index
    %swap3A_14 = arith.constant 0 : index
    %swap3A_15 = vector.load %arg4[%swap3A, %swap3A_14] : memref<512x10xf32, #tpu.memory_space<vmem>>, vector<512x10xf32>
    tpu.vector_store %arg4[%swap3A, %swap3A_14], %reduce_sum3A_13 {strides = array<i32>} : memref<512x10xf32, #tpu.memory_space<vmem>>, vector<512x10xf32>,
    return
  }
  func.func @transform_0(%arg0: i32) -> (i32, i32, i32) {
    %c0_i32 = arith.constant 0 : i32
    %c0_i32_0 = arith.constant 0 : i32
    %c0_i32_1 = arith.constant 0 : i32
    return %arg0, %c0_i32, %c0_i32_0 : i32, i32, i32
  }
  func.func @transform_1(%arg0: i32) -> (i32, i32, i32) {
    %c0_i32 = arith.constant 0 : i32
    %c0_i32_0 = arith.constant 0 : i32
    %c0_i32_1 = arith.constant 0 : i32
    %c0_i32_2 = arith.constant 0 : i32
    return %c0_i32, %c0_i32_0, %c0_i32_1 : i32, i32, i32
  }
  func.func @transform_2(%arg0: i32) -> (i32, i32, i32) {
    %c0_i32 = arith.constant 0 : i32
    %c0_i32_0 = arith.constant 0 : i32
    %c0_i32_1 = arith.constant 0 : i32
    %c0_i32_2 = arith.constant 0 : i32
    return %c0_i32, %c0_i32_0, %c0_i32_1 : i32, i32, i32
  }
  func.func @transform_3(%arg0: i32) -> (i32, i32) {
    %c0_i32 = arith.constant 0 : i32
    %c0_i32_0 = arith.constant 0 : i32
    return %arg0, %c0_i32 : i32, i32
  }
}

module attributes {stable_mosaic.version = 14 : i64} {
  func.func @_lambda_(%arg0: i32, %arg1: i32, %arg2: memref<1x512x3xf32, #tpu.memory_space<vmem>>, %arg3: memref<1x3x1024xf32, #tpu.memory_space<vmem>>, %arg4: memref<1x512x24xi32, #tpu.memory_space<vmem>>) attributes {dimension_semantics = [#tpu.dimension_semantics<arbitrary>, #tpu.dimension_semantics<arbitrary>], iteration_bounds = array<i64: 16, 1>, scalar_prefetch = 0 : i64, scratch_operands = 0 : i64, tpu.core_type = #tpu.core_type<tc>, window_params = [{transform_indices = @transform_0, window_bounds = array<i64: 1, 512, 3>}, {transform_indices = @transform_1, window_bounds = array<i64: 1, 3, 1024>}, {transform_indices = @transform_2, window_bounds = array<i64: 1, 512, 24>}]} {
    %get3A = arith.constant 0 : index
    %get3A_0 = arith.constant 0 : index
    %get3A_1 = arith.constant 0 : index
    %get3A_2 = vector.load %arg2[%get3A, %get3A_0, %get3A_1] : memref<1x512x3xf32, #tpu.memory_space<vmem>>, vector<1x512x3xf32>
    %get3A_3 = vector.shape_cast %get3A_2 : vector<1x512x3xf32> to vector<512x3xf32>
    %slice3A = vector.extract_strided_slice %get3A_3 {offsets = [0, 0], sizes = [512, 1], strides = [1, 1]} : vector<512x3xf32> to vector<512x1xf32>
    %get3A_4 = arith.constant 0 : index
    %get3A_5 = arith.constant 0 : index
    %get3A_6 = arith.constant 0 : index
    %get3A_7 = vector.load %arg3[%get3A_4, %get3A_5, %get3A_6] : memref<1x3x1024xf32, #tpu.memory_space<vmem>>, vector<1x1x1024xf32>
    %get3A_8 = vector.shape_cast %get3A_7 : vector<1x1x1024xf32> to vector<1x1024xf32>
    %sub3A = vector.broadcast %slice3A : vector<512x1xf32> to vector<512x1024xf32>
    %sub3A_9 = vector.broadcast %get3A_8 : vector<1x1024xf32> to vector<512x1024xf32>
    %sub3A_10 = arith.subf %sub3A, %sub3A_9 : vector<512x1024xf32>
    %slice3A_11 = vector.extract_strided_slice %get3A_3 {offsets = [0, 1], sizes = [512, 1], strides = [1, 1]} : vector<512x3xf32> to vector<512x1xf32>
    %get3A_12 = arith.constant 0 : index
    %get3A_13 = arith.constant 1 : index
    %get3A_14 = arith.constant 0 : index
    %get3A_15 = vector.load %arg3[%get3A_12, %get3A_13, %get3A_14] : memref<1x3x1024xf32, #tpu.memory_space<vmem>>, vector<1x1x1024xf32>
    %get3A_16 = vector.shape_cast %get3A_15 : vector<1x1x1024xf32> to vector<1x1024xf32>
    %sub3A_17 = vector.broadcast %slice3A_11 : vector<512x1xf32> to vector<512x1024xf32>
    %sub3A_18 = vector.broadcast %get3A_16 : vector<1x1024xf32> to vector<512x1024xf32>
    %sub3A_19 = arith.subf %sub3A_17, %sub3A_18 : vector<512x1024xf32>
    %slice3A_20 = vector.extract_strided_slice %get3A_3 {offsets = [0, 2], sizes = [512, 1], strides = [1, 1]} : vector<512x3xf32> to vector<512x1xf32>
    %get3A_21 = arith.constant 0 : index
    %get3A_22 = arith.constant 2 : index
    %get3A_23 = arith.constant 0 : index
    %get3A_24 = vector.load %arg3[%get3A_21, %get3A_22, %get3A_23] : memref<1x3x1024xf32, #tpu.memory_space<vmem>>, vector<1x1x1024xf32>
    %get3A_25 = vector.shape_cast %get3A_24 : vector<1x1x1024xf32> to vector<1x1024xf32>
    %sub3A_26 = vector.broadcast %slice3A_20 : vector<512x1xf32> to vector<512x1024xf32>
    %sub3A_27 = vector.broadcast %get3A_25 : vector<1x1024xf32> to vector<512x1024xf32>
    %sub3A_28 = arith.subf %sub3A_26, %sub3A_27 : vector<512x1024xf32>
    %mul3A = arith.mulf %sub3A_10, %sub3A_10 : vector<512x1024xf32>
    %mul3A_29 = arith.mulf %sub3A_19, %sub3A_19 : vector<512x1024xf32>
    %add3A = arith.addf %mul3A, %mul3A_29 : vector<512x1024xf32>
    %mul3A_30 = arith.mulf %sub3A_28, %sub3A_28 : vector<512x1024xf32>
    %add3A_31 = arith.addf %add3A, %mul3A_30 : vector<512x1024xf32>
    %iota3A = tpu.iota {dimensions = array<i32: 1>} : vector<512x1024xi32>
    %iota3A_32 = tpu.iota {dimensions = array<i32: 1>} : vector<512x24xi32>
    %gt3A = arith.constant 0.00999999977 : f32
    %gt3A_33 = vector.broadcast %gt3A : f32 to vector<512x1024xf32>
    %gt3A_34 = arith.cmpf ogt, %add3A_31, %gt3A_33 : vector<512x1024xf32>
    %jit3A = arith.constant 1024 : i32
    %broadcast_in_dim3A = vector.broadcast %jit3A : i32 to vector<512x1024xi32>
    %select_n3A = arith.select %gt3A_34, %broadcast_in_dim3A, %iota3A : vector<512x1024xi1>, vector<512x1024xi32>
    %iota3A_35 = tpu.iota {dimensions = array<i32: 0>} : vector<512x24xi32>
    %iota3A_36 = tpu.iota {dimensions = array<i32: 1>} : vector<512x24xi32>
    %add3A_37 = arith.addi %iota3A_35, %iota3A_36 : vector<512x24xi32>
    %min3A = arith.constant 0 : i32
    %min3A_38 = vector.broadcast %min3A : i32 to vector<512x24xi32>
    %min3A_39 = arith.minsi %add3A_37, %min3A_38 : vector<512x24xi32>
    %scan3A = arith.constant 0 : i32
    %scan3A_40 = arith.constant 24 : i32
    %scan3A_41 = arith.addi %scan3A, %scan3A_40 : i32
    %scan3A_42 = arith.constant 1 : i32
    %scan3A_43:2 = scf.for %scan3A_56 = %scan3A to %scan3A_41 step %scan3A_42 iter_args(%scan3A_57 = %select_n3A, %scan3A_58 = %min3A_39) -> (vector<512x1024xi32>, vector<512x24xi32>)  : i32 {
      %reduce_min3A = arith.constant dense<2147483647> : vector<512xi32>
      %reduce_min3A_59 = vector.multi_reduction <minsi>, %scan3A_57, %reduce_min3A [1] : vector<512x1024xi32> to vector<512xi32>
      %broadcast_in_dim3A_60 = vector.shape_cast %reduce_min3A_59 : vector<512xi32> to vector<512x1xi32>
      %eq3A_61 = vector.broadcast %scan3A_56 : i32 to vector<512x24xi32>
      %eq3A_62 = arith.cmpi eq, %iota3A_32, %eq3A_61 : vector<512x24xi32>
      %broadcast_in_dim3A_63 = vector.shape_cast %broadcast_in_dim3A_60 : vector<512x1xi32> to vector<512x1xi32>
      %broadcast_in_dim3A_64 = vector.broadcast %broadcast_in_dim3A_63 : vector<512x1xi32> to vector<512x24xi32>
      %select_n3A_65 = arith.select %eq3A_62, %broadcast_in_dim3A_64, %scan3A_58 : vector<512x24xi1>, vector<512x24xi32>
      %broadcast_in_dim3A_66 = vector.shape_cast %broadcast_in_dim3A_60 : vector<512x1xi32> to vector<512x1xi32>
      %broadcast_in_dim3A_67 = vector.broadcast %broadcast_in_dim3A_66 : vector<512x1xi32> to vector<512x1024xi32>
      %eq3A_68 = arith.cmpi eq, %broadcast_in_dim3A_67, %iota3A : vector<512x1024xi32>
      %jit3A_69 = arith.constant 1024 : i32
      %broadcast_in_dim3A_70 = vector.broadcast %jit3A_69 : i32 to vector<512x1024xi32>
      %select_n3A_71 = arith.select %eq3A_68, %broadcast_in_dim3A_70, %scan3A_57 : vector<512x1024xi1>, vector<512x1024xi32>
      scf.yield %select_n3A_71, %select_n3A_65 : vector<512x1024xi32>, vector<512x24xi32>
    }
    %scan3A_44 = arith.constant 24 : i32
    %slice3A_45 = vector.extract_strided_slice %scan3A_43#1 {offsets = [0, 0], sizes = [512, 1], strides = [1, 1]} : vector<512x24xi32> to vector<512x1xi32>
    %broadcast_in_dim3A_46 = vector.shape_cast %slice3A_45 : vector<512x1xi32> to vector<512x1xi32>
    %broadcast_in_dim3A_47 = vector.broadcast %broadcast_in_dim3A_46 : vector<512x1xi32> to vector<512x24xi32>
    %eq3A = arith.constant 1024 : i32
    %eq3A_48 = vector.broadcast %eq3A : i32 to vector<512x24xi32>
    %eq3A_49 = arith.cmpi eq, %scan3A_43#1, %eq3A_48 : vector<512x24xi32>
    %select_n3A_50 = arith.select %eq3A_49, %broadcast_in_dim3A_47, %scan3A_43#1 : vector<512x24xi1>, vector<512x24xi32>
    %swap3A = arith.constant 0 : index
    %swap3A_51 = arith.constant 0 : index
    %swap3A_52 = arith.constant 0 : index
    %swap3A_53 = vector.load %arg4[%swap3A, %swap3A_51, %swap3A_52] : memref<1x512x24xi32, #tpu.memory_space<vmem>>, vector<1x512x24xi32>
    %swap3A_54 = vector.shape_cast %swap3A_53 : vector<1x512x24xi32> to vector<512x24xi32>
    %swap3A_55 = vector.shape_cast %select_n3A_50 : vector<512x24xi32> to vector<1x512x24xi32>
    tpu.vector_store %arg4[%swap3A, %swap3A_51, %swap3A_52], %swap3A_55 {strides = array<i32>} : memref<1x512x24xi32, #tpu.memory_space<vmem>>, vector<1x512x24xi32>,
    return
  }
  func.func @transform_0(%arg0: i32, %arg1: i32) -> (i32, i32, i32) {
    %c0_i32 = arith.constant 0 : i32
    %c0_i32_0 = arith.constant 0 : i32
    return %arg0, %arg1, %c0_i32 : i32, i32, i32
  }
  func.func @transform_1(%arg0: i32, %arg1: i32) -> (i32, i32, i32) {
    %c0_i32 = arith.constant 0 : i32
    %c0_i32_0 = arith.constant 0 : i32
    %c0_i32_1 = arith.constant 0 : i32
    return %arg0, %c0_i32, %c0_i32_0 : i32, i32, i32
  }
  func.func @transform_2(%arg0: i32, %arg1: i32) -> (i32, i32, i32) {
    %c0_i32 = arith.constant 0 : i32
    %c0_i32_0 = arith.constant 0 : i32
    return %arg0, %arg1, %c0_i32 : i32, i32, i32
  }
}

module attributes {stable_mosaic.version = 14 : i64} {
  func.func @_lambda_(%arg0: memref<16x3x512xf32, #tpu.memory_space<vmem>>, %arg1: memref<16x128xi32, #tpu.memory_space<vmem>>) attributes {dimension_semantics = [], scalar_prefetch = 0 : i64, scratch_operands = 0 : i64, tpu.core_type = #tpu.core_type<tc>} {
    %get3A = arith.constant 0 : index
    %get3A_0 = arith.constant 0 : index
    %get3A_1 = arith.constant 0 : index
    %get3A_2 = vector.load %arg0[%get3A, %get3A_0, %get3A_1] : memref<16x3x512xf32, #tpu.memory_space<vmem>>, vector<16x3x512xf32>
    %iota3A = tpu.iota {dimensions = array<i32: 1>} : vector<16x512xi32>
    %iota3A_3 = tpu.iota {dimensions = array<i32: 1>} : vector<16x128xi32>
    %iota3A_4 = tpu.iota {dimensions = array<i32: 0>} : vector<16x128xi32>
    %broadcast_in_dim3A = arith.constant 1.000000e+10 : f32
    %broadcast_in_dim3A_5 = vector.broadcast %broadcast_in_dim3A : f32 to vector<16x512xf32>
    %add3A = arith.addi %iota3A_3, %iota3A_4 : vector<16x128xi32>
    %min3A = arith.constant 0 : i32
    %min3A_6 = vector.broadcast %min3A : i32 to vector<16x128xi32>
    %min3A_7 = arith.minsi %add3A, %min3A_6 : vector<16x128xi32>
    %scan3A = arith.constant 0 : i32
    %scan3A_8 = arith.constant 128 : i32
    %scan3A_9 = arith.addi %scan3A, %scan3A_8 : i32
    %scan3A_10 = arith.constant 1 : i32
    %scan3A_11:2 = scf.for %scan3A_15 = %scan3A to %scan3A_9 step %scan3A_10 iter_args(%scan3A_16 = %broadcast_in_dim3A_5, %scan3A_17 = %min3A_7) -> (vector<16x512xf32>, vector<16x128xi32>)  : i32 {
      %reduce_max3A = arith.constant dense<0xFF800000> : vector<16xf32>
      %reduce_max3A_18 = vector.multi_reduction <maximumf>, %scan3A_16, %reduce_max3A [1] : vector<16x512xf32> to vector<16xf32>
      %broadcast_in_dim3A_19 = vector.shape_cast %reduce_max3A_18 : vector<16xf32> to vector<16x1xf32>
      %eq3A = vector.broadcast %broadcast_in_dim3A_19 : vector<16x1xf32> to vector<16x512xf32>
      %eq3A_20 = arith.cmpf oeq, %scan3A_16, %eq3A : vector<16x512xf32>
      %jit3A = arith.constant 512 : i32
      %broadcast_in_dim3A_21 = vector.broadcast %jit3A : i32 to vector<16x512xi32>
      %select_n3A = arith.select %eq3A_20, %iota3A, %broadcast_in_dim3A_21 : vector<16x512xi1>, vector<16x512xi32>
      %reduce_min3A = arith.constant dense<2147483647> : vector<16xi32>
      %reduce_min3A_22 = vector.multi_reduction <minsi>, %select_n3A, %reduce_min3A [1] : vector<16x512xi32> to vector<16xi32>
      %broadcast_in_dim3A_23 = vector.shape_cast %reduce_min3A_22 : vector<16xi32> to vector<16x1xi32>
      %eq3A_24 = vector.broadcast %scan3A_15 : i32 to vector<16x128xi32>
      %eq3A_25 = arith.cmpi eq, %iota3A_3, %eq3A_24 : vector<16x128xi32>
      %broadcast_in_dim3A_26 = vector.shape_cast %broadcast_in_dim3A_23 : vector<16x1xi32> to vector<16x1xi32>
      %broadcast_in_dim3A_27 = vector.broadcast %broadcast_in_dim3A_26 : vector<16x1xi32> to vector<16x128xi32>
      %select_n3A_28 = arith.select %eq3A_25, %broadcast_in_dim3A_27, %scan3A_17 : vector<16x128xi1>, vector<16x128xi32>
      %broadcast_in_dim3A_29 = vector.shape_cast %broadcast_in_dim3A_23 : vector<16x1xi32> to vector<16x1xi32>
      %broadcast_in_dim3A_30 = vector.broadcast %broadcast_in_dim3A_29 : vector<16x1xi32> to vector<16x512xi32>
      %eq3A_31 = arith.cmpi eq, %broadcast_in_dim3A_30, %iota3A : vector<16x512xi32>
      %broadcast_in_dim3A_32 = vector.shape_cast %eq3A_31 : vector<16x512xi1> to vector<16x1x512xi1>
      %jit3A_33 = arith.constant 0.000000e+00 : f32
      %broadcast_in_dim3A_34 = vector.shape_cast %broadcast_in_dim3A_32 : vector<16x1x512xi1> to vector<16x1x512xi1>
      %broadcast_in_dim3A_35 = vector.broadcast %broadcast_in_dim3A_34 : vector<16x1x512xi1> to vector<16x3x512xi1>
      %broadcast_in_dim3A_36 = vector.broadcast %jit3A_33 : f32 to vector<16x3x512xf32>
      %select_n3A_37 = arith.select %broadcast_in_dim3A_35, %get3A_2, %broadcast_in_dim3A_36 : vector<16x3x512xi1>, vector<16x3x512xf32>
      %reduce_sum3A = arith.constant dense<0.000000e+00> : vector<16x3xf32>
      %reduce_sum3A_38 = vector.multi_reduction <add>, %select_n3A_37, %reduce_sum3A [2] : vector<16x3x512xf32> to vector<16x3xf32>
      %slice3A = vector.extract_strided_slice %get3A_2 {offsets = [0, 0, 0], sizes = [16, 1, 512], strides = [1, 1, 1]} : vector<16x3x512xf32> to vector<16x1x512xf32>
      %squeeze3A = vector.shape_cast %slice3A : vector<16x1x512xf32> to vector<16x512xf32>
      %slice3A_39 = vector.extract_strided_slice %reduce_sum3A_38 {offsets = [0, 0], sizes = [16, 1], strides = [1, 1]} : vector<16x3xf32> to vector<16x1xf32>
      %sub3A = vector.broadcast %slice3A_39 : vector<16x1xf32> to vector<16x512xf32>
      %sub3A_40 = arith.subf %squeeze3A, %sub3A : vector<16x512xf32>
      %slice3A_41 = vector.extract_strided_slice %get3A_2 {offsets = [0, 1, 0], sizes = [16, 1, 512], strides = [1, 1, 1]} : vector<16x3x512xf32> to vector<16x1x512xf32>
      %squeeze3A_42 = vector.shape_cast %slice3A_41 : vector<16x1x512xf32> to vector<16x512xf32>
      %slice3A_43 = vector.extract_strided_slice %reduce_sum3A_38 {offsets = [0, 1], sizes = [16, 1], strides = [1, 1]} : vector<16x3xf32> to vector<16x1xf32>
      %sub3A_44 = vector.broadcast %slice3A_43 : vector<16x1xf32> to vector<16x512xf32>
      %sub3A_45 = arith.subf %squeeze3A_42, %sub3A_44 : vector<16x512xf32>
      %slice3A_46 = vector.extract_strided_slice %get3A_2 {offsets = [0, 2, 0], sizes = [16, 1, 512], strides = [1, 1, 1]} : vector<16x3x512xf32> to vector<16x1x512xf32>
      %squeeze3A_47 = vector.shape_cast %slice3A_46 : vector<16x1x512xf32> to vector<16x512xf32>
      %slice3A_48 = vector.extract_strided_slice %reduce_sum3A_38 {offsets = [0, 2], sizes = [16, 1], strides = [1, 1]} : vector<16x3xf32> to vector<16x1xf32>
      %sub3A_49 = vector.broadcast %slice3A_48 : vector<16x1xf32> to vector<16x512xf32>
      %sub3A_50 = arith.subf %squeeze3A_47, %sub3A_49 : vector<16x512xf32>
      %mul3A = arith.mulf %sub3A_40, %sub3A_40 : vector<16x512xf32>
      %mul3A_51 = arith.mulf %sub3A_45, %sub3A_45 : vector<16x512xf32>
      %add3A_52 = arith.addf %mul3A, %mul3A_51 : vector<16x512xf32>
      %mul3A_53 = arith.mulf %sub3A_50, %sub3A_50 : vector<16x512xf32>
      %add3A_54 = arith.addf %add3A_52, %mul3A_53 : vector<16x512xf32>
      %min3A_55 = arith.minimumf %scan3A_16, %add3A_54 : vector<16x512xf32>
      scf.yield %min3A_55, %select_n3A_28 : vector<16x512xf32>, vector<16x128xi32>
    }
    %scan3A_12 = arith.constant 128 : i32
    %swap3A = arith.constant 0 : index
    %swap3A_13 = arith.constant 0 : index
    %swap3A_14 = vector.load %arg1[%swap3A, %swap3A_13] : memref<16x128xi32, #tpu.memory_space<vmem>>, vector<16x128xi32>
    tpu.vector_store %arg1[%swap3A, %swap3A_13], %scan3A_11#1 {strides = array<i32>} : memref<16x128xi32, #tpu.memory_space<vmem>>, vector<16x128xi32>,
    return
  }
}

module attributes {stable_mosaic.version = 14 : i64} {
  func.func @_l0_stats_body(%arg0: i32, %arg1: memref<1024x3xf32, #tpu.memory_space<vmem>>, %arg2: memref<1024x10xf32, #tpu.memory_space<vmem>>, %arg3: memref<3x128xf32, #tpu.memory_space<vmem>>, %arg4: memref<1x128xf32, #tpu.memory_space<vmem>>, %arg5: memref<10x128xf32, #tpu.memory_space<vmem>>, %arg6: memref<1x128xf32, #tpu.memory_space<vmem>>, %arg7: memref<8x128xf32, #tpu.memory_space<vmem>>, %arg8: memref<8x128xf32, #tpu.memory_space<vmem>>) attributes {dimension_semantics = [#tpu.dimension_semantics<arbitrary>], iteration_bounds = array<i64: 192>, scalar_prefetch = 0 : i64, scratch_operands = 0 : i64, tpu.core_type = #tpu.core_type<tc>, window_params = [{transform_indices = @transform_0, window_bounds = array<i64: 1024, 3>}, {transform_indices = @transform_1, window_bounds = array<i64: 1024, 10>}, {pipeline_mode = #tpu.pipeline_mode<synchronous>, transform_indices = @transform_2, window_bounds = array<i64: 3, 128>}, {pipeline_mode = #tpu.pipeline_mode<synchronous>, transform_indices = @transform_3, window_bounds = array<i64: 1, 128>}, {pipeline_mode = #tpu.pipeline_mode<synchronous>, transform_indices = @transform_4, window_bounds = array<i64: 10, 128>}, {pipeline_mode = #tpu.pipeline_mode<synchronous>, transform_indices = @transform_5, window_bounds = array<i64: 1, 128>}, {pipeline_mode = #tpu.pipeline_mode<synchronous>, transform_indices = @transform_6, window_bounds = array<i64: 8, 128>}, {pipeline_mode = #tpu.pipeline_mode<synchronous>, transform_indices = @transform_7, window_bounds = array<i64: 8, 128>}]} {
    %get3A = arith.constant 0 : index
    %get3A_0 = arith.constant 0 : index
    %get3A_1 = vector.load %arg1[%get3A, %get3A_0] : memref<1024x3xf32, #tpu.memory_space<vmem>>, vector<1024x3xf32>
    %get3A_2 = arith.constant 0 : index
    %get3A_3 = arith.constant 0 : index
    %get3A_4 = vector.load %arg3[%get3A_2, %get3A_3] : memref<3x128xf32, #tpu.memory_space<vmem>>, vector<3x128xf32>
    %dot_general3A = arith.constant dense<0.000000e+00> : vector<1024x128xf32>
    %dot_general3A_5 = tpu.matmul %get3A_1, %get3A_4, %dot_general3A {dimension_numbers = #tpu.dot_dimension_numbers<[1], [0], [0], [1], [0, 0, 1, 1], [], []>, transpose_lhs_hint = false} : vector<1024x3xf32>, vector<3x128xf32>, vector<1024x128xf32> -> vector<1024x128xf32>
    %get3A_6 = arith.constant 0 : index
    %get3A_7 = arith.constant 0 : index
    %get3A_8 = vector.load %arg4[%get3A_6, %get3A_7] : memref<1x128xf32, #tpu.memory_space<vmem>>, vector<1x128xf32>
    %add3A = vector.broadcast %get3A_8 : vector<1x128xf32> to vector<1024x128xf32>
    %add3A_9 = arith.addf %dot_general3A_5, %add3A : vector<1024x128xf32>
    %reduce_sum3A = arith.constant dense<0.000000e+00> : vector<128xf32>
    %reduce_sum3A_10 = vector.multi_reduction <add>, %add3A_9, %reduce_sum3A [0] : vector<1024x128xf32> to vector<128xf32>
    %broadcast_in_dim3A = vector.shape_cast %reduce_sum3A_10 : vector<128xf32> to vector<1x128xf32>
    %mul3A = arith.mulf %add3A_9, %add3A_9 : vector<1024x128xf32>
    %reduce_sum3A_11 = arith.constant dense<0.000000e+00> : vector<128xf32>
    %reduce_sum3A_12 = vector.multi_reduction <add>, %mul3A, %reduce_sum3A_11 [0] : vector<1024x128xf32> to vector<128xf32>
    %broadcast_in_dim3A_13 = vector.shape_cast %reduce_sum3A_12 : vector<128xf32> to vector<1x128xf32>
    %broadcast_in_dim3A_14 = arith.constant 0.000000e+00 : f32
    %broadcast_in_dim3A_15 = vector.broadcast %broadcast_in_dim3A_14 : f32 to vector<6x128xf32>
    %concatenate3A = tpu.concatenate %broadcast_in_dim3A, %broadcast_in_dim3A_13, %broadcast_in_dim3A_15 in 0 : vector<1x128xf32>, vector<1x128xf32>, vector<6x128xf32> -> vector<8x128xf32>
    %eq3A = arith.constant 0 : i32
    %eq3A_16 = arith.cmpi eq, %arg0, %eq3A : i32
    %convert_element_type3A = arith.extui %eq3A_16 : i1 to i32
    %cond3A = arith.constant 0 : i32
    %cond3A_17 = arith.cmpi ne, %convert_element_type3A, %cond3A : i32
    scf.if %cond3A_17 {
      %broadcast_in_dim3A_59 = arith.constant 0.000000e+00 : f32
      %broadcast_in_dim3A_60 = vector.broadcast %broadcast_in_dim3A_59 : f32 to vector<8x128xf32>
      %swap3A_61 = arith.constant 0 : index
      %swap3A_62 = arith.constant 0 : index
      %swap3A_63 = vector.load %arg7[%swap3A_61, %swap3A_62] : memref<8x128xf32, #tpu.memory_space<vmem>>, vector<8x128xf32>
      tpu.vector_store %arg7[%swap3A_61, %swap3A_62], %broadcast_in_dim3A_60 {strides = array<i32>} : memref<8x128xf32, #tpu.memory_space<vmem>>, vector<8x128xf32>,
    } else {
    }
    %get3A_18 = arith.constant 0 : index
    %get3A_19 = arith.constant 0 : index
    %get3A_20 = vector.load %arg7[%get3A_18, %get3A_19] : memref<8x128xf32, #tpu.memory_space<vmem>>, vector<8x128xf32>
    %add3A_21 = arith.addf %get3A_20, %concatenate3A : vector<8x128xf32>
    %swap3A = arith.constant 0 : index
    %swap3A_22 = arith.constant 0 : index
    %swap3A_23 = vector.load %arg7[%swap3A, %swap3A_22] : memref<8x128xf32, #tpu.memory_space<vmem>>, vector<8x128xf32>
    tpu.vector_store %arg7[%swap3A, %swap3A_22], %add3A_21 {strides = array<i32>} : memref<8x128xf32, #tpu.memory_space<vmem>>, vector<8x128xf32>,
    %get3A_24 = arith.constant 0 : index
    %get3A_25 = arith.constant 0 : index
    %get3A_26 = vector.load %arg2[%get3A_24, %get3A_25] : memref<1024x10xf32, #tpu.memory_space<vmem>>, vector<1024x10xf32>
    %get3A_27 = arith.constant 0 : index
    %get3A_28 = arith.constant 0 : index
    %get3A_29 = vector.load %arg5[%get3A_27, %get3A_28] : memref<10x128xf32, #tpu.memory_space<vmem>>, vector<10x128xf32>
    %dot_general3A_30 = arith.constant dense<0.000000e+00> : vector<1024x128xf32>
    %dot_general3A_31 = tpu.matmul %get3A_26, %get3A_29, %dot_general3A_30 {dimension_numbers = #tpu.dot_dimension_numbers<[1], [0], [0], [1], [0, 0, 1, 1], [], []>, transpose_lhs_hint = false} : vector<1024x10xf32>, vector<10x128xf32>, vector<1024x128xf32> -> vector<1024x128xf32>
    %get3A_32 = arith.constant 0 : index
    %get3A_33 = arith.constant 0 : index
    %get3A_34 = vector.load %arg6[%get3A_32, %get3A_33] : memref<1x128xf32, #tpu.memory_space<vmem>>, vector<1x128xf32>
    %add3A_35 = vector.broadcast %get3A_34 : vector<1x128xf32> to vector<1024x128xf32>
    %add3A_36 = arith.addf %dot_general3A_31, %add3A_35 : vector<1024x128xf32>
    %reduce_sum3A_37 = arith.constant dense<0.000000e+00> : vector<128xf32>
    %reduce_sum3A_38 = vector.multi_reduction <add>, %add3A_36, %reduce_sum3A_37 [0] : vector<1024x128xf32> to vector<128xf32>
    %broadcast_in_dim3A_39 = vector.shape_cast %reduce_sum3A_38 : vector<128xf32> to vector<1x128xf32>
    %mul3A_40 = arith.mulf %add3A_36, %add3A_36 : vector<1024x128xf32>
    %reduce_sum3A_41 = arith.constant dense<0.000000e+00> : vector<128xf32>
    %reduce_sum3A_42 = vector.multi_reduction <add>, %mul3A_40, %reduce_sum3A_41 [0] : vector<1024x128xf32> to vector<128xf32>
    %broadcast_in_dim3A_43 = vector.shape_cast %reduce_sum3A_42 : vector<128xf32> to vector<1x128xf32>
    %broadcast_in_dim3A_44 = arith.constant 0.000000e+00 : f32
    %broadcast_in_dim3A_45 = vector.broadcast %broadcast_in_dim3A_44 : f32 to vector<6x128xf32>
    %concatenate3A_46 = tpu.concatenate %broadcast_in_dim3A_39, %broadcast_in_dim3A_43, %broadcast_in_dim3A_45 in 0 : vector<1x128xf32>, vector<1x128xf32>, vector<6x128xf32> -> vector<8x128xf32>
    %eq3A_47 = arith.constant 0 : i32
    %eq3A_48 = arith.cmpi eq, %arg0, %eq3A_47 : i32
    %convert_element_type3A_49 = arith.extui %eq3A_48 : i1 to i32
    %cond3A_50 = arith.constant 0 : i32
    %cond3A_51 = arith.cmpi ne, %convert_element_type3A_49, %cond3A_50 : i32
    scf.if %cond3A_51 {
      %broadcast_in_dim3A_59 = arith.constant 0.000000e+00 : f32
      %broadcast_in_dim3A_60 = vector.broadcast %broadcast_in_dim3A_59 : f32 to vector<8x128xf32>
      %swap3A_61 = arith.constant 0 : index
      %swap3A_62 = arith.constant 0 : index
      %swap3A_63 = vector.load %arg8[%swap3A_61, %swap3A_62] : memref<8x128xf32, #tpu.memory_space<vmem>>, vector<8x128xf32>
      tpu.vector_store %arg8[%swap3A_61, %swap3A_62], %broadcast_in_dim3A_60 {strides = array<i32>} : memref<8x128xf32, #tpu.memory_space<vmem>>, vector<8x128xf32>,
    } else {
    }
    %get3A_52 = arith.constant 0 : index
    %get3A_53 = arith.constant 0 : index
    %get3A_54 = vector.load %arg8[%get3A_52, %get3A_53] : memref<8x128xf32, #tpu.memory_space<vmem>>, vector<8x128xf32>
    %add3A_55 = arith.addf %get3A_54, %concatenate3A_46 : vector<8x128xf32>
    %swap3A_56 = arith.constant 0 : index
    %swap3A_57 = arith.constant 0 : index
    %swap3A_58 = vector.load %arg8[%swap3A_56, %swap3A_57] : memref<8x128xf32, #tpu.memory_space<vmem>>, vector<8x128xf32>
    tpu.vector_store %arg8[%swap3A_56, %swap3A_57], %add3A_55 {strides = array<i32>} : memref<8x128xf32, #tpu.memory_space<vmem>>, vector<8x128xf32>,
    return
  }
  func.func @transform_0(%arg0: i32) -> (i32, i32) {
    %c0_i32 = arith.constant 0 : i32
    %c0_i32_0 = arith.constant 0 : i32
    return %arg0, %c0_i32 : i32, i32
  }
  func.func @transform_1(%arg0: i32) -> (i32, i32) {
    %c0_i32 = arith.constant 0 : i32
    %c0_i32_0 = arith.constant 0 : i32
    return %arg0, %c0_i32 : i32, i32
  }
  func.func @transform_2(%arg0: i32) -> (i32, i32) {
    %c0_i32 = arith.constant 0 : i32
    %c0_i32_0 = arith.constant 0 : i32
    %c0_i32_1 = arith.constant 0 : i32
    return %c0_i32, %c0_i32_0 : i32, i32
  }
  func.func @transform_3(%arg0: i32) -> (i32, i32) {
    %c0_i32 = arith.constant 0 : i32
    %c0_i32_0 = arith.constant 0 : i32
    %c0_i32_1 = arith.constant 0 : i32
    return %c0_i32, %c0_i32_0 : i32, i32
  }
  func.func @transform_4(%arg0: i32) -> (i32, i32) {
    %c0_i32 = arith.constant 0 : i32
    %c0_i32_0 = arith.constant 0 : i32
    %c0_i32_1 = arith.constant 0 : i32
    return %c0_i32, %c0_i32_0 : i32, i32
  }
  func.func @transform_5(%arg0: i32) -> (i32, i32) {
    %c0_i32 = arith.constant 0 : i32
    %c0_i32_0 = arith.constant 0 : i32
    %c0_i32_1 = arith.constant 0 : i32
    return %c0_i32, %c0_i32_0 : i32, i32
  }
  func.func @transform_6(%arg0: i32) -> (i32, i32) {
    %c0_i32 = arith.constant 0 : i32
    %c0_i32_0 = arith.constant 0 : i32
    %c0_i32_1 = arith.constant 0 : i32
    return %c0_i32, %c0_i32_0 : i32, i32
  }
  func.func @transform_7(%arg0: i32) -> (i32, i32) {
    %c0_i32 = arith.constant 0 : i32
    %c0_i32_0 = arith.constant 0 : i32
    %c0_i32_1 = arith.constant 0 : i32
    return %c0_i32, %c0_i32_0 : i32, i32
  }
}

module attributes {stable_mosaic.version = 14 : i64} {
  func.func @_l0_mm2_body(%arg0: i32, %arg1: memref<1024x3xf32, #tpu.memory_space<vmem>>, %arg2: memref<1024x10xf32, #tpu.memory_space<vmem>>, %arg3: memref<3x128xf32, #tpu.memory_space<vmem>>, %arg4: memref<1x128xf32, #tpu.memory_space<vmem>>, %arg5: memref<10x128xf32, #tpu.memory_space<vmem>>, %arg6: memref<1x128xf32, #tpu.memory_space<vmem>>, %arg7: memref<1x128xf32, #tpu.memory_space<vmem>>, %arg8: memref<1x128xf32, #tpu.memory_space<vmem>>, %arg9: memref<1x128xf32, #tpu.memory_space<vmem>>, %arg10: memref<1x128xf32, #tpu.memory_space<vmem>>, %arg11: memref<128x128xf32, #tpu.memory_space<vmem>>, %arg12: memref<1x128xf32, #tpu.memory_space<vmem>>, %arg13: memref<1024x128xf32, #tpu.memory_space<vmem>>, %arg14: memref<8x128xf32, #tpu.memory_space<vmem>>) attributes {dimension_semantics = [#tpu.dimension_semantics<arbitrary>], iteration_bounds = array<i64: 192>, scalar_prefetch = 0 : i64, scratch_operands = 0 : i64, tpu.core_type = #tpu.core_type<tc>, window_params = [{transform_indices = @transform_0, window_bounds = array<i64: 1024, 3>}, {transform_indices = @transform_1, window_bounds = array<i64: 1024, 10>}, {pipeline_mode = #tpu.pipeline_mode<synchronous>, transform_indices = @transform_2, window_bounds = array<i64: 3, 128>}, {pipeline_mode = #tpu.pipeline_mode<synchronous>, transform_indices = @transform_3, window_bounds = array<i64: 1, 128>}, {pipeline_mode = #tpu.pipeline_mode<synchronous>, transform_indices = @transform_4, window_bounds = array<i64: 10, 128>}, {pipeline_mode = #tpu.pipeline_mode<synchronous>, transform_indices = @transform_5, window_bounds = array<i64: 1, 128>}, {pipeline_mode = #tpu.pipeline_mode<synchronous>, transform_indices = @transform_6, window_bounds = array<i64: 1, 128>}, {pipeline_mode = #tpu.pipeline_mode<synchronous>, transform_indices = @transform_7, window_bounds = array<i64: 1, 128>}, {pipeline_mode = #tpu.pipeline_mode<synchronous>, transform_indices = @transform_8, window_bounds = array<i64: 1, 128>}, {pipeline_mode = #tpu.pipeline_mode<synchronous>, transform_indices = @transform_9, window_bounds = array<i64: 1, 128>}, {pipeline_mode = #tpu.pipeline_mode<synchronous>, transform_indices = @transform_10, window_bounds = array<i64: 128, 128>}, {pipeline_mode = #tpu.pipeline_mode<synchronous>, transform_indices = @transform_11, window_bounds = array<i64: 1, 128>}, {transform_indices = @transform_12, window_bounds = array<i64: 1024, 128>}, {pipeline_mode = #tpu.pipeline_mode<synchronous>, transform_indices = @transform_13, window_bounds = array<i64: 8, 128>}]} {
    %get3A = arith.constant 0 : index
    %get3A_0 = arith.constant 0 : index
    %get3A_1 = vector.load %arg1[%get3A, %get3A_0] : memref<1024x3xf32, #tpu.memory_space<vmem>>, vector<1024x3xf32>
    %get3A_2 = arith.constant 0 : index
    %get3A_3 = arith.constant 0 : index
    %get3A_4 = vector.load %arg3[%get3A_2, %get3A_3] : memref<3x128xf32, #tpu.memory_space<vmem>>, vector<3x128xf32>
    %dot_general3A = arith.constant dense<0.000000e+00> : vector<1024x128xf32>
    %dot_general3A_5 = tpu.matmul %get3A_1, %get3A_4, %dot_general3A {dimension_numbers = #tpu.dot_dimension_numbers<[1], [0], [0], [1], [0, 0, 1, 1], [], []>, transpose_lhs_hint = false} : vector<1024x3xf32>, vector<3x128xf32>, vector<1024x128xf32> -> vector<1024x128xf32>
    %get3A_6 = arith.constant 0 : index
    %get3A_7 = arith.constant 0 : index
    %get3A_8 = vector.load %arg4[%get3A_6, %get3A_7] : memref<1x128xf32, #tpu.memory_space<vmem>>, vector<1x128xf32>
    %add3A = vector.broadcast %get3A_8 : vector<1x128xf32> to vector<1024x128xf32>
    %add3A_9 = arith.addf %dot_general3A_5, %add3A : vector<1024x128xf32>
    %get3A_10 = arith.constant 0 : index
    %get3A_11 = arith.constant 0 : index
    %get3A_12 = vector.load %arg2[%get3A_10, %get3A_11] : memref<1024x10xf32, #tpu.memory_space<vmem>>, vector<1024x10xf32>
    %get3A_13 = arith.constant 0 : index
    %get3A_14 = arith.constant 0 : index
    %get3A_15 = vector.load %arg5[%get3A_13, %get3A_14] : memref<10x128xf32, #tpu.memory_space<vmem>>, vector<10x128xf32>
    %dot_general3A_16 = arith.constant dense<0.000000e+00> : vector<1024x128xf32>
    %dot_general3A_17 = tpu.matmul %get3A_12, %get3A_15, %dot_general3A_16 {dimension_numbers = #tpu.dot_dimension_numbers<[1], [0], [0], [1], [0, 0, 1, 1], [], []>, transpose_lhs_hint = false} : vector<1024x10xf32>, vector<10x128xf32>, vector<1024x128xf32> -> vector<1024x128xf32>
    %get3A_18 = arith.constant 0 : index
    %get3A_19 = arith.constant 0 : index
    %get3A_20 = vector.load %arg6[%get3A_18, %get3A_19] : memref<1x128xf32, #tpu.memory_space<vmem>>, vector<1x128xf32>
    %add3A_21 = vector.broadcast %get3A_20 : vector<1x128xf32> to vector<1024x128xf32>
    %add3A_22 = arith.addf %dot_general3A_17, %add3A_21 : vector<1024x128xf32>
    %get3A_23 = arith.constant 0 : index
    %get3A_24 = arith.constant 0 : index
    %get3A_25 = vector.load %arg7[%get3A_23, %get3A_24] : memref<1x128xf32, #tpu.memory_space<vmem>>, vector<1x128xf32>
    %mul3A = vector.broadcast %get3A_25 : vector<1x128xf32> to vector<1024x128xf32>
    %mul3A_26 = arith.mulf %add3A_9, %mul3A : vector<1024x128xf32>
    %get3A_27 = arith.constant 0 : index
    %get3A_28 = arith.constant 0 : index
    %get3A_29 = vector.load %arg8[%get3A_27, %get3A_28] : memref<1x128xf32, #tpu.memory_space<vmem>>, vector<1x128xf32>
    %add3A_30 = vector.broadcast %get3A_29 : vector<1x128xf32> to vector<1024x128xf32>
    %add3A_31 = arith.addf %mul3A_26, %add3A_30 : vector<1024x128xf32>
    %get3A_32 = arith.constant 0 : index
    %get3A_33 = arith.constant 0 : index
    %get3A_34 = vector.load %arg9[%get3A_32, %get3A_33] : memref<1x128xf32, #tpu.memory_space<vmem>>, vector<1x128xf32>
    %mul3A_35 = vector.broadcast %get3A_34 : vector<1x128xf32> to vector<1024x128xf32>
    %mul3A_36 = arith.mulf %add3A_22, %mul3A_35 : vector<1024x128xf32>
    %add3A_37 = arith.addf %add3A_31, %mul3A_36 : vector<1024x128xf32>
    %get3A_38 = arith.constant 0 : index
    %get3A_39 = arith.constant 0 : index
    %get3A_40 = vector.load %arg10[%get3A_38, %get3A_39] : memref<1x128xf32, #tpu.memory_space<vmem>>, vector<1x128xf32>
    %add3A_41 = vector.broadcast %get3A_40 : vector<1x128xf32> to vector<1024x128xf32>
    %add3A_42 = arith.addf %add3A_37, %add3A_41 : vector<1024x128xf32>
    %max3A = arith.constant 0.000000e+00 : f32
    %max3A_43 = vector.broadcast %max3A : f32 to vector<1024x128xf32>
    %max3A_44 = arith.maximumf %add3A_42, %max3A_43 : vector<1024x128xf32>
    %get3A_45 = arith.constant 0 : index
    %get3A_46 = arith.constant 0 : index
    %get3A_47 = vector.load %arg11[%get3A_45, %get3A_46] : memref<128x128xf32, #tpu.memory_space<vmem>>, vector<128x128xf32>
    %dot_general3A_48 = arith.constant dense<0.000000e+00> : vector<1024x128xf32>
    %dot_general3A_49 = tpu.matmul %max3A_44, %get3A_47, %dot_general3A_48 {dimension_numbers = #tpu.dot_dimension_numbers<[1], [0], [0], [1], [0, 0, 1, 1], [], []>, transpose_lhs_hint = false} : vector<1024x128xf32>, vector<128x128xf32>, vector<1024x128xf32> -> vector<1024x128xf32>
    %get3A_50 = arith.constant 0 : index
    %get3A_51 = arith.constant 0 : index
    %get3A_52 = vector.load %arg12[%get3A_50, %get3A_51] : memref<1x128xf32, #tpu.memory_space<vmem>>, vector<1x128xf32>
    %add3A_53 = vector.broadcast %get3A_52 : vector<1x128xf32> to vector<1024x128xf32>
    %add3A_54 = arith.addf %dot_general3A_49, %add3A_53 : vector<1024x128xf32>
    %swap3A = arith.constant 0 : index
    %swap3A_55 = arith.constant 0 : index
    %swap3A_56 = vector.load %arg13[%swap3A, %swap3A_55] : memref<1024x128xf32, #tpu.memory_space<vmem>>, vector<1024x128xf32>
    tpu.vector_store %arg13[%swap3A, %swap3A_55], %add3A_54 {strides = array<i32>} : memref<1024x128xf32, #tpu.memory_space<vmem>>, vector<1024x128xf32>,
    %reduce_sum3A = arith.constant dense<0.000000e+00> : vector<128xf32>
    %reduce_sum3A_57 = vector.multi_reduction <add>, %add3A_54, %reduce_sum3A [0] : vector<1024x128xf32> to vector<128xf32>
    %broadcast_in_dim3A = vector.shape_cast %reduce_sum3A_57 : vector<128xf32> to vector<1x128xf32>
    %mul3A_58 = arith.mulf %add3A_54, %add3A_54 : vector<1024x128xf32>
    %reduce_sum3A_59 = arith.constant dense<0.000000e+00> : vector<128xf32>
    %reduce_sum3A_60 = vector.multi_reduction <add>, %mul3A_58, %reduce_sum3A_59 [0] : vector<1024x128xf32> to vector<128xf32>
    %broadcast_in_dim3A_61 = vector.shape_cast %reduce_sum3A_60 : vector<128xf32> to vector<1x128xf32>
    %broadcast_in_dim3A_62 = arith.constant 0.000000e+00 : f32
    %broadcast_in_dim3A_63 = vector.broadcast %broadcast_in_dim3A_62 : f32 to vector<6x128xf32>
    %concatenate3A = tpu.concatenate %broadcast_in_dim3A, %broadcast_in_dim3A_61, %broadcast_in_dim3A_63 in 0 : vector<1x128xf32>, vector<1x128xf32>, vector<6x128xf32> -> vector<8x128xf32>
    %eq3A = arith.constant 0 : i32
    %eq3A_64 = arith.cmpi eq, %arg0, %eq3A : i32
    %convert_element_type3A = arith.extui %eq3A_64 : i1 to i32
    %cond3A = arith.constant 0 : i32
    %cond3A_65 = arith.cmpi ne, %convert_element_type3A, %cond3A : i32
    scf.if %cond3A_65 {
      %broadcast_in_dim3A_73 = arith.constant 0.000000e+00 : f32
      %broadcast_in_dim3A_74 = vector.broadcast %broadcast_in_dim3A_73 : f32 to vector<8x128xf32>
      %swap3A_75 = arith.constant 0 : index
      %swap3A_76 = arith.constant 0 : index
      %swap3A_77 = vector.load %arg14[%swap3A_75, %swap3A_76] : memref<8x128xf32, #tpu.memory_space<vmem>>, vector<8x128xf32>
      tpu.vector_store %arg14[%swap3A_75, %swap3A_76], %broadcast_in_dim3A_74 {strides = array<i32>} : memref<8x128xf32, #tpu.memory_space<vmem>>, vector<8x128xf32>,
    } else {
    }
    %get3A_66 = arith.constant 0 : index
    %get3A_67 = arith.constant 0 : index
    %get3A_68 = vector.load %arg14[%get3A_66, %get3A_67] : memref<8x128xf32, #tpu.memory_space<vmem>>, vector<8x128xf32>
    %add3A_69 = arith.addf %get3A_68, %concatenate3A : vector<8x128xf32>
    %swap3A_70 = arith.constant 0 : index
    %swap3A_71 = arith.constant 0 : index
    %swap3A_72 = vector.load %arg14[%swap3A_70, %swap3A_71] : memref<8x128xf32, #tpu.memory_space<vmem>>, vector<8x128xf32>
    tpu.vector_store %arg14[%swap3A_70, %swap3A_71], %add3A_69 {strides = array<i32>} : memref<8x128xf32, #tpu.memory_space<vmem>>, vector<8x128xf32>,
    return
  }
  func.func @transform_0(%arg0: i32) -> (i32, i32) {
    %c0_i32 = arith.constant 0 : i32
    %c0_i32_0 = arith.constant 0 : i32
    return %arg0, %c0_i32 : i32, i32
  }
  func.func @transform_1(%arg0: i32) -> (i32, i32) {
    %c0_i32 = arith.constant 0 : i32
    %c0_i32_0 = arith.constant 0 : i32
    return %arg0, %c0_i32 : i32, i32
  }
  func.func @transform_2(%arg0: i32) -> (i32, i32) {
    %c0_i32 = arith.constant 0 : i32
    %c0_i32_0 = arith.constant 0 : i32
    %c0_i32_1 = arith.constant 0 : i32
    return %c0_i32, %c0_i32_0 : i32, i32
  }
  func.func @transform_3(%arg0: i32) -> (i32, i32) {
    %c0_i32 = arith.constant 0 : i32
    %c0_i32_0 = arith.constant 0 : i32
    %c0_i32_1 = arith.constant 0 : i32
    return %c0_i32, %c0_i32_0 : i32, i32
  }
  func.func @transform_4(%arg0: i32) -> (i32, i32) {
    %c0_i32 = arith.constant 0 : i32
    %c0_i32_0 = arith.constant 0 : i32
    %c0_i32_1 = arith.constant 0 : i32
    return %c0_i32, %c0_i32_0 : i32, i32
  }
  func.func @transform_5(%arg0: i32) -> (i32, i32) {
    %c0_i32 = arith.constant 0 : i32
    %c0_i32_0 = arith.constant 0 : i32
    %c0_i32_1 = arith.constant 0 : i32
    return %c0_i32, %c0_i32_0 : i32, i32
  }
  func.func @transform_6(%arg0: i32) -> (i32, i32) {
    %c0_i32 = arith.constant 0 : i32
    %c0_i32_0 = arith.constant 0 : i32
    %c0_i32_1 = arith.constant 0 : i32
    return %c0_i32, %c0_i32_0 : i32, i32
  }
  func.func @transform_7(%arg0: i32) -> (i32, i32) {
    %c0_i32 = arith.constant 0 : i32
    %c0_i32_0 = arith.constant 0 : i32
    %c0_i32_1 = arith.constant 0 : i32
    return %c0_i32, %c0_i32_0 : i32, i32
  }
  func.func @transform_8(%arg0: i32) -> (i32, i32) {
    %c0_i32 = arith.constant 0 : i32
    %c0_i32_0 = arith.constant 0 : i32
    %c0_i32_1 = arith.constant 0 : i32
    return %c0_i32, %c0_i32_0 : i32, i32
  }
  func.func @transform_9(%arg0: i32) -> (i32, i32) {
    %c0_i32 = arith.constant 0 : i32
    %c0_i32_0 = arith.constant 0 : i32
    %c0_i32_1 = arith.constant 0 : i32
    return %c0_i32, %c0_i32_0 : i32, i32
  }
  func.func @transform_10(%arg0: i32) -> (i32, i32) {
    %c0_i32 = arith.constant 0 : i32
    %c0_i32_0 = arith.constant 0 : i32
    %c0_i32_1 = arith.constant 0 : i32
    return %c0_i32, %c0_i32_0 : i32, i32
  }
  func.func @transform_11(%arg0: i32) -> (i32, i32) {
    %c0_i32 = arith.constant 0 : i32
    %c0_i32_0 = arith.constant 0 : i32
    %c0_i32_1 = arith.constant 0 : i32
    return %c0_i32, %c0_i32_0 : i32, i32
  }
  func.func @transform_12(%arg0: i32) -> (i32, i32) {
    %c0_i32 = arith.constant 0 : i32
    %c0_i32_0 = arith.constant 0 : i32
    return %arg0, %c0_i32 : i32, i32
  }
  func.func @transform_13(%arg0: i32) -> (i32, i32) {
    %c0_i32 = arith.constant 0 : i32
    %c0_i32_0 = arith.constant 0 : i32
    %c0_i32_1 = arith.constant 0 : i32
    return %c0_i32, %c0_i32_0 : i32, i32
  }
}

module attributes {stable_mosaic.version = 14 : i64} {
  func.func @_lambda_(%arg0: i32, %arg1: memref<768x128xf32, #tpu.memory_space<vmem>>, %arg2: memref<1x128xf32, #tpu.memory_space<vmem>>, %arg3: memref<1x128xf32, #tpu.memory_space<vmem>>, %arg4: memref<128x256xf32, #tpu.memory_space<vmem>>, %arg5: memref<1x256xf32, #tpu.memory_space<vmem>>, %arg6: memref<32x256xf32, #tpu.memory_space<vmem>>, %arg7: memref<8x256xf32, #tpu.memory_space<vmem>>) attributes {dimension_semantics = [#tpu.dimension_semantics<arbitrary>], iteration_bounds = array<i64: 256>, scalar_prefetch = 0 : i64, scratch_operands = 0 : i64, tpu.core_type = #tpu.core_type<tc>, window_params = [{transform_indices = @transform_0, window_bounds = array<i64: 768, 128>}, {pipeline_mode = #tpu.pipeline_mode<synchronous>, transform_indices = @transform_1, window_bounds = array<i64: 1, 128>}, {pipeline_mode = #tpu.pipeline_mode<synchronous>, transform_indices = @transform_2, window_bounds = array<i64: 1, 128>}, {pipeline_mode = #tpu.pipeline_mode<synchronous>, transform_indices = @transform_3, window_bounds = array<i64: 128, 256>}, {pipeline_mode = #tpu.pipeline_mode<synchronous>, transform_indices = @transform_4, window_bounds = array<i64: 1, 256>}, {transform_indices = @transform_5, window_bounds = array<i64: 32, 256>}, {pipeline_mode = #tpu.pipeline_mode<synchronous>, transform_indices = @transform_6, window_bounds = array<i64: 8, 256>}]} {
    %get3A = arith.constant 0 : index
    %get3A_0 = arith.constant 0 : index
    %get3A_1 = vector.load %arg1[%get3A, %get3A_0] : memref<768x128xf32, #tpu.memory_space<vmem>>, vector<768x128xf32>
    %get3A_2 = arith.constant 0 : index
    %get3A_3 = arith.constant 0 : index
    %get3A_4 = vector.load %arg2[%get3A_2, %get3A_3] : memref<1x128xf32, #tpu.memory_space<vmem>>, vector<1x128xf32>
    %mul3A = vector.broadcast %get3A_4 : vector<1x128xf32> to vector<768x128xf32>
    %mul3A_5 = arith.mulf %get3A_1, %mul3A : vector<768x128xf32>
    %get3A_6 = arith.constant 0 : index
    %get3A_7 = arith.constant 0 : index
    %get3A_8 = vector.load %arg3[%get3A_6, %get3A_7] : memref<1x128xf32, #tpu.memory_space<vmem>>, vector<1x128xf32>
    %add3A = vector.broadcast %get3A_8 : vector<1x128xf32> to vector<768x128xf32>
    %add3A_9 = arith.addf %mul3A_5, %add3A : vector<768x128xf32>
    %max3A = arith.constant 0.000000e+00 : f32
    %max3A_10 = vector.broadcast %max3A : f32 to vector<768x128xf32>
    %max3A_11 = arith.maximumf %add3A_9, %max3A_10 : vector<768x128xf32>
    %get3A_12 = arith.constant 0 : index
    %get3A_13 = arith.constant 0 : index
    %get3A_14 = vector.load %arg4[%get3A_12, %get3A_13] : memref<128x256xf32, #tpu.memory_space<vmem>>, vector<128x256xf32>
    %dot_general3A = arith.constant dense<0.000000e+00> : vector<768x256xf32>
    %dot_general3A_15 = tpu.matmul %max3A_11, %get3A_14, %dot_general3A {dimension_numbers = #tpu.dot_dimension_numbers<[1], [0], [0], [1], [0, 0, 1, 1], [], []>, transpose_lhs_hint = false} : vector<768x128xf32>, vector<128x256xf32>, vector<768x256xf32> -> vector<768x256xf32>
    %get3A_16 = arith.constant 0 : index
    %get3A_17 = arith.constant 0 : index
    %get3A_18 = vector.load %arg5[%get3A_16, %get3A_17] : memref<1x256xf32, #tpu.memory_space<vmem>>, vector<1x256xf32>
    %add3A_19 = vector.broadcast %get3A_18 : vector<1x256xf32> to vector<768x256xf32>
    %add3A_20 = arith.addf %dot_general3A_15, %add3A_19 : vector<768x256xf32>
    %reduce_sum3A = arith.constant dense<0.000000e+00> : vector<256xf32>
    %reduce_sum3A_21 = vector.multi_reduction <add>, %add3A_20, %reduce_sum3A [0] : vector<768x256xf32> to vector<256xf32>
    %broadcast_in_dim3A = vector.shape_cast %reduce_sum3A_21 : vector<256xf32> to vector<1x256xf32>
    %mul3A_22 = arith.mulf %add3A_20, %add3A_20 : vector<768x256xf32>
    %reduce_sum3A_23 = arith.constant dense<0.000000e+00> : vector<256xf32>
    %reduce_sum3A_24 = vector.multi_reduction <add>, %mul3A_22, %reduce_sum3A_23 [0] : vector<768x256xf32> to vector<256xf32>
    %broadcast_in_dim3A_25 = vector.shape_cast %reduce_sum3A_24 : vector<256xf32> to vector<1x256xf32>
    %broadcast_in_dim3A_26 = arith.constant 0.000000e+00 : f32
    %broadcast_in_dim3A_27 = vector.broadcast %broadcast_in_dim3A_26 : f32 to vector<6x256xf32>
    %concatenate3A = tpu.concatenate %broadcast_in_dim3A, %broadcast_in_dim3A_25, %broadcast_in_dim3A_27 in 0 : vector<1x256xf32>, vector<1x256xf32>, vector<6x256xf32> -> vector<8x256xf32>
    %eq3A = arith.constant 0 : i32
    %eq3A_28 = arith.cmpi eq, %arg0, %eq3A : i32
    %convert_element_type3A = arith.extui %eq3A_28 : i1 to i32
    %cond3A = arith.constant 0 : i32
    %cond3A_29 = arith.cmpi ne, %convert_element_type3A, %cond3A : i32
    scf.if %cond3A_29 {
      %broadcast_in_dim3A_40 = arith.constant 0.000000e+00 : f32
      %broadcast_in_dim3A_41 = vector.broadcast %broadcast_in_dim3A_40 : f32 to vector<8x256xf32>
      %swap3A_42 = arith.constant 0 : index
      %swap3A_43 = arith.constant 0 : index
      %swap3A_44 = vector.load %arg7[%swap3A_42, %swap3A_43] : memref<8x256xf32, #tpu.memory_space<vmem>>, vector<8x256xf32>
      tpu.vector_store %arg7[%swap3A_42, %swap3A_43], %broadcast_in_dim3A_41 {strides = array<i32>} : memref<8x256xf32, #tpu.memory_space<vmem>>, vector<8x256xf32>,
    } else {
    }
    %get3A_30 = arith.constant 0 : index
    %get3A_31 = arith.constant 0 : index
    %get3A_32 = vector.load %arg7[%get3A_30, %get3A_31] : memref<8x256xf32, #tpu.memory_space<vmem>>, vector<8x256xf32>
    %add3A_33 = arith.addf %get3A_32, %concatenate3A : vector<8x256xf32>
    %swap3A = arith.constant 0 : index
    %swap3A_34 = arith.constant 0 : index
    %swap3A_35 = vector.load %arg7[%swap3A, %swap3A_34] : memref<8x256xf32, #tpu.memory_space<vmem>>, vector<8x256xf32>
    tpu.vector_store %arg7[%swap3A, %swap3A_34], %add3A_33 {strides = array<i32>} : memref<8x256xf32, #tpu.memory_space<vmem>>, vector<8x256xf32>,
    %reshape3A = vector.shape_cast %add3A_20 : vector<768x256xf32> to vector<32x24x256xf32>
    %reduce_max3A = arith.constant dense<0xFF800000> : vector<32x256xf32>
    %reduce_max3A_36 = vector.multi_reduction <maximumf>, %reshape3A, %reduce_max3A [1] : vector<32x24x256xf32> to vector<32x256xf32>
    %swap3A_37 = arith.constant 0 : index
    %swap3A_38 = arith.constant 0 : index
    %swap3A_39 = vector.load %arg6[%swap3A_37, %swap3A_38] : memref<32x256xf32, #tpu.memory_space<vmem>>, vector<32x256xf32>
    tpu.vector_store %arg6[%swap3A_37, %swap3A_38], %reduce_max3A_36 {strides = array<i32>} : memref<32x256xf32, #tpu.memory_space<vmem>>, vector<32x256xf32>,
    return
  }
  func.func @transform_0(%arg0: i32) -> (i32, i32) {
    %c0_i32 = arith.constant 0 : i32
    %c0_i32_0 = arith.constant 0 : i32
    return %arg0, %c0_i32 : i32, i32
  }
  func.func @transform_1(%arg0: i32) -> (i32, i32) {
    %c0_i32 = arith.constant 0 : i32
    %c0_i32_0 = arith.constant 0 : i32
    %c0_i32_1 = arith.constant 0 : i32
    return %c0_i32, %c0_i32_0 : i32, i32
  }
  func.func @transform_2(%arg0: i32) -> (i32, i32) {
    %c0_i32 = arith.constant 0 : i32
    %c0_i32_0 = arith.constant 0 : i32
    %c0_i32_1 = arith.constant 0 : i32
    return %c0_i32, %c0_i32_0 : i32, i32
  }
  func.func @transform_3(%arg0: i32) -> (i32, i32) {
    %c0_i32 = arith.constant 0 : i32
    %c0_i32_0 = arith.constant 0 : i32
    %c0_i32_1 = arith.constant 0 : i32
    return %c0_i32, %c0_i32_0 : i32, i32
  }
  func.func @transform_4(%arg0: i32) -> (i32, i32) {
    %c0_i32 = arith.constant 0 : i32
    %c0_i32_0 = arith.constant 0 : i32
    %c0_i32_1 = arith.constant 0 : i32
    return %c0_i32, %c0_i32_0 : i32, i32
  }
  func.func @transform_5(%arg0: i32) -> (i32, i32) {
    %c0_i32 = arith.constant 0 : i32
    %c0_i32_0 = arith.constant 0 : i32
    return %arg0, %c0_i32 : i32, i32
  }
  func.func @transform_6(%arg0: i32) -> (i32, i32) {
    %c0_i32 = arith.constant 0 : i32
    %c0_i32_0 = arith.constant 0 : i32
    %c0_i32_1 = arith.constant 0 : i32
    return %c0_i32, %c0_i32_0 : i32, i32
  }
}

module attributes {stable_mosaic.version = 14 : i64} {
  func.func @_affine_relu_body(%arg0: i32, %arg1: memref<1024x256xf32, #tpu.memory_space<vmem>>, %arg2: memref<1x256xf32, #tpu.memory_space<vmem>>, %arg3: memref<1x256xf32, #tpu.memory_space<vmem>>, %arg4: memref<1024x256xf32, #tpu.memory_space<vmem>>) attributes {dimension_semantics = [#tpu.dimension_semantics<arbitrary>], iteration_bounds = array<i64: 8>, scalar_prefetch = 0 : i64, scratch_operands = 0 : i64, tpu.core_type = #tpu.core_type<tc>, window_params = [{transform_indices = @transform_0, window_bounds = array<i64: 1024, 256>}, {pipeline_mode = #tpu.pipeline_mode<synchronous>, transform_indices = @transform_1, window_bounds = array<i64: 1, 256>}, {pipeline_mode = #tpu.pipeline_mode<synchronous>, transform_indices = @transform_2, window_bounds = array<i64: 1, 256>}, {transform_indices = @transform_3, window_bounds = array<i64: 1024, 256>}]} {
    %get3A = arith.constant 0 : index
    %get3A_0 = arith.constant 0 : index
    %get3A_1 = vector.load %arg1[%get3A, %get3A_0] : memref<1024x256xf32, #tpu.memory_space<vmem>>, vector<1024x256xf32>
    %get3A_2 = arith.constant 0 : index
    %get3A_3 = arith.constant 0 : index
    %get3A_4 = vector.load %arg2[%get3A_2, %get3A_3] : memref<1x256xf32, #tpu.memory_space<vmem>>, vector<1x256xf32>
    %mul3A = vector.broadcast %get3A_4 : vector<1x256xf32> to vector<1024x256xf32>
    %mul3A_5 = arith.mulf %get3A_1, %mul3A : vector<1024x256xf32>
    %get3A_6 = arith.constant 0 : index
    %get3A_7 = arith.constant 0 : index
    %get3A_8 = vector.load %arg3[%get3A_6, %get3A_7] : memref<1x256xf32, #tpu.memory_space<vmem>>, vector<1x256xf32>
    %add3A = vector.broadcast %get3A_8 : vector<1x256xf32> to vector<1024x256xf32>
    %add3A_9 = arith.addf %mul3A_5, %add3A : vector<1024x256xf32>
    %max3A = arith.constant 0.000000e+00 : f32
    %max3A_10 = vector.broadcast %max3A : f32 to vector<1024x256xf32>
    %max3A_11 = arith.maximumf %add3A_9, %max3A_10 : vector<1024x256xf32>
    %swap3A = arith.constant 0 : index
    %swap3A_12 = arith.constant 0 : index
    %swap3A_13 = vector.load %arg4[%swap3A, %swap3A_12] : memref<1024x256xf32, #tpu.memory_space<vmem>>, vector<1024x256xf32>
    tpu.vector_store %arg4[%swap3A, %swap3A_12], %max3A_11 {strides = array<i32>} : memref<1024x256xf32, #tpu.memory_space<vmem>>, vector<1024x256xf32>,
    return
  }
  func.func @transform_0(%arg0: i32) -> (i32, i32) {
    %c0_i32 = arith.constant 0 : i32
    %c0_i32_0 = arith.constant 0 : i32
    return %arg0, %c0_i32 : i32, i32
  }
  func.func @transform_1(%arg0: i32) -> (i32, i32) {
    %c0_i32 = arith.constant 0 : i32
    %c0_i32_0 = arith.constant 0 : i32
    %c0_i32_1 = arith.constant 0 : i32
    return %c0_i32, %c0_i32_0 : i32, i32
  }
  func.func @transform_2(%arg0: i32) -> (i32, i32) {
    %c0_i32 = arith.constant 0 : i32
    %c0_i32_0 = arith.constant 0 : i32
    %c0_i32_1 = arith.constant 0 : i32
    return %c0_i32, %c0_i32_0 : i32, i32
  }
  func.func @transform_3(%arg0: i32) -> (i32, i32) {
    %c0_i32 = arith.constant 0 : i32
    %c0_i32_0 = arith.constant 0 : i32
    return %arg0, %c0_i32 : i32, i32
  }
}

module attributes {stable_mosaic.version = 14 : i64} {
  func.func @_lambda_(%arg0: i32, %arg1: i32, %arg2: memref<1x128x3xf32, #tpu.memory_space<vmem>>, %arg3: memref<1x3x512xf32, #tpu.memory_space<vmem>>, %arg4: memref<1x128x24xi32, #tpu.memory_space<vmem>>) attributes {dimension_semantics = [#tpu.dimension_semantics<arbitrary>, #tpu.dimension_semantics<arbitrary>], iteration_bounds = array<i64: 16, 1>, scalar_prefetch = 0 : i64, scratch_operands = 0 : i64, tpu.core_type = #tpu.core_type<tc>, window_params = [{transform_indices = @transform_0, window_bounds = array<i64: 1, 128, 3>}, {transform_indices = @transform_1, window_bounds = array<i64: 1, 3, 512>}, {transform_indices = @transform_2, window_bounds = array<i64: 1, 128, 24>}]} {
    %get3A = arith.constant 0 : index
    %get3A_0 = arith.constant 0 : index
    %get3A_1 = arith.constant 0 : index
    %get3A_2 = vector.load %arg2[%get3A, %get3A_0, %get3A_1] : memref<1x128x3xf32, #tpu.memory_space<vmem>>, vector<1x128x3xf32>
    %get3A_3 = vector.shape_cast %get3A_2 : vector<1x128x3xf32> to vector<128x3xf32>
    %slice3A = vector.extract_strided_slice %get3A_3 {offsets = [0, 0], sizes = [128, 1], strides = [1, 1]} : vector<128x3xf32> to vector<128x1xf32>
    %get3A_4 = arith.constant 0 : index
    %get3A_5 = arith.constant 0 : index
    %get3A_6 = arith.constant 0 : index
    %get3A_7 = vector.load %arg3[%get3A_4, %get3A_5, %get3A_6] : memref<1x3x512xf32, #tpu.memory_space<vmem>>, vector<1x1x512xf32>
    %get3A_8 = vector.shape_cast %get3A_7 : vector<1x1x512xf32> to vector<1x512xf32>
    %sub3A = vector.broadcast %slice3A : vector<128x1xf32> to vector<128x512xf32>
    %sub3A_9 = vector.broadcast %get3A_8 : vector<1x512xf32> to vector<128x512xf32>
    %sub3A_10 = arith.subf %sub3A, %sub3A_9 : vector<128x512xf32>
    %slice3A_11 = vector.extract_strided_slice %get3A_3 {offsets = [0, 1], sizes = [128, 1], strides = [1, 1]} : vector<128x3xf32> to vector<128x1xf32>
    %get3A_12 = arith.constant 0 : index
    %get3A_13 = arith.constant 1 : index
    %get3A_14 = arith.constant 0 : index
    %get3A_15 = vector.load %arg3[%get3A_12, %get3A_13, %get3A_14] : memref<1x3x512xf32, #tpu.memory_space<vmem>>, vector<1x1x512xf32>
    %get3A_16 = vector.shape_cast %get3A_15 : vector<1x1x512xf32> to vector<1x512xf32>
    %sub3A_17 = vector.broadcast %slice3A_11 : vector<128x1xf32> to vector<128x512xf32>
    %sub3A_18 = vector.broadcast %get3A_16 : vector<1x512xf32> to vector<128x512xf32>
    %sub3A_19 = arith.subf %sub3A_17, %sub3A_18 : vector<128x512xf32>
    %slice3A_20 = vector.extract_strided_slice %get3A_3 {offsets = [0, 2], sizes = [128, 1], strides = [1, 1]} : vector<128x3xf32> to vector<128x1xf32>
    %get3A_21 = arith.constant 0 : index
    %get3A_22 = arith.constant 2 : index
    %get3A_23 = arith.constant 0 : index
    %get3A_24 = vector.load %arg3[%get3A_21, %get3A_22, %get3A_23] : memref<1x3x512xf32, #tpu.memory_space<vmem>>, vector<1x1x512xf32>
    %get3A_25 = vector.shape_cast %get3A_24 : vector<1x1x512xf32> to vector<1x512xf32>
    %sub3A_26 = vector.broadcast %slice3A_20 : vector<128x1xf32> to vector<128x512xf32>
    %sub3A_27 = vector.broadcast %get3A_25 : vector<1x512xf32> to vector<128x512xf32>
    %sub3A_28 = arith.subf %sub3A_26, %sub3A_27 : vector<128x512xf32>
    %mul3A = arith.mulf %sub3A_10, %sub3A_10 : vector<128x512xf32>
    %mul3A_29 = arith.mulf %sub3A_19, %sub3A_19 : vector<128x512xf32>
    %add3A = arith.addf %mul3A, %mul3A_29 : vector<128x512xf32>
    %mul3A_30 = arith.mulf %sub3A_28, %sub3A_28 : vector<128x512xf32>
    %add3A_31 = arith.addf %add3A, %mul3A_30 : vector<128x512xf32>
    %iota3A = tpu.iota {dimensions = array<i32: 1>} : vector<128x512xi32>
    %iota3A_32 = tpu.iota {dimensions = array<i32: 1>} : vector<128x24xi32>
    %gt3A = arith.constant 4.000000e-02 : f32
    %gt3A_33 = vector.broadcast %gt3A : f32 to vector<128x512xf32>
    %gt3A_34 = arith.cmpf ogt, %add3A_31, %gt3A_33 : vector<128x512xf32>
    %jit3A = arith.constant 512 : i32
    %broadcast_in_dim3A = vector.broadcast %jit3A : i32 to vector<128x512xi32>
    %select_n3A = arith.select %gt3A_34, %broadcast_in_dim3A, %iota3A : vector<128x512xi1>, vector<128x512xi32>
    %iota3A_35 = tpu.iota {dimensions = array<i32: 0>} : vector<128x24xi32>
    %iota3A_36 = tpu.iota {dimensions = array<i32: 1>} : vector<128x24xi32>
    %add3A_37 = arith.addi %iota3A_35, %iota3A_36 : vector<128x24xi32>
    %min3A = arith.constant 0 : i32
    %min3A_38 = vector.broadcast %min3A : i32 to vector<128x24xi32>
    %min3A_39 = arith.minsi %add3A_37, %min3A_38 : vector<128x24xi32>
    %scan3A = arith.constant 0 : i32
    %scan3A_40 = arith.constant 24 : i32
    %scan3A_41 = arith.addi %scan3A, %scan3A_40 : i32
    %scan3A_42 = arith.constant 1 : i32
    %scan3A_43:2 = scf.for %scan3A_56 = %scan3A to %scan3A_41 step %scan3A_42 iter_args(%scan3A_57 = %select_n3A, %scan3A_58 = %min3A_39) -> (vector<128x512xi32>, vector<128x24xi32>)  : i32 {
      %reduce_min3A = arith.constant dense<2147483647> : vector<128xi32>
      %reduce_min3A_59 = vector.multi_reduction <minsi>, %scan3A_57, %reduce_min3A [1] : vector<128x512xi32> to vector<128xi32>
      %broadcast_in_dim3A_60 = vector.shape_cast %reduce_min3A_59 : vector<128xi32> to vector<128x1xi32>
      %eq3A_61 = vector.broadcast %scan3A_56 : i32 to vector<128x24xi32>
      %eq3A_62 = arith.cmpi eq, %iota3A_32, %eq3A_61 : vector<128x24xi32>
      %broadcast_in_dim3A_63 = vector.shape_cast %broadcast_in_dim3A_60 : vector<128x1xi32> to vector<128x1xi32>
      %broadcast_in_dim3A_64 = vector.broadcast %broadcast_in_dim3A_63 : vector<128x1xi32> to vector<128x24xi32>
      %select_n3A_65 = arith.select %eq3A_62, %broadcast_in_dim3A_64, %scan3A_58 : vector<128x24xi1>, vector<128x24xi32>
      %broadcast_in_dim3A_66 = vector.shape_cast %broadcast_in_dim3A_60 : vector<128x1xi32> to vector<128x1xi32>
      %broadcast_in_dim3A_67 = vector.broadcast %broadcast_in_dim3A_66 : vector<128x1xi32> to vector<128x512xi32>
      %eq3A_68 = arith.cmpi eq, %broadcast_in_dim3A_67, %iota3A : vector<128x512xi32>
      %jit3A_69 = arith.constant 512 : i32
      %broadcast_in_dim3A_70 = vector.broadcast %jit3A_69 : i32 to vector<128x512xi32>
      %select_n3A_71 = arith.select %eq3A_68, %broadcast_in_dim3A_70, %scan3A_57 : vector<128x512xi1>, vector<128x512xi32>
      scf.yield %select_n3A_71, %select_n3A_65 : vector<128x512xi32>, vector<128x24xi32>
    }
    %scan3A_44 = arith.constant 24 : i32
    %slice3A_45 = vector.extract_strided_slice %scan3A_43#1 {offsets = [0, 0], sizes = [128, 1], strides = [1, 1]} : vector<128x24xi32> to vector<128x1xi32>
    %broadcast_in_dim3A_46 = vector.shape_cast %slice3A_45 : vector<128x1xi32> to vector<128x1xi32>
    %broadcast_in_dim3A_47 = vector.broadcast %broadcast_in_dim3A_46 : vector<128x1xi32> to vector<128x24xi32>
    %eq3A = arith.constant 512 : i32
    %eq3A_48 = vector.broadcast %eq3A : i32 to vector<128x24xi32>
    %eq3A_49 = arith.cmpi eq, %scan3A_43#1, %eq3A_48 : vector<128x24xi32>
    %select_n3A_50 = arith.select %eq3A_49, %broadcast_in_dim3A_47, %scan3A_43#1 : vector<128x24xi1>, vector<128x24xi32>
    %swap3A = arith.constant 0 : index
    %swap3A_51 = arith.constant 0 : index
    %swap3A_52 = arith.constant 0 : index
    %swap3A_53 = vector.load %arg4[%swap3A, %swap3A_51, %swap3A_52] : memref<1x128x24xi32, #tpu.memory_space<vmem>>, vector<1x128x24xi32>
    %swap3A_54 = vector.shape_cast %swap3A_53 : vector<1x128x24xi32> to vector<128x24xi32>
    %swap3A_55 = vector.shape_cast %select_n3A_50 : vector<128x24xi32> to vector<1x128x24xi32>
    tpu.vector_store %arg4[%swap3A, %swap3A_51, %swap3A_52], %swap3A_55 {strides = array<i32>} : memref<1x128x24xi32, #tpu.memory_space<vmem>>, vector<1x128x24xi32>,
    return
  }
  func.func @transform_0(%arg0: i32, %arg1: i32) -> (i32, i32, i32) {
    %c0_i32 = arith.constant 0 : i32
    %c0_i32_0 = arith.constant 0 : i32
    return %arg0, %arg1, %c0_i32 : i32, i32, i32
  }
  func.func @transform_1(%arg0: i32, %arg1: i32) -> (i32, i32, i32) {
    %c0_i32 = arith.constant 0 : i32
    %c0_i32_0 = arith.constant 0 : i32
    %c0_i32_1 = arith.constant 0 : i32
    return %arg0, %c0_i32, %c0_i32_0 : i32, i32, i32
  }
  func.func @transform_2(%arg0: i32, %arg1: i32) -> (i32, i32, i32) {
    %c0_i32 = arith.constant 0 : i32
    %c0_i32_0 = arith.constant 0 : i32
    return %arg0, %arg1, %c0_i32 : i32, i32, i32
  }
}

module attributes {stable_mosaic.version = 14 : i64} {
  func.func @_lambda_(%arg0: memref<16x3x128xf32, #tpu.memory_space<vmem>>, %arg1: memref<16x32xi32, #tpu.memory_space<vmem>>) attributes {dimension_semantics = [], scalar_prefetch = 0 : i64, scratch_operands = 0 : i64, tpu.core_type = #tpu.core_type<tc>} {
    %get3A = arith.constant 0 : index
    %get3A_0 = arith.constant 0 : index
    %get3A_1 = arith.constant 0 : index
    %get3A_2 = vector.load %arg0[%get3A, %get3A_0, %get3A_1] : memref<16x3x128xf32, #tpu.memory_space<vmem>>, vector<16x3x128xf32>
    %iota3A = tpu.iota {dimensions = array<i32: 1>} : vector<16x128xi32>
    %iota3A_3 = tpu.iota {dimensions = array<i32: 1>} : vector<16x32xi32>
    %iota3A_4 = tpu.iota {dimensions = array<i32: 0>} : vector<16x32xi32>
    %broadcast_in_dim3A = arith.constant 1.000000e+10 : f32
    %broadcast_in_dim3A_5 = vector.broadcast %broadcast_in_dim3A : f32 to vector<16x128xf32>
    %add3A = arith.addi %iota3A_3, %iota3A_4 : vector<16x32xi32>
    %min3A = arith.constant 0 : i32
    %min3A_6 = vector.broadcast %min3A : i32 to vector<16x32xi32>
    %min3A_7 = arith.minsi %add3A, %min3A_6 : vector<16x32xi32>
    %scan3A = arith.constant 0 : i32
    %scan3A_8 = arith.constant 32 : i32
    %scan3A_9 = arith.addi %scan3A, %scan3A_8 : i32
    %scan3A_10 = arith.constant 1 : i32
    %scan3A_11:2 = scf.for %scan3A_15 = %scan3A to %scan3A_9 step %scan3A_10 iter_args(%scan3A_16 = %broadcast_in_dim3A_5, %scan3A_17 = %min3A_7) -> (vector<16x128xf32>, vector<16x32xi32>)  : i32 {
      %reduce_max3A = arith.constant dense<0xFF800000> : vector<16xf32>
      %reduce_max3A_18 = vector.multi_reduction <maximumf>, %scan3A_16, %reduce_max3A [1] : vector<16x128xf32> to vector<16xf32>
      %broadcast_in_dim3A_19 = vector.shape_cast %reduce_max3A_18 : vector<16xf32> to vector<16x1xf32>
      %eq3A = vector.broadcast %broadcast_in_dim3A_19 : vector<16x1xf32> to vector<16x128xf32>
      %eq3A_20 = arith.cmpf oeq, %scan3A_16, %eq3A : vector<16x128xf32>
      %jit3A = arith.constant 128 : i32
      %broadcast_in_dim3A_21 = vector.broadcast %jit3A : i32 to vector<16x128xi32>
      %select_n3A = arith.select %eq3A_20, %iota3A, %broadcast_in_dim3A_21 : vector<16x128xi1>, vector<16x128xi32>
      %reduce_min3A = arith.constant dense<2147483647> : vector<16xi32>
      %reduce_min3A_22 = vector.multi_reduction <minsi>, %select_n3A, %reduce_min3A [1] : vector<16x128xi32> to vector<16xi32>
      %broadcast_in_dim3A_23 = vector.shape_cast %reduce_min3A_22 : vector<16xi32> to vector<16x1xi32>
      %eq3A_24 = vector.broadcast %scan3A_15 : i32 to vector<16x32xi32>
      %eq3A_25 = arith.cmpi eq, %iota3A_3, %eq3A_24 : vector<16x32xi32>
      %broadcast_in_dim3A_26 = vector.shape_cast %broadcast_in_dim3A_23 : vector<16x1xi32> to vector<16x1xi32>
      %broadcast_in_dim3A_27 = vector.broadcast %broadcast_in_dim3A_26 : vector<16x1xi32> to vector<16x32xi32>
      %select_n3A_28 = arith.select %eq3A_25, %broadcast_in_dim3A_27, %scan3A_17 : vector<16x32xi1>, vector<16x32xi32>
      %broadcast_in_dim3A_29 = vector.shape_cast %broadcast_in_dim3A_23 : vector<16x1xi32> to vector<16x1xi32>
      %broadcast_in_dim3A_30 = vector.broadcast %broadcast_in_dim3A_29 : vector<16x1xi32> to vector<16x128xi32>
      %eq3A_31 = arith.cmpi eq, %broadcast_in_dim3A_30, %iota3A : vector<16x128xi32>
      %broadcast_in_dim3A_32 = vector.shape_cast %eq3A_31 : vector<16x128xi1> to vector<16x1x128xi1>
      %jit3A_33 = arith.constant 0.000000e+00 : f32
      %broadcast_in_dim3A_34 = vector.shape_cast %broadcast_in_dim3A_32 : vector<16x1x128xi1> to vector<16x1x128xi1>
      %broadcast_in_dim3A_35 = vector.broadcast %broadcast_in_dim3A_34 : vector<16x1x128xi1> to vector<16x3x128xi1>
      %broadcast_in_dim3A_36 = vector.broadcast %jit3A_33 : f32 to vector<16x3x128xf32>
      %select_n3A_37 = arith.select %broadcast_in_dim3A_35, %get3A_2, %broadcast_in_dim3A_36 : vector<16x3x128xi1>, vector<16x3x128xf32>
      %reduce_sum3A = arith.constant dense<0.000000e+00> : vector<16x3xf32>
      %reduce_sum3A_38 = vector.multi_reduction <add>, %select_n3A_37, %reduce_sum3A [2] : vector<16x3x128xf32> to vector<16x3xf32>
      %slice3A = vector.extract_strided_slice %get3A_2 {offsets = [0, 0, 0], sizes = [16, 1, 128], strides = [1, 1, 1]} : vector<16x3x128xf32> to vector<16x1x128xf32>
      %squeeze3A = vector.shape_cast %slice3A : vector<16x1x128xf32> to vector<16x128xf32>
      %slice3A_39 = vector.extract_strided_slice %reduce_sum3A_38 {offsets = [0, 0], sizes = [16, 1], strides = [1, 1]} : vector<16x3xf32> to vector<16x1xf32>
      %sub3A = vector.broadcast %slice3A_39 : vector<16x1xf32> to vector<16x128xf32>
      %sub3A_40 = arith.subf %squeeze3A, %sub3A : vector<16x128xf32>
      %slice3A_41 = vector.extract_strided_slice %get3A_2 {offsets = [0, 1, 0], sizes = [16, 1, 128], strides = [1, 1, 1]} : vector<16x3x128xf32> to vector<16x1x128xf32>
      %squeeze3A_42 = vector.shape_cast %slice3A_41 : vector<16x1x128xf32> to vector<16x128xf32>
      %slice3A_43 = vector.extract_strided_slice %reduce_sum3A_38 {offsets = [0, 1], sizes = [16, 1], strides = [1, 1]} : vector<16x3xf32> to vector<16x1xf32>
      %sub3A_44 = vector.broadcast %slice3A_43 : vector<16x1xf32> to vector<16x128xf32>
      %sub3A_45 = arith.subf %squeeze3A_42, %sub3A_44 : vector<16x128xf32>
      %slice3A_46 = vector.extract_strided_slice %get3A_2 {offsets = [0, 2, 0], sizes = [16, 1, 128], strides = [1, 1, 1]} : vector<16x3x128xf32> to vector<16x1x128xf32>
      %squeeze3A_47 = vector.shape_cast %slice3A_46 : vector<16x1x128xf32> to vector<16x128xf32>
      %slice3A_48 = vector.extract_strided_slice %reduce_sum3A_38 {offsets = [0, 2], sizes = [16, 1], strides = [1, 1]} : vector<16x3xf32> to vector<16x1xf32>
      %sub3A_49 = vector.broadcast %slice3A_48 : vector<16x1xf32> to vector<16x128xf32>
      %sub3A_50 = arith.subf %squeeze3A_47, %sub3A_49 : vector<16x128xf32>
      %mul3A = arith.mulf %sub3A_40, %sub3A_40 : vector<16x128xf32>
      %mul3A_51 = arith.mulf %sub3A_45, %sub3A_45 : vector<16x128xf32>
      %add3A_52 = arith.addf %mul3A, %mul3A_51 : vector<16x128xf32>
      %mul3A_53 = arith.mulf %sub3A_50, %sub3A_50 : vector<16x128xf32>
      %add3A_54 = arith.addf %add3A_52, %mul3A_53 : vector<16x128xf32>
      %min3A_55 = arith.minimumf %scan3A_16, %add3A_54 : vector<16x128xf32>
      scf.yield %min3A_55, %select_n3A_28 : vector<16x128xf32>, vector<16x32xi32>
    }
    %scan3A_12 = arith.constant 32 : i32
    %swap3A = arith.constant 0 : index
    %swap3A_13 = arith.constant 0 : index
    %swap3A_14 = vector.load %arg1[%swap3A, %swap3A_13] : memref<16x32xi32, #tpu.memory_space<vmem>>, vector<16x32xi32>
    tpu.vector_store %arg1[%swap3A, %swap3A_13], %scan3A_11#1 {strides = array<i32>} : memref<16x32xi32, #tpu.memory_space<vmem>>, vector<16x32xi32>,
    return
  }
}

module attributes {stable_mosaic.version = 14 : i64} {
  func.func @_l0_stats_body(%arg0: i32, %arg1: memref<512x3xf32, #tpu.memory_space<vmem>>, %arg2: memref<512x266xf32, #tpu.memory_space<vmem>>, %arg3: memref<3x256xf32, #tpu.memory_space<vmem>>, %arg4: memref<1x256xf32, #tpu.memory_space<vmem>>, %arg5: memref<266x256xf32, #tpu.memory_space<vmem>>, %arg6: memref<1x256xf32, #tpu.memory_space<vmem>>, %arg7: memref<8x256xf32, #tpu.memory_space<vmem>>, %arg8: memref<8x256xf32, #tpu.memory_space<vmem>>) attributes {dimension_semantics = [#tpu.dimension_semantics<arbitrary>], iteration_bounds = array<i64: 96>, scalar_prefetch = 0 : i64, scratch_operands = 0 : i64, tpu.core_type = #tpu.core_type<tc>, window_params = [{transform_indices = @transform_0, window_bounds = array<i64: 512, 3>}, {transform_indices = @transform_1, window_bounds = array<i64: 512, 266>}, {pipeline_mode = #tpu.pipeline_mode<synchronous>, transform_indices = @transform_2, window_bounds = array<i64: 3, 256>}, {pipeline_mode = #tpu.pipeline_mode<synchronous>, transform_indices = @transform_3, window_bounds = array<i64: 1, 256>}, {pipeline_mode = #tpu.pipeline_mode<synchronous>, transform_indices = @transform_4, window_bounds = array<i64: 266, 256>}, {pipeline_mode = #tpu.pipeline_mode<synchronous>, transform_indices = @transform_5, window_bounds = array<i64: 1, 256>}, {pipeline_mode = #tpu.pipeline_mode<synchronous>, transform_indices = @transform_6, window_bounds = array<i64: 8, 256>}, {pipeline_mode = #tpu.pipeline_mode<synchronous>, transform_indices = @transform_7, window_bounds = array<i64: 8, 256>}]} {
    %get3A = arith.constant 0 : index
    %get3A_0 = arith.constant 0 : index
    %get3A_1 = vector.load %arg1[%get3A, %get3A_0] : memref<512x3xf32, #tpu.memory_space<vmem>>, vector<512x3xf32>
    %get3A_2 = arith.constant 0 : index
    %get3A_3 = arith.constant 0 : index
    %get3A_4 = vector.load %arg3[%get3A_2, %get3A_3] : memref<3x256xf32, #tpu.memory_space<vmem>>, vector<3x256xf32>
    %dot_general3A = arith.constant dense<0.000000e+00> : vector<512x256xf32>
    %dot_general3A_5 = tpu.matmul %get3A_1, %get3A_4, %dot_general3A {dimension_numbers = #tpu.dot_dimension_numbers<[1], [0], [0], [1], [0, 0, 1, 1], [], []>, transpose_lhs_hint = false} : vector<512x3xf32>, vector<3x256xf32>, vector<512x256xf32> -> vector<512x256xf32>
    %get3A_6 = arith.constant 0 : index
    %get3A_7 = arith.constant 0 : index
    %get3A_8 = vector.load %arg4[%get3A_6, %get3A_7] : memref<1x256xf32, #tpu.memory_space<vmem>>, vector<1x256xf32>
    %add3A = vector.broadcast %get3A_8 : vector<1x256xf32> to vector<512x256xf32>
    %add3A_9 = arith.addf %dot_general3A_5, %add3A : vector<512x256xf32>
    %reduce_sum3A = arith.constant dense<0.000000e+00> : vector<256xf32>
    %reduce_sum3A_10 = vector.multi_reduction <add>, %add3A_9, %reduce_sum3A [0] : vector<512x256xf32> to vector<256xf32>
    %broadcast_in_dim3A = vector.shape_cast %reduce_sum3A_10 : vector<256xf32> to vector<1x256xf32>
    %mul3A = arith.mulf %add3A_9, %add3A_9 : vector<512x256xf32>
    %reduce_sum3A_11 = arith.constant dense<0.000000e+00> : vector<256xf32>
    %reduce_sum3A_12 = vector.multi_reduction <add>, %mul3A, %reduce_sum3A_11 [0] : vector<512x256xf32> to vector<256xf32>
    %broadcast_in_dim3A_13 = vector.shape_cast %reduce_sum3A_12 : vector<256xf32> to vector<1x256xf32>
    %broadcast_in_dim3A_14 = arith.constant 0.000000e+00 : f32
    %broadcast_in_dim3A_15 = vector.broadcast %broadcast_in_dim3A_14 : f32 to vector<6x256xf32>
    %concatenate3A = tpu.concatenate %broadcast_in_dim3A, %broadcast_in_dim3A_13, %broadcast_in_dim3A_15 in 0 : vector<1x256xf32>, vector<1x256xf32>, vector<6x256xf32> -> vector<8x256xf32>
    %eq3A = arith.constant 0 : i32
    %eq3A_16 = arith.cmpi eq, %arg0, %eq3A : i32
    %convert_element_type3A = arith.extui %eq3A_16 : i1 to i32
    %cond3A = arith.constant 0 : i32
    %cond3A_17 = arith.cmpi ne, %convert_element_type3A, %cond3A : i32
    scf.if %cond3A_17 {
      %broadcast_in_dim3A_59 = arith.constant 0.000000e+00 : f32
      %broadcast_in_dim3A_60 = vector.broadcast %broadcast_in_dim3A_59 : f32 to vector<8x256xf32>
      %swap3A_61 = arith.constant 0 : index
      %swap3A_62 = arith.constant 0 : index
      %swap3A_63 = vector.load %arg7[%swap3A_61, %swap3A_62] : memref<8x256xf32, #tpu.memory_space<vmem>>, vector<8x256xf32>
      tpu.vector_store %arg7[%swap3A_61, %swap3A_62], %broadcast_in_dim3A_60 {strides = array<i32>} : memref<8x256xf32, #tpu.memory_space<vmem>>, vector<8x256xf32>,
    } else {
    }
    %get3A_18 = arith.constant 0 : index
    %get3A_19 = arith.constant 0 : index
    %get3A_20 = vector.load %arg7[%get3A_18, %get3A_19] : memref<8x256xf32, #tpu.memory_space<vmem>>, vector<8x256xf32>
    %add3A_21 = arith.addf %get3A_20, %concatenate3A : vector<8x256xf32>
    %swap3A = arith.constant 0 : index
    %swap3A_22 = arith.constant 0 : index
    %swap3A_23 = vector.load %arg7[%swap3A, %swap3A_22] : memref<8x256xf32, #tpu.memory_space<vmem>>, vector<8x256xf32>
    tpu.vector_store %arg7[%swap3A, %swap3A_22], %add3A_21 {strides = array<i32>} : memref<8x256xf32, #tpu.memory_space<vmem>>, vector<8x256xf32>,
    %get3A_24 = arith.constant 0 : index
    %get3A_25 = arith.constant 0 : index
    %get3A_26 = vector.load %arg2[%get3A_24, %get3A_25] : memref<512x266xf32, #tpu.memory_space<vmem>>, vector<512x266xf32>
    %get3A_27 = arith.constant 0 : index
    %get3A_28 = arith.constant 0 : index
    %get3A_29 = vector.load %arg5[%get3A_27, %get3A_28] : memref<266x256xf32, #tpu.memory_space<vmem>>, vector<266x256xf32>
    %dot_general3A_30 = arith.constant dense<0.000000e+00> : vector<512x256xf32>
    %dot_general3A_31 = tpu.matmul %get3A_26, %get3A_29, %dot_general3A_30 {dimension_numbers = #tpu.dot_dimension_numbers<[1], [0], [0], [1], [0, 0, 1, 1], [], []>, transpose_lhs_hint = false} : vector<512x266xf32>, vector<266x256xf32>, vector<512x256xf32> -> vector<512x256xf32>
    %get3A_32 = arith.constant 0 : index
    %get3A_33 = arith.constant 0 : index
    %get3A_34 = vector.load %arg6[%get3A_32, %get3A_33] : memref<1x256xf32, #tpu.memory_space<vmem>>, vector<1x256xf32>
    %add3A_35 = vector.broadcast %get3A_34 : vector<1x256xf32> to vector<512x256xf32>
    %add3A_36 = arith.addf %dot_general3A_31, %add3A_35 : vector<512x256xf32>
    %reduce_sum3A_37 = arith.constant dense<0.000000e+00> : vector<256xf32>
    %reduce_sum3A_38 = vector.multi_reduction <add>, %add3A_36, %reduce_sum3A_37 [0] : vector<512x256xf32> to vector<256xf32>
    %broadcast_in_dim3A_39 = vector.shape_cast %reduce_sum3A_38 : vector<256xf32> to vector<1x256xf32>
    %mul3A_40 = arith.mulf %add3A_36, %add3A_36 : vector<512x256xf32>
    %reduce_sum3A_41 = arith.constant dense<0.000000e+00> : vector<256xf32>
    %reduce_sum3A_42 = vector.multi_reduction <add>, %mul3A_40, %reduce_sum3A_41 [0] : vector<512x256xf32> to vector<256xf32>
    %broadcast_in_dim3A_43 = vector.shape_cast %reduce_sum3A_42 : vector<256xf32> to vector<1x256xf32>
    %broadcast_in_dim3A_44 = arith.constant 0.000000e+00 : f32
    %broadcast_in_dim3A_45 = vector.broadcast %broadcast_in_dim3A_44 : f32 to vector<6x256xf32>
    %concatenate3A_46 = tpu.concatenate %broadcast_in_dim3A_39, %broadcast_in_dim3A_43, %broadcast_in_dim3A_45 in 0 : vector<1x256xf32>, vector<1x256xf32>, vector<6x256xf32> -> vector<8x256xf32>
    %eq3A_47 = arith.constant 0 : i32
    %eq3A_48 = arith.cmpi eq, %arg0, %eq3A_47 : i32
    %convert_element_type3A_49 = arith.extui %eq3A_48 : i1 to i32
    %cond3A_50 = arith.constant 0 : i32
    %cond3A_51 = arith.cmpi ne, %convert_element_type3A_49, %cond3A_50 : i32
    scf.if %cond3A_51 {
      %broadcast_in_dim3A_59 = arith.constant 0.000000e+00 : f32
      %broadcast_in_dim3A_60 = vector.broadcast %broadcast_in_dim3A_59 : f32 to vector<8x256xf32>
      %swap3A_61 = arith.constant 0 : index
      %swap3A_62 = arith.constant 0 : index
      %swap3A_63 = vector.load %arg8[%swap3A_61, %swap3A_62] : memref<8x256xf32, #tpu.memory_space<vmem>>, vector<8x256xf32>
      tpu.vector_store %arg8[%swap3A_61, %swap3A_62], %broadcast_in_dim3A_60 {strides = array<i32>} : memref<8x256xf32, #tpu.memory_space<vmem>>, vector<8x256xf32>,
    } else {
    }
    %get3A_52 = arith.constant 0 : index
    %get3A_53 = arith.constant 0 : index
    %get3A_54 = vector.load %arg8[%get3A_52, %get3A_53] : memref<8x256xf32, #tpu.memory_space<vmem>>, vector<8x256xf32>
    %add3A_55 = arith.addf %get3A_54, %concatenate3A_46 : vector<8x256xf32>
    %swap3A_56 = arith.constant 0 : index
    %swap3A_57 = arith.constant 0 : index
    %swap3A_58 = vector.load %arg8[%swap3A_56, %swap3A_57] : memref<8x256xf32, #tpu.memory_space<vmem>>, vector<8x256xf32>
    tpu.vector_store %arg8[%swap3A_56, %swap3A_57], %add3A_55 {strides = array<i32>} : memref<8x256xf32, #tpu.memory_space<vmem>>, vector<8x256xf32>,
    return
  }
  func.func @transform_0(%arg0: i32) -> (i32, i32) {
    %c0_i32 = arith.constant 0 : i32
    %c0_i32_0 = arith.constant 0 : i32
    return %arg0, %c0_i32 : i32, i32
  }
  func.func @transform_1(%arg0: i32) -> (i32, i32) {
    %c0_i32 = arith.constant 0 : i32
    %c0_i32_0 = arith.constant 0 : i32
    return %arg0, %c0_i32 : i32, i32
  }
  func.func @transform_2(%arg0: i32) -> (i32, i32) {
    %c0_i32 = arith.constant 0 : i32
    %c0_i32_0 = arith.constant 0 : i32
    %c0_i32_1 = arith.constant 0 : i32
    return %c0_i32, %c0_i32_0 : i32, i32
  }
  func.func @transform_3(%arg0: i32) -> (i32, i32) {
    %c0_i32 = arith.constant 0 : i32
    %c0_i32_0 = arith.constant 0 : i32
    %c0_i32_1 = arith.constant 0 : i32
    return %c0_i32, %c0_i32_0 : i32, i32
  }
  func.func @transform_4(%arg0: i32) -> (i32, i32) {
    %c0_i32 = arith.constant 0 : i32
    %c0_i32_0 = arith.constant 0 : i32
    %c0_i32_1 = arith.constant 0 : i32
    return %c0_i32, %c0_i32_0 : i32, i32
  }
  func.func @transform_5(%arg0: i32) -> (i32, i32) {
    %c0_i32 = arith.constant 0 : i32
    %c0_i32_0 = arith.constant 0 : i32
    %c0_i32_1 = arith.constant 0 : i32
    return %c0_i32, %c0_i32_0 : i32, i32
  }
  func.func @transform_6(%arg0: i32) -> (i32, i32) {
    %c0_i32 = arith.constant 0 : i32
    %c0_i32_0 = arith.constant 0 : i32
    %c0_i32_1 = arith.constant 0 : i32
    return %c0_i32, %c0_i32_0 : i32, i32
  }
  func.func @transform_7(%arg0: i32) -> (i32, i32) {
    %c0_i32 = arith.constant 0 : i32
    %c0_i32_0 = arith.constant 0 : i32
    %c0_i32_1 = arith.constant 0 : i32
    return %c0_i32, %c0_i32_0 : i32, i32
  }
}

module attributes {stable_mosaic.version = 14 : i64} {
  func.func @_l0_mm2_body(%arg0: i32, %arg1: memref<512x3xf32, #tpu.memory_space<vmem>>, %arg2: memref<512x266xf32, #tpu.memory_space<vmem>>, %arg3: memref<3x256xf32, #tpu.memory_space<vmem>>, %arg4: memref<1x256xf32, #tpu.memory_space<vmem>>, %arg5: memref<266x256xf32, #tpu.memory_space<vmem>>, %arg6: memref<1x256xf32, #tpu.memory_space<vmem>>, %arg7: memref<1x256xf32, #tpu.memory_space<vmem>>, %arg8: memref<1x256xf32, #tpu.memory_space<vmem>>, %arg9: memref<1x256xf32, #tpu.memory_space<vmem>>, %arg10: memref<1x256xf32, #tpu.memory_space<vmem>>, %arg11: memref<256x256xf32, #tpu.memory_space<vmem>>, %arg12: memref<1x256xf32, #tpu.memory_space<vmem>>, %arg13: memref<512x256xf32, #tpu.memory_space<vmem>>, %arg14: memref<8x256xf32, #tpu.memory_space<vmem>>) attributes {dimension_semantics = [#tpu.dimension_semantics<arbitrary>], iteration_bounds = array<i64: 96>, scalar_prefetch = 0 : i64, scratch_operands = 0 : i64, tpu.core_type = #tpu.core_type<tc>, window_params = [{transform_indices = @transform_0, window_bounds = array<i64: 512, 3>}, {transform_indices = @transform_1, window_bounds = array<i64: 512, 266>}, {pipeline_mode = #tpu.pipeline_mode<synchronous>, transform_indices = @transform_2, window_bounds = array<i64: 3, 256>}, {pipeline_mode = #tpu.pipeline_mode<synchronous>, transform_indices = @transform_3, window_bounds = array<i64: 1, 256>}, {pipeline_mode = #tpu.pipeline_mode<synchronous>, transform_indices = @transform_4, window_bounds = array<i64: 266, 256>}, {pipeline_mode = #tpu.pipeline_mode<synchronous>, transform_indices = @transform_5, window_bounds = array<i64: 1, 256>}, {pipeline_mode = #tpu.pipeline_mode<synchronous>, transform_indices = @transform_6, window_bounds = array<i64: 1, 256>}, {pipeline_mode = #tpu.pipeline_mode<synchronous>, transform_indices = @transform_7, window_bounds = array<i64: 1, 256>}, {pipeline_mode = #tpu.pipeline_mode<synchronous>, transform_indices = @transform_8, window_bounds = array<i64: 1, 256>}, {pipeline_mode = #tpu.pipeline_mode<synchronous>, transform_indices = @transform_9, window_bounds = array<i64: 1, 256>}, {pipeline_mode = #tpu.pipeline_mode<synchronous>, transform_indices = @transform_10, window_bounds = array<i64: 256, 256>}, {pipeline_mode = #tpu.pipeline_mode<synchronous>, transform_indices = @transform_11, window_bounds = array<i64: 1, 256>}, {transform_indices = @transform_12, window_bounds = array<i64: 512, 256>}, {pipeline_mode = #tpu.pipeline_mode<synchronous>, transform_indices = @transform_13, window_bounds = array<i64: 8, 256>}]} {
    %get3A = arith.constant 0 : index
    %get3A_0 = arith.constant 0 : index
    %get3A_1 = vector.load %arg1[%get3A, %get3A_0] : memref<512x3xf32, #tpu.memory_space<vmem>>, vector<512x3xf32>
    %get3A_2 = arith.constant 0 : index
    %get3A_3 = arith.constant 0 : index
    %get3A_4 = vector.load %arg3[%get3A_2, %get3A_3] : memref<3x256xf32, #tpu.memory_space<vmem>>, vector<3x256xf32>
    %dot_general3A = arith.constant dense<0.000000e+00> : vector<512x256xf32>
    %dot_general3A_5 = tpu.matmul %get3A_1, %get3A_4, %dot_general3A {dimension_numbers = #tpu.dot_dimension_numbers<[1], [0], [0], [1], [0, 0, 1, 1], [], []>, transpose_lhs_hint = false} : vector<512x3xf32>, vector<3x256xf32>, vector<512x256xf32> -> vector<512x256xf32>
    %get3A_6 = arith.constant 0 : index
    %get3A_7 = arith.constant 0 : index
    %get3A_8 = vector.load %arg4[%get3A_6, %get3A_7] : memref<1x256xf32, #tpu.memory_space<vmem>>, vector<1x256xf32>
    %add3A = vector.broadcast %get3A_8 : vector<1x256xf32> to vector<512x256xf32>
    %add3A_9 = arith.addf %dot_general3A_5, %add3A : vector<512x256xf32>
    %get3A_10 = arith.constant 0 : index
    %get3A_11 = arith.constant 0 : index
    %get3A_12 = vector.load %arg2[%get3A_10, %get3A_11] : memref<512x266xf32, #tpu.memory_space<vmem>>, vector<512x266xf32>
    %get3A_13 = arith.constant 0 : index
    %get3A_14 = arith.constant 0 : index
    %get3A_15 = vector.load %arg5[%get3A_13, %get3A_14] : memref<266x256xf32, #tpu.memory_space<vmem>>, vector<266x256xf32>
    %dot_general3A_16 = arith.constant dense<0.000000e+00> : vector<512x256xf32>
    %dot_general3A_17 = tpu.matmul %get3A_12, %get3A_15, %dot_general3A_16 {dimension_numbers = #tpu.dot_dimension_numbers<[1], [0], [0], [1], [0, 0, 1, 1], [], []>, transpose_lhs_hint = false} : vector<512x266xf32>, vector<266x256xf32>, vector<512x256xf32> -> vector<512x256xf32>
    %get3A_18 = arith.constant 0 : index
    %get3A_19 = arith.constant 0 : index
    %get3A_20 = vector.load %arg6[%get3A_18, %get3A_19] : memref<1x256xf32, #tpu.memory_space<vmem>>, vector<1x256xf32>
    %add3A_21 = vector.broadcast %get3A_20 : vector<1x256xf32> to vector<512x256xf32>
    %add3A_22 = arith.addf %dot_general3A_17, %add3A_21 : vector<512x256xf32>
    %get3A_23 = arith.constant 0 : index
    %get3A_24 = arith.constant 0 : index
    %get3A_25 = vector.load %arg7[%get3A_23, %get3A_24] : memref<1x256xf32, #tpu.memory_space<vmem>>, vector<1x256xf32>
    %mul3A = vector.broadcast %get3A_25 : vector<1x256xf32> to vector<512x256xf32>
    %mul3A_26 = arith.mulf %add3A_9, %mul3A : vector<512x256xf32>
    %get3A_27 = arith.constant 0 : index
    %get3A_28 = arith.constant 0 : index
    %get3A_29 = vector.load %arg8[%get3A_27, %get3A_28] : memref<1x256xf32, #tpu.memory_space<vmem>>, vector<1x256xf32>
    %add3A_30 = vector.broadcast %get3A_29 : vector<1x256xf32> to vector<512x256xf32>
    %add3A_31 = arith.addf %mul3A_26, %add3A_30 : vector<512x256xf32>
    %get3A_32 = arith.constant 0 : index
    %get3A_33 = arith.constant 0 : index
    %get3A_34 = vector.load %arg9[%get3A_32, %get3A_33] : memref<1x256xf32, #tpu.memory_space<vmem>>, vector<1x256xf32>
    %mul3A_35 = vector.broadcast %get3A_34 : vector<1x256xf32> to vector<512x256xf32>
    %mul3A_36 = arith.mulf %add3A_22, %mul3A_35 : vector<512x256xf32>
    %add3A_37 = arith.addf %add3A_31, %mul3A_36 : vector<512x256xf32>
    %get3A_38 = arith.constant 0 : index
    %get3A_39 = arith.constant 0 : index
    %get3A_40 = vector.load %arg10[%get3A_38, %get3A_39] : memref<1x256xf32, #tpu.memory_space<vmem>>, vector<1x256xf32>
    %add3A_41 = vector.broadcast %get3A_40 : vector<1x256xf32> to vector<512x256xf32>
    %add3A_42 = arith.addf %add3A_37, %add3A_41 : vector<512x256xf32>
    %max3A = arith.constant 0.000000e+00 : f32
    %max3A_43 = vector.broadcast %max3A : f32 to vector<512x256xf32>
    %max3A_44 = arith.maximumf %add3A_42, %max3A_43 : vector<512x256xf32>
    %get3A_45 = arith.constant 0 : index
    %get3A_46 = arith.constant 0 : index
    %get3A_47 = vector.load %arg11[%get3A_45, %get3A_46] : memref<256x256xf32, #tpu.memory_space<vmem>>, vector<256x256xf32>
    %dot_general3A_48 = arith.constant dense<0.000000e+00> : vector<512x256xf32>
    %dot_general3A_49 = tpu.matmul %max3A_44, %get3A_47, %dot_general3A_48 {dimension_numbers = #tpu.dot_dimension_numbers<[1], [0], [0], [1], [0, 0, 1, 1], [], []>, transpose_lhs_hint = false} : vector<512x256xf32>, vector<256x256xf32>, vector<512x256xf32> -> vector<512x256xf32>
    %get3A_50 = arith.constant 0 : index
    %get3A_51 = arith.constant 0 : index
    %get3A_52 = vector.load %arg12[%get3A_50, %get3A_51] : memref<1x256xf32, #tpu.memory_space<vmem>>, vector<1x256xf32>
    %add3A_53 = vector.broadcast %get3A_52 : vector<1x256xf32> to vector<512x256xf32>
    %add3A_54 = arith.addf %dot_general3A_49, %add3A_53 : vector<512x256xf32>
    %swap3A = arith.constant 0 : index
    %swap3A_55 = arith.constant 0 : index
    %swap3A_56 = vector.load %arg13[%swap3A, %swap3A_55] : memref<512x256xf32, #tpu.memory_space<vmem>>, vector<512x256xf32>
    tpu.vector_store %arg13[%swap3A, %swap3A_55], %add3A_54 {strides = array<i32>} : memref<512x256xf32, #tpu.memory_space<vmem>>, vector<512x256xf32>,
    %reduce_sum3A = arith.constant dense<0.000000e+00> : vector<256xf32>
    %reduce_sum3A_57 = vector.multi_reduction <add>, %add3A_54, %reduce_sum3A [0] : vector<512x256xf32> to vector<256xf32>
    %broadcast_in_dim3A = vector.shape_cast %reduce_sum3A_57 : vector<256xf32> to vector<1x256xf32>
    %mul3A_58 = arith.mulf %add3A_54, %add3A_54 : vector<512x256xf32>
    %reduce_sum3A_59 = arith.constant dense<0.000000e+00> : vector<256xf32>
    %reduce_sum3A_60 = vector.multi_reduction <add>, %mul3A_58, %reduce_sum3A_59 [0] : vector<512x256xf32> to vector<256xf32>
    %broadcast_in_dim3A_61 = vector.shape_cast %reduce_sum3A_60 : vector<256xf32> to vector<1x256xf32>
    %broadcast_in_dim3A_62 = arith.constant 0.000000e+00 : f32
    %broadcast_in_dim3A_63 = vector.broadcast %broadcast_in_dim3A_62 : f32 to vector<6x256xf32>
    %concatenate3A = tpu.concatenate %broadcast_in_dim3A, %broadcast_in_dim3A_61, %broadcast_in_dim3A_63 in 0 : vector<1x256xf32>, vector<1x256xf32>, vector<6x256xf32> -> vector<8x256xf32>
    %eq3A = arith.constant 0 : i32
    %eq3A_64 = arith.cmpi eq, %arg0, %eq3A : i32
    %convert_element_type3A = arith.extui %eq3A_64 : i1 to i32
    %cond3A = arith.constant 0 : i32
    %cond3A_65 = arith.cmpi ne, %convert_element_type3A, %cond3A : i32
    scf.if %cond3A_65 {
      %broadcast_in_dim3A_73 = arith.constant 0.000000e+00 : f32
      %broadcast_in_dim3A_74 = vector.broadcast %broadcast_in_dim3A_73 : f32 to vector<8x256xf32>
      %swap3A_75 = arith.constant 0 : index
      %swap3A_76 = arith.constant 0 : index
      %swap3A_77 = vector.load %arg14[%swap3A_75, %swap3A_76] : memref<8x256xf32, #tpu.memory_space<vmem>>, vector<8x256xf32>
      tpu.vector_store %arg14[%swap3A_75, %swap3A_76], %broadcast_in_dim3A_74 {strides = array<i32>} : memref<8x256xf32, #tpu.memory_space<vmem>>, vector<8x256xf32>,
    } else {
    }
    %get3A_66 = arith.constant 0 : index
    %get3A_67 = arith.constant 0 : index
    %get3A_68 = vector.load %arg14[%get3A_66, %get3A_67] : memref<8x256xf32, #tpu.memory_space<vmem>>, vector<8x256xf32>
    %add3A_69 = arith.addf %get3A_68, %concatenate3A : vector<8x256xf32>
    %swap3A_70 = arith.constant 0 : index
    %swap3A_71 = arith.constant 0 : index
    %swap3A_72 = vector.load %arg14[%swap3A_70, %swap3A_71] : memref<8x256xf32, #tpu.memory_space<vmem>>, vector<8x256xf32>
    tpu.vector_store %arg14[%swap3A_70, %swap3A_71], %add3A_69 {strides = array<i32>} : memref<8x256xf32, #tpu.memory_space<vmem>>, vector<8x256xf32>,
    return
  }
  func.func @transform_0(%arg0: i32) -> (i32, i32) {
    %c0_i32 = arith.constant 0 : i32
    %c0_i32_0 = arith.constant 0 : i32
    return %arg0, %c0_i32 : i32, i32
  }
  func.func @transform_1(%arg0: i32) -> (i32, i32) {
    %c0_i32 = arith.constant 0 : i32
    %c0_i32_0 = arith.constant 0 : i32
    return %arg0, %c0_i32 : i32, i32
  }
  func.func @transform_2(%arg0: i32) -> (i32, i32) {
    %c0_i32 = arith.constant 0 : i32
    %c0_i32_0 = arith.constant 0 : i32
    %c0_i32_1 = arith.constant 0 : i32
    return %c0_i32, %c0_i32_0 : i32, i32
  }
  func.func @transform_3(%arg0: i32) -> (i32, i32) {
    %c0_i32 = arith.constant 0 : i32
    %c0_i32_0 = arith.constant 0 : i32
    %c0_i32_1 = arith.constant 0 : i32
    return %c0_i32, %c0_i32_0 : i32, i32
  }
  func.func @transform_4(%arg0: i32) -> (i32, i32) {
    %c0_i32 = arith.constant 0 : i32
    %c0_i32_0 = arith.constant 0 : i32
    %c0_i32_1 = arith.constant 0 : i32
    return %c0_i32, %c0_i32_0 : i32, i32
  }
  func.func @transform_5(%arg0: i32) -> (i32, i32) {
    %c0_i32 = arith.constant 0 : i32
    %c0_i32_0 = arith.constant 0 : i32
    %c0_i32_1 = arith.constant 0 : i32
    return %c0_i32, %c0_i32_0 : i32, i32
  }
  func.func @transform_6(%arg0: i32) -> (i32, i32) {
    %c0_i32 = arith.constant 0 : i32
    %c0_i32_0 = arith.constant 0 : i32
    %c0_i32_1 = arith.constant 0 : i32
    return %c0_i32, %c0_i32_0 : i32, i32
  }
  func.func @transform_7(%arg0: i32) -> (i32, i32) {
    %c0_i32 = arith.constant 0 : i32
    %c0_i32_0 = arith.constant 0 : i32
    %c0_i32_1 = arith.constant 0 : i32
    return %c0_i32, %c0_i32_0 : i32, i32
  }
  func.func @transform_8(%arg0: i32) -> (i32, i32) {
    %c0_i32 = arith.constant 0 : i32
    %c0_i32_0 = arith.constant 0 : i32
    %c0_i32_1 = arith.constant 0 : i32
    return %c0_i32, %c0_i32_0 : i32, i32
  }
  func.func @transform_9(%arg0: i32) -> (i32, i32) {
    %c0_i32 = arith.constant 0 : i32
    %c0_i32_0 = arith.constant 0 : i32
    %c0_i32_1 = arith.constant 0 : i32
    return %c0_i32, %c0_i32_0 : i32, i32
  }
  func.func @transform_10(%arg0: i32) -> (i32, i32) {
    %c0_i32 = arith.constant 0 : i32
    %c0_i32_0 = arith.constant 0 : i32
    %c0_i32_1 = arith.constant 0 : i32
    return %c0_i32, %c0_i32_0 : i32, i32
  }
  func.func @transform_11(%arg0: i32) -> (i32, i32) {
    %c0_i32 = arith.constant 0 : i32
    %c0_i32_0 = arith.constant 0 : i32
    %c0_i32_1 = arith.constant 0 : i32
    return %c0_i32, %c0_i32_0 : i32, i32
  }
  func.func @transform_12(%arg0: i32) -> (i32, i32) {
    %c0_i32 = arith.constant 0 : i32
    %c0_i32_0 = arith.constant 0 : i32
    return %arg0, %c0_i32 : i32, i32
  }
  func.func @transform_13(%arg0: i32) -> (i32, i32) {
    %c0_i32 = arith.constant 0 : i32
    %c0_i32_0 = arith.constant 0 : i32
    %c0_i32_1 = arith.constant 0 : i32
    return %c0_i32, %c0_i32_0 : i32, i32
  }
}

module attributes {stable_mosaic.version = 14 : i64} {
  func.func @_lambda_(%arg0: i32, %arg1: memref<384x256xf32, #tpu.memory_space<vmem>>, %arg2: memref<1x256xf32, #tpu.memory_space<vmem>>, %arg3: memref<1x256xf32, #tpu.memory_space<vmem>>, %arg4: memref<256x512xf32, #tpu.memory_space<vmem>>, %arg5: memref<1x512xf32, #tpu.memory_space<vmem>>, %arg6: memref<16x512xf32, #tpu.memory_space<vmem>>, %arg7: memref<8x512xf32, #tpu.memory_space<vmem>>) attributes {dimension_semantics = [#tpu.dimension_semantics<arbitrary>], iteration_bounds = array<i64: 128>, scalar_prefetch = 0 : i64, scratch_operands = 0 : i64, tpu.core_type = #tpu.core_type<tc>, window_params = [{transform_indices = @transform_0, window_bounds = array<i64: 384, 256>}, {pipeline_mode = #tpu.pipeline_mode<synchronous>, transform_indices = @transform_1, window_bounds = array<i64: 1, 256>}, {pipeline_mode = #tpu.pipeline_mode<synchronous>, transform_indices = @transform_2, window_bounds = array<i64: 1, 256>}, {pipeline_mode = #tpu.pipeline_mode<synchronous>, transform_indices = @transform_3, window_bounds = array<i64: 256, 512>}, {pipeline_mode = #tpu.pipeline_mode<synchronous>, transform_indices = @transform_4, window_bounds = array<i64: 1, 512>}, {transform_indices = @transform_5, window_bounds = array<i64: 16, 512>}, {pipeline_mode = #tpu.pipeline_mode<synchronous>, transform_indices = @transform_6, window_bounds = array<i64: 8, 512>}]} {
    %get3A = arith.constant 0 : index
    %get3A_0 = arith.constant 0 : index
    %get3A_1 = vector.load %arg1[%get3A, %get3A_0] : memref<384x256xf32, #tpu.memory_space<vmem>>, vector<384x256xf32>
    %get3A_2 = arith.constant 0 : index
    %get3A_3 = arith.constant 0 : index
    %get3A_4 = vector.load %arg2[%get3A_2, %get3A_3] : memref<1x256xf32, #tpu.memory_space<vmem>>, vector<1x256xf32>
    %mul3A = vector.broadcast %get3A_4 : vector<1x256xf32> to vector<384x256xf32>
    %mul3A_5 = arith.mulf %get3A_1, %mul3A : vector<384x256xf32>
    %get3A_6 = arith.constant 0 : index
    %get3A_7 = arith.constant 0 : index
    %get3A_8 = vector.load %arg3[%get3A_6, %get3A_7] : memref<1x256xf32, #tpu.memory_space<vmem>>, vector<1x256xf32>
    %add3A = vector.broadcast %get3A_8 : vector<1x256xf32> to vector<384x256xf32>
    %add3A_9 = arith.addf %mul3A_5, %add3A : vector<384x256xf32>
    %max3A = arith.constant 0.000000e+00 : f32
    %max3A_10 = vector.broadcast %max3A : f32 to vector<384x256xf32>
    %max3A_11 = arith.maximumf %add3A_9, %max3A_10 : vector<384x256xf32>
    %get3A_12 = arith.constant 0 : index
    %get3A_13 = arith.constant 0 : index
    %get3A_14 = vector.load %arg4[%get3A_12, %get3A_13] : memref<256x512xf32, #tpu.memory_space<vmem>>, vector<256x512xf32>
    %dot_general3A = arith.constant dense<0.000000e+00> : vector<384x512xf32>
    %dot_general3A_15 = tpu.matmul %max3A_11, %get3A_14, %dot_general3A {dimension_numbers = #tpu.dot_dimension_numbers<[1], [0], [0], [1], [0, 0, 1, 1], [], []>, transpose_lhs_hint = false} : vector<384x256xf32>, vector<256x512xf32>, vector<384x512xf32> -> vector<384x512xf32>
    %get3A_16 = arith.constant 0 : index
    %get3A_17 = arith.constant 0 : index
    %get3A_18 = vector.load %arg5[%get3A_16, %get3A_17] : memref<1x512xf32, #tpu.memory_space<vmem>>, vector<1x512xf32>
    %add3A_19 = vector.broadcast %get3A_18 : vector<1x512xf32> to vector<384x512xf32>
    %add3A_20 = arith.addf %dot_general3A_15, %add3A_19 : vector<384x512xf32>
    %reduce_sum3A = arith.constant dense<0.000000e+00> : vector<512xf32>
    %reduce_sum3A_21 = vector.multi_reduction <add>, %add3A_20, %reduce_sum3A [0] : vector<384x512xf32> to vector<512xf32>
    %broadcast_in_dim3A = vector.shape_cast %reduce_sum3A_21 : vector<512xf32> to vector<1x512xf32>
    %mul3A_22 = arith.mulf %add3A_20, %add3A_20 : vector<384x512xf32>
    %reduce_sum3A_23 = arith.constant dense<0.000000e+00> : vector<512xf32>
    %reduce_sum3A_24 = vector.multi_reduction <add>, %mul3A_22, %reduce_sum3A_23 [0] : vector<384x512xf32> to vector<512xf32>
    %broadcast_in_dim3A_25 = vector.shape_cast %reduce_sum3A_24 : vector<512xf32> to vector<1x512xf32>
    %broadcast_in_dim3A_26 = arith.constant 0.000000e+00 : f32
    %broadcast_in_dim3A_27 = vector.broadcast %broadcast_in_dim3A_26 : f32 to vector<6x512xf32>
    %concatenate3A = tpu.concatenate %broadcast_in_dim3A, %broadcast_in_dim3A_25, %broadcast_in_dim3A_27 in 0 : vector<1x512xf32>, vector<1x512xf32>, vector<6x512xf32> -> vector<8x512xf32>
    %eq3A = arith.constant 0 : i32
    %eq3A_28 = arith.cmpi eq, %arg0, %eq3A : i32
    %convert_element_type3A = arith.extui %eq3A_28 : i1 to i32
    %cond3A = arith.constant 0 : i32
    %cond3A_29 = arith.cmpi ne, %convert_element_type3A, %cond3A : i32
    scf.if %cond3A_29 {
      %broadcast_in_dim3A_40 = arith.constant 0.000000e+00 : f32
      %broadcast_in_dim3A_41 = vector.broadcast %broadcast_in_dim3A_40 : f32 to vector<8x512xf32>
      %swap3A_42 = arith.constant 0 : index
      %swap3A_43 = arith.constant 0 : index
      %swap3A_44 = vector.load %arg7[%swap3A_42, %swap3A_43] : memref<8x512xf32, #tpu.memory_space<vmem>>, vector<8x512xf32>
      tpu.vector_store %arg7[%swap3A_42, %swap3A_43], %broadcast_in_dim3A_41 {strides = array<i32>} : memref<8x512xf32, #tpu.memory_space<vmem>>, vector<8x512xf32>,
    } else {
    }
    %get3A_30 = arith.constant 0 : index
    %get3A_31 = arith.constant 0 : index
    %get3A_32 = vector.load %arg7[%get3A_30, %get3A_31] : memref<8x512xf32, #tpu.memory_space<vmem>>, vector<8x512xf32>
    %add3A_33 = arith.addf %get3A_32, %concatenate3A : vector<8x512xf32>
    %swap3A = arith.constant 0 : index
    %swap3A_34 = arith.constant 0 : index
    %swap3A_35 = vector.load %arg7[%swap3A, %swap3A_34] : memref<8x512xf32, #tpu.memory_space<vmem>>, vector<8x512xf32>
    tpu.vector_store %arg7[%swap3A, %swap3A_34], %add3A_33 {strides = array<i32>} : memref<8x512xf32, #tpu.memory_space<vmem>>, vector<8x512xf32>,
    %reshape3A = vector.shape_cast %add3A_20 : vector<384x512xf32> to vector<16x24x512xf32>
    %reduce_max3A = arith.constant dense<0xFF800000> : vector<16x512xf32>
    %reduce_max3A_36 = vector.multi_reduction <maximumf>, %reshape3A, %reduce_max3A [1] : vector<16x24x512xf32> to vector<16x512xf32>
    %swap3A_37 = arith.constant 0 : index
    %swap3A_38 = arith.constant 0 : index
    %swap3A_39 = vector.load %arg6[%swap3A_37, %swap3A_38] : memref<16x512xf32, #tpu.memory_space<vmem>>, vector<16x512xf32>
    tpu.vector_store %arg6[%swap3A_37, %swap3A_38], %reduce_max3A_36 {strides = array<i32>} : memref<16x512xf32, #tpu.memory_space<vmem>>, vector<16x512xf32>,
    return
  }
  func.func @transform_0(%arg0: i32) -> (i32, i32) {
    %c0_i32 = arith.constant 0 : i32
    %c0_i32_0 = arith.constant 0 : i32
    return %arg0, %c0_i32 : i32, i32
  }
  func.func @transform_1(%arg0: i32) -> (i32, i32) {
    %c0_i32 = arith.constant 0 : i32
    %c0_i32_0 = arith.constant 0 : i32
    %c0_i32_1 = arith.constant 0 : i32
    return %c0_i32, %c0_i32_0 : i32, i32
  }
  func.func @transform_2(%arg0: i32) -> (i32, i32) {
    %c0_i32 = arith.constant 0 : i32
    %c0_i32_0 = arith.constant 0 : i32
    %c0_i32_1 = arith.constant 0 : i32
    return %c0_i32, %c0_i32_0 : i32, i32
  }
  func.func @transform_3(%arg0: i32) -> (i32, i32) {
    %c0_i32 = arith.constant 0 : i32
    %c0_i32_0 = arith.constant 0 : i32
    %c0_i32_1 = arith.constant 0 : i32
    return %c0_i32, %c0_i32_0 : i32, i32
  }
  func.func @transform_4(%arg0: i32) -> (i32, i32) {
    %c0_i32 = arith.constant 0 : i32
    %c0_i32_0 = arith.constant 0 : i32
    %c0_i32_1 = arith.constant 0 : i32
    return %c0_i32, %c0_i32_0 : i32, i32
  }
  func.func @transform_5(%arg0: i32) -> (i32, i32) {
    %c0_i32 = arith.constant 0 : i32
    %c0_i32_0 = arith.constant 0 : i32
    return %arg0, %c0_i32 : i32, i32
  }
  func.func @transform_6(%arg0: i32) -> (i32, i32) {
    %c0_i32 = arith.constant 0 : i32
    %c0_i32_0 = arith.constant 0 : i32
    %c0_i32_1 = arith.constant 0 : i32
    return %c0_i32, %c0_i32_0 : i32, i32
  }
}

module attributes {stable_mosaic.version = 14 : i64} {
  func.func @_affine_relu_body(%arg0: i32, %arg1: memref<512x512xf32, #tpu.memory_space<vmem>>, %arg2: memref<1x512xf32, #tpu.memory_space<vmem>>, %arg3: memref<1x512xf32, #tpu.memory_space<vmem>>, %arg4: memref<512x512xf32, #tpu.memory_space<vmem>>) attributes {dimension_semantics = [#tpu.dimension_semantics<arbitrary>], iteration_bounds = array<i64: 4>, scalar_prefetch = 0 : i64, scratch_operands = 0 : i64, tpu.core_type = #tpu.core_type<tc>, window_params = [{transform_indices = @transform_0, window_bounds = array<i64: 512, 512>}, {pipeline_mode = #tpu.pipeline_mode<synchronous>, transform_indices = @transform_1, window_bounds = array<i64: 1, 512>}, {pipeline_mode = #tpu.pipeline_mode<synchronous>, transform_indices = @transform_2, window_bounds = array<i64: 1, 512>}, {transform_indices = @transform_3, window_bounds = array<i64: 512, 512>}]} {
    %get3A = arith.constant 0 : index
    %get3A_0 = arith.constant 0 : index
    %get3A_1 = vector.load %arg1[%get3A, %get3A_0] : memref<512x512xf32, #tpu.memory_space<vmem>>, vector<512x512xf32>
    %get3A_2 = arith.constant 0 : index
    %get3A_3 = arith.constant 0 : index
    %get3A_4 = vector.load %arg2[%get3A_2, %get3A_3] : memref<1x512xf32, #tpu.memory_space<vmem>>, vector<1x512xf32>
    %mul3A = vector.broadcast %get3A_4 : vector<1x512xf32> to vector<512x512xf32>
    %mul3A_5 = arith.mulf %get3A_1, %mul3A : vector<512x512xf32>
    %get3A_6 = arith.constant 0 : index
    %get3A_7 = arith.constant 0 : index
    %get3A_8 = vector.load %arg3[%get3A_6, %get3A_7] : memref<1x512xf32, #tpu.memory_space<vmem>>, vector<1x512xf32>
    %add3A = vector.broadcast %get3A_8 : vector<1x512xf32> to vector<512x512xf32>
    %add3A_9 = arith.addf %mul3A_5, %add3A : vector<512x512xf32>
    %max3A = arith.constant 0.000000e+00 : f32
    %max3A_10 = vector.broadcast %max3A : f32 to vector<512x512xf32>
    %max3A_11 = arith.maximumf %add3A_9, %max3A_10 : vector<512x512xf32>
    %swap3A = arith.constant 0 : index
    %swap3A_12 = arith.constant 0 : index
    %swap3A_13 = vector.load %arg4[%swap3A, %swap3A_12] : memref<512x512xf32, #tpu.memory_space<vmem>>, vector<512x512xf32>
    tpu.vector_store %arg4[%swap3A, %swap3A_12], %max3A_11 {strides = array<i32>} : memref<512x512xf32, #tpu.memory_space<vmem>>, vector<512x512xf32>,
    return
  }
  func.func @transform_0(%arg0: i32) -> (i32, i32) {
    %c0_i32 = arith.constant 0 : i32
    %c0_i32_0 = arith.constant 0 : i32
    return %arg0, %c0_i32 : i32, i32
  }
  func.func @transform_1(%arg0: i32) -> (i32, i32) {
    %c0_i32 = arith.constant 0 : i32
    %c0_i32_0 = arith.constant 0 : i32
    %c0_i32_1 = arith.constant 0 : i32
    return %c0_i32, %c0_i32_0 : i32, i32
  }
  func.func @transform_2(%arg0: i32) -> (i32, i32) {
    %c0_i32 = arith.constant 0 : i32
    %c0_i32_0 = arith.constant 0 : i32
    %c0_i32_1 = arith.constant 0 : i32
    return %c0_i32, %c0_i32_0 : i32, i32
  }
  func.func @transform_3(%arg0: i32) -> (i32, i32) {
    %c0_i32 = arith.constant 0 : i32
    %c0_i32_0 = arith.constant 0 : i32
    return %arg0, %c0_i32 : i32, i32
  }
}

module attributes {stable_mosaic.version = 14 : i64} {
  func.func @_lambda_(%arg0: i32, %arg1: i32, %arg2: memref<1x32x3xf32, #tpu.memory_space<vmem>>, %arg3: memref<1x3x128xf32, #tpu.memory_space<vmem>>, %arg4: memref<1x32x24xi32, #tpu.memory_space<vmem>>) attributes {dimension_semantics = [#tpu.dimension_semantics<arbitrary>, #tpu.dimension_semantics<arbitrary>], iteration_bounds = array<i64: 16, 1>, scalar_prefetch = 0 : i64, scratch_operands = 0 : i64, tpu.core_type = #tpu.core_type<tc>, window_params = [{transform_indices = @transform_0, window_bounds = array<i64: 1, 32, 3>}, {transform_indices = @transform_1, window_bounds = array<i64: 1, 3, 128>}, {transform_indices = @transform_2, window_bounds = array<i64: 1, 32, 24>}]} {
    %get3A = arith.constant 0 : index
    %get3A_0 = arith.constant 0 : index
    %get3A_1 = arith.constant 0 : index
    %get3A_2 = vector.load %arg2[%get3A, %get3A_0, %get3A_1] : memref<1x32x3xf32, #tpu.memory_space<vmem>>, vector<1x32x3xf32>
    %get3A_3 = vector.shape_cast %get3A_2 : vector<1x32x3xf32> to vector<32x3xf32>
    %slice3A = vector.extract_strided_slice %get3A_3 {offsets = [0, 0], sizes = [32, 1], strides = [1, 1]} : vector<32x3xf32> to vector<32x1xf32>
    %get3A_4 = arith.constant 0 : index
    %get3A_5 = arith.constant 0 : index
    %get3A_6 = arith.constant 0 : index
    %get3A_7 = vector.load %arg3[%get3A_4, %get3A_5, %get3A_6] : memref<1x3x128xf32, #tpu.memory_space<vmem>>, vector<1x1x128xf32>
    %get3A_8 = vector.shape_cast %get3A_7 : vector<1x1x128xf32> to vector<1x128xf32>
    %sub3A = vector.broadcast %slice3A : vector<32x1xf32> to vector<32x128xf32>
    %sub3A_9 = vector.broadcast %get3A_8 : vector<1x128xf32> to vector<32x128xf32>
    %sub3A_10 = arith.subf %sub3A, %sub3A_9 : vector<32x128xf32>
    %slice3A_11 = vector.extract_strided_slice %get3A_3 {offsets = [0, 1], sizes = [32, 1], strides = [1, 1]} : vector<32x3xf32> to vector<32x1xf32>
    %get3A_12 = arith.constant 0 : index
    %get3A_13 = arith.constant 1 : index
    %get3A_14 = arith.constant 0 : index
    %get3A_15 = vector.load %arg3[%get3A_12, %get3A_13, %get3A_14] : memref<1x3x128xf32, #tpu.memory_space<vmem>>, vector<1x1x128xf32>
    %get3A_16 = vector.shape_cast %get3A_15 : vector<1x1x128xf32> to vector<1x128xf32>
    %sub3A_17 = vector.broadcast %slice3A_11 : vector<32x1xf32> to vector<32x128xf32>
    %sub3A_18 = vector.broadcast %get3A_16 : vector<1x128xf32> to vector<32x128xf32>
    %sub3A_19 = arith.subf %sub3A_17, %sub3A_18 : vector<32x128xf32>
    %slice3A_20 = vector.extract_strided_slice %get3A_3 {offsets = [0, 2], sizes = [32, 1], strides = [1, 1]} : vector<32x3xf32> to vector<32x1xf32>
    %get3A_21 = arith.constant 0 : index
    %get3A_22 = arith.constant 2 : index
    %get3A_23 = arith.constant 0 : index
    %get3A_24 = vector.load %arg3[%get3A_21, %get3A_22, %get3A_23] : memref<1x3x128xf32, #tpu.memory_space<vmem>>, vector<1x1x128xf32>
    %get3A_25 = vector.shape_cast %get3A_24 : vector<1x1x128xf32> to vector<1x128xf32>
    %sub3A_26 = vector.broadcast %slice3A_20 : vector<32x1xf32> to vector<32x128xf32>
    %sub3A_27 = vector.broadcast %get3A_25 : vector<1x128xf32> to vector<32x128xf32>
    %sub3A_28 = arith.subf %sub3A_26, %sub3A_27 : vector<32x128xf32>
    %mul3A = arith.mulf %sub3A_10, %sub3A_10 : vector<32x128xf32>
    %mul3A_29 = arith.mulf %sub3A_19, %sub3A_19 : vector<32x128xf32>
    %add3A = arith.addf %mul3A, %mul3A_29 : vector<32x128xf32>
    %mul3A_30 = arith.mulf %sub3A_28, %sub3A_28 : vector<32x128xf32>
    %add3A_31 = arith.addf %add3A, %mul3A_30 : vector<32x128xf32>
    %iota3A = tpu.iota {dimensions = array<i32: 1>} : vector<32x128xi32>
    %iota3A_32 = tpu.iota {dimensions = array<i32: 1>} : vector<32x24xi32>
    %gt3A = arith.constant 1.600000e-01 : f32
    %gt3A_33 = vector.broadcast %gt3A : f32 to vector<32x128xf32>
    %gt3A_34 = arith.cmpf ogt, %add3A_31, %gt3A_33 : vector<32x128xf32>
    %jit3A = arith.constant 128 : i32
    %broadcast_in_dim3A = vector.broadcast %jit3A : i32 to vector<32x128xi32>
    %select_n3A = arith.select %gt3A_34, %broadcast_in_dim3A, %iota3A : vector<32x128xi1>, vector<32x128xi32>
    %iota3A_35 = tpu.iota {dimensions = array<i32: 0>} : vector<32x24xi32>
    %iota3A_36 = tpu.iota {dimensions = array<i32: 1>} : vector<32x24xi32>
    %add3A_37 = arith.addi %iota3A_35, %iota3A_36 : vector<32x24xi32>
    %min3A = arith.constant 0 : i32
    %min3A_38 = vector.broadcast %min3A : i32 to vector<32x24xi32>
    %min3A_39 = arith.minsi %add3A_37, %min3A_38 : vector<32x24xi32>
    %scan3A = arith.constant 0 : i32
    %scan3A_40 = arith.constant 24 : i32
    %scan3A_41 = arith.addi %scan3A, %scan3A_40 : i32
    %scan3A_42 = arith.constant 1 : i32
    %scan3A_43:2 = scf.for %scan3A_56 = %scan3A to %scan3A_41 step %scan3A_42 iter_args(%scan3A_57 = %select_n3A, %scan3A_58 = %min3A_39) -> (vector<32x128xi32>, vector<32x24xi32>)  : i32 {
      %reduce_min3A = arith.constant dense<2147483647> : vector<32xi32>
      %reduce_min3A_59 = vector.multi_reduction <minsi>, %scan3A_57, %reduce_min3A [1] : vector<32x128xi32> to vector<32xi32>
      %broadcast_in_dim3A_60 = vector.shape_cast %reduce_min3A_59 : vector<32xi32> to vector<32x1xi32>
      %eq3A_61 = vector.broadcast %scan3A_56 : i32 to vector<32x24xi32>
      %eq3A_62 = arith.cmpi eq, %iota3A_32, %eq3A_61 : vector<32x24xi32>
      %broadcast_in_dim3A_63 = vector.shape_cast %broadcast_in_dim3A_60 : vector<32x1xi32> to vector<32x1xi32>
      %broadcast_in_dim3A_64 = vector.broadcast %broadcast_in_dim3A_63 : vector<32x1xi32> to vector<32x24xi32>
      %select_n3A_65 = arith.select %eq3A_62, %broadcast_in_dim3A_64, %scan3A_58 : vector<32x24xi1>, vector<32x24xi32>
      %broadcast_in_dim3A_66 = vector.shape_cast %broadcast_in_dim3A_60 : vector<32x1xi32> to vector<32x1xi32>
      %broadcast_in_dim3A_67 = vector.broadcast %broadcast_in_dim3A_66 : vector<32x1xi32> to vector<32x128xi32>
      %eq3A_68 = arith.cmpi eq, %broadcast_in_dim3A_67, %iota3A : vector<32x128xi32>
      %jit3A_69 = arith.constant 128 : i32
      %broadcast_in_dim3A_70 = vector.broadcast %jit3A_69 : i32 to vector<32x128xi32>
      %select_n3A_71 = arith.select %eq3A_68, %broadcast_in_dim3A_70, %scan3A_57 : vector<32x128xi1>, vector<32x128xi32>
      scf.yield %select_n3A_71, %select_n3A_65 : vector<32x128xi32>, vector<32x24xi32>
    }
    %scan3A_44 = arith.constant 24 : i32
    %slice3A_45 = vector.extract_strided_slice %scan3A_43#1 {offsets = [0, 0], sizes = [32, 1], strides = [1, 1]} : vector<32x24xi32> to vector<32x1xi32>
    %broadcast_in_dim3A_46 = vector.shape_cast %slice3A_45 : vector<32x1xi32> to vector<32x1xi32>
    %broadcast_in_dim3A_47 = vector.broadcast %broadcast_in_dim3A_46 : vector<32x1xi32> to vector<32x24xi32>
    %eq3A = arith.constant 128 : i32
    %eq3A_48 = vector.broadcast %eq3A : i32 to vector<32x24xi32>
    %eq3A_49 = arith.cmpi eq, %scan3A_43#1, %eq3A_48 : vector<32x24xi32>
    %select_n3A_50 = arith.select %eq3A_49, %broadcast_in_dim3A_47, %scan3A_43#1 : vector<32x24xi1>, vector<32x24xi32>
    %swap3A = arith.constant 0 : index
    %swap3A_51 = arith.constant 0 : index
    %swap3A_52 = arith.constant 0 : index
    %swap3A_53 = vector.load %arg4[%swap3A, %swap3A_51, %swap3A_52] : memref<1x32x24xi32, #tpu.memory_space<vmem>>, vector<1x32x24xi32>
    %swap3A_54 = vector.shape_cast %swap3A_53 : vector<1x32x24xi32> to vector<32x24xi32>
    %swap3A_55 = vector.shape_cast %select_n3A_50 : vector<32x24xi32> to vector<1x32x24xi32>
    tpu.vector_store %arg4[%swap3A, %swap3A_51, %swap3A_52], %swap3A_55 {strides = array<i32>} : memref<1x32x24xi32, #tpu.memory_space<vmem>>, vector<1x32x24xi32>,
    return
  }
  func.func @transform_0(%arg0: i32, %arg1: i32) -> (i32, i32, i32) {
    %c0_i32 = arith.constant 0 : i32
    %c0_i32_0 = arith.constant 0 : i32
    return %arg0, %arg1, %c0_i32 : i32, i32, i32
  }
  func.func @transform_1(%arg0: i32, %arg1: i32) -> (i32, i32, i32) {
    %c0_i32 = arith.constant 0 : i32
    %c0_i32_0 = arith.constant 0 : i32
    %c0_i32_1 = arith.constant 0 : i32
    return %arg0, %c0_i32, %c0_i32_0 : i32, i32, i32
  }
  func.func @transform_2(%arg0: i32, %arg1: i32) -> (i32, i32, i32) {
    %c0_i32 = arith.constant 0 : i32
    %c0_i32_0 = arith.constant 0 : i32
    return %arg0, %arg1, %c0_i32 : i32, i32, i32
  }
}

module attributes {stable_mosaic.version = 14 : i64} {
  func.func @_l0_stats_body(%arg0: i32, %arg1: memref<256x3xf32, #tpu.memory_space<vmem>>, %arg2: memref<256x522xf32, #tpu.memory_space<vmem>>, %arg3: memref<3x512xf32, #tpu.memory_space<vmem>>, %arg4: memref<1x512xf32, #tpu.memory_space<vmem>>, %arg5: memref<522x512xf32, #tpu.memory_space<vmem>>, %arg6: memref<1x512xf32, #tpu.memory_space<vmem>>, %arg7: memref<8x512xf32, #tpu.memory_space<vmem>>, %arg8: memref<8x512xf32, #tpu.memory_space<vmem>>) attributes {dimension_semantics = [#tpu.dimension_semantics<arbitrary>], iteration_bounds = array<i64: 48>, scalar_prefetch = 0 : i64, scratch_operands = 0 : i64, tpu.core_type = #tpu.core_type<tc>, window_params = [{transform_indices = @transform_0, window_bounds = array<i64: 256, 3>}, {transform_indices = @transform_1, window_bounds = array<i64: 256, 522>}, {pipeline_mode = #tpu.pipeline_mode<synchronous>, transform_indices = @transform_2, window_bounds = array<i64: 3, 512>}, {pipeline_mode = #tpu.pipeline_mode<synchronous>, transform_indices = @transform_3, window_bounds = array<i64: 1, 512>}, {pipeline_mode = #tpu.pipeline_mode<synchronous>, transform_indices = @transform_4, window_bounds = array<i64: 522, 512>}, {pipeline_mode = #tpu.pipeline_mode<synchronous>, transform_indices = @transform_5, window_bounds = array<i64: 1, 512>}, {pipeline_mode = #tpu.pipeline_mode<synchronous>, transform_indices = @transform_6, window_bounds = array<i64: 8, 512>}, {pipeline_mode = #tpu.pipeline_mode<synchronous>, transform_indices = @transform_7, window_bounds = array<i64: 8, 512>}]} {
    %get3A = arith.constant 0 : index
    %get3A_0 = arith.constant 0 : index
    %get3A_1 = vector.load %arg1[%get3A, %get3A_0] : memref<256x3xf32, #tpu.memory_space<vmem>>, vector<256x3xf32>
    %get3A_2 = arith.constant 0 : index
    %get3A_3 = arith.constant 0 : index
    %get3A_4 = vector.load %arg3[%get3A_2, %get3A_3] : memref<3x512xf32, #tpu.memory_space<vmem>>, vector<3x512xf32>
    %dot_general3A = arith.constant dense<0.000000e+00> : vector<256x512xf32>
    %dot_general3A_5 = tpu.matmul %get3A_1, %get3A_4, %dot_general3A {dimension_numbers = #tpu.dot_dimension_numbers<[1], [0], [0], [1], [0, 0, 1, 1], [], []>, transpose_lhs_hint = false} : vector<256x3xf32>, vector<3x512xf32>, vector<256x512xf32> -> vector<256x512xf32>
    %get3A_6 = arith.constant 0 : index
    %get3A_7 = arith.constant 0 : index
    %get3A_8 = vector.load %arg4[%get3A_6, %get3A_7] : memref<1x512xf32, #tpu.memory_space<vmem>>, vector<1x512xf32>
    %add3A = vector.broadcast %get3A_8 : vector<1x512xf32> to vector<256x512xf32>
    %add3A_9 = arith.addf %dot_general3A_5, %add3A : vector<256x512xf32>
    %reduce_sum3A = arith.constant dense<0.000000e+00> : vector<512xf32>
    %reduce_sum3A_10 = vector.multi_reduction <add>, %add3A_9, %reduce_sum3A [0] : vector<256x512xf32> to vector<512xf32>
    %broadcast_in_dim3A = vector.shape_cast %reduce_sum3A_10 : vector<512xf32> to vector<1x512xf32>
    %mul3A = arith.mulf %add3A_9, %add3A_9 : vector<256x512xf32>
    %reduce_sum3A_11 = arith.constant dense<0.000000e+00> : vector<512xf32>
    %reduce_sum3A_12 = vector.multi_reduction <add>, %mul3A, %reduce_sum3A_11 [0] : vector<256x512xf32> to vector<512xf32>
    %broadcast_in_dim3A_13 = vector.shape_cast %reduce_sum3A_12 : vector<512xf32> to vector<1x512xf32>
    %broadcast_in_dim3A_14 = arith.constant 0.000000e+00 : f32
    %broadcast_in_dim3A_15 = vector.broadcast %broadcast_in_dim3A_14 : f32 to vector<6x512xf32>
    %concatenate3A = tpu.concatenate %broadcast_in_dim3A, %broadcast_in_dim3A_13, %broadcast_in_dim3A_15 in 0 : vector<1x512xf32>, vector<1x512xf32>, vector<6x512xf32> -> vector<8x512xf32>
    %eq3A = arith.constant 0 : i32
    %eq3A_16 = arith.cmpi eq, %arg0, %eq3A : i32
    %convert_element_type3A = arith.extui %eq3A_16 : i1 to i32
    %cond3A = arith.constant 0 : i32
    %cond3A_17 = arith.cmpi ne, %convert_element_type3A, %cond3A : i32
    scf.if %cond3A_17 {
      %broadcast_in_dim3A_59 = arith.constant 0.000000e+00 : f32
      %broadcast_in_dim3A_60 = vector.broadcast %broadcast_in_dim3A_59 : f32 to vector<8x512xf32>
      %swap3A_61 = arith.constant 0 : index
      %swap3A_62 = arith.constant 0 : index
      %swap3A_63 = vector.load %arg7[%swap3A_61, %swap3A_62] : memref<8x512xf32, #tpu.memory_space<vmem>>, vector<8x512xf32>
      tpu.vector_store %arg7[%swap3A_61, %swap3A_62], %broadcast_in_dim3A_60 {strides = array<i32>} : memref<8x512xf32, #tpu.memory_space<vmem>>, vector<8x512xf32>,
    } else {
    }
    %get3A_18 = arith.constant 0 : index
    %get3A_19 = arith.constant 0 : index
    %get3A_20 = vector.load %arg7[%get3A_18, %get3A_19] : memref<8x512xf32, #tpu.memory_space<vmem>>, vector<8x512xf32>
    %add3A_21 = arith.addf %get3A_20, %concatenate3A : vector<8x512xf32>
    %swap3A = arith.constant 0 : index
    %swap3A_22 = arith.constant 0 : index
    %swap3A_23 = vector.load %arg7[%swap3A, %swap3A_22] : memref<8x512xf32, #tpu.memory_space<vmem>>, vector<8x512xf32>
    tpu.vector_store %arg7[%swap3A, %swap3A_22], %add3A_21 {strides = array<i32>} : memref<8x512xf32, #tpu.memory_space<vmem>>, vector<8x512xf32>,
    %get3A_24 = arith.constant 0 : index
    %get3A_25 = arith.constant 0 : index
    %get3A_26 = vector.load %arg2[%get3A_24, %get3A_25] : memref<256x522xf32, #tpu.memory_space<vmem>>, vector<256x522xf32>
    %get3A_27 = arith.constant 0 : index
    %get3A_28 = arith.constant 0 : index
    %get3A_29 = vector.load %arg5[%get3A_27, %get3A_28] : memref<522x512xf32, #tpu.memory_space<vmem>>, vector<522x512xf32>
    %dot_general3A_30 = arith.constant dense<0.000000e+00> : vector<256x512xf32>
    %dot_general3A_31 = tpu.matmul %get3A_26, %get3A_29, %dot_general3A_30 {dimension_numbers = #tpu.dot_dimension_numbers<[1], [0], [0], [1], [0, 0, 1, 1], [], []>, transpose_lhs_hint = false} : vector<256x522xf32>, vector<522x512xf32>, vector<256x512xf32> -> vector<256x512xf32>
    %get3A_32 = arith.constant 0 : index
    %get3A_33 = arith.constant 0 : index
    %get3A_34 = vector.load %arg6[%get3A_32, %get3A_33] : memref<1x512xf32, #tpu.memory_space<vmem>>, vector<1x512xf32>
    %add3A_35 = vector.broadcast %get3A_34 : vector<1x512xf32> to vector<256x512xf32>
    %add3A_36 = arith.addf %dot_general3A_31, %add3A_35 : vector<256x512xf32>
    %reduce_sum3A_37 = arith.constant dense<0.000000e+00> : vector<512xf32>
    %reduce_sum3A_38 = vector.multi_reduction <add>, %add3A_36, %reduce_sum3A_37 [0] : vector<256x512xf32> to vector<512xf32>
    %broadcast_in_dim3A_39 = vector.shape_cast %reduce_sum3A_38 : vector<512xf32> to vector<1x512xf32>
    %mul3A_40 = arith.mulf %add3A_36, %add3A_36 : vector<256x512xf32>
    %reduce_sum3A_41 = arith.constant dense<0.000000e+00> : vector<512xf32>
    %reduce_sum3A_42 = vector.multi_reduction <add>, %mul3A_40, %reduce_sum3A_41 [0] : vector<256x512xf32> to vector<512xf32>
    %broadcast_in_dim3A_43 = vector.shape_cast %reduce_sum3A_42 : vector<512xf32> to vector<1x512xf32>
    %broadcast_in_dim3A_44 = arith.constant 0.000000e+00 : f32
    %broadcast_in_dim3A_45 = vector.broadcast %broadcast_in_dim3A_44 : f32 to vector<6x512xf32>
    %concatenate3A_46 = tpu.concatenate %broadcast_in_dim3A_39, %broadcast_in_dim3A_43, %broadcast_in_dim3A_45 in 0 : vector<1x512xf32>, vector<1x512xf32>, vector<6x512xf32> -> vector<8x512xf32>
    %eq3A_47 = arith.constant 0 : i32
    %eq3A_48 = arith.cmpi eq, %arg0, %eq3A_47 : i32
    %convert_element_type3A_49 = arith.extui %eq3A_48 : i1 to i32
    %cond3A_50 = arith.constant 0 : i32
    %cond3A_51 = arith.cmpi ne, %convert_element_type3A_49, %cond3A_50 : i32
    scf.if %cond3A_51 {
      %broadcast_in_dim3A_59 = arith.constant 0.000000e+00 : f32
      %broadcast_in_dim3A_60 = vector.broadcast %broadcast_in_dim3A_59 : f32 to vector<8x512xf32>
      %swap3A_61 = arith.constant 0 : index
      %swap3A_62 = arith.constant 0 : index
      %swap3A_63 = vector.load %arg8[%swap3A_61, %swap3A_62] : memref<8x512xf32, #tpu.memory_space<vmem>>, vector<8x512xf32>
      tpu.vector_store %arg8[%swap3A_61, %swap3A_62], %broadcast_in_dim3A_60 {strides = array<i32>} : memref<8x512xf32, #tpu.memory_space<vmem>>, vector<8x512xf32>,
    } else {
    }
    %get3A_52 = arith.constant 0 : index
    %get3A_53 = arith.constant 0 : index
    %get3A_54 = vector.load %arg8[%get3A_52, %get3A_53] : memref<8x512xf32, #tpu.memory_space<vmem>>, vector<8x512xf32>
    %add3A_55 = arith.addf %get3A_54, %concatenate3A_46 : vector<8x512xf32>
    %swap3A_56 = arith.constant 0 : index
    %swap3A_57 = arith.constant 0 : index
    %swap3A_58 = vector.load %arg8[%swap3A_56, %swap3A_57] : memref<8x512xf32, #tpu.memory_space<vmem>>, vector<8x512xf32>
    tpu.vector_store %arg8[%swap3A_56, %swap3A_57], %add3A_55 {strides = array<i32>} : memref<8x512xf32, #tpu.memory_space<vmem>>, vector<8x512xf32>,
    return
  }
  func.func @transform_0(%arg0: i32) -> (i32, i32) {
    %c0_i32 = arith.constant 0 : i32
    %c0_i32_0 = arith.constant 0 : i32
    return %arg0, %c0_i32 : i32, i32
  }
  func.func @transform_1(%arg0: i32) -> (i32, i32) {
    %c0_i32 = arith.constant 0 : i32
    %c0_i32_0 = arith.constant 0 : i32
    return %arg0, %c0_i32 : i32, i32
  }
  func.func @transform_2(%arg0: i32) -> (i32, i32) {
    %c0_i32 = arith.constant 0 : i32
    %c0_i32_0 = arith.constant 0 : i32
    %c0_i32_1 = arith.constant 0 : i32
    return %c0_i32, %c0_i32_0 : i32, i32
  }
  func.func @transform_3(%arg0: i32) -> (i32, i32) {
    %c0_i32 = arith.constant 0 : i32
    %c0_i32_0 = arith.constant 0 : i32
    %c0_i32_1 = arith.constant 0 : i32
    return %c0_i32, %c0_i32_0 : i32, i32
  }
  func.func @transform_4(%arg0: i32) -> (i32, i32) {
    %c0_i32 = arith.constant 0 : i32
    %c0_i32_0 = arith.constant 0 : i32
    %c0_i32_1 = arith.constant 0 : i32
    return %c0_i32, %c0_i32_0 : i32, i32
  }
  func.func @transform_5(%arg0: i32) -> (i32, i32) {
    %c0_i32 = arith.constant 0 : i32
    %c0_i32_0 = arith.constant 0 : i32
    %c0_i32_1 = arith.constant 0 : i32
    return %c0_i32, %c0_i32_0 : i32, i32
  }
  func.func @transform_6(%arg0: i32) -> (i32, i32) {
    %c0_i32 = arith.constant 0 : i32
    %c0_i32_0 = arith.constant 0 : i32
    %c0_i32_1 = arith.constant 0 : i32
    return %c0_i32, %c0_i32_0 : i32, i32
  }
  func.func @transform_7(%arg0: i32) -> (i32, i32) {
    %c0_i32 = arith.constant 0 : i32
    %c0_i32_0 = arith.constant 0 : i32
    %c0_i32_1 = arith.constant 0 : i32
    return %c0_i32, %c0_i32_0 : i32, i32
  }
}

module attributes {stable_mosaic.version = 14 : i64} {
  func.func @_l0_mm2_body(%arg0: i32, %arg1: memref<256x3xf32, #tpu.memory_space<vmem>>, %arg2: memref<256x522xf32, #tpu.memory_space<vmem>>, %arg3: memref<3x512xf32, #tpu.memory_space<vmem>>, %arg4: memref<1x512xf32, #tpu.memory_space<vmem>>, %arg5: memref<522x512xf32, #tpu.memory_space<vmem>>, %arg6: memref<1x512xf32, #tpu.memory_space<vmem>>, %arg7: memref<1x512xf32, #tpu.memory_space<vmem>>, %arg8: memref<1x512xf32, #tpu.memory_space<vmem>>, %arg9: memref<1x512xf32, #tpu.memory_space<vmem>>, %arg10: memref<1x512xf32, #tpu.memory_space<vmem>>, %arg11: memref<512x512xf32, #tpu.memory_space<vmem>>, %arg12: memref<1x512xf32, #tpu.memory_space<vmem>>, %arg13: memref<256x512xf32, #tpu.memory_space<vmem>>, %arg14: memref<8x512xf32, #tpu.memory_space<vmem>>) attributes {dimension_semantics = [#tpu.dimension_semantics<arbitrary>], iteration_bounds = array<i64: 48>, scalar_prefetch = 0 : i64, scratch_operands = 0 : i64, tpu.core_type = #tpu.core_type<tc>, window_params = [{transform_indices = @transform_0, window_bounds = array<i64: 256, 3>}, {transform_indices = @transform_1, window_bounds = array<i64: 256, 522>}, {pipeline_mode = #tpu.pipeline_mode<synchronous>, transform_indices = @transform_2, window_bounds = array<i64: 3, 512>}, {pipeline_mode = #tpu.pipeline_mode<synchronous>, transform_indices = @transform_3, window_bounds = array<i64: 1, 512>}, {pipeline_mode = #tpu.pipeline_mode<synchronous>, transform_indices = @transform_4, window_bounds = array<i64: 522, 512>}, {pipeline_mode = #tpu.pipeline_mode<synchronous>, transform_indices = @transform_5, window_bounds = array<i64: 1, 512>}, {pipeline_mode = #tpu.pipeline_mode<synchronous>, transform_indices = @transform_6, window_bounds = array<i64: 1, 512>}, {pipeline_mode = #tpu.pipeline_mode<synchronous>, transform_indices = @transform_7, window_bounds = array<i64: 1, 512>}, {pipeline_mode = #tpu.pipeline_mode<synchronous>, transform_indices = @transform_8, window_bounds = array<i64: 1, 512>}, {pipeline_mode = #tpu.pipeline_mode<synchronous>, transform_indices = @transform_9, window_bounds = array<i64: 1, 512>}, {pipeline_mode = #tpu.pipeline_mode<synchronous>, transform_indices = @transform_10, window_bounds = array<i64: 512, 512>}, {pipeline_mode = #tpu.pipeline_mode<synchronous>, transform_indices = @transform_11, window_bounds = array<i64: 1, 512>}, {transform_indices = @transform_12, window_bounds = array<i64: 256, 512>}, {pipeline_mode = #tpu.pipeline_mode<synchronous>, transform_indices = @transform_13, window_bounds = array<i64: 8, 512>}]} {
    %get3A = arith.constant 0 : index
    %get3A_0 = arith.constant 0 : index
    %get3A_1 = vector.load %arg1[%get3A, %get3A_0] : memref<256x3xf32, #tpu.memory_space<vmem>>, vector<256x3xf32>
    %get3A_2 = arith.constant 0 : index
    %get3A_3 = arith.constant 0 : index
    %get3A_4 = vector.load %arg3[%get3A_2, %get3A_3] : memref<3x512xf32, #tpu.memory_space<vmem>>, vector<3x512xf32>
    %dot_general3A = arith.constant dense<0.000000e+00> : vector<256x512xf32>
    %dot_general3A_5 = tpu.matmul %get3A_1, %get3A_4, %dot_general3A {dimension_numbers = #tpu.dot_dimension_numbers<[1], [0], [0], [1], [0, 0, 1, 1], [], []>, transpose_lhs_hint = false} : vector<256x3xf32>, vector<3x512xf32>, vector<256x512xf32> -> vector<256x512xf32>
    %get3A_6 = arith.constant 0 : index
    %get3A_7 = arith.constant 0 : index
    %get3A_8 = vector.load %arg4[%get3A_6, %get3A_7] : memref<1x512xf32, #tpu.memory_space<vmem>>, vector<1x512xf32>
    %add3A = vector.broadcast %get3A_8 : vector<1x512xf32> to vector<256x512xf32>
    %add3A_9 = arith.addf %dot_general3A_5, %add3A : vector<256x512xf32>
    %get3A_10 = arith.constant 0 : index
    %get3A_11 = arith.constant 0 : index
    %get3A_12 = vector.load %arg2[%get3A_10, %get3A_11] : memref<256x522xf32, #tpu.memory_space<vmem>>, vector<256x522xf32>
    %get3A_13 = arith.constant 0 : index
    %get3A_14 = arith.constant 0 : index
    %get3A_15 = vector.load %arg5[%get3A_13, %get3A_14] : memref<522x512xf32, #tpu.memory_space<vmem>>, vector<522x512xf32>
    %dot_general3A_16 = arith.constant dense<0.000000e+00> : vector<256x512xf32>
    %dot_general3A_17 = tpu.matmul %get3A_12, %get3A_15, %dot_general3A_16 {dimension_numbers = #tpu.dot_dimension_numbers<[1], [0], [0], [1], [0, 0, 1, 1], [], []>, transpose_lhs_hint = false} : vector<256x522xf32>, vector<522x512xf32>, vector<256x512xf32> -> vector<256x512xf32>
    %get3A_18 = arith.constant 0 : index
    %get3A_19 = arith.constant 0 : index
    %get3A_20 = vector.load %arg6[%get3A_18, %get3A_19] : memref<1x512xf32, #tpu.memory_space<vmem>>, vector<1x512xf32>
    %add3A_21 = vector.broadcast %get3A_20 : vector<1x512xf32> to vector<256x512xf32>
    %add3A_22 = arith.addf %dot_general3A_17, %add3A_21 : vector<256x512xf32>
    %get3A_23 = arith.constant 0 : index
    %get3A_24 = arith.constant 0 : index
    %get3A_25 = vector.load %arg7[%get3A_23, %get3A_24] : memref<1x512xf32, #tpu.memory_space<vmem>>, vector<1x512xf32>
    %mul3A = vector.broadcast %get3A_25 : vector<1x512xf32> to vector<256x512xf32>
    %mul3A_26 = arith.mulf %add3A_9, %mul3A : vector<256x512xf32>
    %get3A_27 = arith.constant 0 : index
    %get3A_28 = arith.constant 0 : index
    %get3A_29 = vector.load %arg8[%get3A_27, %get3A_28] : memref<1x512xf32, #tpu.memory_space<vmem>>, vector<1x512xf32>
    %add3A_30 = vector.broadcast %get3A_29 : vector<1x512xf32> to vector<256x512xf32>
    %add3A_31 = arith.addf %mul3A_26, %add3A_30 : vector<256x512xf32>
    %get3A_32 = arith.constant 0 : index
    %get3A_33 = arith.constant 0 : index
    %get3A_34 = vector.load %arg9[%get3A_32, %get3A_33] : memref<1x512xf32, #tpu.memory_space<vmem>>, vector<1x512xf32>
    %mul3A_35 = vector.broadcast %get3A_34 : vector<1x512xf32> to vector<256x512xf32>
    %mul3A_36 = arith.mulf %add3A_22, %mul3A_35 : vector<256x512xf32>
    %add3A_37 = arith.addf %add3A_31, %mul3A_36 : vector<256x512xf32>
    %get3A_38 = arith.constant 0 : index
    %get3A_39 = arith.constant 0 : index
    %get3A_40 = vector.load %arg10[%get3A_38, %get3A_39] : memref<1x512xf32, #tpu.memory_space<vmem>>, vector<1x512xf32>
    %add3A_41 = vector.broadcast %get3A_40 : vector<1x512xf32> to vector<256x512xf32>
    %add3A_42 = arith.addf %add3A_37, %add3A_41 : vector<256x512xf32>
    %max3A = arith.constant 0.000000e+00 : f32
    %max3A_43 = vector.broadcast %max3A : f32 to vector<256x512xf32>
    %max3A_44 = arith.maximumf %add3A_42, %max3A_43 : vector<256x512xf32>
    %get3A_45 = arith.constant 0 : index
    %get3A_46 = arith.constant 0 : index
    %get3A_47 = vector.load %arg11[%get3A_45, %get3A_46] : memref<512x512xf32, #tpu.memory_space<vmem>>, vector<512x512xf32>
    %dot_general3A_48 = arith.constant dense<0.000000e+00> : vector<256x512xf32>
    %dot_general3A_49 = tpu.matmul %max3A_44, %get3A_47, %dot_general3A_48 {dimension_numbers = #tpu.dot_dimension_numbers<[1], [0], [0], [1], [0, 0, 1, 1], [], []>, transpose_lhs_hint = false} : vector<256x512xf32>, vector<512x512xf32>, vector<256x512xf32> -> vector<256x512xf32>
    %get3A_50 = arith.constant 0 : index
    %get3A_51 = arith.constant 0 : index
    %get3A_52 = vector.load %arg12[%get3A_50, %get3A_51] : memref<1x512xf32, #tpu.memory_space<vmem>>, vector<1x512xf32>
    %add3A_53 = vector.broadcast %get3A_52 : vector<1x512xf32> to vector<256x512xf32>
    %add3A_54 = arith.addf %dot_general3A_49, %add3A_53 : vector<256x512xf32>
    %swap3A = arith.constant 0 : index
    %swap3A_55 = arith.constant 0 : index
    %swap3A_56 = vector.load %arg13[%swap3A, %swap3A_55] : memref<256x512xf32, #tpu.memory_space<vmem>>, vector<256x512xf32>
    tpu.vector_store %arg13[%swap3A, %swap3A_55], %add3A_54 {strides = array<i32>} : memref<256x512xf32, #tpu.memory_space<vmem>>, vector<256x512xf32>,
    %reduce_sum3A = arith.constant dense<0.000000e+00> : vector<512xf32>
    %reduce_sum3A_57 = vector.multi_reduction <add>, %add3A_54, %reduce_sum3A [0] : vector<256x512xf32> to vector<512xf32>
    %broadcast_in_dim3A = vector.shape_cast %reduce_sum3A_57 : vector<512xf32> to vector<1x512xf32>
    %mul3A_58 = arith.mulf %add3A_54, %add3A_54 : vector<256x512xf32>
    %reduce_sum3A_59 = arith.constant dense<0.000000e+00> : vector<512xf32>
    %reduce_sum3A_60 = vector.multi_reduction <add>, %mul3A_58, %reduce_sum3A_59 [0] : vector<256x512xf32> to vector<512xf32>
    %broadcast_in_dim3A_61 = vector.shape_cast %reduce_sum3A_60 : vector<512xf32> to vector<1x512xf32>
    %broadcast_in_dim3A_62 = arith.constant 0.000000e+00 : f32
    %broadcast_in_dim3A_63 = vector.broadcast %broadcast_in_dim3A_62 : f32 to vector<6x512xf32>
    %concatenate3A = tpu.concatenate %broadcast_in_dim3A, %broadcast_in_dim3A_61, %broadcast_in_dim3A_63 in 0 : vector<1x512xf32>, vector<1x512xf32>, vector<6x512xf32> -> vector<8x512xf32>
    %eq3A = arith.constant 0 : i32
    %eq3A_64 = arith.cmpi eq, %arg0, %eq3A : i32
    %convert_element_type3A = arith.extui %eq3A_64 : i1 to i32
    %cond3A = arith.constant 0 : i32
    %cond3A_65 = arith.cmpi ne, %convert_element_type3A, %cond3A : i32
    scf.if %cond3A_65 {
      %broadcast_in_dim3A_73 = arith.constant 0.000000e+00 : f32
      %broadcast_in_dim3A_74 = vector.broadcast %broadcast_in_dim3A_73 : f32 to vector<8x512xf32>
      %swap3A_75 = arith.constant 0 : index
      %swap3A_76 = arith.constant 0 : index
      %swap3A_77 = vector.load %arg14[%swap3A_75, %swap3A_76] : memref<8x512xf32, #tpu.memory_space<vmem>>, vector<8x512xf32>
      tpu.vector_store %arg14[%swap3A_75, %swap3A_76], %broadcast_in_dim3A_74 {strides = array<i32>} : memref<8x512xf32, #tpu.memory_space<vmem>>, vector<8x512xf32>,
    } else {
    }
    %get3A_66 = arith.constant 0 : index
    %get3A_67 = arith.constant 0 : index
    %get3A_68 = vector.load %arg14[%get3A_66, %get3A_67] : memref<8x512xf32, #tpu.memory_space<vmem>>, vector<8x512xf32>
    %add3A_69 = arith.addf %get3A_68, %concatenate3A : vector<8x512xf32>
    %swap3A_70 = arith.constant 0 : index
    %swap3A_71 = arith.constant 0 : index
    %swap3A_72 = vector.load %arg14[%swap3A_70, %swap3A_71] : memref<8x512xf32, #tpu.memory_space<vmem>>, vector<8x512xf32>
    tpu.vector_store %arg14[%swap3A_70, %swap3A_71], %add3A_69 {strides = array<i32>} : memref<8x512xf32, #tpu.memory_space<vmem>>, vector<8x512xf32>,
    return
  }
  func.func @transform_0(%arg0: i32) -> (i32, i32) {
    %c0_i32 = arith.constant 0 : i32
    %c0_i32_0 = arith.constant 0 : i32
    return %arg0, %c0_i32 : i32, i32
  }
  func.func @transform_1(%arg0: i32) -> (i32, i32) {
    %c0_i32 = arith.constant 0 : i32
    %c0_i32_0 = arith.constant 0 : i32
    return %arg0, %c0_i32 : i32, i32
  }
  func.func @transform_2(%arg0: i32) -> (i32, i32) {
    %c0_i32 = arith.constant 0 : i32
    %c0_i32_0 = arith.constant 0 : i32
    %c0_i32_1 = arith.constant 0 : i32
    return %c0_i32, %c0_i32_0 : i32, i32
  }
  func.func @transform_3(%arg0: i32) -> (i32, i32) {
    %c0_i32 = arith.constant 0 : i32
    %c0_i32_0 = arith.constant 0 : i32
    %c0_i32_1 = arith.constant 0 : i32
    return %c0_i32, %c0_i32_0 : i32, i32
  }
  func.func @transform_4(%arg0: i32) -> (i32, i32) {
    %c0_i32 = arith.constant 0 : i32
    %c0_i32_0 = arith.constant 0 : i32
    %c0_i32_1 = arith.constant 0 : i32
    return %c0_i32, %c0_i32_0 : i32, i32
  }
  func.func @transform_5(%arg0: i32) -> (i32, i32) {
    %c0_i32 = arith.constant 0 : i32
    %c0_i32_0 = arith.constant 0 : i32
    %c0_i32_1 = arith.constant 0 : i32
    return %c0_i32, %c0_i32_0 : i32, i32
  }
  func.func @transform_6(%arg0: i32) -> (i32, i32) {
    %c0_i32 = arith.constant 0 : i32
    %c0_i32_0 = arith.constant 0 : i32
    %c0_i32_1 = arith.constant 0 : i32
    return %c0_i32, %c0_i32_0 : i32, i32
  }
  func.func @transform_7(%arg0: i32) -> (i32, i32) {
    %c0_i32 = arith.constant 0 : i32
    %c0_i32_0 = arith.constant 0 : i32
    %c0_i32_1 = arith.constant 0 : i32
    return %c0_i32, %c0_i32_0 : i32, i32
  }
  func.func @transform_8(%arg0: i32) -> (i32, i32) {
    %c0_i32 = arith.constant 0 : i32
    %c0_i32_0 = arith.constant 0 : i32
    %c0_i32_1 = arith.constant 0 : i32
    return %c0_i32, %c0_i32_0 : i32, i32
  }
  func.func @transform_9(%arg0: i32) -> (i32, i32) {
    %c0_i32 = arith.constant 0 : i32
    %c0_i32_0 = arith.constant 0 : i32
    %c0_i32_1 = arith.constant 0 : i32
    return %c0_i32, %c0_i32_0 : i32, i32
  }
  func.func @transform_10(%arg0: i32) -> (i32, i32) {
    %c0_i32 = arith.constant 0 : i32
    %c0_i32_0 = arith.constant 0 : i32
    %c0_i32_1 = arith.constant 0 : i32
    return %c0_i32, %c0_i32_0 : i32, i32
  }
  func.func @transform_11(%arg0: i32) -> (i32, i32) {
    %c0_i32 = arith.constant 0 : i32
    %c0_i32_0 = arith.constant 0 : i32
    %c0_i32_1 = arith.constant 0 : i32
    return %c0_i32, %c0_i32_0 : i32, i32
  }
  func.func @transform_12(%arg0: i32) -> (i32, i32) {
    %c0_i32 = arith.constant 0 : i32
    %c0_i32_0 = arith.constant 0 : i32
    return %arg0, %c0_i32 : i32, i32
  }
  func.func @transform_13(%arg0: i32) -> (i32, i32) {
    %c0_i32 = arith.constant 0 : i32
    %c0_i32_0 = arith.constant 0 : i32
    %c0_i32_1 = arith.constant 0 : i32
    return %c0_i32, %c0_i32_0 : i32, i32
  }
}

module attributes {stable_mosaic.version = 14 : i64} {
  func.func @_lambda_(%arg0: i32, %arg1: memref<192x512xf32, #tpu.memory_space<vmem>>, %arg2: memref<1x512xf32, #tpu.memory_space<vmem>>, %arg3: memref<1x512xf32, #tpu.memory_space<vmem>>, %arg4: memref<512x1024xf32, #tpu.memory_space<vmem>>, %arg5: memref<1x1024xf32, #tpu.memory_space<vmem>>, %arg6: memref<8x1024xf32, #tpu.memory_space<vmem>>, %arg7: memref<8x1024xf32, #tpu.memory_space<vmem>>) attributes {dimension_semantics = [#tpu.dimension_semantics<arbitrary>], iteration_bounds = array<i64: 64>, scalar_prefetch = 0 : i64, scratch_operands = 0 : i64, tpu.core_type = #tpu.core_type<tc>, window_params = [{transform_indices = @transform_0, window_bounds = array<i64: 192, 512>}, {pipeline_mode = #tpu.pipeline_mode<synchronous>, transform_indices = @transform_1, window_bounds = array<i64: 1, 512>}, {pipeline_mode = #tpu.pipeline_mode<synchronous>, transform_indices = @transform_2, window_bounds = array<i64: 1, 512>}, {pipeline_mode = #tpu.pipeline_mode<synchronous>, transform_indices = @transform_3, window_bounds = array<i64: 512, 1024>}, {pipeline_mode = #tpu.pipeline_mode<synchronous>, transform_indices = @transform_4, window_bounds = array<i64: 1, 1024>}, {transform_indices = @transform_5, window_bounds = array<i64: 8, 1024>}, {pipeline_mode = #tpu.pipeline_mode<synchronous>, transform_indices = @transform_6, window_bounds = array<i64: 8, 1024>}]} {
    %get3A = arith.constant 0 : index
    %get3A_0 = arith.constant 0 : index
    %get3A_1 = vector.load %arg1[%get3A, %get3A_0] : memref<192x512xf32, #tpu.memory_space<vmem>>, vector<192x512xf32>
    %get3A_2 = arith.constant 0 : index
    %get3A_3 = arith.constant 0 : index
    %get3A_4 = vector.load %arg2[%get3A_2, %get3A_3] : memref<1x512xf32, #tpu.memory_space<vmem>>, vector<1x512xf32>
    %mul3A = vector.broadcast %get3A_4 : vector<1x512xf32> to vector<192x512xf32>
    %mul3A_5 = arith.mulf %get3A_1, %mul3A : vector<192x512xf32>
    %get3A_6 = arith.constant 0 : index
    %get3A_7 = arith.constant 0 : index
    %get3A_8 = vector.load %arg3[%get3A_6, %get3A_7] : memref<1x512xf32, #tpu.memory_space<vmem>>, vector<1x512xf32>
    %add3A = vector.broadcast %get3A_8 : vector<1x512xf32> to vector<192x512xf32>
    %add3A_9 = arith.addf %mul3A_5, %add3A : vector<192x512xf32>
    %max3A = arith.constant 0.000000e+00 : f32
    %max3A_10 = vector.broadcast %max3A : f32 to vector<192x512xf32>
    %max3A_11 = arith.maximumf %add3A_9, %max3A_10 : vector<192x512xf32>
    %get3A_12 = arith.constant 0 : index
    %get3A_13 = arith.constant 0 : index
    %get3A_14 = vector.load %arg4[%get3A_12, %get3A_13] : memref<512x1024xf32, #tpu.memory_space<vmem>>, vector<512x1024xf32>
    %dot_general3A = arith.constant dense<0.000000e+00> : vector<192x1024xf32>
    %dot_general3A_15 = tpu.matmul %max3A_11, %get3A_14, %dot_general3A {dimension_numbers = #tpu.dot_dimension_numbers<[1], [0], [0], [1], [0, 0, 1, 1], [], []>, transpose_lhs_hint = false} : vector<192x512xf32>, vector<512x1024xf32>, vector<192x1024xf32> -> vector<192x1024xf32>
    %get3A_16 = arith.constant 0 : index
    %get3A_17 = arith.constant 0 : index
    %get3A_18 = vector.load %arg5[%get3A_16, %get3A_17] : memref<1x1024xf32, #tpu.memory_space<vmem>>, vector<1x1024xf32>
    %add3A_19 = vector.broadcast %get3A_18 : vector<1x1024xf32> to vector<192x1024xf32>
    %add3A_20 = arith.addf %dot_general3A_15, %add3A_19 : vector<192x1024xf32>
    %reduce_sum3A = arith.constant dense<0.000000e+00> : vector<1024xf32>
    %reduce_sum3A_21 = vector.multi_reduction <add>, %add3A_20, %reduce_sum3A [0] : vector<192x1024xf32> to vector<1024xf32>
    %broadcast_in_dim3A = vector.shape_cast %reduce_sum3A_21 : vector<1024xf32> to vector<1x1024xf32>
    %mul3A_22 = arith.mulf %add3A_20, %add3A_20 : vector<192x1024xf32>
    %reduce_sum3A_23 = arith.constant dense<0.000000e+00> : vector<1024xf32>
    %reduce_sum3A_24 = vector.multi_reduction <add>, %mul3A_22, %reduce_sum3A_23 [0] : vector<192x1024xf32> to vector<1024xf32>
    %broadcast_in_dim3A_25 = vector.shape_cast %reduce_sum3A_24 : vector<1024xf32> to vector<1x1024xf32>
    %broadcast_in_dim3A_26 = arith.constant 0.000000e+00 : f32
    %broadcast_in_dim3A_27 = vector.broadcast %broadcast_in_dim3A_26 : f32 to vector<6x1024xf32>
    %concatenate3A = tpu.concatenate %broadcast_in_dim3A, %broadcast_in_dim3A_25, %broadcast_in_dim3A_27 in 0 : vector<1x1024xf32>, vector<1x1024xf32>, vector<6x1024xf32> -> vector<8x1024xf32>
    %eq3A = arith.constant 0 : i32
    %eq3A_28 = arith.cmpi eq, %arg0, %eq3A : i32
    %convert_element_type3A = arith.extui %eq3A_28 : i1 to i32
    %cond3A = arith.constant 0 : i32
    %cond3A_29 = arith.cmpi ne, %convert_element_type3A, %cond3A : i32
    scf.if %cond3A_29 {
      %broadcast_in_dim3A_40 = arith.constant 0.000000e+00 : f32
      %broadcast_in_dim3A_41 = vector.broadcast %broadcast_in_dim3A_40 : f32 to vector<8x1024xf32>
      %swap3A_42 = arith.constant 0 : index
      %swap3A_43 = arith.constant 0 : index
      %swap3A_44 = vector.load %arg7[%swap3A_42, %swap3A_43] : memref<8x1024xf32, #tpu.memory_space<vmem>>, vector<8x1024xf32>
      tpu.vector_store %arg7[%swap3A_42, %swap3A_43], %broadcast_in_dim3A_41 {strides = array<i32>} : memref<8x1024xf32, #tpu.memory_space<vmem>>, vector<8x1024xf32>,
    } else {
    }
    %get3A_30 = arith.constant 0 : index
    %get3A_31 = arith.constant 0 : index
    %get3A_32 = vector.load %arg7[%get3A_30, %get3A_31] : memref<8x1024xf32, #tpu.memory_space<vmem>>, vector<8x1024xf32>
    %add3A_33 = arith.addf %get3A_32, %concatenate3A : vector<8x1024xf32>
    %swap3A = arith.constant 0 : index
    %swap3A_34 = arith.constant 0 : index
    %swap3A_35 = vector.load %arg7[%swap3A, %swap3A_34] : memref<8x1024xf32, #tpu.memory_space<vmem>>, vector<8x1024xf32>
    tpu.vector_store %arg7[%swap3A, %swap3A_34], %add3A_33 {strides = array<i32>} : memref<8x1024xf32, #tpu.memory_space<vmem>>, vector<8x1024xf32>,
    %reshape3A = vector.shape_cast %add3A_20 : vector<192x1024xf32> to vector<8x24x1024xf32>
    %reduce_max3A = arith.constant dense<0xFF800000> : vector<8x1024xf32>
    %reduce_max3A_36 = vector.multi_reduction <maximumf>, %reshape3A, %reduce_max3A [1] : vector<8x24x1024xf32> to vector<8x1024xf32>
    %swap3A_37 = arith.constant 0 : index
    %swap3A_38 = arith.constant 0 : index
    %swap3A_39 = vector.load %arg6[%swap3A_37, %swap3A_38] : memref<8x1024xf32, #tpu.memory_space<vmem>>, vector<8x1024xf32>
    tpu.vector_store %arg6[%swap3A_37, %swap3A_38], %reduce_max3A_36 {strides = array<i32>} : memref<8x1024xf32, #tpu.memory_space<vmem>>, vector<8x1024xf32>,
    return
  }
  func.func @transform_0(%arg0: i32) -> (i32, i32) {
    %c0_i32 = arith.constant 0 : i32
    %c0_i32_0 = arith.constant 0 : i32
    return %arg0, %c0_i32 : i32, i32
  }
  func.func @transform_1(%arg0: i32) -> (i32, i32) {
    %c0_i32 = arith.constant 0 : i32
    %c0_i32_0 = arith.constant 0 : i32
    %c0_i32_1 = arith.constant 0 : i32
    return %c0_i32, %c0_i32_0 : i32, i32
  }
  func.func @transform_2(%arg0: i32) -> (i32, i32) {
    %c0_i32 = arith.constant 0 : i32
    %c0_i32_0 = arith.constant 0 : i32
    %c0_i32_1 = arith.constant 0 : i32
    return %c0_i32, %c0_i32_0 : i32, i32
  }
  func.func @transform_3(%arg0: i32) -> (i32, i32) {
    %c0_i32 = arith.constant 0 : i32
    %c0_i32_0 = arith.constant 0 : i32
    %c0_i32_1 = arith.constant 0 : i32
    return %c0_i32, %c0_i32_0 : i32, i32
  }
  func.func @transform_4(%arg0: i32) -> (i32, i32) {
    %c0_i32 = arith.constant 0 : i32
    %c0_i32_0 = arith.constant 0 : i32
    %c0_i32_1 = arith.constant 0 : i32
    return %c0_i32, %c0_i32_0 : i32, i32
  }
  func.func @transform_5(%arg0: i32) -> (i32, i32) {
    %c0_i32 = arith.constant 0 : i32
    %c0_i32_0 = arith.constant 0 : i32
    return %arg0, %c0_i32 : i32, i32
  }
  func.func @transform_6(%arg0: i32) -> (i32, i32) {
    %c0_i32 = arith.constant 0 : i32
    %c0_i32_0 = arith.constant 0 : i32
    %c0_i32_1 = arith.constant 0 : i32
    return %c0_i32, %c0_i32_0 : i32, i32
  }
}

module attributes {stable_mosaic.version = 14 : i64} {
  func.func @_affine_relu_body(%arg0: i32, %arg1: memref<256x1024xf32, #tpu.memory_space<vmem>>, %arg2: memref<1x1024xf32, #tpu.memory_space<vmem>>, %arg3: memref<1x1024xf32, #tpu.memory_space<vmem>>, %arg4: memref<256x1024xf32, #tpu.memory_space<vmem>>) attributes {dimension_semantics = [#tpu.dimension_semantics<arbitrary>], iteration_bounds = array<i64: 2>, scalar_prefetch = 0 : i64, scratch_operands = 0 : i64, tpu.core_type = #tpu.core_type<tc>, window_params = [{transform_indices = @transform_0, window_bounds = array<i64: 256, 1024>}, {pipeline_mode = #tpu.pipeline_mode<synchronous>, transform_indices = @transform_1, window_bounds = array<i64: 1, 1024>}, {pipeline_mode = #tpu.pipeline_mode<synchronous>, transform_indices = @transform_2, window_bounds = array<i64: 1, 1024>}, {transform_indices = @transform_3, window_bounds = array<i64: 256, 1024>}]} {
    %get3A = arith.constant 0 : index
    %get3A_0 = arith.constant 0 : index
    %get3A_1 = vector.load %arg1[%get3A, %get3A_0] : memref<256x1024xf32, #tpu.memory_space<vmem>>, vector<256x1024xf32>
    %get3A_2 = arith.constant 0 : index
    %get3A_3 = arith.constant 0 : index
    %get3A_4 = vector.load %arg2[%get3A_2, %get3A_3] : memref<1x1024xf32, #tpu.memory_space<vmem>>, vector<1x1024xf32>
    %mul3A = vector.broadcast %get3A_4 : vector<1x1024xf32> to vector<256x1024xf32>
    %mul3A_5 = arith.mulf %get3A_1, %mul3A : vector<256x1024xf32>
    %get3A_6 = arith.constant 0 : index
    %get3A_7 = arith.constant 0 : index
    %get3A_8 = vector.load %arg3[%get3A_6, %get3A_7] : memref<1x1024xf32, #tpu.memory_space<vmem>>, vector<1x1024xf32>
    %add3A = vector.broadcast %get3A_8 : vector<1x1024xf32> to vector<256x1024xf32>
    %add3A_9 = arith.addf %mul3A_5, %add3A : vector<256x1024xf32>
    %max3A = arith.constant 0.000000e+00 : f32
    %max3A_10 = vector.broadcast %max3A : f32 to vector<256x1024xf32>
    %max3A_11 = arith.maximumf %add3A_9, %max3A_10 : vector<256x1024xf32>
    %swap3A = arith.constant 0 : index
    %swap3A_12 = arith.constant 0 : index
    %swap3A_13 = vector.load %arg4[%swap3A, %swap3A_12] : memref<256x1024xf32, #tpu.memory_space<vmem>>, vector<256x1024xf32>
    tpu.vector_store %arg4[%swap3A, %swap3A_12], %max3A_11 {strides = array<i32>} : memref<256x1024xf32, #tpu.memory_space<vmem>>, vector<256x1024xf32>,
    return
  }
  func.func @transform_0(%arg0: i32) -> (i32, i32) {
    %c0_i32 = arith.constant 0 : i32
    %c0_i32_0 = arith.constant 0 : i32
    return %arg0, %c0_i32 : i32, i32
  }
  func.func @transform_1(%arg0: i32) -> (i32, i32) {
    %c0_i32 = arith.constant 0 : i32
    %c0_i32_0 = arith.constant 0 : i32
    %c0_i32_1 = arith.constant 0 : i32
    return %c0_i32, %c0_i32_0 : i32, i32
  }
  func.func @transform_2(%arg0: i32) -> (i32, i32) {
    %c0_i32 = arith.constant 0 : i32
    %c0_i32_0 = arith.constant 0 : i32
    %c0_i32_1 = arith.constant 0 : i32
    return %c0_i32, %c0_i32_0 : i32, i32
  }
  func.func @transform_3(%arg0: i32) -> (i32, i32) {
    %c0_i32 = arith.constant 0 : i32
    %c0_i32_0 = arith.constant 0 : i32
    return %arg0, %c0_i32 : i32, i32
  }
}

module attributes {stable_mosaic.version = 14 : i64} {
  func.func @_l0_stats_body(%arg0: i32, %arg1: memref<128x3xf32, #tpu.memory_space<vmem>>, %arg2: memref<128x1034xf32, #tpu.memory_space<vmem>>, %arg3: memref<3x1024xf32, #tpu.memory_space<vmem>>, %arg4: memref<1x1024xf32, #tpu.memory_space<vmem>>, %arg5: memref<1034x1024xf32, #tpu.memory_space<vmem>>, %arg6: memref<1x1024xf32, #tpu.memory_space<vmem>>, %arg7: memref<8x1024xf32, #tpu.memory_space<vmem>>, %arg8: memref<8x1024xf32, #tpu.memory_space<vmem>>) attributes {dimension_semantics = [#tpu.dimension_semantics<arbitrary>], iteration_bounds = array<i64: 4>, scalar_prefetch = 0 : i64, scratch_operands = 0 : i64, tpu.core_type = #tpu.core_type<tc>, window_params = [{transform_indices = @transform_0, window_bounds = array<i64: 128, 3>}, {transform_indices = @transform_1, window_bounds = array<i64: 128, 1034>}, {pipeline_mode = #tpu.pipeline_mode<synchronous>, transform_indices = @transform_2, window_bounds = array<i64: 3, 1024>}, {pipeline_mode = #tpu.pipeline_mode<synchronous>, transform_indices = @transform_3, window_bounds = array<i64: 1, 1024>}, {pipeline_mode = #tpu.pipeline_mode<synchronous>, transform_indices = @transform_4, window_bounds = array<i64: 1034, 1024>}, {pipeline_mode = #tpu.pipeline_mode<synchronous>, transform_indices = @transform_5, window_bounds = array<i64: 1, 1024>}, {pipeline_mode = #tpu.pipeline_mode<synchronous>, transform_indices = @transform_6, window_bounds = array<i64: 8, 1024>}, {pipeline_mode = #tpu.pipeline_mode<synchronous>, transform_indices = @transform_7, window_bounds = array<i64: 8, 1024>}]} {
    %get3A = arith.constant 0 : index
    %get3A_0 = arith.constant 0 : index
    %get3A_1 = vector.load %arg1[%get3A, %get3A_0] : memref<128x3xf32, #tpu.memory_space<vmem>>, vector<128x3xf32>
    %get3A_2 = arith.constant 0 : index
    %get3A_3 = arith.constant 0 : index
    %get3A_4 = vector.load %arg3[%get3A_2, %get3A_3] : memref<3x1024xf32, #tpu.memory_space<vmem>>, vector<3x1024xf32>
    %dot_general3A = arith.constant dense<0.000000e+00> : vector<128x1024xf32>
    %dot_general3A_5 = tpu.matmul %get3A_1, %get3A_4, %dot_general3A {dimension_numbers = #tpu.dot_dimension_numbers<[1], [0], [0], [1], [0, 0, 1, 1], [], []>, transpose_lhs_hint = false} : vector<128x3xf32>, vector<3x1024xf32>, vector<128x1024xf32> -> vector<128x1024xf32>
    %get3A_6 = arith.constant 0 : index
    %get3A_7 = arith.constant 0 : index
    %get3A_8 = vector.load %arg4[%get3A_6, %get3A_7] : memref<1x1024xf32, #tpu.memory_space<vmem>>, vector<1x1024xf32>
    %add3A = vector.broadcast %get3A_8 : vector<1x1024xf32> to vector<128x1024xf32>
    %add3A_9 = arith.addf %dot_general3A_5, %add3A : vector<128x1024xf32>
    %reduce_sum3A = arith.constant dense<0.000000e+00> : vector<1024xf32>
    %reduce_sum3A_10 = vector.multi_reduction <add>, %add3A_9, %reduce_sum3A [0] : vector<128x1024xf32> to vector<1024xf32>
    %broadcast_in_dim3A = vector.shape_cast %reduce_sum3A_10 : vector<1024xf32> to vector<1x1024xf32>
    %mul3A = arith.mulf %add3A_9, %add3A_9 : vector<128x1024xf32>
    %reduce_sum3A_11 = arith.constant dense<0.000000e+00> : vector<1024xf32>
    %reduce_sum3A_12 = vector.multi_reduction <add>, %mul3A, %reduce_sum3A_11 [0] : vector<128x1024xf32> to vector<1024xf32>
    %broadcast_in_dim3A_13 = vector.shape_cast %reduce_sum3A_12 : vector<1024xf32> to vector<1x1024xf32>
    %broadcast_in_dim3A_14 = arith.constant 0.000000e+00 : f32
    %broadcast_in_dim3A_15 = vector.broadcast %broadcast_in_dim3A_14 : f32 to vector<6x1024xf32>
    %concatenate3A = tpu.concatenate %broadcast_in_dim3A, %broadcast_in_dim3A_13, %broadcast_in_dim3A_15 in 0 : vector<1x1024xf32>, vector<1x1024xf32>, vector<6x1024xf32> -> vector<8x1024xf32>
    %eq3A = arith.constant 0 : i32
    %eq3A_16 = arith.cmpi eq, %arg0, %eq3A : i32
    %convert_element_type3A = arith.extui %eq3A_16 : i1 to i32
    %cond3A = arith.constant 0 : i32
    %cond3A_17 = arith.cmpi ne, %convert_element_type3A, %cond3A : i32
    scf.if %cond3A_17 {
      %broadcast_in_dim3A_59 = arith.constant 0.000000e+00 : f32
      %broadcast_in_dim3A_60 = vector.broadcast %broadcast_in_dim3A_59 : f32 to vector<8x1024xf32>
      %swap3A_61 = arith.constant 0 : index
      %swap3A_62 = arith.constant 0 : index
      %swap3A_63 = vector.load %arg7[%swap3A_61, %swap3A_62] : memref<8x1024xf32, #tpu.memory_space<vmem>>, vector<8x1024xf32>
      tpu.vector_store %arg7[%swap3A_61, %swap3A_62], %broadcast_in_dim3A_60 {strides = array<i32>} : memref<8x1024xf32, #tpu.memory_space<vmem>>, vector<8x1024xf32>,
    } else {
    }
    %get3A_18 = arith.constant 0 : index
    %get3A_19 = arith.constant 0 : index
    %get3A_20 = vector.load %arg7[%get3A_18, %get3A_19] : memref<8x1024xf32, #tpu.memory_space<vmem>>, vector<8x1024xf32>
    %add3A_21 = arith.addf %get3A_20, %concatenate3A : vector<8x1024xf32>
    %swap3A = arith.constant 0 : index
    %swap3A_22 = arith.constant 0 : index
    %swap3A_23 = vector.load %arg7[%swap3A, %swap3A_22] : memref<8x1024xf32, #tpu.memory_space<vmem>>, vector<8x1024xf32>
    tpu.vector_store %arg7[%swap3A, %swap3A_22], %add3A_21 {strides = array<i32>} : memref<8x1024xf32, #tpu.memory_space<vmem>>, vector<8x1024xf32>,
    %get3A_24 = arith.constant 0 : index
    %get3A_25 = arith.constant 0 : index
    %get3A_26 = vector.load %arg2[%get3A_24, %get3A_25] : memref<128x1034xf32, #tpu.memory_space<vmem>>, vector<128x1034xf32>
    %get3A_27 = arith.constant 0 : index
    %get3A_28 = arith.constant 0 : index
    %get3A_29 = vector.load %arg5[%get3A_27, %get3A_28] : memref<1034x1024xf32, #tpu.memory_space<vmem>>, vector<1034x1024xf32>
    %dot_general3A_30 = arith.constant dense<0.000000e+00> : vector<128x1024xf32>
    %dot_general3A_31 = tpu.matmul %get3A_26, %get3A_29, %dot_general3A_30 {dimension_numbers = #tpu.dot_dimension_numbers<[1], [0], [0], [1], [0, 0, 1, 1], [], []>, transpose_lhs_hint = false} : vector<128x1034xf32>, vector<1034x1024xf32>, vector<128x1024xf32> -> vector<128x1024xf32>
    %get3A_32 = arith.constant 0 : index
    %get3A_33 = arith.constant 0 : index
    %get3A_34 = vector.load %arg6[%get3A_32, %get3A_33] : memref<1x1024xf32, #tpu.memory_space<vmem>>, vector<1x1024xf32>
    %add3A_35 = vector.broadcast %get3A_34 : vector<1x1024xf32> to vector<128x1024xf32>
    %add3A_36 = arith.addf %dot_general3A_31, %add3A_35 : vector<128x1024xf32>
    %reduce_sum3A_37 = arith.constant dense<0.000000e+00> : vector<1024xf32>
    %reduce_sum3A_38 = vector.multi_reduction <add>, %add3A_36, %reduce_sum3A_37 [0] : vector<128x1024xf32> to vector<1024xf32>
    %broadcast_in_dim3A_39 = vector.shape_cast %reduce_sum3A_38 : vector<1024xf32> to vector<1x1024xf32>
    %mul3A_40 = arith.mulf %add3A_36, %add3A_36 : vector<128x1024xf32>
    %reduce_sum3A_41 = arith.constant dense<0.000000e+00> : vector<1024xf32>
    %reduce_sum3A_42 = vector.multi_reduction <add>, %mul3A_40, %reduce_sum3A_41 [0] : vector<128x1024xf32> to vector<1024xf32>
    %broadcast_in_dim3A_43 = vector.shape_cast %reduce_sum3A_42 : vector<1024xf32> to vector<1x1024xf32>
    %broadcast_in_dim3A_44 = arith.constant 0.000000e+00 : f32
    %broadcast_in_dim3A_45 = vector.broadcast %broadcast_in_dim3A_44 : f32 to vector<6x1024xf32>
    %concatenate3A_46 = tpu.concatenate %broadcast_in_dim3A_39, %broadcast_in_dim3A_43, %broadcast_in_dim3A_45 in 0 : vector<1x1024xf32>, vector<1x1024xf32>, vector<6x1024xf32> -> vector<8x1024xf32>
    %eq3A_47 = arith.constant 0 : i32
    %eq3A_48 = arith.cmpi eq, %arg0, %eq3A_47 : i32
    %convert_element_type3A_49 = arith.extui %eq3A_48 : i1 to i32
    %cond3A_50 = arith.constant 0 : i32
    %cond3A_51 = arith.cmpi ne, %convert_element_type3A_49, %cond3A_50 : i32
    scf.if %cond3A_51 {
      %broadcast_in_dim3A_59 = arith.constant 0.000000e+00 : f32
      %broadcast_in_dim3A_60 = vector.broadcast %broadcast_in_dim3A_59 : f32 to vector<8x1024xf32>
      %swap3A_61 = arith.constant 0 : index
      %swap3A_62 = arith.constant 0 : index
      %swap3A_63 = vector.load %arg8[%swap3A_61, %swap3A_62] : memref<8x1024xf32, #tpu.memory_space<vmem>>, vector<8x1024xf32>
      tpu.vector_store %arg8[%swap3A_61, %swap3A_62], %broadcast_in_dim3A_60 {strides = array<i32>} : memref<8x1024xf32, #tpu.memory_space<vmem>>, vector<8x1024xf32>,
    } else {
    }
    %get3A_52 = arith.constant 0 : index
    %get3A_53 = arith.constant 0 : index
    %get3A_54 = vector.load %arg8[%get3A_52, %get3A_53] : memref<8x1024xf32, #tpu.memory_space<vmem>>, vector<8x1024xf32>
    %add3A_55 = arith.addf %get3A_54, %concatenate3A_46 : vector<8x1024xf32>
    %swap3A_56 = arith.constant 0 : index
    %swap3A_57 = arith.constant 0 : index
    %swap3A_58 = vector.load %arg8[%swap3A_56, %swap3A_57] : memref<8x1024xf32, #tpu.memory_space<vmem>>, vector<8x1024xf32>
    tpu.vector_store %arg8[%swap3A_56, %swap3A_57], %add3A_55 {strides = array<i32>} : memref<8x1024xf32, #tpu.memory_space<vmem>>, vector<8x1024xf32>,
    return
  }
  func.func @transform_0(%arg0: i32) -> (i32, i32) {
    %c0_i32 = arith.constant 0 : i32
    %c0_i32_0 = arith.constant 0 : i32
    return %arg0, %c0_i32 : i32, i32
  }
  func.func @transform_1(%arg0: i32) -> (i32, i32) {
    %c0_i32 = arith.constant 0 : i32
    %c0_i32_0 = arith.constant 0 : i32
    return %arg0, %c0_i32 : i32, i32
  }
  func.func @transform_2(%arg0: i32) -> (i32, i32) {
    %c0_i32 = arith.constant 0 : i32
    %c0_i32_0 = arith.constant 0 : i32
    %c0_i32_1 = arith.constant 0 : i32
    return %c0_i32, %c0_i32_0 : i32, i32
  }
  func.func @transform_3(%arg0: i32) -> (i32, i32) {
    %c0_i32 = arith.constant 0 : i32
    %c0_i32_0 = arith.constant 0 : i32
    %c0_i32_1 = arith.constant 0 : i32
    return %c0_i32, %c0_i32_0 : i32, i32
  }
  func.func @transform_4(%arg0: i32) -> (i32, i32) {
    %c0_i32 = arith.constant 0 : i32
    %c0_i32_0 = arith.constant 0 : i32
    %c0_i32_1 = arith.constant 0 : i32
    return %c0_i32, %c0_i32_0 : i32, i32
  }
  func.func @transform_5(%arg0: i32) -> (i32, i32) {
    %c0_i32 = arith.constant 0 : i32
    %c0_i32_0 = arith.constant 0 : i32
    %c0_i32_1 = arith.constant 0 : i32
    return %c0_i32, %c0_i32_0 : i32, i32
  }
  func.func @transform_6(%arg0: i32) -> (i32, i32) {
    %c0_i32 = arith.constant 0 : i32
    %c0_i32_0 = arith.constant 0 : i32
    %c0_i32_1 = arith.constant 0 : i32
    return %c0_i32, %c0_i32_0 : i32, i32
  }
  func.func @transform_7(%arg0: i32) -> (i32, i32) {
    %c0_i32 = arith.constant 0 : i32
    %c0_i32_0 = arith.constant 0 : i32
    %c0_i32_1 = arith.constant 0 : i32
    return %c0_i32, %c0_i32_0 : i32, i32
  }
}

module attributes {stable_mosaic.version = 14 : i64} {
  func.func @_l0_mm2_body(%arg0: i32, %arg1: memref<128x3xf32, #tpu.memory_space<vmem>>, %arg2: memref<128x1034xf32, #tpu.memory_space<vmem>>, %arg3: memref<3x1024xf32, #tpu.memory_space<vmem>>, %arg4: memref<1x1024xf32, #tpu.memory_space<vmem>>, %arg5: memref<1034x1024xf32, #tpu.memory_space<vmem>>, %arg6: memref<1x1024xf32, #tpu.memory_space<vmem>>, %arg7: memref<1x1024xf32, #tpu.memory_space<vmem>>, %arg8: memref<1x1024xf32, #tpu.memory_space<vmem>>, %arg9: memref<1x1024xf32, #tpu.memory_space<vmem>>, %arg10: memref<1x1024xf32, #tpu.memory_space<vmem>>, %arg11: memref<1024x1024xf32, #tpu.memory_space<vmem>>, %arg12: memref<1x1024xf32, #tpu.memory_space<vmem>>, %arg13: memref<128x1024xf32, #tpu.memory_space<vmem>>, %arg14: memref<8x1024xf32, #tpu.memory_space<vmem>>) attributes {dimension_semantics = [#tpu.dimension_semantics<arbitrary>], iteration_bounds = array<i64: 4>, scalar_prefetch = 0 : i64, scratch_operands = 0 : i64, tpu.core_type = #tpu.core_type<tc>, window_params = [{transform_indices = @transform_0, window_bounds = array<i64: 128, 3>}, {transform_indices = @transform_1, window_bounds = array<i64: 128, 1034>}, {pipeline_mode = #tpu.pipeline_mode<synchronous>, transform_indices = @transform_2, window_bounds = array<i64: 3, 1024>}, {pipeline_mode = #tpu.pipeline_mode<synchronous>, transform_indices = @transform_3, window_bounds = array<i64: 1, 1024>}, {pipeline_mode = #tpu.pipeline_mode<synchronous>, transform_indices = @transform_4, window_bounds = array<i64: 1034, 1024>}, {pipeline_mode = #tpu.pipeline_mode<synchronous>, transform_indices = @transform_5, window_bounds = array<i64: 1, 1024>}, {pipeline_mode = #tpu.pipeline_mode<synchronous>, transform_indices = @transform_6, window_bounds = array<i64: 1, 1024>}, {pipeline_mode = #tpu.pipeline_mode<synchronous>, transform_indices = @transform_7, window_bounds = array<i64: 1, 1024>}, {pipeline_mode = #tpu.pipeline_mode<synchronous>, transform_indices = @transform_8, window_bounds = array<i64: 1, 1024>}, {pipeline_mode = #tpu.pipeline_mode<synchronous>, transform_indices = @transform_9, window_bounds = array<i64: 1, 1024>}, {pipeline_mode = #tpu.pipeline_mode<synchronous>, transform_indices = @transform_10, window_bounds = array<i64: 1024, 1024>}, {pipeline_mode = #tpu.pipeline_mode<synchronous>, transform_indices = @transform_11, window_bounds = array<i64: 1, 1024>}, {transform_indices = @transform_12, window_bounds = array<i64: 128, 1024>}, {pipeline_mode = #tpu.pipeline_mode<synchronous>, transform_indices = @transform_13, window_bounds = array<i64: 8, 1024>}]} {
    %get3A = arith.constant 0 : index
    %get3A_0 = arith.constant 0 : index
    %get3A_1 = vector.load %arg1[%get3A, %get3A_0] : memref<128x3xf32, #tpu.memory_space<vmem>>, vector<128x3xf32>
    %get3A_2 = arith.constant 0 : index
    %get3A_3 = arith.constant 0 : index
    %get3A_4 = vector.load %arg3[%get3A_2, %get3A_3] : memref<3x1024xf32, #tpu.memory_space<vmem>>, vector<3x1024xf32>
    %dot_general3A = arith.constant dense<0.000000e+00> : vector<128x1024xf32>
    %dot_general3A_5 = tpu.matmul %get3A_1, %get3A_4, %dot_general3A {dimension_numbers = #tpu.dot_dimension_numbers<[1], [0], [0], [1], [0, 0, 1, 1], [], []>, transpose_lhs_hint = false} : vector<128x3xf32>, vector<3x1024xf32>, vector<128x1024xf32> -> vector<128x1024xf32>
    %get3A_6 = arith.constant 0 : index
    %get3A_7 = arith.constant 0 : index
    %get3A_8 = vector.load %arg4[%get3A_6, %get3A_7] : memref<1x1024xf32, #tpu.memory_space<vmem>>, vector<1x1024xf32>
    %add3A = vector.broadcast %get3A_8 : vector<1x1024xf32> to vector<128x1024xf32>
    %add3A_9 = arith.addf %dot_general3A_5, %add3A : vector<128x1024xf32>
    %get3A_10 = arith.constant 0 : index
    %get3A_11 = arith.constant 0 : index
    %get3A_12 = vector.load %arg2[%get3A_10, %get3A_11] : memref<128x1034xf32, #tpu.memory_space<vmem>>, vector<128x1034xf32>
    %get3A_13 = arith.constant 0 : index
    %get3A_14 = arith.constant 0 : index
    %get3A_15 = vector.load %arg5[%get3A_13, %get3A_14] : memref<1034x1024xf32, #tpu.memory_space<vmem>>, vector<1034x1024xf32>
    %dot_general3A_16 = arith.constant dense<0.000000e+00> : vector<128x1024xf32>
    %dot_general3A_17 = tpu.matmul %get3A_12, %get3A_15, %dot_general3A_16 {dimension_numbers = #tpu.dot_dimension_numbers<[1], [0], [0], [1], [0, 0, 1, 1], [], []>, transpose_lhs_hint = false} : vector<128x1034xf32>, vector<1034x1024xf32>, vector<128x1024xf32> -> vector<128x1024xf32>
    %get3A_18 = arith.constant 0 : index
    %get3A_19 = arith.constant 0 : index
    %get3A_20 = vector.load %arg6[%get3A_18, %get3A_19] : memref<1x1024xf32, #tpu.memory_space<vmem>>, vector<1x1024xf32>
    %add3A_21 = vector.broadcast %get3A_20 : vector<1x1024xf32> to vector<128x1024xf32>
    %add3A_22 = arith.addf %dot_general3A_17, %add3A_21 : vector<128x1024xf32>
    %get3A_23 = arith.constant 0 : index
    %get3A_24 = arith.constant 0 : index
    %get3A_25 = vector.load %arg7[%get3A_23, %get3A_24] : memref<1x1024xf32, #tpu.memory_space<vmem>>, vector<1x1024xf32>
    %mul3A = vector.broadcast %get3A_25 : vector<1x1024xf32> to vector<128x1024xf32>
    %mul3A_26 = arith.mulf %add3A_9, %mul3A : vector<128x1024xf32>
    %get3A_27 = arith.constant 0 : index
    %get3A_28 = arith.constant 0 : index
    %get3A_29 = vector.load %arg8[%get3A_27, %get3A_28] : memref<1x1024xf32, #tpu.memory_space<vmem>>, vector<1x1024xf32>
    %add3A_30 = vector.broadcast %get3A_29 : vector<1x1024xf32> to vector<128x1024xf32>
    %add3A_31 = arith.addf %mul3A_26, %add3A_30 : vector<128x1024xf32>
    %get3A_32 = arith.constant 0 : index
    %get3A_33 = arith.constant 0 : index
    %get3A_34 = vector.load %arg9[%get3A_32, %get3A_33] : memref<1x1024xf32, #tpu.memory_space<vmem>>, vector<1x1024xf32>
    %mul3A_35 = vector.broadcast %get3A_34 : vector<1x1024xf32> to vector<128x1024xf32>
    %mul3A_36 = arith.mulf %add3A_22, %mul3A_35 : vector<128x1024xf32>
    %add3A_37 = arith.addf %add3A_31, %mul3A_36 : vector<128x1024xf32>
    %get3A_38 = arith.constant 0 : index
    %get3A_39 = arith.constant 0 : index
    %get3A_40 = vector.load %arg10[%get3A_38, %get3A_39] : memref<1x1024xf32, #tpu.memory_space<vmem>>, vector<1x1024xf32>
    %add3A_41 = vector.broadcast %get3A_40 : vector<1x1024xf32> to vector<128x1024xf32>
    %add3A_42 = arith.addf %add3A_37, %add3A_41 : vector<128x1024xf32>
    %max3A = arith.constant 0.000000e+00 : f32
    %max3A_43 = vector.broadcast %max3A : f32 to vector<128x1024xf32>
    %max3A_44 = arith.maximumf %add3A_42, %max3A_43 : vector<128x1024xf32>
    %get3A_45 = arith.constant 0 : index
    %get3A_46 = arith.constant 0 : index
    %get3A_47 = vector.load %arg11[%get3A_45, %get3A_46] : memref<1024x1024xf32, #tpu.memory_space<vmem>>, vector<1024x1024xf32>
    %dot_general3A_48 = arith.constant dense<0.000000e+00> : vector<128x1024xf32>
    %dot_general3A_49 = tpu.matmul %max3A_44, %get3A_47, %dot_general3A_48 {dimension_numbers = #tpu.dot_dimension_numbers<[1], [0], [0], [1], [0, 0, 1, 1], [], []>, transpose_lhs_hint = false} : vector<128x1024xf32>, vector<1024x1024xf32>, vector<128x1024xf32> -> vector<128x1024xf32>
    %get3A_50 = arith.constant 0 : index
    %get3A_51 = arith.constant 0 : index
    %get3A_52 = vector.load %arg12[%get3A_50, %get3A_51] : memref<1x1024xf32, #tpu.memory_space<vmem>>, vector<1x1024xf32>
    %add3A_53 = vector.broadcast %get3A_52 : vector<1x1024xf32> to vector<128x1024xf32>
    %add3A_54 = arith.addf %dot_general3A_49, %add3A_53 : vector<128x1024xf32>
    %swap3A = arith.constant 0 : index
    %swap3A_55 = arith.constant 0 : index
    %swap3A_56 = vector.load %arg13[%swap3A, %swap3A_55] : memref<128x1024xf32, #tpu.memory_space<vmem>>, vector<128x1024xf32>
    tpu.vector_store %arg13[%swap3A, %swap3A_55], %add3A_54 {strides = array<i32>} : memref<128x1024xf32, #tpu.memory_space<vmem>>, vector<128x1024xf32>,
    %reduce_sum3A = arith.constant dense<0.000000e+00> : vector<1024xf32>
    %reduce_sum3A_57 = vector.multi_reduction <add>, %add3A_54, %reduce_sum3A [0] : vector<128x1024xf32> to vector<1024xf32>
    %broadcast_in_dim3A = vector.shape_cast %reduce_sum3A_57 : vector<1024xf32> to vector<1x1024xf32>
    %mul3A_58 = arith.mulf %add3A_54, %add3A_54 : vector<128x1024xf32>
    %reduce_sum3A_59 = arith.constant dense<0.000000e+00> : vector<1024xf32>
    %reduce_sum3A_60 = vector.multi_reduction <add>, %mul3A_58, %reduce_sum3A_59 [0] : vector<128x1024xf32> to vector<1024xf32>
    %broadcast_in_dim3A_61 = vector.shape_cast %reduce_sum3A_60 : vector<1024xf32> to vector<1x1024xf32>
    %broadcast_in_dim3A_62 = arith.constant 0.000000e+00 : f32
    %broadcast_in_dim3A_63 = vector.broadcast %broadcast_in_dim3A_62 : f32 to vector<6x1024xf32>
    %concatenate3A = tpu.concatenate %broadcast_in_dim3A, %broadcast_in_dim3A_61, %broadcast_in_dim3A_63 in 0 : vector<1x1024xf32>, vector<1x1024xf32>, vector<6x1024xf32> -> vector<8x1024xf32>
    %eq3A = arith.constant 0 : i32
    %eq3A_64 = arith.cmpi eq, %arg0, %eq3A : i32
    %convert_element_type3A = arith.extui %eq3A_64 : i1 to i32
    %cond3A = arith.constant 0 : i32
    %cond3A_65 = arith.cmpi ne, %convert_element_type3A, %cond3A : i32
    scf.if %cond3A_65 {
      %broadcast_in_dim3A_73 = arith.constant 0.000000e+00 : f32
      %broadcast_in_dim3A_74 = vector.broadcast %broadcast_in_dim3A_73 : f32 to vector<8x1024xf32>
      %swap3A_75 = arith.constant 0 : index
      %swap3A_76 = arith.constant 0 : index
      %swap3A_77 = vector.load %arg14[%swap3A_75, %swap3A_76] : memref<8x1024xf32, #tpu.memory_space<vmem>>, vector<8x1024xf32>
      tpu.vector_store %arg14[%swap3A_75, %swap3A_76], %broadcast_in_dim3A_74 {strides = array<i32>} : memref<8x1024xf32, #tpu.memory_space<vmem>>, vector<8x1024xf32>,
    } else {
    }
    %get3A_66 = arith.constant 0 : index
    %get3A_67 = arith.constant 0 : index
    %get3A_68 = vector.load %arg14[%get3A_66, %get3A_67] : memref<8x1024xf32, #tpu.memory_space<vmem>>, vector<8x1024xf32>
    %add3A_69 = arith.addf %get3A_68, %concatenate3A : vector<8x1024xf32>
    %swap3A_70 = arith.constant 0 : index
    %swap3A_71 = arith.constant 0 : index
    %swap3A_72 = vector.load %arg14[%swap3A_70, %swap3A_71] : memref<8x1024xf32, #tpu.memory_space<vmem>>, vector<8x1024xf32>
    tpu.vector_store %arg14[%swap3A_70, %swap3A_71], %add3A_69 {strides = array<i32>} : memref<8x1024xf32, #tpu.memory_space<vmem>>, vector<8x1024xf32>,
    return
  }
  func.func @transform_0(%arg0: i32) -> (i32, i32) {
    %c0_i32 = arith.constant 0 : i32
    %c0_i32_0 = arith.constant 0 : i32
    return %arg0, %c0_i32 : i32, i32
  }
  func.func @transform_1(%arg0: i32) -> (i32, i32) {
    %c0_i32 = arith.constant 0 : i32
    %c0_i32_0 = arith.constant 0 : i32
    return %arg0, %c0_i32 : i32, i32
  }
  func.func @transform_2(%arg0: i32) -> (i32, i32) {
    %c0_i32 = arith.constant 0 : i32
    %c0_i32_0 = arith.constant 0 : i32
    %c0_i32_1 = arith.constant 0 : i32
    return %c0_i32, %c0_i32_0 : i32, i32
  }
  func.func @transform_3(%arg0: i32) -> (i32, i32) {
    %c0_i32 = arith.constant 0 : i32
    %c0_i32_0 = arith.constant 0 : i32
    %c0_i32_1 = arith.constant 0 : i32
    return %c0_i32, %c0_i32_0 : i32, i32
  }
  func.func @transform_4(%arg0: i32) -> (i32, i32) {
    %c0_i32 = arith.constant 0 : i32
    %c0_i32_0 = arith.constant 0 : i32
    %c0_i32_1 = arith.constant 0 : i32
    return %c0_i32, %c0_i32_0 : i32, i32
  }
  func.func @transform_5(%arg0: i32) -> (i32, i32) {
    %c0_i32 = arith.constant 0 : i32
    %c0_i32_0 = arith.constant 0 : i32
    %c0_i32_1 = arith.constant 0 : i32
    return %c0_i32, %c0_i32_0 : i32, i32
  }
  func.func @transform_6(%arg0: i32) -> (i32, i32) {
    %c0_i32 = arith.constant 0 : i32
    %c0_i32_0 = arith.constant 0 : i32
    %c0_i32_1 = arith.constant 0 : i32
    return %c0_i32, %c0_i32_0 : i32, i32
  }
  func.func @transform_7(%arg0: i32) -> (i32, i32) {
    %c0_i32 = arith.constant 0 : i32
    %c0_i32_0 = arith.constant 0 : i32
    %c0_i32_1 = arith.constant 0 : i32
    return %c0_i32, %c0_i32_0 : i32, i32
  }
  func.func @transform_8(%arg0: i32) -> (i32, i32) {
    %c0_i32 = arith.constant 0 : i32
    %c0_i32_0 = arith.constant 0 : i32
    %c0_i32_1 = arith.constant 0 : i32
    return %c0_i32, %c0_i32_0 : i32, i32
  }
  func.func @transform_9(%arg0: i32) -> (i32, i32) {
    %c0_i32 = arith.constant 0 : i32
    %c0_i32_0 = arith.constant 0 : i32
    %c0_i32_1 = arith.constant 0 : i32
    return %c0_i32, %c0_i32_0 : i32, i32
  }
  func.func @transform_10(%arg0: i32) -> (i32, i32) {
    %c0_i32 = arith.constant 0 : i32
    %c0_i32_0 = arith.constant 0 : i32
    %c0_i32_1 = arith.constant 0 : i32
    return %c0_i32, %c0_i32_0 : i32, i32
  }
  func.func @transform_11(%arg0: i32) -> (i32, i32) {
    %c0_i32 = arith.constant 0 : i32
    %c0_i32_0 = arith.constant 0 : i32
    %c0_i32_1 = arith.constant 0 : i32
    return %c0_i32, %c0_i32_0 : i32, i32
  }
  func.func @transform_12(%arg0: i32) -> (i32, i32) {
    %c0_i32 = arith.constant 0 : i32
    %c0_i32_0 = arith.constant 0 : i32
    return %arg0, %c0_i32 : i32, i32
  }
  func.func @transform_13(%arg0: i32) -> (i32, i32) {
    %c0_i32 = arith.constant 0 : i32
    %c0_i32_0 = arith.constant 0 : i32
    %c0_i32_1 = arith.constant 0 : i32
    return %c0_i32, %c0_i32_0 : i32, i32
  }
}

module attributes {stable_mosaic.version = 14 : i64} {
  func.func @_lambda_(%arg0: i32, %arg1: memref<256x1024xf32, #tpu.memory_space<vmem>>, %arg2: memref<1x1024xf32, #tpu.memory_space<vmem>>, %arg3: memref<1x1024xf32, #tpu.memory_space<vmem>>, %arg4: memref<1024x2048xf32, #tpu.memory_space<vmem>>, %arg5: memref<1x2048xf32, #tpu.memory_space<vmem>>, %arg6: memref<8x2048xf32, #tpu.memory_space<vmem>>, %arg7: memref<8x2048xf32, #tpu.memory_space<vmem>>) attributes {dimension_semantics = [#tpu.dimension_semantics<arbitrary>], iteration_bounds = array<i64: 2>, scalar_prefetch = 0 : i64, scratch_operands = 0 : i64, tpu.core_type = #tpu.core_type<tc>, window_params = [{transform_indices = @transform_0, window_bounds = array<i64: 256, 1024>}, {pipeline_mode = #tpu.pipeline_mode<synchronous>, transform_indices = @transform_1, window_bounds = array<i64: 1, 1024>}, {pipeline_mode = #tpu.pipeline_mode<synchronous>, transform_indices = @transform_2, window_bounds = array<i64: 1, 1024>}, {pipeline_mode = #tpu.pipeline_mode<synchronous>, transform_indices = @transform_3, window_bounds = array<i64: 1024, 2048>}, {pipeline_mode = #tpu.pipeline_mode<synchronous>, transform_indices = @transform_4, window_bounds = array<i64: 1, 2048>}, {transform_indices = @transform_5, window_bounds = array<i64: 8, 2048>}, {pipeline_mode = #tpu.pipeline_mode<synchronous>, transform_indices = @transform_6, window_bounds = array<i64: 8, 2048>}]} {
    %get3A = arith.constant 0 : index
    %get3A_0 = arith.constant 0 : index
    %get3A_1 = vector.load %arg1[%get3A, %get3A_0] : memref<256x1024xf32, #tpu.memory_space<vmem>>, vector<256x1024xf32>
    %get3A_2 = arith.constant 0 : index
    %get3A_3 = arith.constant 0 : index
    %get3A_4 = vector.load %arg2[%get3A_2, %get3A_3] : memref<1x1024xf32, #tpu.memory_space<vmem>>, vector<1x1024xf32>
    %mul3A = vector.broadcast %get3A_4 : vector<1x1024xf32> to vector<256x1024xf32>
    %mul3A_5 = arith.mulf %get3A_1, %mul3A : vector<256x1024xf32>
    %get3A_6 = arith.constant 0 : index
    %get3A_7 = arith.constant 0 : index
    %get3A_8 = vector.load %arg3[%get3A_6, %get3A_7] : memref<1x1024xf32, #tpu.memory_space<vmem>>, vector<1x1024xf32>
    %add3A = vector.broadcast %get3A_8 : vector<1x1024xf32> to vector<256x1024xf32>
    %add3A_9 = arith.addf %mul3A_5, %add3A : vector<256x1024xf32>
    %max3A = arith.constant 0.000000e+00 : f32
    %max3A_10 = vector.broadcast %max3A : f32 to vector<256x1024xf32>
    %max3A_11 = arith.maximumf %add3A_9, %max3A_10 : vector<256x1024xf32>
    %get3A_12 = arith.constant 0 : index
    %get3A_13 = arith.constant 0 : index
    %get3A_14 = vector.load %arg4[%get3A_12, %get3A_13] : memref<1024x2048xf32, #tpu.memory_space<vmem>>, vector<1024x2048xf32>
    %dot_general3A = arith.constant dense<0.000000e+00> : vector<256x2048xf32>
    %dot_general3A_15 = tpu.matmul %max3A_11, %get3A_14, %dot_general3A {dimension_numbers = #tpu.dot_dimension_numbers<[1], [0], [0], [1], [0, 0, 1, 1], [], []>, transpose_lhs_hint = false} : vector<256x1024xf32>, vector<1024x2048xf32>, vector<256x2048xf32> -> vector<256x2048xf32>
    %get3A_16 = arith.constant 0 : index
    %get3A_17 = arith.constant 0 : index
    %get3A_18 = vector.load %arg5[%get3A_16, %get3A_17] : memref<1x2048xf32, #tpu.memory_space<vmem>>, vector<1x2048xf32>
    %add3A_19 = vector.broadcast %get3A_18 : vector<1x2048xf32> to vector<256x2048xf32>
    %add3A_20 = arith.addf %dot_general3A_15, %add3A_19 : vector<256x2048xf32>
    %reduce_sum3A = arith.constant dense<0.000000e+00> : vector<2048xf32>
    %reduce_sum3A_21 = vector.multi_reduction <add>, %add3A_20, %reduce_sum3A [0] : vector<256x2048xf32> to vector<2048xf32>
    %broadcast_in_dim3A = vector.shape_cast %reduce_sum3A_21 : vector<2048xf32> to vector<1x2048xf32>
    %mul3A_22 = arith.mulf %add3A_20, %add3A_20 : vector<256x2048xf32>
    %reduce_sum3A_23 = arith.constant dense<0.000000e+00> : vector<2048xf32>
    %reduce_sum3A_24 = vector.multi_reduction <add>, %mul3A_22, %reduce_sum3A_23 [0] : vector<256x2048xf32> to vector<2048xf32>
    %broadcast_in_dim3A_25 = vector.shape_cast %reduce_sum3A_24 : vector<2048xf32> to vector<1x2048xf32>
    %broadcast_in_dim3A_26 = arith.constant 0.000000e+00 : f32
    %broadcast_in_dim3A_27 = vector.broadcast %broadcast_in_dim3A_26 : f32 to vector<6x2048xf32>
    %concatenate3A = tpu.concatenate %broadcast_in_dim3A, %broadcast_in_dim3A_25, %broadcast_in_dim3A_27 in 0 : vector<1x2048xf32>, vector<1x2048xf32>, vector<6x2048xf32> -> vector<8x2048xf32>
    %eq3A = arith.constant 0 : i32
    %eq3A_28 = arith.cmpi eq, %arg0, %eq3A : i32
    %convert_element_type3A = arith.extui %eq3A_28 : i1 to i32
    %cond3A = arith.constant 0 : i32
    %cond3A_29 = arith.cmpi ne, %convert_element_type3A, %cond3A : i32
    scf.if %cond3A_29 {
      %broadcast_in_dim3A_40 = arith.constant 0.000000e+00 : f32
      %broadcast_in_dim3A_41 = vector.broadcast %broadcast_in_dim3A_40 : f32 to vector<8x2048xf32>
      %swap3A_42 = arith.constant 0 : index
      %swap3A_43 = arith.constant 0 : index
      %swap3A_44 = vector.load %arg7[%swap3A_42, %swap3A_43] : memref<8x2048xf32, #tpu.memory_space<vmem>>, vector<8x2048xf32>
      tpu.vector_store %arg7[%swap3A_42, %swap3A_43], %broadcast_in_dim3A_41 {strides = array<i32>} : memref<8x2048xf32, #tpu.memory_space<vmem>>, vector<8x2048xf32>,
    } else {
    }
    %get3A_30 = arith.constant 0 : index
    %get3A_31 = arith.constant 0 : index
    %get3A_32 = vector.load %arg7[%get3A_30, %get3A_31] : memref<8x2048xf32, #tpu.memory_space<vmem>>, vector<8x2048xf32>
    %add3A_33 = arith.addf %get3A_32, %concatenate3A : vector<8x2048xf32>
    %swap3A = arith.constant 0 : index
    %swap3A_34 = arith.constant 0 : index
    %swap3A_35 = vector.load %arg7[%swap3A, %swap3A_34] : memref<8x2048xf32, #tpu.memory_space<vmem>>, vector<8x2048xf32>
    tpu.vector_store %arg7[%swap3A, %swap3A_34], %add3A_33 {strides = array<i32>} : memref<8x2048xf32, #tpu.memory_space<vmem>>, vector<8x2048xf32>,
    %reshape3A = vector.shape_cast %add3A_20 : vector<256x2048xf32> to vector<8x32x2048xf32>
    %reduce_max3A = arith.constant dense<0xFF800000> : vector<8x2048xf32>
    %reduce_max3A_36 = vector.multi_reduction <maximumf>, %reshape3A, %reduce_max3A [1] : vector<8x32x2048xf32> to vector<8x2048xf32>
    %swap3A_37 = arith.constant 0 : index
    %swap3A_38 = arith.constant 0 : index
    %swap3A_39 = vector.load %arg6[%swap3A_37, %swap3A_38] : memref<8x2048xf32, #tpu.memory_space<vmem>>, vector<8x2048xf32>
    tpu.vector_store %arg6[%swap3A_37, %swap3A_38], %reduce_max3A_36 {strides = array<i32>} : memref<8x2048xf32, #tpu.memory_space<vmem>>, vector<8x2048xf32>,
    return
  }
  func.func @transform_0(%arg0: i32) -> (i32, i32) {
    %c0_i32 = arith.constant 0 : i32
    %c0_i32_0 = arith.constant 0 : i32
    return %arg0, %c0_i32 : i32, i32
  }
  func.func @transform_1(%arg0: i32) -> (i32, i32) {
    %c0_i32 = arith.constant 0 : i32
    %c0_i32_0 = arith.constant 0 : i32
    %c0_i32_1 = arith.constant 0 : i32
    return %c0_i32, %c0_i32_0 : i32, i32
  }
  func.func @transform_2(%arg0: i32) -> (i32, i32) {
    %c0_i32 = arith.constant 0 : i32
    %c0_i32_0 = arith.constant 0 : i32
    %c0_i32_1 = arith.constant 0 : i32
    return %c0_i32, %c0_i32_0 : i32, i32
  }
  func.func @transform_3(%arg0: i32) -> (i32, i32) {
    %c0_i32 = arith.constant 0 : i32
    %c0_i32_0 = arith.constant 0 : i32
    %c0_i32_1 = arith.constant 0 : i32
    return %c0_i32, %c0_i32_0 : i32, i32
  }
  func.func @transform_4(%arg0: i32) -> (i32, i32) {
    %c0_i32 = arith.constant 0 : i32
    %c0_i32_0 = arith.constant 0 : i32
    %c0_i32_1 = arith.constant 0 : i32
    return %c0_i32, %c0_i32_0 : i32, i32
  }
  func.func @transform_5(%arg0: i32) -> (i32, i32) {
    %c0_i32 = arith.constant 0 : i32
    %c0_i32_0 = arith.constant 0 : i32
    return %arg0, %c0_i32 : i32, i32
  }
  func.func @transform_6(%arg0: i32) -> (i32, i32) {
    %c0_i32 = arith.constant 0 : i32
    %c0_i32_0 = arith.constant 0 : i32
    %c0_i32_1 = arith.constant 0 : i32
    return %c0_i32, %c0_i32_0 : i32, i32
  }
}

module attributes {stable_mosaic.version = 14 : i64} {
  func.func @_affine_relu_body(%arg0: i32, %arg1: memref<16x2048xf32, #tpu.memory_space<vmem>>, %arg2: memref<1x2048xf32, #tpu.memory_space<vmem>>, %arg3: memref<1x2048xf32, #tpu.memory_space<vmem>>, %arg4: memref<16x2048xf32, #tpu.memory_space<vmem>>) attributes {dimension_semantics = [#tpu.dimension_semantics<arbitrary>], iteration_bounds = array<i64: 1>, scalar_prefetch = 0 : i64, scratch_operands = 0 : i64, tpu.core_type = #tpu.core_type<tc>, window_params = [{transform_indices = @transform_0, window_bounds = array<i64: 16, 2048>}, {pipeline_mode = #tpu.pipeline_mode<synchronous>, transform_indices = @transform_1, window_bounds = array<i64: 1, 2048>}, {pipeline_mode = #tpu.pipeline_mode<synchronous>, transform_indices = @transform_2, window_bounds = array<i64: 1, 2048>}, {transform_indices = @transform_3, window_bounds = array<i64: 16, 2048>}]} {
    %get3A = arith.constant 0 : index
    %get3A_0 = arith.constant 0 : index
    %get3A_1 = vector.load %arg1[%get3A, %get3A_0] : memref<16x2048xf32, #tpu.memory_space<vmem>>, vector<16x2048xf32>
    %get3A_2 = arith.constant 0 : index
    %get3A_3 = arith.constant 0 : index
    %get3A_4 = vector.load %arg2[%get3A_2, %get3A_3] : memref<1x2048xf32, #tpu.memory_space<vmem>>, vector<1x2048xf32>
    %mul3A = vector.broadcast %get3A_4 : vector<1x2048xf32> to vector<16x2048xf32>
    %mul3A_5 = arith.mulf %get3A_1, %mul3A : vector<16x2048xf32>
    %get3A_6 = arith.constant 0 : index
    %get3A_7 = arith.constant 0 : index
    %get3A_8 = vector.load %arg3[%get3A_6, %get3A_7] : memref<1x2048xf32, #tpu.memory_space<vmem>>, vector<1x2048xf32>
    %add3A = vector.broadcast %get3A_8 : vector<1x2048xf32> to vector<16x2048xf32>
    %add3A_9 = arith.addf %mul3A_5, %add3A : vector<16x2048xf32>
    %max3A = arith.constant 0.000000e+00 : f32
    %max3A_10 = vector.broadcast %max3A : f32 to vector<16x2048xf32>
    %max3A_11 = arith.maximumf %add3A_9, %max3A_10 : vector<16x2048xf32>
    %swap3A = arith.constant 0 : index
    %swap3A_12 = arith.constant 0 : index
    %swap3A_13 = vector.load %arg4[%swap3A, %swap3A_12] : memref<16x2048xf32, #tpu.memory_space<vmem>>, vector<16x2048xf32>
    tpu.vector_store %arg4[%swap3A, %swap3A_12], %max3A_11 {strides = array<i32>} : memref<16x2048xf32, #tpu.memory_space<vmem>>, vector<16x2048xf32>,
    return
  }
  func.func @transform_0(%arg0: i32) -> (i32, i32) {
    %c0_i32 = arith.constant 0 : i32
    %c0_i32_0 = arith.constant 0 : i32
    return %arg0, %c0_i32 : i32, i32
  }
  func.func @transform_1(%arg0: i32) -> (i32, i32) {
    %c0_i32 = arith.constant 0 : i32
    %c0_i32_0 = arith.constant 0 : i32
    %c0_i32_1 = arith.constant 0 : i32
    return %c0_i32, %c0_i32_0 : i32, i32
  }
  func.func @transform_2(%arg0: i32) -> (i32, i32) {
    %c0_i32 = arith.constant 0 : i32
    %c0_i32_0 = arith.constant 0 : i32
    %c0_i32_1 = arith.constant 0 : i32
    return %c0_i32, %c0_i32_0 : i32, i32
  }
  func.func @transform_3(%arg0: i32) -> (i32, i32) {
    %c0_i32 = arith.constant 0 : i32
    %c0_i32_0 = arith.constant 0 : i32
    return %arg0, %c0_i32 : i32, i32
  }
}

module attributes {stable_mosaic.version = 14 : i64} {
  func.func @_cls_body(%arg0: memref<16x2048xf32, #tpu.memory_space<vmem>>, %arg1: memref<2048x512xf32, #tpu.memory_space<vmem>>, %arg2: memref<1x512xf32, #tpu.memory_space<vmem>>, %arg3: memref<1x512xf32, #tpu.memory_space<vmem>>, %arg4: memref<1x512xf32, #tpu.memory_space<vmem>>, %arg5: memref<512x256xf32, #tpu.memory_space<vmem>>, %arg6: memref<1x256xf32, #tpu.memory_space<vmem>>, %arg7: memref<1x256xf32, #tpu.memory_space<vmem>>, %arg8: memref<1x256xf32, #tpu.memory_space<vmem>>, %arg9: memref<256x40xf32, #tpu.memory_space<vmem>>, %arg10: memref<1x40xf32, #tpu.memory_space<vmem>>, %arg11: memref<16x40xf32, #tpu.memory_space<vmem>>) attributes {dimension_semantics = [], scalar_prefetch = 0 : i64, scratch_operands = 0 : i64, tpu.core_type = #tpu.core_type<tc>} {
    %get3A = arith.constant 0 : index
    %get3A_0 = arith.constant 0 : index
    %get3A_1 = vector.load %arg0[%get3A, %get3A_0] : memref<16x2048xf32, #tpu.memory_space<vmem>>, vector<16x2048xf32>
    %get3A_2 = arith.constant 0 : index
    %get3A_3 = arith.constant 0 : index
    %get3A_4 = vector.load %arg1[%get3A_2, %get3A_3] : memref<2048x512xf32, #tpu.memory_space<vmem>>, vector<2048x512xf32>
    %dot_general3A = arith.constant dense<0.000000e+00> : vector<16x512xf32>
    %dot_general3A_5 = tpu.matmul %get3A_1, %get3A_4, %dot_general3A {dimension_numbers = #tpu.dot_dimension_numbers<[1], [0], [0], [1], [0, 0, 1, 1], [], []>, transpose_lhs_hint = false} : vector<16x2048xf32>, vector<2048x512xf32>, vector<16x512xf32> -> vector<16x512xf32>
    %get3A_6 = arith.constant 0 : index
    %get3A_7 = arith.constant 0 : index
    %get3A_8 = vector.load %arg2[%get3A_6, %get3A_7] : memref<1x512xf32, #tpu.memory_space<vmem>>, vector<1x512xf32>
    %add3A = vector.broadcast %get3A_8 : vector<1x512xf32> to vector<16x512xf32>
    %add3A_9 = arith.addf %dot_general3A_5, %add3A : vector<16x512xf32>
    %get3A_10 = arith.constant 0 : index
    %get3A_11 = arith.constant 0 : index
    %get3A_12 = vector.load %arg3[%get3A_10, %get3A_11] : memref<1x512xf32, #tpu.memory_space<vmem>>, vector<1x512xf32>
    %get3A_13 = arith.constant 0 : index
    %get3A_14 = arith.constant 0 : index
    %get3A_15 = vector.load %arg4[%get3A_13, %get3A_14] : memref<1x512xf32, #tpu.memory_space<vmem>>, vector<1x512xf32>
    %reduce_sum3A = arith.constant dense<0.000000e+00> : vector<512xf32>
    %reduce_sum3A_16 = vector.multi_reduction <add>, %add3A_9, %reduce_sum3A [0] : vector<16x512xf32> to vector<512xf32>
    %broadcast_in_dim3A = vector.shape_cast %reduce_sum3A_16 : vector<512xf32> to vector<1x512xf32>
    %div3A = arith.constant 1.600000e+01 : f32
    %div3A_17 = vector.broadcast %div3A : f32 to vector<1x512xf32>
    %div3A_18 = arith.divf %broadcast_in_dim3A, %div3A_17 : vector<1x512xf32>
    %mul3A = arith.mulf %add3A_9, %add3A_9 : vector<16x512xf32>
    %reduce_sum3A_19 = arith.constant dense<0.000000e+00> : vector<512xf32>
    %reduce_sum3A_20 = vector.multi_reduction <add>, %mul3A, %reduce_sum3A_19 [0] : vector<16x512xf32> to vector<512xf32>
    %broadcast_in_dim3A_21 = vector.shape_cast %reduce_sum3A_20 : vector<512xf32> to vector<1x512xf32>
    %div3A_22 = arith.constant 1.600000e+01 : f32
    %div3A_23 = vector.broadcast %div3A_22 : f32 to vector<1x512xf32>
    %div3A_24 = arith.divf %broadcast_in_dim3A_21, %div3A_23 : vector<1x512xf32>
    %mul3A_25 = arith.mulf %div3A_18, %div3A_18 : vector<1x512xf32>
    %sub3A = arith.subf %div3A_24, %mul3A_25 : vector<1x512xf32>
    %sub3A_26 = vector.broadcast %div3A_18 : vector<1x512xf32> to vector<16x512xf32>
    %sub3A_27 = arith.subf %add3A_9, %sub3A_26 : vector<16x512xf32>
    %mul3A_28 = vector.broadcast %get3A_12 : vector<1x512xf32> to vector<16x512xf32>
    %mul3A_29 = arith.mulf %mul3A_28, %sub3A_27 : vector<16x512xf32>
    %add3A_30 = arith.constant 9.99999974E-6 : f32
    %add3A_31 = vector.broadcast %add3A_30 : f32 to vector<1x512xf32>
    %add3A_32 = arith.addf %sub3A, %add3A_31 : vector<1x512xf32>
    %sqrt3A = math.sqrt %add3A_32 : vector<1x512xf32>
    %div3A_33 = vector.broadcast %sqrt3A : vector<1x512xf32> to vector<16x512xf32>
    %div3A_34 = arith.divf %mul3A_29, %div3A_33 : vector<16x512xf32>
    %add3A_35 = vector.broadcast %get3A_15 : vector<1x512xf32> to vector<16x512xf32>
    %add3A_36 = arith.addf %div3A_34, %add3A_35 : vector<16x512xf32>
    %max3A = arith.constant 0.000000e+00 : f32
    %max3A_37 = vector.broadcast %max3A : f32 to vector<16x512xf32>
    %max3A_38 = arith.maximumf %add3A_36, %max3A_37 : vector<16x512xf32>
    %get3A_39 = arith.constant 0 : index
    %get3A_40 = arith.constant 0 : index
    %get3A_41 = vector.load %arg5[%get3A_39, %get3A_40] : memref<512x256xf32, #tpu.memory_space<vmem>>, vector<512x256xf32>
    %dot_general3A_42 = arith.constant dense<0.000000e+00> : vector<16x256xf32>
    %dot_general3A_43 = tpu.matmul %max3A_38, %get3A_41, %dot_general3A_42 {dimension_numbers = #tpu.dot_dimension_numbers<[1], [0], [0], [1], [0, 0, 1, 1], [], []>, transpose_lhs_hint = false} : vector<16x512xf32>, vector<512x256xf32>, vector<16x256xf32> -> vector<16x256xf32>
    %get3A_44 = arith.constant 0 : index
    %get3A_45 = arith.constant 0 : index
    %get3A_46 = vector.load %arg6[%get3A_44, %get3A_45] : memref<1x256xf32, #tpu.memory_space<vmem>>, vector<1x256xf32>
    %add3A_47 = vector.broadcast %get3A_46 : vector<1x256xf32> to vector<16x256xf32>
    %add3A_48 = arith.addf %dot_general3A_43, %add3A_47 : vector<16x256xf32>
    %get3A_49 = arith.constant 0 : index
    %get3A_50 = arith.constant 0 : index
    %get3A_51 = vector.load %arg7[%get3A_49, %get3A_50] : memref<1x256xf32, #tpu.memory_space<vmem>>, vector<1x256xf32>
    %get3A_52 = arith.constant 0 : index
    %get3A_53 = arith.constant 0 : index
    %get3A_54 = vector.load %arg8[%get3A_52, %get3A_53] : memref<1x256xf32, #tpu.memory_space<vmem>>, vector<1x256xf32>
    %reduce_sum3A_55 = arith.constant dense<0.000000e+00> : vector<256xf32>
    %reduce_sum3A_56 = vector.multi_reduction <add>, %add3A_48, %reduce_sum3A_55 [0] : vector<16x256xf32> to vector<256xf32>
    %broadcast_in_dim3A_57 = vector.shape_cast %reduce_sum3A_56 : vector<256xf32> to vector<1x256xf32>
    %div3A_58 = arith.constant 1.600000e+01 : f32
    %div3A_59 = vector.broadcast %div3A_58 : f32 to vector<1x256xf32>
    %div3A_60 = arith.divf %broadcast_in_dim3A_57, %div3A_59 : vector<1x256xf32>
    %mul3A_61 = arith.mulf %add3A_48, %add3A_48 : vector<16x256xf32>
    %reduce_sum3A_62 = arith.constant dense<0.000000e+00> : vector<256xf32>
    %reduce_sum3A_63 = vector.multi_reduction <add>, %mul3A_61, %reduce_sum3A_62 [0] : vector<16x256xf32> to vector<256xf32>
    %broadcast_in_dim3A_64 = vector.shape_cast %reduce_sum3A_63 : vector<256xf32> to vector<1x256xf32>
    %div3A_65 = arith.constant 1.600000e+01 : f32
    %div3A_66 = vector.broadcast %div3A_65 : f32 to vector<1x256xf32>
    %div3A_67 = arith.divf %broadcast_in_dim3A_64, %div3A_66 : vector<1x256xf32>
    %mul3A_68 = arith.mulf %div3A_60, %div3A_60 : vector<1x256xf32>
    %sub3A_69 = arith.subf %div3A_67, %mul3A_68 : vector<1x256xf32>
    %sub3A_70 = vector.broadcast %div3A_60 : vector<1x256xf32> to vector<16x256xf32>
    %sub3A_71 = arith.subf %add3A_48, %sub3A_70 : vector<16x256xf32>
    %mul3A_72 = vector.broadcast %get3A_51 : vector<1x256xf32> to vector<16x256xf32>
    %mul3A_73 = arith.mulf %mul3A_72, %sub3A_71 : vector<16x256xf32>
    %add3A_74 = arith.constant 9.99999974E-6 : f32
    %add3A_75 = vector.broadcast %add3A_74 : f32 to vector<1x256xf32>
    %add3A_76 = arith.addf %sub3A_69, %add3A_75 : vector<1x256xf32>
    %sqrt3A_77 = math.sqrt %add3A_76 : vector<1x256xf32>
    %div3A_78 = vector.broadcast %sqrt3A_77 : vector<1x256xf32> to vector<16x256xf32>
    %div3A_79 = arith.divf %mul3A_73, %div3A_78 : vector<16x256xf32>
    %add3A_80 = vector.broadcast %get3A_54 : vector<1x256xf32> to vector<16x256xf32>
    %add3A_81 = arith.addf %div3A_79, %add3A_80 : vector<16x256xf32>
    %max3A_82 = arith.constant 0.000000e+00 : f32
    %max3A_83 = vector.broadcast %max3A_82 : f32 to vector<16x256xf32>
    %max3A_84 = arith.maximumf %add3A_81, %max3A_83 : vector<16x256xf32>
    %get3A_85 = arith.constant 0 : index
    %get3A_86 = arith.constant 0 : index
    %get3A_87 = vector.load %arg9[%get3A_85, %get3A_86] : memref<256x40xf32, #tpu.memory_space<vmem>>, vector<256x40xf32>
    %dot_general3A_88 = arith.constant dense<0.000000e+00> : vector<16x40xf32>
    %dot_general3A_89 = tpu.matmul %max3A_84, %get3A_87, %dot_general3A_88 {dimension_numbers = #tpu.dot_dimension_numbers<[1], [0], [0], [1], [0, 0, 1, 1], [], []>, transpose_lhs_hint = false} : vector<16x256xf32>, vector<256x40xf32>, vector<16x40xf32> -> vector<16x40xf32>
    %get3A_90 = arith.constant 0 : index
    %get3A_91 = arith.constant 0 : index
    %get3A_92 = vector.load %arg10[%get3A_90, %get3A_91] : memref<1x40xf32, #tpu.memory_space<vmem>>, vector<1x40xf32>
    %add3A_93 = vector.broadcast %get3A_92 : vector<1x40xf32> to vector<16x40xf32>
    %add3A_94 = arith.addf %dot_general3A_89, %add3A_93 : vector<16x40xf32>
    %reduce_max3A = arith.constant dense<0xFF800000> : vector<16xf32>
    %reduce_max3A_95 = vector.multi_reduction <maximumf>, %add3A_94, %reduce_max3A [1] : vector<16x40xf32> to vector<16xf32>
    %broadcast_in_dim3A_96 = vector.shape_cast %reduce_max3A_95 : vector<16xf32> to vector<16x1xf32>
    %sub3A_97 = vector.broadcast %broadcast_in_dim3A_96 : vector<16x1xf32> to vector<16x40xf32>
    %sub3A_98 = arith.subf %add3A_94, %sub3A_97 : vector<16x40xf32>
    %exp3A = math.exp %sub3A_98 : vector<16x40xf32>
    %reduce_sum3A_99 = arith.constant dense<0.000000e+00> : vector<16xf32>
    %reduce_sum3A_100 = vector.multi_reduction <add>, %exp3A, %reduce_sum3A_99 [1] : vector<16x40xf32> to vector<16xf32>
    %broadcast_in_dim3A_101 = vector.shape_cast %reduce_sum3A_100 : vector<16xf32> to vector<16x1xf32>
    %log3A = math.log %broadcast_in_dim3A_101 : vector<16x1xf32>
    %add3A_102 = arith.addf %broadcast_in_dim3A_96, %log3A : vector<16x1xf32>
    %sub3A_103 = vector.broadcast %add3A_102 : vector<16x1xf32> to vector<16x40xf32>
    %sub3A_104 = arith.subf %add3A_94, %sub3A_103 : vector<16x40xf32>
    %swap3A = arith.constant 0 : index
    %swap3A_105 = arith.constant 0 : index
    %swap3A_106 = vector.load %arg11[%swap3A, %swap3A_105] : memref<16x40xf32, #tpu.memory_space<vmem>>, vector<16x40xf32>
    tpu.vector_store %arg11[%swap3A, %swap3A_105], %sub3A_104 {strides = array<i32>} : memref<16x40xf32, #tpu.memory_space<vmem>>, vector<16x40xf32>,
    return
  }
}

</mosaic_0001>

<sc_bundles>
// kernel: kernel.36.cloned.1.call-start
scs
__scs_entry_jumppad:
0x0: {  	(pc) =	sbr.rel $0x88, $3  }
0x1: {  	(tag) =	ssettag $0x0;
	lr =	simm.s32 $0x1  }
0x2: {  	[smem:$0x3F50] =	sst lr;
	_ =	strace $0xD0000000  }
0x3: {  	_ = 	snop  }
0x4: {  	_ = 	snop  }
0x5: {  	_ = 	snop  }
0x6: {  	_ = 	snop  }
0x7: {  	_ = 	snop  }
__scs_overlays_trampoline_lowered:
0x8: {  	[smem:$0x3F5F] =	sst s0  }
0x9: {  	[smem:$0x3F60] =	sst s1  }
0xa: {  	[smem:$0x3F61] =	sst s2  }
0xb: {  	[smem:$0x3F62] =	sst s3  }
0xc: {  	[smem:$0x3F63] =	sst s4  }
0xd: {  	[smem:$0x3F64] =	sst s5  }
0xe: {  	[smem:$0x3F65] =	sst s6  }
0xf: {  	[smem:$0x3F66] =	sst s7  }
0x10: {  	[smem:$0x3F67] =	sst s8  }
0x11: {  	[smem:$0x3F68] =	sst s9;
	s0 =	simm.s32 @!p0 $0x0  }
0x12: {  	s1 =	sld [smem:$0x3F4E];
	s0 =	simm.s32 @p0 $0x1  }
0x13: {  	[smem:$0x3F69] =	sst s0;
	s0 =	simm.s32 @!p1 $0x0  }
0x14: {  	s2 =	sld [smem:$0x3F4D];
	s0 =	simm.s32 @p1 $0x1  }
0x15: {  	[smem:$0x3F6A] =	sst s0;
	s0 =	simm.s32 @!p2 $0x0  }
0x16: {  	s3 =	sld [smem:$0x3FDB];
	s0 =	simm.s32 @p2 $0x1  }
0x17: {  	s4 =	simm.s32 $0x1BF5;
	[smem:$0x3F6C] =	sst s0  }
0x18: {  	s0 =	sld [smem:$0x3F4F];
	_ =	swait.ge [sflag:s4], $0x0  }
0x19: {  	s7 =	sld [smem:$0x3F50]  }
0x1a: {  	s8 =	sadd.s32 $0xFFFFE003, lr  }
0x1b: {  	s9 =	sadd.s32 $0xFFFFFEF7, lr;
	s5 =	simm.s32 $0xFFFFFFFF;
	p2 =	slt.u32 s8, $0xFFFFF086  }
0x1c: {  	p1 =	slt.u32 s9, $0xF7A;
	s5 =	simm.s32 @!p2 $0x0  }
0x1d: {  	s5 =	simm.s32 @p1 $0x1;
	p0 =	seq.s32 s7, s2  }
0x1e: {  	s7 =	smul.u32 @!p0 $0xF7A, s2;
	p2 =	seq.s32 @!p0 s5, $0x0  }
0x1f: {  	s9 =	smul.u32 $0xF7A, s1;
	s8 =	simm.s32 @!p0 $0x1BF5;
	p2 =	por !p2, p0  }
0x20: {  	[sflag:s8] =	ssyncset.s32 @!p0 $0xFFFFF086;
	s6 =	sadd.s32 @!p0 s3, s7;
	s7 =	simm.s32 @!p0 $0x108  }
0x21: {  	s3 =	sadd.s32 s3, s9;
	s6 =	sadd.s32 @!p0 $0x88, s6;
	s7 =	simm.s32 @p2 $0x1082  }
0x22: {  	[simem:s7], [sflag:s8] =	dma.local @!p0 [hbm:s6], $0xF7A  }
0x23: {  	s9 =	sor.u32 $0xD0000000, s2;
	s6 =	simm.s32 $0x108;
	_ =	swait.ge @!p0 [sflag:s8], $0x0  }
0x24: {  	s3 =	sadd.s32 $0x88, s3;
	s6 =	simm.s32 @!p1 $0x1082;
	[sflag:s4] =	ssyncset.s32 $0xFFFFF086  }
0x25: {  	[simem:s6], [sflag:s4] =	dma.local [hbm:s3], $0xF7A  }
0x26: {  	[smem:$0x3F50] =	sst s1;
	(tag) =	ssettag s2;
	_ =	strace s9  }
0x27: {  	s1 =	sld [smem:$0x3F60]  }
0x28: {  	s2 =	sld [smem:$0x3F61]  }
0x29: {  	s4 =	sld [smem:$0x3F63]  }
0x2a: {  	p0 =	seq.s32 s5, $0x0;
	s5 =	sld [smem:$0x3F64]  }
0x2b: {  	s6 =	sld [smem:$0x3F65]  }
0x2c: {  	s7 =	sld [smem:$0x3F66]  }
0x2d: {  	s3 =	simm.s32 $0x108;
	s8 =	sld [smem:$0x3F67]  }
0x2e: {  	s3 =	simm.s32 @!p0 $0x1082;
	s9 =	sld [smem:$0x3F68]  }
0x2f: {  	lr =	sadd.s32 s0, s3;
	s0 =	sld [smem:$0x3F5F]  }
0x30: {  	s3 =	sld [smem:$0x3F62]  }
0x31: {  	[smem:$0x3F6B] =	sst s10  }
0x32: {  	s10 =	sld [smem:$0x3F69];
	_ =	sdelay $0x3  }
0x33: {  	p0 =	seq.s32 s10, $0x1;
	s10 =	sld [smem:$0x3F6B];
	_ =	sdelay $0x3  }
0x34: {  	[smem:$0x3F6B] =	sst s10  }
0x35: {  	s10 =	sld [smem:$0x3F6A];
	_ =	sdelay $0x3  }
0x36: {  	p1 =	seq.s32 s10, $0x1;
	s10 =	sld [smem:$0x3F6B];
	_ =	sdelay $0x3  }
0x37: {  	[smem:$0x3F6B] =	sst s10  }
0x38: {  	s10 =	sld [smem:$0x3F6C]  }
0x39: {  	_ = 	snop;
	(pc) =	sbr.ind lr, $3  }
0x3a: {  	_ = 	snop  }
0x3b: {  	_ = 	snop  }
0x3c: {  	p2 =	seq.s32 s10, $0x1;
	s10 =	sld [smem:$0x3F6B]  }
0x3d: {  	_ =	shalt  }
0x3e: {  	_ =	shalt  }
0x3f: {  	_ =	shalt  }
0x40: {  	_ =	shalt  }
0x41: {  	_ =	shalt  }
0x42: {  	_ =	shalt  }
0x43: {  	_ =	shalt  }
0x44: {  	_ =	shalt  }
0x45: {  	_ =	shalt  }
0x46: {  	_ =	shalt  }
0x47: {  	_ =	shalt  }
0x48: {  	_ =	shalt  }
0x49: {  	_ =	shalt  }
0x4a: {  	_ =	shalt  }
0x4b: {  	_ =	shalt  }
0x4c: {  	_ =	shalt  }
0x4d: {  	_ =	shalt  }
0x4e: {  	_ =	shalt  }
0x4f: {  	_ =	shalt  }
0x50: {  	_ =	shalt  }
0x51: {  	_ =	shalt  }
0x52: {  	_ =	shalt  }
0x53: {  	_ =	shalt  }
0x54: {  	_ =	shalt  }
0x55: {  	_ =	shalt  }
0x56: {  	_ =	shalt  }
0x57: {  	_ =	shalt  }
0x58: {  	_ =	shalt  }
0x59: {  	_ =	shalt  }
0x5a: {  	_ =	shalt  }
0x5b: {  	_ =	shalt  }
0x5c: {  	_ =	shalt  }
0x5d: {  	_ =	shalt  }
0x5e: {  	_ =	shalt  }
0x5f: {  	_ =	shalt  }
0x60: {  	_ =	shalt  }
0x61: {  	_ =	shalt  }
0x62: {  	_ =	shalt  }
0x63: {  	_ =	shalt  }
0x64: {  	_ =	shalt  }
0x65: {  	_ =	shalt  }
0x66: {  	_ =	shalt  }
0x67: {  	_ =	shalt  }
0x68: {  	_ =	shalt  }
0x69: {  	_ =	shalt  }
0x6a: {  	_ =	shalt  }
0x6b: {  	_ =	shalt  }
0x6c: {  	_ =	shalt  }
0x6d: {  	_ =	shalt  }
0x6e: {  	_ =	shalt  }
0x6f: {  	_ =	shalt  }
0x70: {  	_ =	shalt  }
0x71: {  	_ =	shalt  }
0x72: {  	_ =	shalt  }
0x73: {  	_ =	shalt  }
0x74: {  	_ =	shalt  }
0x75: {  	_ =	shalt  }
0x76: {  	_ =	shalt  }
0x77: {  	_ =	shalt  }
0x78: {  	_ =	shalt  }
0x79: {  	_ =	shalt  }
0x7a: {  	_ =	shalt  }
0x7b: {  	_ =	shalt  }
0x7c: {  	_ =	shalt  }
0x7d: {  	_ =	shalt  }
0x7e: {  	_ =	shalt  }
0x7f: {  	_ =	shalt  }
0x80: {  	_ =	shalt  }
0x81: {  	_ =	shalt  }
0x82: {  	_ =	shalt  }
0x83: {  	_ =	shalt  }
0x84: {  	_ =	shalt  }
0x85: {  	_ =	shalt  }
0x86: {  	_ =	shalt  }
0x87: {  	_ =	shalt  }
.Lfunc_end0:
.L_simem_size_0:
called_computation_lowered:
.L_overlay_start_0:
0x88: {  	s2 =	sld [smem:$0x3FD9]  }
0x89: {  	s3 =	sld [smem:$0x3FFE];
	_ =	sdelay $0x1  }
0x8a: {  	s1 =	srdreg.scid  }
0x8b: {  	s0 =	sand.u32 $0x1, s1  }
0x8c: {  	s16 =	sshll.u32 s0, $0xA;
	s2 =	sadd.s32 s3, s2  }
0x8d: {  	s2 =	sadd.s32 s2, s16  }
0x8e: {  	[smem:$0x3F77] =	sst s2  }
0x8f: {  	_ = 	snop  }
0x90: {  	(tm) =	ssettm $0x1  }
0x91: {  	s17 =	sld [smem:$0x3FFB];
	_ =	sdelay $0x3  }
0x92: {  	_ =	strace s17  }
0x93: {  	s2 =	sld [smem:$0x3FFC];
	_ =	sdelay $0x3  }
0x94: {  	_ =	strace s2  }
0x95: {  	s2 =	sld [smem:$0x3FFD];
	_ =	sdelay $0x3  }
0x96: {  	_ =	strace s2  }
0x97: {  	_ =	strace $0x8FFFFFFF  }
0x98: {  	s18 =	sld [smem:$0x3FDB];
	_ =	sdelay $0x1  }
0x99: {  	s19 =	simm.s32 $_scs_section_size  }
0x9a: {  	s4 =	simm.s32 $_size__tile_overlayer_lowered;
	s5 =	simm.s32 $_tile_overlayer_lowered  }
0x9b: {  	s22 =	simm.s32 $0x1BFF;
	s21 =	sshll.u32 s5, $0x1;
	s2 =	sadd.s32 s19, s18  }
0x9c: {  	s6 =	simm.s32 $0x0;
	s20 =	sshll.u32 s4, $0x1;
	s4 =	sadd.s32 s21, s2  }
0x9d: {  	[timem:s6], [sflag:s22] =	dma.local [hbm:s4], s20  }
0x9e: {  	_ =	swait.ge [sflag:s22], s20  }
0x9f: {  	s3 =	ssub.s32 $0x0, s20;
	[sflag:s22] =	ssyncset.done $0x0  }
0xa0: {  	[sflag:s22] =	ssyncadd.s32 s3;
	_ =	sdelay $0x1  }
0xa1: {  	s23 =	simm.s32 $0x1B8B  }
0xa2: {  	_ =	swait.ge [sflag:s23], $0x1  }
0xa3: {  	[sflag:s23] =	ssyncset.done $0x0  }
0xa4: {  	s25 =	simm.s32 $0x1B8E;
	s24 =	sld [smem:$0x3FFE];
	[sflag:s23] =	ssyncadd.s32 $0xFFFFFFFF  }
0xa5: {  	s26 =	simm.s32 $execute0_lowered;
	[smem:$0x3FD2] =	sst s25  }
0xa6: {  	s4 =	sshll.u32 s26, $0x1;
	_ =	strace $0x80000046;
	[dreg:$0x1] =	wrdreg $0xFFFFFFFF  }
0xa7: {  	s28 =	simm.s32 $_size_execute0_lowered;
	s2 =	sadd.s32 s2, s4;
	[dreg:$0x0] =	wrdreg $0x0  }
0xa8: {  	s4 =	sshll.u32 s28, $0x1;
	[dreg:$0x2] =	wrdreg s2  }
0xa9: {  	[dreg:$0x3] =	wrdreg s4  }
0xaa: {  	[dreg:$0x4] =	wrdreg $0xC0  }
0xab: {  	_ =	task [dreg:s6], $0x5FFFF  }
0xac: {  	[dreg:$0x1] =	wrdreg $0xFFFFFFFF  }
0xad: {  	[dreg:$0x0] =	wrdreg $0x60  }
0xae: {  	[dreg:$0x2] =	wrdreg s24  }
0xaf: {  	[dreg:$0x3] =	wrdreg $0x9  }
0xb0: {  	_ =	task.clear_ibuf [dreg:s6], $0x4FFFF;
	_ =	strace $0x90000046  }
0xb1: {  	s29 =	simm.s32 $0x9;
	_ =	strace $0x80000048  }
0xb2: {  	_ =	swait.ge [sflag:s29], $0x1  }
0xb3: {  	[sflag:s29] =	ssyncadd.s32 $0xFFFFFFFF  }
0xb4: {  	_ =	strace $0x90000048  }
0xb5: {  	_ =	sfence  }
0xb6: {  	s30 =	sld [smem:$0x0];
	_ =	sdelay $0x2  }
0xb7: {  	s31 =	sshll.u32 s1, $0xD;
	s1 =	sshrl.u32 s1, $0x2  }
0xb8: {  	s3 =	sand.u32 $0x4000, s31;
	s1 =	sadd.s32 s1, s30  }
0xb9: {  	s0 =	sor.u32 s3, s0;
	s1 =	sshll.u32 s1, $0x11  }
0xba: {  	s0 =	sor.u32 s1, s0  }
0xbb: {  	s0 =	sadd.s32 $0x8F2B, s0  }
0xbc: {  	[sflag:s0] =	ssyncadd.remote.s32 $0x1  }
0xbd: {  	_ =	sfence.sel $0xFFFF  }
0xbe: {  	[dreg:$0x0] =	wrdreg $0xFFFFFFFF;
	(pc) =	sbr.abs _section_cstart, $3  }
0xbf: {  	[dreg:$0x1] =	wrdreg $0xFFFFFFFF  }
0xc0: {  	_ =	task.clear_ibuf [dreg:s6], $0x2FFFF;
	_ =	strace $0x9FFFFFFF  }
0xc1: {  	(tm) =	ssettm $0x7FFFFFFF  }
tec
execute0_lowered:
.L_overlay_start_1:
0x0: {  	(tag) =	ssettag $0x1  }
0x1: {  	s4 =	rddreg [dreg:$0x0]  }
0x2: {  	s0 =	rddreg [dreg:$0x1];
	s2 =	simm.s32 $0x0;
	s3 =	srdreg.scid  }
0x3: {  	s1 =	stileid.u32;
	s10 =	simm.s32 $0x0;
	[smem:$0x7FF] =	sst s2  }
0x4: {  	s5 =	sand.u32 $0x1, s3;
	s6 =	sshll.u32 s1, $0xD;
	s3 =	sadd.s32 $0x5AC00, s4  }
0x5: {  	s8 =	sshll.u32 s1, $0x11;
	_ =	strace $0x80000047;
	s7 =	sshll.u32 s5, $0xC  }
0x6: {  	s31 =	ssub.s32 $0x2, s5;
	s8 =	sadd.s32 s8, s4;
	s5 =	sshll.u32 s5, $0x10  }
0x7: {  	s6 =	sor.u32 s7, s6;
	s9 =	sshrl.u32 s31, $0x1;
	s5 =	sadd.s32 s5, s8  }
0x8: {  	s8 =	simm.s32 $0x80;
	s6 =	sshrl.u32 s6, $0x3;
	s7 =	ssub.s32 s31, s9  }
0x9: {  	s5 =	sadd.s32 $0x9AC00, s5;
	s9 =	simm.s32 $0x1;
	s6 =	sadd.s32 s6, s4  }
0xa: {  	s4 =	smax.u32 s7, $0x1;
	s7 =	simm.s32 $0x2;
	s6 =	sadd.s32 $0x56C00, s6  }
.LBB2_1:
0xb: {  	s11 =	sadd.s32 $0x0, s6  }
0xc: {  	[tilespmem:s2], [sflag:$0x2] =	stream.linear.gather [hbm4b:s11+s2], $0x80, $0x38;
	[tilespmem:$0x4080] =	vst v63  }
0xd: {  	_ =	swait.ge [sflag:s7], $0x80  }
0xe: {  	[sflag:s7] =	ssyncset.done $0x0  }
0xf: {  	[sflag:s7] =	ssyncadd.s32 $0xFFFFFF80  }
0x10: {  	[tilespmem:s8], [sflag:$0x1] =	stream.indirect.gather [hbm4b:s3+s8], $0x80, s2, s8, $0xb8;
	[tilespmem:$0x4080] =	vst v63  }
0x11: {  	_ =	swait.ge [sflag:s9], $0x4000  }
0x12: {  	[sflag:s9] =	ssyncset.done $0x0  }
0x13: {  	[sflag:s9] =	ssyncadd.s32 $0xFFFFC000  }
0x14: {  	[hbm4b:s5+s2] =	stream.linear.scatter [tilespmem:s8], [sflag:$0x2], $0x4000, $0x38;
	[tilespmem:$0x4080] =	vst v63  }
0x15: {  	s12 =	simm.s32 $0x10;
	_ =	swait.ge [sflag:s7], $0x4000  }
0x16: {  	s13 =	simm.s32 $0x20;
	s11 =	sadd.s32 $0x800, s5;
	[sflag:s7] =	ssyncset.done $0x0  }
.LBB2_2:
0x17: {  	s14 =	sadd.s32 s12, s6  }
0x18: {  	[sflag:s7] =	ssyncadd.s32 $0xFFFFC000;
	s12 =	smov.u32 s13;
	s15 =	sadd.s32 $0x10, s13  }
0x19: {  	[tilespmem:s2], [sflag:$0x2] =	stream.linear.gather [hbm4b:s14+s2], $0x80, $0x38;
	[tilespmem:$0x4080] =	vst v63  }
0x1a: {  	p0 =	sne.s32 s13, $0x1F0;
	_ =	swait.ge [sflag:s7], $0x80  }
0x1b: {  	[sflag:s7] =	ssyncset.done $0x0  }
0x1c: {  	[sflag:s7] =	ssyncadd.s32 $0xFFFFFF80  }
0x1d: {  	[tilespmem:s8], [sflag:$0x1] =	stream.indirect.gather [hbm4b:s3+s8], $0x80, s2, s8, $0xb8;
	[tilespmem:$0x4080] =	vst v63  }
0x1e: {  	_ =	swait.ge [sflag:s9], $0x4000  }
.Ltmp0:
0x1f: {  	[sflag:s9] =	ssyncset.done $0x0;
	(pc) =	sbr.rel @p0 .LBB2_2-.Ltmp0, $4  }
0x20: {  	[sflag:s9] =	ssyncadd.s32 $0xFFFFC000  }
0x21: {  	[hbm4b:s11+s2] =	stream.linear.scatter [tilespmem:s8], [sflag:$0x2], $0x4000, $0x38;
	[tilespmem:$0x4080] =	vst v63  }
0x22: {  	_ =	swait.ge [sflag:s7], $0x4000  }
0x23: {  	s13 =	smov.u32 s15;
	s11 =	sadd.s32 $0x800, s11;
	[sflag:s7] =	ssyncset.done $0x0  }
0x24: {  	s12 =	sadd.s32 s12, s6;
	[sflag:s7] =	ssyncadd.s32 $0xFFFFC000  }
0x25: {  	[tilespmem:s2], [sflag:$0x2] =	stream.linear.gather [hbm4b:s12+s2], $0x80, $0x38;
	[tilespmem:$0x4080] =	vst v63  }
0x26: {  	_ =	swait.ge [sflag:s7], $0x80  }
0x27: {  	[sflag:s7] =	ssyncset.done $0x0  }
0x28: {  	[sflag:s7] =	ssyncadd.s32 $0xFFFFFF80  }
0x29: {  	[tilespmem:s8], [sflag:$0x1] =	stream.indirect.gather [hbm4b:s3+s8], $0x80, s2, s8, $0xb8;
	[tilespmem:$0x4080] =	vst v63  }
0x2a: {  	s10 =	sadd.s32 $0x1, s10;
	_ =	swait.ge [sflag:s9], $0x4000  }
0x2b: {  	p0 =	sne.s32 s10, s4;
	[sflag:s9] =	ssyncset.done $0x0  }
.Ltmp1:
0x2c: {  	[sflag:s9] =	ssyncadd.s32 $0xFFFFC000;
	(pc) =	sbr.rel @p0 .LBB2_1-.Ltmp1, $4  }
0x2d: {  	[hbm4b:s11+s2] =	stream.linear.scatter [tilespmem:s8], [sflag:$0x2], $0x4000, $0x38;
	[tilespmem:$0x4080] =	vst v63  }
0x2e: {  	_ =	swait.ge [sflag:s7], $0x4000  }
0x2f: {  	[sflag:s7] =	ssyncset.done $0x0  }
0x30: {  	[sflag:s7] =	ssyncadd.s32 $0xFFFFC000  }
0x31: {  	_ =	sfence.sel $0x180000  }
0x32: {  	[bflag:$0x0] =	sbarrier.arrive $0xFFFF  }
0x33: {  	p0 =	sne.s32 s1, $0x0;
	_ =	strace $0x90000047  }
0x34: {  	s0 =	sadd.s32 @!p0 $0x100000, s0;
	[bflag:$0x2] =	sbarrier.arrive $0xFFFF  }
0x35: {  	[sflag:s0] =	ssyncadd.tile.s32 @!p0 $0x1;
	_ =	shalt  }
.Lfunc_end2:
_tile_overlayer_lowered:
.L_overlay_start_2:
0x36: {  	(tag) =	ssettag $0x2  }
0x37: {  	s0 =	rddreg [dreg:$0x0];
	s2 =	stileid.u32  }
0x38: {  	s1 =	rddreg [dreg:$0x1];
	p0 =	sne.s32 s2, $0x0  }
0x39: {  	s3 =	rddreg [dreg:$0x2];
	[bflag:$0x3] =	sbarrier.arrive $0xFFFF;
	s2 =	simm.s32 @!p0 $0x1C02  }
0x3a: {  	[timem:s3], [sflag:s2] =	dma.local @!p0 [hbm:s0], s1  }
0x3b: {  	s0 =	simm.s32 @!p0 $0x2  }
0x3c: {  	_ =	swait.ge @!p0 [sflag:s0], s1  }
0x3d: {  	s1 =	ssub.s32 @!p0 $0x0, s1;
	[sflag:s0] =	ssyncset.done @!p0 $0x0  }
0x3e: {  	[sflag:s0] =	ssyncadd.s32 @!p0 s1  }
0x3f: {  	[bflag:$0x3] =	sbarrier.arrive $0xFFFF  }
0x40: {  	_ =	shalt  }

// kernel: kernel.39.cloned.1.call-start
scs
__scs_entry_jumppad:
0x0: {  	(pc) =	sbr.rel $0x88, $3  }
0x1: {  	(tag) =	ssettag $0x0;
	lr =	simm.s32 $0x1  }
0x2: {  	[smem:$0x3F50] =	sst lr;
	_ =	strace $0xD0000000  }
0x3: {  	_ = 	snop  }
0x4: {  	_ = 	snop  }
0x5: {  	_ = 	snop  }
0x6: {  	_ = 	snop  }
0x7: {  	_ = 	snop  }
__scs_overlays_trampoline_lowered:
0x8: {  	[smem:$0x3F5F] =	sst s0  }
0x9: {  	[smem:$0x3F60] =	sst s1  }
0xa: {  	[smem:$0x3F61] =	sst s2  }
0xb: {  	[smem:$0x3F62] =	sst s3  }
0xc: {  	[smem:$0x3F63] =	sst s4  }
0xd: {  	[smem:$0x3F64] =	sst s5  }
0xe: {  	[smem:$0x3F65] =	sst s6  }
0xf: {  	[smem:$0x3F66] =	sst s7  }
0x10: {  	[smem:$0x3F67] =	sst s8  }
0x11: {  	[smem:$0x3F68] =	sst s9;
	s0 =	simm.s32 @!p0 $0x0  }
0x12: {  	s1 =	sld [smem:$0x3F4E];
	s0 =	simm.s32 @p0 $0x1  }
0x13: {  	[smem:$0x3F69] =	sst s0;
	s0 =	simm.s32 @!p1 $0x0  }
0x14: {  	s2 =	sld [smem:$0x3F4D];
	s0 =	simm.s32 @p1 $0x1  }
0x15: {  	[smem:$0x3F6A] =	sst s0;
	s0 =	simm.s32 @!p2 $0x0  }
0x16: {  	s3 =	sld [smem:$0x3FDB];
	s0 =	simm.s32 @p2 $0x1  }
0x17: {  	s4 =	simm.s32 $0x1BF5;
	[smem:$0x3F6C] =	sst s0  }
0x18: {  	s0 =	sld [smem:$0x3F4F];
	_ =	swait.ge [sflag:s4], $0x0  }
0x19: {  	s7 =	sld [smem:$0x3F50]  }
0x1a: {  	s8 =	sadd.s32 $0xFFFFE003, lr  }
0x1b: {  	s9 =	sadd.s32 $0xFFFFFEF7, lr;
	s5 =	simm.s32 $0xFFFFFFFF;
	p2 =	slt.u32 s8, $0xFFFFF086  }
0x1c: {  	p1 =	slt.u32 s9, $0xF7A;
	s5 =	simm.s32 @!p2 $0x0  }
0x1d: {  	s5 =	simm.s32 @p1 $0x1;
	p0 =	seq.s32 s7, s2  }
0x1e: {  	s7 =	smul.u32 @!p0 $0xF7A, s2;
	p2 =	seq.s32 @!p0 s5, $0x0  }
0x1f: {  	s9 =	smul.u32 $0xF7A, s1;
	s8 =	simm.s32 @!p0 $0x1BF5;
	p2 =	por !p2, p0  }
0x20: {  	[sflag:s8] =	ssyncset.s32 @!p0 $0xFFFFF086;
	s6 =	sadd.s32 @!p0 s3, s7;
	s7 =	simm.s32 @!p0 $0x108  }
0x21: {  	s3 =	sadd.s32 s3, s9;
	s6 =	sadd.s32 @!p0 $0x88, s6;
	s7 =	simm.s32 @p2 $0x1082  }
0x22: {  	[simem:s7], [sflag:s8] =	dma.local @!p0 [hbm:s6], $0xF7A  }
0x23: {  	s9 =	sor.u32 $0xD0000000, s2;
	s6 =	simm.s32 $0x108;
	_ =	swait.ge @!p0 [sflag:s8], $0x0  }
0x24: {  	s3 =	sadd.s32 $0x88, s3;
	s6 =	simm.s32 @!p1 $0x1082;
	[sflag:s4] =	ssyncset.s32 $0xFFFFF086  }
0x25: {  	[simem:s6], [sflag:s4] =	dma.local [hbm:s3], $0xF7A  }
0x26: {  	[smem:$0x3F50] =	sst s1;
	(tag) =	ssettag s2;
	_ =	strace s9  }
0x27: {  	s1 =	sld [smem:$0x3F60]  }
0x28: {  	s2 =	sld [smem:$0x3F61]  }
0x29: {  	s4 =	sld [smem:$0x3F63]  }
0x2a: {  	p0 =	seq.s32 s5, $0x0;
	s5 =	sld [smem:$0x3F64]  }
0x2b: {  	s6 =	sld [smem:$0x3F65]  }
0x2c: {  	s7 =	sld [smem:$0x3F66]  }
0x2d: {  	s3 =	simm.s32 $0x108;
	s8 =	sld [smem:$0x3F67]  }
0x2e: {  	s3 =	simm.s32 @!p0 $0x1082;
	s9 =	sld [smem:$0x3F68]  }
0x2f: {  	lr =	sadd.s32 s0, s3;
	s0 =	sld [smem:$0x3F5F]  }
0x30: {  	s3 =	sld [smem:$0x3F62]  }
0x31: {  	[smem:$0x3F6B] =	sst s10  }
0x32: {  	s10 =	sld [smem:$0x3F69];
	_ =	sdelay $0x3  }
0x33: {  	p0 =	seq.s32 s10, $0x1;
	s10 =	sld [smem:$0x3F6B];
	_ =	sdelay $0x3  }
0x34: {  	[smem:$0x3F6B] =	sst s10  }
0x35: {  	s10 =	sld [smem:$0x3F6A];
	_ =	sdelay $0x3  }
0x36: {  	p1 =	seq.s32 s10, $0x1;
	s10 =	sld [smem:$0x3F6B];
	_ =	sdelay $0x3  }
0x37: {  	[smem:$0x3F6B] =	sst s10  }
0x38: {  	s10 =	sld [smem:$0x3F6C]  }
0x39: {  	_ = 	snop;
	(pc) =	sbr.ind lr, $3  }
0x3a: {  	_ = 	snop  }
0x3b: {  	_ = 	snop  }
0x3c: {  	p2 =	seq.s32 s10, $0x1;
	s10 =	sld [smem:$0x3F6B]  }
0x3d: {  	_ =	shalt  }
0x3e: {  	_ =	shalt  }
0x3f: {  	_ =	shalt  }
0x40: {  	_ =	shalt  }
0x41: {  	_ =	shalt  }
0x42: {  	_ =	shalt  }
0x43: {  	_ =	shalt  }
0x44: {  	_ =	shalt  }
0x45: {  	_ =	shalt  }
0x46: {  	_ =	shalt  }
0x47: {  	_ =	shalt  }
0x48: {  	_ =	shalt  }
0x49: {  	_ =	shalt  }
0x4a: {  	_ =	shalt  }
0x4b: {  	_ =	shalt  }
0x4c: {  	_ =	shalt  }
0x4d: {  	_ =	shalt  }
0x4e: {  	_ =	shalt  }
0x4f: {  	_ =	shalt  }
0x50: {  	_ =	shalt  }
0x51: {  	_ =	shalt  }
0x52: {  	_ =	shalt  }
0x53: {  	_ =	shalt  }
0x54: {  	_ =	shalt  }
0x55: {  	_ =	shalt  }
0x56: {  	_ =	shalt  }
0x57: {  	_ =	shalt  }
0x58: {  	_ =	shalt  }
0x59: {  	_ =	shalt  }
0x5a: {  	_ =	shalt  }
0x5b: {  	_ =	shalt  }
0x5c: {  	_ =	shalt  }
0x5d: {  	_ =	shalt  }
0x5e: {  	_ =	shalt  }
0x5f: {  	_ =	shalt  }
0x60: {  	_ =	shalt  }
0x61: {  	_ =	shalt  }
0x62: {  	_ =	shalt  }
0x63: {  	_ =	shalt  }
0x64: {  	_ =	shalt  }
0x65: {  	_ =	shalt  }
0x66: {  	_ =	shalt  }
0x67: {  	_ =	shalt  }
0x68: {  	_ =	shalt  }
0x69: {  	_ =	shalt  }
0x6a: {  	_ =	shalt  }
0x6b: {  	_ =	shalt  }
0x6c: {  	_ =	shalt  }
0x6d: {  	_ =	shalt  }
0x6e: {  	_ =	shalt  }
0x6f: {  	_ =	shalt  }
0x70: {  	_ =	shalt  }
0x71: {  	_ =	shalt  }
0x72: {  	_ =	shalt  }
0x73: {  	_ =	shalt  }
0x74: {  	_ =	shalt  }
0x75: {  	_ =	shalt  }
0x76: {  	_ =	shalt  }
0x77: {  	_ =	shalt  }
0x78: {  	_ =	shalt  }
0x79: {  	_ =	shalt  }
0x7a: {  	_ =	shalt  }
0x7b: {  	_ =	shalt  }
0x7c: {  	_ =	shalt  }
0x7d: {  	_ =	shalt  }
0x7e: {  	_ =	shalt  }
0x7f: {  	_ =	shalt  }
0x80: {  	_ =	shalt  }
0x81: {  	_ =	shalt  }
0x82: {  	_ =	shalt  }
0x83: {  	_ =	shalt  }
0x84: {  	_ =	shalt  }
0x85: {  	_ =	shalt  }
0x86: {  	_ =	shalt  }
0x87: {  	_ =	shalt  }
.Lfunc_end0:
.L_simem_size_0:
called_computation.1_lowered:
.L_overlay_start_0:
0x88: {  	s2 =	sld [smem:$0x3FD9]  }
0x89: {  	s3 =	sld [smem:$0x3FFE];
	_ =	sdelay $0x1  }
0x8a: {  	s1 =	srdreg.scid  }
0x8b: {  	s0 =	sand.u32 $0x1, s1  }
0x8c: {  	s16 =	sshll.u32 s0, $0xA;
	s2 =	sadd.s32 s3, s2  }
0x8d: {  	s2 =	sadd.s32 s2, s16  }
0x8e: {  	[smem:$0x3F77] =	sst s2  }
0x8f: {  	_ = 	snop  }
0x90: {  	(tm) =	ssettm $0x1  }
0x91: {  	s17 =	sld [smem:$0x3FFB];
	_ =	sdelay $0x3  }
0x92: {  	_ =	strace s17  }
0x93: {  	s2 =	sld [smem:$0x3FFC];
	_ =	sdelay $0x3  }
0x94: {  	_ =	strace s2  }
0x95: {  	s2 =	sld [smem:$0x3FFD];
	_ =	sdelay $0x3  }
0x96: {  	_ =	strace s2  }
0x97: {  	_ =	strace $0x8FFFFFFF  }
0x98: {  	s18 =	sld [smem:$0x3FDB];
	_ =	sdelay $0x1  }
0x99: {  	s19 =	simm.s32 $_scs_section_size  }
0x9a: {  	s4 =	simm.s32 $_size__tile_overlayer_lowered;
	s5 =	simm.s32 $_tile_overlayer_lowered  }
0x9b: {  	s22 =	simm.s32 $0x1BFF;
	s21 =	sshll.u32 s5, $0x1;
	s2 =	sadd.s32 s19, s18  }
0x9c: {  	s6 =	simm.s32 $0x0;
	s20 =	sshll.u32 s4, $0x1;
	s4 =	sadd.s32 s21, s2  }
0x9d: {  	[timem:s6], [sflag:s22] =	dma.local [hbm:s4], s20  }
0x9e: {  	_ =	swait.ge [sflag:s22], s20  }
0x9f: {  	s3 =	ssub.s32 $0x0, s20;
	[sflag:s22] =	ssyncset.done $0x0  }
0xa0: {  	[sflag:s22] =	ssyncadd.s32 s3;
	_ =	sdelay $0x1  }
0xa1: {  	s23 =	simm.s32 $0x1B8B  }
0xa2: {  	_ =	swait.ge [sflag:s23], $0x1  }
0xa3: {  	[sflag:s23] =	ssyncset.done $0x0  }
0xa4: {  	s25 =	simm.s32 $0x1B8E;
	s24 =	sld [smem:$0x3FFE];
	[sflag:s23] =	ssyncadd.s32 $0xFFFFFFFF  }
0xa5: {  	s26 =	simm.s32 $execute0_lowered;
	[smem:$0x3FD2] =	sst s25  }
0xa6: {  	s4 =	sshll.u32 s26, $0x1;
	_ =	strace $0x80000049;
	[dreg:$0x1] =	wrdreg $0xFFFFFFFF  }
0xa7: {  	s28 =	simm.s32 $_size_execute0_lowered;
	s2 =	sadd.s32 s2, s4;
	[dreg:$0x0] =	wrdreg $0x0  }
0xa8: {  	s4 =	sshll.u32 s28, $0x1;
	[dreg:$0x2] =	wrdreg s2  }
0xa9: {  	[dreg:$0x3] =	wrdreg s4  }
0xaa: {  	[dreg:$0x4] =	wrdreg $0xC0  }
0xab: {  	_ =	task [dreg:s6], $0x5FFFF  }
0xac: {  	[dreg:$0x1] =	wrdreg $0xFFFFFFFF  }
0xad: {  	[dreg:$0x0] =	wrdreg $0x60  }
0xae: {  	[dreg:$0x2] =	wrdreg s24  }
0xaf: {  	[dreg:$0x3] =	wrdreg $0x9  }
0xb0: {  	_ =	task.clear_ibuf [dreg:s6], $0x4FFFF;
	_ =	strace $0x90000049  }
0xb1: {  	s29 =	simm.s32 $0x9;
	_ =	strace $0x8000004B  }
0xb2: {  	_ =	swait.ge [sflag:s29], $0x1  }
0xb3: {  	[sflag:s29] =	ssyncadd.s32 $0xFFFFFFFF  }
0xb4: {  	_ =	strace $0x9000004B  }
0xb5: {  	_ =	sfence  }
0xb6: {  	s30 =	sld [smem:$0x0];
	_ =	sdelay $0x2  }
0xb7: {  	s31 =	sshll.u32 s1, $0xD;
	s1 =	sshrl.u32 s1, $0x2  }
0xb8: {  	s3 =	sand.u32 $0x4000, s31;
	s1 =	sadd.s32 s1, s30  }
0xb9: {  	s0 =	sor.u32 s3, s0;
	s1 =	sshll.u32 s1, $0x11  }
0xba: {  	s0 =	sor.u32 s1, s0  }
0xbb: {  	s0 =	sadd.s32 $0x8F2B, s0  }
0xbc: {  	[sflag:s0] =	ssyncadd.remote.s32 $0x1  }
0xbd: {  	_ =	sfence.sel $0xFFFF  }
0xbe: {  	[dreg:$0x0] =	wrdreg $0xFFFFFFFF;
	(pc) =	sbr.abs _section_cstart, $3  }
0xbf: {  	[dreg:$0x1] =	wrdreg $0xFFFFFFFF  }
0xc0: {  	_ =	task.clear_ibuf [dreg:s6], $0x2FFFF;
	_ =	strace $0x9FFFFFFF  }
0xc1: {  	(tm) =	ssettm $0x7FFFFFFF  }
tec
execute0_lowered:
.L_overlay_start_1:
0x0: {  	(tag) =	ssettag $0x1  }
0x1: {  	s1 =	srdreg.scid  }
0x2: {  	s0 =	stileid.u32;
	s10 =	sand.u32 $0x1, s1  }
0x3: {  	s8 =	rddreg [dreg:$0x0];
	s3 =	sshll.u32 s0, $0x9;
	s4 =	sshll.u32 s10, $0x8  }
0x4: {  	s2 =	simm.s32 $0x0;
	s1 =	rddreg [dreg:$0x1];
	s9 =	sor.u32 s4, s3  }
0x5: {  	[smem:$0x7FF] =	sst s2;
	s11 =	sadd.s32 $0x29AE00, s8;
	s3 =	sshrl.u32 s9, $0x3  }
0x6: {  	_ =	strace $0x8000004A;
	s4 =	sadd.s32 s11, s3;
	s3 =	simm.s32 $0x2  }
0x7: {  	[tilespmem:s2], [sflag:$0x2] =	stream.linear.gather [hbm4b:s4+s2], $0x80, $0x38;
	[tilespmem:$0x4080] =	vst v63  }
0x8: {  	_ =	swait.ge [sflag:s3], $0x80  }
0x9: {  	s6 =	simm.s32 $0x80;
	[sflag:s3] =	ssyncset.done $0x0  }
0xa: {  	s7 =	simm.s32 $0x1;
	s5 =	sadd.s32 $0x14A00, s8;
	[sflag:s3] =	ssyncadd.s32 $0xFFFFFF80  }
0xb: {  	[tilespmem:s6], [sflag:$0x1] =	stream.indirect.gather [hbm4b:s5+s6], $0x80, s2, s6, $0xb8;
	[tilespmem:$0x4080] =	vst v63  }
0xc: {  	_ =	swait.ge [sflag:s7], $0x4000  }
0xd: {  	s12 =	sadd.s32 $0x56C00, s8;
	s29 =	sshll.u32 s9, $0x4;
	[sflag:s7] =	ssyncset.done $0x0  }
0xe: {  	s8 =	sadd.s32 s12, s29;
	[sflag:s7] =	ssyncadd.s32 $0xFFFFC000  }
0xf: {  	[hbm4b:s8+s2] =	stream.linear.scatter [tilespmem:s6], [sflag:$0x2], $0x4000, $0x38;
	[tilespmem:$0x4080] =	vst v63  }
0x10: {  	s13 =	sor.u32 $0x80, s9;
	_ =	swait.ge [sflag:s3], $0x4000  }
0x11: {  	s9 =	sshrl.u32 s13, $0x3;
	[sflag:s3] =	ssyncset.done $0x0  }
0x12: {  	s10 =	ssub.s32 $0x2, s10;
	s9 =	sadd.s32 s11, s9;
	[sflag:s3] =	ssyncadd.s32 $0xFFFFC000  }
0x13: {  	[tilespmem:s2], [sflag:$0x2] =	stream.linear.gather [hbm4b:s9+s2], $0x80, $0x38;
	[tilespmem:$0x4080] =	vst v63  }
0x14: {  	s30 =	sshrl.u32 s10, $0x1;
	_ =	swait.ge [sflag:s3], $0x80  }
0x15: {  	s11 =	ssub.s32 s10, s30;
	[sflag:s3] =	ssyncset.done $0x0  }
0x16: {  	s11 =	smax.u32 s11, $0x1;
	[sflag:s3] =	ssyncadd.s32 $0xFFFFFF80  }
0x17: {  	[tilespmem:s6], [sflag:$0x1] =	stream.indirect.gather [hbm4b:s5+s6], $0x80, s2, s6, $0xb8;
	[tilespmem:$0x4080] =	vst v63  }
0x18: {  	p0 =	sne.s32 s11, $0x1;
	_ =	swait.ge [sflag:s7], $0x4000  }
.Ltmp0:
0x19: {  	s31 =	sshll.u32 s13, $0x4;
	[sflag:s7] =	ssyncset.done $0x0;
	(pc) =	sbr.rel @!p0 .LBB2_2-.Ltmp0, $4  }
0x1a: {  	s10 =	sadd.s32 s12, s31;
	[sflag:s7] =	ssyncadd.s32 $0xFFFFC000  }
0x1b: {  	[hbm4b:s10+s2] =	stream.linear.scatter [tilespmem:s6], [sflag:$0x2], $0x4000, $0x38;
	[tilespmem:$0x4080] =	vst v63  }
0x1c: {  	_ =	swait.ge [sflag:s3], $0x4000  }
0x1d: {  	s11 =	sadd.s32 $0xFFFFFFFF, s11;
	[sflag:s3] =	ssyncset.done $0x0  }
.LBB2_1:
0x1e: {  	p0 =	sne.s32 s11, $0x1;
	s11 =	sadd.s32 $0xFFFFFFFF, s11;
	[sflag:s3] =	ssyncadd.s32 $0xFFFFC000  }
0x1f: {  	[tilespmem:s2], [sflag:$0x2] =	stream.linear.gather [hbm4b:s4+s2], $0x80, $0x38;
	[tilespmem:$0x4080] =	vst v63  }
0x20: {  	_ =	swait.ge [sflag:s3], $0x80  }
0x21: {  	[sflag:s3] =	ssyncset.done $0x0  }
0x22: {  	[sflag:s3] =	ssyncadd.s32 $0xFFFFFF80  }
0x23: {  	[tilespmem:s6], [sflag:$0x1] =	stream.indirect.gather [hbm4b:s5+s6], $0x80, s2, s6, $0xb8;
	[tilespmem:$0x4080] =	vst v63  }
0x24: {  	_ =	swait.ge [sflag:s7], $0x4000  }
0x25: {  	[sflag:s7] =	ssyncset.done $0x0  }
0x26: {  	[sflag:s7] =	ssyncadd.s32 $0xFFFFC000  }
0x27: {  	[hbm4b:s8+s2] =	stream.linear.scatter [tilespmem:s6], [sflag:$0x2], $0x4000, $0x38;
	[tilespmem:$0x4080] =	vst v63  }
0x28: {  	_ =	swait.ge [sflag:s3], $0x4000  }
0x29: {  	[sflag:s3] =	ssyncset.done $0x0  }
0x2a: {  	[sflag:s3] =	ssyncadd.s32 $0xFFFFC000  }
0x2b: {  	[tilespmem:s2], [sflag:$0x2] =	stream.linear.gather [hbm4b:s9+s2], $0x80, $0x38;
	[tilespmem:$0x4080] =	vst v63  }
0x2c: {  	_ =	swait.ge [sflag:s3], $0x80  }
0x2d: {  	[sflag:s3] =	ssyncset.done $0x0  }
0x2e: {  	[sflag:s3] =	ssyncadd.s32 $0xFFFFFF80  }
0x2f: {  	[tilespmem:s6], [sflag:$0x1] =	stream.indirect.gather [hbm4b:s5+s6], $0x80, s2, s6, $0xb8;
	[tilespmem:$0x4080] =	vst v63  }
0x30: {  	_ =	swait.ge [sflag:s7], $0x4000  }
.Ltmp1:
0x31: {  	[sflag:s7] =	ssyncset.done $0x0;
	(pc) =	sbr.rel @p0 .LBB2_1-.Ltmp1, $4  }
0x32: {  	[sflag:s7] =	ssyncadd.s32 $0xFFFFC000  }
0x33: {  	[hbm4b:s10+s2] =	stream.linear.scatter [tilespmem:s6], [sflag:$0x2], $0x4000, $0x38;
	[tilespmem:$0x4080] =	vst v63  }
0x34: {  	_ =	swait.ge [sflag:s3], $0x4000  }
0x35: {  	[sflag:s3] =	ssyncset.done $0x0  }
.LBB2_2:
0x36: {  	[sflag:s3] =	ssyncadd.s32 $0xFFFFC000  }
0x37: {  	_ =	sfence.sel $0x180000  }
0x38: {  	[bflag:$0x0] =	sbarrier.arrive $0xFFFF  }
0x39: {  	p0 =	sne.s32 s0, $0x0;
	_ =	strace $0x9000004A  }
0x3a: {  	s0 =	sadd.s32 @!p0 $0x100000, s1;
	[bflag:$0x2] =	sbarrier.arrive $0xFFFF  }
0x3b: {  	[sflag:s0] =	ssyncadd.tile.s32 @!p0 $0x1;
	_ =	shalt  }
.Lfunc_end2:
_tile_overlayer_lowered:
.L_overlay_start_2:
0x3c: {  	(tag) =	ssettag $0x2  }
0x3d: {  	s0 =	rddreg [dreg:$0x0];
	s2 =	stileid.u32  }
0x3e: {  	s1 =	rddreg [dreg:$0x1];
	p0 =	sne.s32 s2, $0x0  }
0x3f: {  	s3 =	rddreg [dreg:$0x2];
	[bflag:$0x3] =	sbarrier.arrive $0xFFFF;
	s2 =	simm.s32 @!p0 $0x1C02  }
0x40: {  	[timem:s3], [sflag:s2] =	dma.local @!p0 [hbm:s0], s1  }
0x41: {  	s0 =	simm.s32 @!p0 $0x2  }
0x42: {  	_ =	swait.ge @!p0 [sflag:s0], s1  }
0x43: {  	s1 =	ssub.s32 @!p0 $0x0, s1;
	[sflag:s0] =	ssyncset.done @!p0 $0x0  }
0x44: {  	[sflag:s0] =	ssyncadd.s32 @!p0 s1  }
0x45: {  	[bflag:$0x3] =	sbarrier.arrive $0xFFFF  }
0x46: {  	_ =	shalt  }

// kernel: kernel.42.cloned.1.call-start
scs
__scs_entry_jumppad:
0x0: {  	(pc) =	sbr.rel $0x88, $3  }
0x1: {  	(tag) =	ssettag $0x0;
	lr =	simm.s32 $0x1  }
0x2: {  	[smem:$0x3F50] =	sst lr;
	_ =	strace $0xD0000000  }
0x3: {  	_ = 	snop  }
0x4: {  	_ = 	snop  }
0x5: {  	_ = 	snop  }
0x6: {  	_ = 	snop  }
0x7: {  	_ = 	snop  }
__scs_overlays_trampoline_lowered:
0x8: {  	[smem:$0x3F5F] =	sst s0  }
0x9: {  	[smem:$0x3F60] =	sst s1  }
0xa: {  	[smem:$0x3F61] =	sst s2  }
0xb: {  	[smem:$0x3F62] =	sst s3  }
0xc: {  	[smem:$0x3F63] =	sst s4  }
0xd: {  	[smem:$0x3F64] =	sst s5  }
0xe: {  	[smem:$0x3F65] =	sst s6  }
0xf: {  	[smem:$0x3F66] =	sst s7  }
0x10: {  	[smem:$0x3F67] =	sst s8  }
0x11: {  	[smem:$0x3F68] =	sst s9;
	s0 =	simm.s32 @!p0 $0x0  }
0x12: {  	s1 =	sld [smem:$0x3F4E];
	s0 =	simm.s32 @p0 $0x1  }
0x13: {  	[smem:$0x3F69] =	sst s0;
	s0 =	simm.s32 @!p1 $0x0  }
0x14: {  	s2 =	sld [smem:$0x3F4D];
	s0 =	simm.s32 @p1 $0x1  }
0x15: {  	[smem:$0x3F6A] =	sst s0;
	s0 =	simm.s32 @!p2 $0x0  }
0x16: {  	s3 =	sld [smem:$0x3FDB];
	s0 =	simm.s32 @p2 $0x1  }
0x17: {  	s4 =	simm.s32 $0x1BF5;
	[smem:$0x3F6C] =	sst s0  }
0x18: {  	s0 =	sld [smem:$0x3F4F];
	_ =	swait.ge [sflag:s4], $0x0  }
0x19: {  	s7 =	sld [smem:$0x3F50]  }
0x1a: {  	s8 =	sadd.s32 $0xFFFFE003, lr  }
0x1b: {  	s9 =	sadd.s32 $0xFFFFFEF7, lr;
	s5 =	simm.s32 $0xFFFFFFFF;
	p2 =	slt.u32 s8, $0xFFFFF086  }
0x1c: {  	p1 =	slt.u32 s9, $0xF7A;
	s5 =	simm.s32 @!p2 $0x0  }
0x1d: {  	s5 =	simm.s32 @p1 $0x1;
	p0 =	seq.s32 s7, s2  }
0x1e: {  	s7 =	smul.u32 @!p0 $0xF7A, s2;
	p2 =	seq.s32 @!p0 s5, $0x0  }
0x1f: {  	s9 =	smul.u32 $0xF7A, s1;
	s8 =	simm.s32 @!p0 $0x1BF5;
	p2 =	por !p2, p0  }
0x20: {  	[sflag:s8] =	ssyncset.s32 @!p0 $0xFFFFF086;
	s6 =	sadd.s32 @!p0 s3, s7;
	s7 =	simm.s32 @!p0 $0x108  }
0x21: {  	s3 =	sadd.s32 s3, s9;
	s6 =	sadd.s32 @!p0 $0x88, s6;
	s7 =	simm.s32 @p2 $0x1082  }
0x22: {  	[simem:s7], [sflag:s8] =	dma.local @!p0 [hbm:s6], $0xF7A  }
0x23: {  	s9 =	sor.u32 $0xD0000000, s2;
	s6 =	simm.s32 $0x108;
	_ =	swait.ge @!p0 [sflag:s8], $0x0  }
0x24: {  	s3 =	sadd.s32 $0x88, s3;
	s6 =	simm.s32 @!p1 $0x1082;
	[sflag:s4] =	ssyncset.s32 $0xFFFFF086  }
0x25: {  	[simem:s6], [sflag:s4] =	dma.local [hbm:s3], $0xF7A  }
0x26: {  	[smem:$0x3F50] =	sst s1;
	(tag) =	ssettag s2;
	_ =	strace s9  }
0x27: {  	s1 =	sld [smem:$0x3F60]  }
0x28: {  	s2 =	sld [smem:$0x3F61]  }
0x29: {  	s4 =	sld [smem:$0x3F63]  }
0x2a: {  	p0 =	seq.s32 s5, $0x0;
	s5 =	sld [smem:$0x3F64]  }
0x2b: {  	s6 =	sld [smem:$0x3F65]  }
0x2c: {  	s7 =	sld [smem:$0x3F66]  }
0x2d: {  	s3 =	simm.s32 $0x108;
	s8 =	sld [smem:$0x3F67]  }
0x2e: {  	s3 =	simm.s32 @!p0 $0x1082;
	s9 =	sld [smem:$0x3F68]  }
0x2f: {  	lr =	sadd.s32 s0, s3;
	s0 =	sld [smem:$0x3F5F]  }
0x30: {  	s3 =	sld [smem:$0x3F62]  }
0x31: {  	[smem:$0x3F6B] =	sst s10  }
0x32: {  	s10 =	sld [smem:$0x3F69];
	_ =	sdelay $0x3  }
0x33: {  	p0 =	seq.s32 s10, $0x1;
	s10 =	sld [smem:$0x3F6B];
	_ =	sdelay $0x3  }
0x34: {  	[smem:$0x3F6B] =	sst s10  }
0x35: {  	s10 =	sld [smem:$0x3F6A];
	_ =	sdelay $0x3  }
0x36: {  	p1 =	seq.s32 s10, $0x1;
	s10 =	sld [smem:$0x3F6B];
	_ =	sdelay $0x3  }
0x37: {  	[smem:$0x3F6B] =	sst s10  }
0x38: {  	s10 =	sld [smem:$0x3F6C]  }
0x39: {  	_ = 	snop;
	(pc) =	sbr.ind lr, $3  }
0x3a: {  	_ = 	snop  }
0x3b: {  	_ = 	snop  }
0x3c: {  	p2 =	seq.s32 s10, $0x1;
	s10 =	sld [smem:$0x3F6B]  }
0x3d: {  	_ =	shalt  }
0x3e: {  	_ =	shalt  }
0x3f: {  	_ =	shalt  }
0x40: {  	_ =	shalt  }
0x41: {  	_ =	shalt  }
0x42: {  	_ =	shalt  }
0x43: {  	_ =	shalt  }
0x44: {  	_ =	shalt  }
0x45: {  	_ =	shalt  }
0x46: {  	_ =	shalt  }
0x47: {  	_ =	shalt  }
0x48: {  	_ =	shalt  }
0x49: {  	_ =	shalt  }
0x4a: {  	_ =	shalt  }
0x4b: {  	_ =	shalt  }
0x4c: {  	_ =	shalt  }
0x4d: {  	_ =	shalt  }
0x4e: {  	_ =	shalt  }
0x4f: {  	_ =	shalt  }
0x50: {  	_ =	shalt  }
0x51: {  	_ =	shalt  }
0x52: {  	_ =	shalt  }
0x53: {  	_ =	shalt  }
0x54: {  	_ =	shalt  }
0x55: {  	_ =	shalt  }
0x56: {  	_ =	shalt  }
0x57: {  	_ =	shalt  }
0x58: {  	_ =	shalt  }
0x59: {  	_ =	shalt  }
0x5a: {  	_ =	shalt  }
0x5b: {  	_ =	shalt  }
0x5c: {  	_ =	shalt  }
0x5d: {  	_ =	shalt  }
0x5e: {  	_ =	shalt  }
0x5f: {  	_ =	shalt  }
0x60: {  	_ =	shalt  }
0x61: {  	_ =	shalt  }
0x62: {  	_ =	shalt  }
0x63: {  	_ =	shalt  }
0x64: {  	_ =	shalt  }
0x65: {  	_ =	shalt  }
0x66: {  	_ =	shalt  }
0x67: {  	_ =	shalt  }
0x68: {  	_ =	shalt  }
0x69: {  	_ =	shalt  }
0x6a: {  	_ =	shalt  }
0x6b: {  	_ =	shalt  }
0x6c: {  	_ =	shalt  }
0x6d: {  	_ =	shalt  }
0x6e: {  	_ =	shalt  }
0x6f: {  	_ =	shalt  }
0x70: {  	_ =	shalt  }
0x71: {  	_ =	shalt  }
0x72: {  	_ =	shalt  }
0x73: {  	_ =	shalt  }
0x74: {  	_ =	shalt  }
0x75: {  	_ =	shalt  }
0x76: {  	_ =	shalt  }
0x77: {  	_ =	shalt  }
0x78: {  	_ =	shalt  }
0x79: {  	_ =	shalt  }
0x7a: {  	_ =	shalt  }
0x7b: {  	_ =	shalt  }
0x7c: {  	_ =	shalt  }
0x7d: {  	_ =	shalt  }
0x7e: {  	_ =	shalt  }
0x7f: {  	_ =	shalt  }
0x80: {  	_ =	shalt  }
0x81: {  	_ =	shalt  }
0x82: {  	_ =	shalt  }
0x83: {  	_ =	shalt  }
0x84: {  	_ =	shalt  }
0x85: {  	_ =	shalt  }
0x86: {  	_ =	shalt  }
0x87: {  	_ =	shalt  }
.Lfunc_end0:
.L_simem_size_0:
called_computation.2_lowered:
.L_overlay_start_0:
0x88: {  	s2 =	sld [smem:$0x3FD9]  }
0x89: {  	s3 =	sld [smem:$0x3FFE];
	_ =	sdelay $0x1  }
0x8a: {  	s1 =	srdreg.scid  }
0x8b: {  	s0 =	sand.u32 $0x1, s1  }
0x8c: {  	s16 =	sshll.u32 s0, $0xA;
	s2 =	sadd.s32 s3, s2  }
0x8d: {  	s2 =	sadd.s32 s2, s16  }
0x8e: {  	[smem:$0x3F77] =	sst s2  }
0x8f: {  	_ = 	snop  }
0x90: {  	(tm) =	ssettm $0x1  }
0x91: {  	s17 =	sld [smem:$0x3FFB];
	_ =	sdelay $0x3  }
0x92: {  	_ =	strace s17  }
0x93: {  	s2 =	sld [smem:$0x3FFC];
	_ =	sdelay $0x3  }
0x94: {  	_ =	strace s2  }
0x95: {  	s2 =	sld [smem:$0x3FFD];
	_ =	sdelay $0x3  }
0x96: {  	_ =	strace s2  }
0x97: {  	_ =	strace $0x8FFFFFFF  }
0x98: {  	s18 =	sld [smem:$0x3FDB];
	_ =	sdelay $0x1  }
0x99: {  	s19 =	simm.s32 $_scs_section_size  }
0x9a: {  	s4 =	simm.s32 $_size__tile_overlayer_lowered;
	s5 =	simm.s32 $_tile_overlayer_lowered  }
0x9b: {  	s22 =	simm.s32 $0x1BFF;
	s21 =	sshll.u32 s5, $0x1;
	s2 =	sadd.s32 s19, s18  }
0x9c: {  	s6 =	simm.s32 $0x0;
	s20 =	sshll.u32 s4, $0x1;
	s4 =	sadd.s32 s21, s2  }
0x9d: {  	[timem:s6], [sflag:s22] =	dma.local [hbm:s4], s20  }
0x9e: {  	_ =	swait.ge [sflag:s22], s20  }
0x9f: {  	s3 =	ssub.s32 $0x0, s20;
	[sflag:s22] =	ssyncset.done $0x0  }
0xa0: {  	[sflag:s22] =	ssyncadd.s32 s3;
	_ =	sdelay $0x1  }
0xa1: {  	s23 =	simm.s32 $0x1B8B  }
0xa2: {  	_ =	swait.ge [sflag:s23], $0x1  }
0xa3: {  	[sflag:s23] =	ssyncset.done $0x0  }
0xa4: {  	s25 =	simm.s32 $0x1B8E;
	s24 =	sld [smem:$0x3FFE];
	[sflag:s23] =	ssyncadd.s32 $0xFFFFFFFF  }
0xa5: {  	s26 =	simm.s32 $execute0_lowered;
	[smem:$0x3FD2] =	sst s25  }
0xa6: {  	s4 =	sshll.u32 s26, $0x1;
	_ =	strace $0x8000004C;
	[dreg:$0x1] =	wrdreg $0xFFFFFFFF  }
0xa7: {  	s28 =	simm.s32 $_size_execute0_lowered;
	s2 =	sadd.s32 s2, s4;
	[dreg:$0x0] =	wrdreg $0x0  }
0xa8: {  	s4 =	sshll.u32 s28, $0x1;
	[dreg:$0x2] =	wrdreg s2  }
0xa9: {  	[dreg:$0x3] =	wrdreg s4  }
0xaa: {  	[dreg:$0x4] =	wrdreg $0xC0  }
0xab: {  	_ =	task [dreg:s6], $0x5FFFF  }
0xac: {  	[dreg:$0x1] =	wrdreg $0xFFFFFFFF  }
0xad: {  	[dreg:$0x0] =	wrdreg $0x60  }
0xae: {  	[dreg:$0x2] =	wrdreg s24  }
0xaf: {  	[dreg:$0x3] =	wrdreg $0x9  }
0xb0: {  	_ =	task.clear_ibuf [dreg:s6], $0x4FFFF;
	_ =	strace $0x9000004C  }
0xb1: {  	s29 =	simm.s32 $0x9;
	_ =	strace $0x8000004E  }
0xb2: {  	_ =	swait.ge [sflag:s29], $0x1  }
0xb3: {  	[sflag:s29] =	ssyncadd.s32 $0xFFFFFFFF  }
0xb4: {  	_ =	strace $0x9000004E  }
0xb5: {  	_ =	sfence  }
0xb6: {  	s30 =	sld [smem:$0x0];
	_ =	sdelay $0x2  }
0xb7: {  	s31 =	sshll.u32 s1, $0xD;
	s1 =	sshrl.u32 s1, $0x2  }
0xb8: {  	s3 =	sand.u32 $0x4000, s31;
	s1 =	sadd.s32 s1, s30  }
0xb9: {  	s0 =	sor.u32 s3, s0;
	s1 =	sshll.u32 s1, $0x11  }
0xba: {  	s0 =	sor.u32 s1, s0  }
0xbb: {  	s0 =	sadd.s32 $0x8F2B, s0  }
0xbc: {  	[sflag:s0] =	ssyncadd.remote.s32 $0x1  }
0xbd: {  	_ =	sfence.sel $0xFFFF  }
0xbe: {  	[dreg:$0x0] =	wrdreg $0xFFFFFFFF;
	(pc) =	sbr.abs _section_cstart, $3  }
0xbf: {  	[dreg:$0x1] =	wrdreg $0xFFFFFFFF  }
0xc0: {  	_ =	task.clear_ibuf [dreg:s6], $0x2FFFF;
	_ =	strace $0x9FFFFFFF  }
0xc1: {  	(tm) =	ssettm $0x7FFFFFFF  }
tec
execute0_lowered:
.L_overlay_start_1:
0x0: {  	(tag) =	ssettag $0x1  }
0x1: {  	s4 =	rddreg [dreg:$0x0]  }
0x2: {  	s0 =	rddreg [dreg:$0x1];
	s2 =	simm.s32 $0x0;
	s1 =	stileid.u32  }
0x3: {  	s3 =	srdreg.scid;
	s10 =	simm.s32 $0x0;
	s6 =	smul.u32 $0x3000, s1  }
0x4: {  	[smem:$0x7FF] =	sst s2;
	s5 =	sand.u32 $0x1, s3;
	s8 =	smul.u32 $0x30000, s1  }
0x5: {  	s3 =	sadd.s32 $0x14A00, s4;
	s7 =	smul.u32 $0x1800, s5;
	s9 =	ssub.s32 $0x2, s5  }
0x6: {  	_ =	strace $0x8000004D;
	s5 =	smul.u32 $0x18000, s5;
	s31 =	sshrl.u32 s9, $0x1  }
0x7: {  	s8 =	sadd.s32 s8, s4;
	s6 =	sadd.s32 s7, s6;
	s7 =	ssub.s32 s9, s31  }
0x8: {  	s5 =	sadd.s32 s5, s8;
	s8 =	simm.s32 $0x80;
	s6 =	sshrl.u32 s6, $0x3  }
0x9: {  	s9 =	simm.s32 $0x1;
	s5 =	sadd.s32 $0x7CC00, s5;
	s6 =	sadd.s32 s6, s4  }
0xa: {  	s4 =	smax.u32 s7, $0x1;
	s7 =	simm.s32 $0x2;
	s6 =	sadd.s32 $0x76C00, s6  }
.LBB2_1:
0xb: {  	s11 =	sadd.s32 $0x0, s6  }
0xc: {  	[tilespmem:s2], [sflag:$0x2] =	stream.linear.gather [hbm4b:s11+s2], $0x80, $0x38;
	[tilespmem:$0x4080] =	vst v63  }
0xd: {  	_ =	swait.ge [sflag:s7], $0x80  }
0xe: {  	[sflag:s7] =	ssyncset.done $0x0  }
0xf: {  	[sflag:s7] =	ssyncadd.s32 $0xFFFFFF80  }
0x10: {  	[tilespmem:s8], [sflag:$0x1] =	stream.indirect.gather [hbm4b:s3+s8], $0x80, s2, s8, $0xb8;
	[tilespmem:$0x4080] =	vst v63  }
0x11: {  	_ =	swait.ge [sflag:s9], $0x4000  }
0x12: {  	[sflag:s9] =	ssyncset.done $0x0  }
0x13: {  	[sflag:s9] =	ssyncadd.s32 $0xFFFFC000  }
0x14: {  	[hbm4b:s5+s2] =	stream.linear.scatter [tilespmem:s8], [sflag:$0x2], $0x4000, $0x38;
	[tilespmem:$0x4080] =	vst v63  }
0x15: {  	s12 =	simm.s32 $0x10;
	_ =	swait.ge [sflag:s7], $0x4000  }
0x16: {  	s13 =	simm.s32 $0x20;
	s11 =	sadd.s32 $0x800, s5;
	[sflag:s7] =	ssyncset.done $0x0  }
.LBB2_2:
0x17: {  	s14 =	sadd.s32 s12, s6  }
0x18: {  	[sflag:s7] =	ssyncadd.s32 $0xFFFFC000;
	s12 =	smov.u32 s13;
	s15 =	sadd.s32 $0x10, s13  }
0x19: {  	[tilespmem:s2], [sflag:$0x2] =	stream.linear.gather [hbm4b:s14+s2], $0x80, $0x38;
	[tilespmem:$0x4080] =	vst v63  }
0x1a: {  	p0 =	sne.s32 s13, $0x2F0;
	_ =	swait.ge [sflag:s7], $0x80  }
0x1b: {  	[sflag:s7] =	ssyncset.done $0x0  }
0x1c: {  	[sflag:s7] =	ssyncadd.s32 $0xFFFFFF80  }
0x1d: {  	[tilespmem:s8], [sflag:$0x1] =	stream.indirect.gather [hbm4b:s3+s8], $0x80, s2, s8, $0xb8;
	[tilespmem:$0x4080] =	vst v63  }
0x1e: {  	_ =	swait.ge [sflag:s9], $0x4000  }
.Ltmp0:
0x1f: {  	[sflag:s9] =	ssyncset.done $0x0;
	(pc) =	sbr.rel @p0 .LBB2_2-.Ltmp0, $4  }
0x20: {  	[sflag:s9] =	ssyncadd.s32 $0xFFFFC000  }
0x21: {  	[hbm4b:s11+s2] =	stream.linear.scatter [tilespmem:s8], [sflag:$0x2], $0x4000, $0x38;
	[tilespmem:$0x4080] =	vst v63  }
0x22: {  	_ =	swait.ge [sflag:s7], $0x4000  }
0x23: {  	s13 =	smov.u32 s15;
	s11 =	sadd.s32 $0x800, s11;
	[sflag:s7] =	ssyncset.done $0x0  }
0x24: {  	s12 =	sadd.s32 s12, s6;
	[sflag:s7] =	ssyncadd.s32 $0xFFFFC000  }
0x25: {  	[tilespmem:s2], [sflag:$0x2] =	stream.linear.gather [hbm4b:s12+s2], $0x80, $0x38;
	[tilespmem:$0x4080] =	vst v63  }
0x26: {  	_ =	swait.ge [sflag:s7], $0x80  }
0x27: {  	[sflag:s7] =	ssyncset.done $0x0  }
0x28: {  	[sflag:s7] =	ssyncadd.s32 $0xFFFFFF80  }
0x29: {  	[tilespmem:s8], [sflag:$0x1] =	stream.indirect.gather [hbm4b:s3+s8], $0x80, s2, s8, $0xb8;
	[tilespmem:$0x4080] =	vst v63  }
0x2a: {  	s10 =	sadd.s32 $0x1, s10;
	_ =	swait.ge [sflag:s9], $0x4000  }
0x2b: {  	p0 =	sne.s32 s10, s4;
	[sflag:s9] =	ssyncset.done $0x0  }
.Ltmp1:
0x2c: {  	[sflag:s9] =	ssyncadd.s32 $0xFFFFC000;
	(pc) =	sbr.rel @p0 .LBB2_1-.Ltmp1, $4  }
0x2d: {  	[hbm4b:s11+s2] =	stream.linear.scatter [tilespmem:s8], [sflag:$0x2], $0x4000, $0x38;
	[tilespmem:$0x4080] =	vst v63  }
0x2e: {  	_ =	swait.ge [sflag:s7], $0x4000  }
0x2f: {  	[sflag:s7] =	ssyncset.done $0x0  }
0x30: {  	[sflag:s7] =	ssyncadd.s32 $0xFFFFC000  }
0x31: {  	_ =	sfence.sel $0x180000  }
0x32: {  	[bflag:$0x0] =	sbarrier.arrive $0xFFFF  }
0x33: {  	p0 =	sne.s32 s1, $0x0;
	_ =	strace $0x9000004D  }
0x34: {  	s0 =	sadd.s32 @!p0 $0x100000, s0;
	[bflag:$0x2] =	sbarrier.arrive $0xFFFF  }
0x35: {  	[sflag:s0] =	ssyncadd.tile.s32 @!p0 $0x1;
	_ =	shalt  }
.Lfunc_end2:
_tile_overlayer_lowered:
.L_overlay_start_2:
0x36: {  	(tag) =	ssettag $0x2  }
0x37: {  	s0 =	rddreg [dreg:$0x0];
	s2 =	stileid.u32  }
0x38: {  	s1 =	rddreg [dreg:$0x1];
	p0 =	sne.s32 s2, $0x0  }
0x39: {  	s3 =	rddreg [dreg:$0x2];
	[bflag:$0x3] =	sbarrier.arrive $0xFFFF;
	s2 =	simm.s32 @!p0 $0x1C02  }
0x3a: {  	[timem:s3], [sflag:s2] =	dma.local @!p0 [hbm:s0], s1  }
0x3b: {  	s0 =	simm.s32 @!p0 $0x2  }
0x3c: {  	_ =	swait.ge @!p0 [sflag:s0], s1  }
0x3d: {  	s1 =	ssub.s32 @!p0 $0x0, s1;
	[sflag:s0] =	ssyncset.done @!p0 $0x0  }
0x3e: {  	[sflag:s0] =	ssyncadd.s32 @!p0 s1  }
0x3f: {  	[bflag:$0x3] =	sbarrier.arrive $0xFFFF  }
0x40: {  	_ =	shalt  }

// kernel: kernel.45.cloned.1.call-start
scs
__scs_entry_jumppad:
0x0: {  	(pc) =	sbr.rel $0x88, $3  }
0x1: {  	(tag) =	ssettag $0x0;
	lr =	simm.s32 $0x1  }
0x2: {  	[smem:$0x3F50] =	sst lr;
	_ =	strace $0xD0000000  }
0x3: {  	_ = 	snop  }
0x4: {  	_ = 	snop  }
0x5: {  	_ = 	snop  }
0x6: {  	_ = 	snop  }
0x7: {  	_ = 	snop  }
__scs_overlays_trampoline_lowered:
0x8: {  	[smem:$0x3F5F] =	sst s0  }
0x9: {  	[smem:$0x3F60] =	sst s1  }
0xa: {  	[smem:$0x3F61] =	sst s2  }
0xb: {  	[smem:$0x3F62] =	sst s3  }
0xc: {  	[smem:$0x3F63] =	sst s4  }
0xd: {  	[smem:$0x3F64] =	sst s5  }
0xe: {  	[smem:$0x3F65] =	sst s6  }
0xf: {  	[smem:$0x3F66] =	sst s7  }
0x10: {  	[smem:$0x3F67] =	sst s8  }
0x11: {  	[smem:$0x3F68] =	sst s9;
	s0 =	simm.s32 @!p0 $0x0  }
0x12: {  	s1 =	sld [smem:$0x3F4E];
	s0 =	simm.s32 @p0 $0x1  }
0x13: {  	[smem:$0x3F69] =	sst s0;
	s0 =	simm.s32 @!p1 $0x0  }
0x14: {  	s2 =	sld [smem:$0x3F4D];
	s0 =	simm.s32 @p1 $0x1  }
0x15: {  	[smem:$0x3F6A] =	sst s0;
	s0 =	simm.s32 @!p2 $0x0  }
0x16: {  	s3 =	sld [smem:$0x3FDB];
	s0 =	simm.s32 @p2 $0x1  }
0x17: {  	s4 =	simm.s32 $0x1BF5;
	[smem:$0x3F6C] =	sst s0  }
0x18: {  	s0 =	sld [smem:$0x3F4F];
	_ =	swait.ge [sflag:s4], $0x0  }
0x19: {  	s7 =	sld [smem:$0x3F50]  }
0x1a: {  	s8 =	sadd.s32 $0xFFFFE003, lr  }
0x1b: {  	s9 =	sadd.s32 $0xFFFFFEF7, lr;
	s5 =	simm.s32 $0xFFFFFFFF;
	p2 =	slt.u32 s8, $0xFFFFF086  }
0x1c: {  	p1 =	slt.u32 s9, $0xF7A;
	s5 =	simm.s32 @!p2 $0x0  }
0x1d: {  	s5 =	simm.s32 @p1 $0x1;
	p0 =	seq.s32 s7, s2  }
0x1e: {  	s7 =	smul.u32 @!p0 $0xF7A, s2;
	p2 =	seq.s32 @!p0 s5, $0x0  }
0x1f: {  	s9 =	smul.u32 $0xF7A, s1;
	s8 =	simm.s32 @!p0 $0x1BF5;
	p2 =	por !p2, p0  }
0x20: {  	[sflag:s8] =	ssyncset.s32 @!p0 $0xFFFFF086;
	s6 =	sadd.s32 @!p0 s3, s7;
	s7 =	simm.s32 @!p0 $0x108  }
0x21: {  	s3 =	sadd.s32 s3, s9;
	s6 =	sadd.s32 @!p0 $0x88, s6;
	s7 =	simm.s32 @p2 $0x1082  }
0x22: {  	[simem:s7], [sflag:s8] =	dma.local @!p0 [hbm:s6], $0xF7A  }
0x23: {  	s9 =	sor.u32 $0xD0000000, s2;
	s6 =	simm.s32 $0x108;
	_ =	swait.ge @!p0 [sflag:s8], $0x0  }
0x24: {  	s3 =	sadd.s32 $0x88, s3;
	s6 =	simm.s32 @!p1 $0x1082;
	[sflag:s4] =	ssyncset.s32 $0xFFFFF086  }
0x25: {  	[simem:s6], [sflag:s4] =	dma.local [hbm:s3], $0xF7A  }
0x26: {  	[smem:$0x3F50] =	sst s1;
	(tag) =	ssettag s2;
	_ =	strace s9  }
0x27: {  	s1 =	sld [smem:$0x3F60]  }
0x28: {  	s2 =	sld [smem:$0x3F61]  }
0x29: {  	s4 =	sld [smem:$0x3F63]  }
0x2a: {  	p0 =	seq.s32 s5, $0x0;
	s5 =	sld [smem:$0x3F64]  }
0x2b: {  	s6 =	sld [smem:$0x3F65]  }
0x2c: {  	s7 =	sld [smem:$0x3F66]  }
0x2d: {  	s3 =	simm.s32 $0x108;
	s8 =	sld [smem:$0x3F67]  }
0x2e: {  	s3 =	simm.s32 @!p0 $0x1082;
	s9 =	sld [smem:$0x3F68]  }
0x2f: {  	lr =	sadd.s32 s0, s3;
	s0 =	sld [smem:$0x3F5F]  }
0x30: {  	s3 =	sld [smem:$0x3F62]  }
0x31: {  	[smem:$0x3F6B] =	sst s10  }
0x32: {  	s10 =	sld [smem:$0x3F69];
	_ =	sdelay $0x3  }
0x33: {  	p0 =	seq.s32 s10, $0x1;
	s10 =	sld [smem:$0x3F6B];
	_ =	sdelay $0x3  }
0x34: {  	[smem:$0x3F6B] =	sst s10  }
0x35: {  	s10 =	sld [smem:$0x3F6A];
	_ =	sdelay $0x3  }
0x36: {  	p1 =	seq.s32 s10, $0x1;
	s10 =	sld [smem:$0x3F6B];
	_ =	sdelay $0x3  }
0x37: {  	[smem:$0x3F6B] =	sst s10  }
0x38: {  	s10 =	sld [smem:$0x3F6C]  }
0x39: {  	_ = 	snop;
	(pc) =	sbr.ind lr, $3  }
0x3a: {  	_ = 	snop  }
0x3b: {  	_ = 	snop  }
0x3c: {  	p2 =	seq.s32 s10, $0x1;
	s10 =	sld [smem:$0x3F6B]  }
0x3d: {  	_ =	shalt  }
0x3e: {  	_ =	shalt  }
0x3f: {  	_ =	shalt  }
0x40: {  	_ =	shalt  }
0x41: {  	_ =	shalt  }
0x42: {  	_ =	shalt  }
0x43: {  	_ =	shalt  }
0x44: {  	_ =	shalt  }
0x45: {  	_ =	shalt  }
0x46: {  	_ =	shalt  }
0x47: {  	_ =	shalt  }
0x48: {  	_ =	shalt  }
0x49: {  	_ =	shalt  }
0x4a: {  	_ =	shalt  }
0x4b: {  	_ =	shalt  }
0x4c: {  	_ =	shalt  }
0x4d: {  	_ =	shalt  }
0x4e: {  	_ =	shalt  }
0x4f: {  	_ =	shalt  }
0x50: {  	_ =	shalt  }
0x51: {  	_ =	shalt  }
0x52: {  	_ =	shalt  }
0x53: {  	_ =	shalt  }
0x54: {  	_ =	shalt  }
0x55: {  	_ =	shalt  }
0x56: {  	_ =	shalt  }
0x57: {  	_ =	shalt  }
0x58: {  	_ =	shalt  }
0x59: {  	_ =	shalt  }
0x5a: {  	_ =	shalt  }
0x5b: {  	_ =	shalt  }
0x5c: {  	_ =	shalt  }
0x5d: {  	_ =	shalt  }
0x5e: {  	_ =	shalt  }
0x5f: {  	_ =	shalt  }
0x60: {  	_ =	shalt  }
0x61: {  	_ =	shalt  }
0x62: {  	_ =	shalt  }
0x63: {  	_ =	shalt  }
0x64: {  	_ =	shalt  }
0x65: {  	_ =	shalt  }
0x66: {  	_ =	shalt  }
0x67: {  	_ =	shalt  }
0x68: {  	_ =	shalt  }
0x69: {  	_ =	shalt  }
0x6a: {  	_ =	shalt  }
0x6b: {  	_ =	shalt  }
0x6c: {  	_ =	shalt  }
0x6d: {  	_ =	shalt  }
0x6e: {  	_ =	shalt  }
0x6f: {  	_ =	shalt  }
0x70: {  	_ =	shalt  }
0x71: {  	_ =	shalt  }
0x72: {  	_ =	shalt  }
0x73: {  	_ =	shalt  }
0x74: {  	_ =	shalt  }
0x75: {  	_ =	shalt  }
0x76: {  	_ =	shalt  }
0x77: {  	_ =	shalt  }
0x78: {  	_ =	shalt  }
0x79: {  	_ =	shalt  }
0x7a: {  	_ =	shalt  }
0x7b: {  	_ =	shalt  }
0x7c: {  	_ =	shalt  }
0x7d: {  	_ =	shalt  }
0x7e: {  	_ =	shalt  }
0x7f: {  	_ =	shalt  }
0x80: {  	_ =	shalt  }
0x81: {  	_ =	shalt  }
0x82: {  	_ =	shalt  }
0x83: {  	_ =	shalt  }
0x84: {  	_ =	shalt  }
0x85: {  	_ =	shalt  }
0x86: {  	_ =	shalt  }
0x87: {  	_ =	shalt  }
.Lfunc_end0:
.L_simem_size_0:
called_computation.3_lowered:
.L_overlay_start_0:
0x88: {  	s2 =	sld [smem:$0x3FD9]  }
0x89: {  	s3 =	sld [smem:$0x3FFE];
	_ =	sdelay $0x1  }
0x8a: {  	s1 =	srdreg.scid  }
0x8b: {  	s0 =	sand.u32 $0x1, s1  }
0x8c: {  	s16 =	sshll.u32 s0, $0xA;
	s2 =	sadd.s32 s3, s2  }
0x8d: {  	s2 =	sadd.s32 s2, s16  }
0x8e: {  	[smem:$0x3F77] =	sst s2  }
0x8f: {  	_ = 	snop  }
0x90: {  	(tm) =	ssettm $0x1  }
0x91: {  	s17 =	sld [smem:$0x3FFB];
	_ =	sdelay $0x3  }
0x92: {  	_ =	strace s17  }
0x93: {  	s2 =	sld [smem:$0x3FFC];
	_ =	sdelay $0x3  }
0x94: {  	_ =	strace s2  }
0x95: {  	s2 =	sld [smem:$0x3FFD];
	_ =	sdelay $0x3  }
0x96: {  	_ =	strace s2  }
0x97: {  	_ =	strace $0x8FFFFFFF  }
0x98: {  	s18 =	sld [smem:$0x3FDB];
	_ =	sdelay $0x1  }
0x99: {  	s19 =	simm.s32 $_scs_section_size  }
0x9a: {  	s4 =	simm.s32 $_size__tile_overlayer_lowered;
	s5 =	simm.s32 $_tile_overlayer_lowered  }
0x9b: {  	s22 =	simm.s32 $0x1BFF;
	s21 =	sshll.u32 s5, $0x1;
	s2 =	sadd.s32 s19, s18  }
0x9c: {  	s6 =	simm.s32 $0x0;
	s20 =	sshll.u32 s4, $0x1;
	s4 =	sadd.s32 s21, s2  }
0x9d: {  	[timem:s6], [sflag:s22] =	dma.local [hbm:s4], s20  }
0x9e: {  	_ =	swait.ge [sflag:s22], s20  }
0x9f: {  	s3 =	ssub.s32 $0x0, s20;
	[sflag:s22] =	ssyncset.done $0x0  }
0xa0: {  	[sflag:s22] =	ssyncadd.s32 s3;
	_ =	sdelay $0x1  }
0xa1: {  	s23 =	simm.s32 $0x1B8B  }
0xa2: {  	_ =	swait.ge [sflag:s23], $0x1  }
0xa3: {  	[sflag:s23] =	ssyncset.done $0x0  }
0xa4: {  	s25 =	simm.s32 $0x1B8E;
	s24 =	sld [smem:$0x3FFE];
	[sflag:s23] =	ssyncadd.s32 $0xFFFFFFFF  }
0xa5: {  	s26 =	simm.s32 $execute0_lowered;
	[smem:$0x3FD2] =	sst s25  }
0xa6: {  	s4 =	sshll.u32 s26, $0x1;
	_ =	strace $0x8000004F;
	[dreg:$0x1] =	wrdreg $0xFFFFFFFF  }
0xa7: {  	s28 =	simm.s32 $_size_execute0_lowered;
	s2 =	sadd.s32 s2, s4;
	[dreg:$0x0] =	wrdreg $0x0  }
0xa8: {  	s4 =	sshll.u32 s28, $0x1;
	[dreg:$0x2] =	wrdreg s2  }
0xa9: {  	[dreg:$0x3] =	wrdreg s4  }
0xaa: {  	[dreg:$0x4] =	wrdreg $0xC0  }
0xab: {  	_ =	task [dreg:s6], $0x5FFFF  }
0xac: {  	[dreg:$0x1] =	wrdreg $0xFFFFFFFF  }
0xad: {  	[dreg:$0x0] =	wrdreg $0x60  }
0xae: {  	[dreg:$0x2] =	wrdreg s24  }
0xaf: {  	[dreg:$0x3] =	wrdreg $0x9  }
0xb0: {  	_ =	task.clear_ibuf [dreg:s6], $0x4FFFF;
	_ =	strace $0x9000004F  }
0xb1: {  	s29 =	simm.s32 $0x9;
	_ =	strace $0x80000051  }
0xb2: {  	_ =	swait.ge [sflag:s29], $0x1  }
0xb3: {  	[sflag:s29] =	ssyncadd.s32 $0xFFFFFFFF  }
0xb4: {  	_ =	strace $0x90000051  }
0xb5: {  	_ =	sfence  }
0xb6: {  	s30 =	sld [smem:$0x0];
	_ =	sdelay $0x2  }
0xb7: {  	s31 =	sshll.u32 s1, $0xD;
	s1 =	sshrl.u32 s1, $0x2  }
0xb8: {  	s3 =	sand.u32 $0x4000, s31;
	s1 =	sadd.s32 s1, s30  }
0xb9: {  	s0 =	sor.u32 s3, s0;
	s1 =	sshll.u32 s1, $0x11  }
0xba: {  	s0 =	sor.u32 s1, s0  }
0xbb: {  	s0 =	sadd.s32 $0x8F2B, s0  }
0xbc: {  	[sflag:s0] =	ssyncadd.remote.s32 $0x1  }
0xbd: {  	_ =	sfence.sel $0xFFFF  }
0xbe: {  	[dreg:$0x0] =	wrdreg $0xFFFFFFFF;
	(pc) =	sbr.abs _section_cstart, $3  }
0xbf: {  	[dreg:$0x1] =	wrdreg $0xFFFFFFFF  }
0xc0: {  	_ =	task.clear_ibuf [dreg:s6], $0x2FFFF;
	_ =	strace $0x9FFFFFFF  }
0xc1: {  	(tm) =	ssettm $0x7FFFFFFF  }
tec
execute0_lowered:
.L_overlay_start_1:
0x0: {  	(tag) =	ssettag $0x1  }
0x1: {  	s1 =	srdreg.scid  }
0x2: {  	s0 =	stileid.u32;
	s4 =	rddreg [dreg:$0x0];
	s19 =	simm.s32 $0x880  }
0x3: {  	s20 =	simm.s32 $0xC80;
	s21 =	simm.s32 $0x1480;
	s22 =	simm.s32 $0x1880  }
0x4: {  	s23 =	simm.s32 $0x2080;
	s24 =	simm.s32 $0x2480;
	s25 =	simm.s32 $0x2C80  }
0x5: {  	s26 =	simm.s32 $0x3080;
	s7 =	simm.s32 $0x80;
	s9 =	simm.s32 $0x3C80  }
0x6: {  	s10 =	simm.s32 $0x4480;
	s11 =	simm.s32 $0x4880;
	s1 =	sand.u32 $0x1, s1  }
0x7: {  	s12 =	simm.s32 $0x5080;
	s2 =	sshll.u32 s0, $0x5;
	s3 =	sshll.u32 s1, $0x4  }
0x8: {  	s13 =	simm.s32 $0x5480;
	s3 =	sor.u32 s3, s2;
	s2 =	simm.s32 $0x0  }
0x9: {  	s14 =	simm.s32 $0x5C80;
	s15 =	simm.s32 $0x6080;
	[smem:$0x7FF] =	sst s2  }
0xa: {  	s16 =	simm.s32 $0x6880;
	_ =	strace $0x80000050;
	[dreg:$0x4] =	wrdreg s19  }
0xb: {  	s17 =	simm.s32 $0x6C80;
	s28 =	simm.s32 $0xA880;
	[dreg:$0x5] =	wrdreg s20  }
0xc: {  	s29 =	simm.s32 $0xB080;
	s30 =	simm.s32 $0xB480;
	[dreg:$0x6] =	wrdreg s21  }
0xd: {  	s31 =	simm.s32 $0xBC80;
	s1 =	ssub.s32 $0x2, s1;
	[dreg:$0x7] =	wrdreg s22  }
0xe: {  	s6 =	sshrl.u32 s1, $0x1;
	s5 =	smul.u32 $0x180, s3;
	[dreg:$0x8] =	wrdreg s23  }
0xf: {  	s3 =	sadd.s32 s3, s4;
	s1 =	ssub.s32 s1, s6;
	[dreg:$0x9] =	wrdreg s24  }
0x10: {  	s6 =	simm.s32 $0x2;
	s3 =	sadd.s32 $0x56200, s3;
	[dreg:$0xa] =	wrdreg s25  }
0x11: {  	[dreg:$0xb] =	wrdreg s26;
	s19 =	simm.s32 $0x7880;
	s20 =	simm.s32 $0x8080  }
0x12: {  	s21 =	simm.s32 $0x8480;
	s22 =	simm.s32 $0x8C80;
	s23 =	simm.s32 $0x9080  }
0x13: {  	s24 =	simm.s32 $0x9880;
	s25 =	simm.s32 $0x9C80;
	s26 =	simm.s32 $0xA480  }
0x14: {  	v2 =	vlaneseq.u32;
	s5 =	sadd.s32 s5, s4;
	[dreg:$0x2] =	wrdreg s3;
	s3 =	sadd.s32 $0x56400, s4  }
0x15: {  	vm0 =	vmmov $0xffff;
	vm1 =	vmmov $0xff;
	v1 =	vshrl.u32 v2, $0x3;
	s4 =	sadd.s32 $0x56500, s4;
	s18 =	sadd.s32 $0x14A00, s5;
	s5 =	smax.u32 s1, $0x1  }
0x16: {  	v0 =	vand.u32 $0x7, v2;
	v2 =	vor.u32 $0x8, v2;
	v1 =	vmul.u32 $0x8, v1;
	s1 =	simm.s32 $0x1;
	[dreg:$0x3] =	wrdreg s18;
	s18 =	simm.s32 $0x7480  }
.LBB2_1:
0x17: {  	s0 =	rddreg [dreg:$0x2]  }
0x18: {  	[tilespmem:s2], [sflag:$0x2] =	stream.linear.gather [hbm4b:s0+s2], $0x80, $0x38;
	[tilespmem:$0xC080] =	vst v63  }
0x19: {  	_ =	swait.ge [sflag:s6], $0x80  }
0x1a: {  	[sflag:s6] =	ssyncset.done $0x0  }
0x1b: {  	[sflag:s6] =	ssyncadd.s32 $0xFFFFFF80  }
0x1c: {  	v3 =	vld [tilespmem:$0x0];
	_ =	sdelay $0x4  }
0x1d: {  	v4 =	vshrl.u32 v3, $0x3  }
0x1e: {  	v4 =	vmul.u32 $0x18, v4  }
0x1f: {  	v3 =	vand.u32 $0x7, v3  }
0x20: {  	v3 =	vor.u32 v3, v4  }
0x21: {  	v4 =	vperm.xlane v3, v0;
	_ =	sdelay $0x1  }
0x22: {  	v4 =	vadd.s32 v1, v4;
	_ =	sdelay $0x1  }
0x23: {  	v3 =	vperm.xlane v3, v2;
	_ =	sdelay $0x1  }
0x24: {  	v3 =	vadd.s32 v1, v3  }
0x25: {  	[tilespmem:s7], [sflag:$0x1] =	stream.indirect_vreg.gather [hbm4b:s3+s2], $0x80, v4, vm0, $0xb8;
	[tilespmem:$0xC080] =	vst v63  }
0x26: {  	s0 =	rddreg [dreg:$0x4]  }
0x27: {  	[tilespmem:s0], [sflag:$0x1] =	stream.indirect_vreg.gather [hbm4b:s4+s2], $0x80, v4, vm1, $0xb8;
	[tilespmem:$0xC080] =	vst v63  }
0x28: {  	s8 =	rddreg [dreg:$0x5]  }
0x29: {  	[tilespmem:s8], [sflag:$0x1] =	stream.indirect_vreg.gather [hbm4b:s3+s2], $0x80, v3, vm0, $0xb8;
	[tilespmem:$0xC080] =	vst v63  }
0x2a: {  	s0 =	rddreg [dreg:$0x6]  }
0x2b: {  	[tilespmem:s0], [sflag:$0x1] =	stream.indirect_vreg.gather [hbm4b:s4+s2], $0x80, v3, vm1, $0xb8;
	[tilespmem:$0xC080] =	vst v63  }
0x2c: {  	v3 =	vld [tilespmem:$0x10];
	_ =	sdelay $0x4  }
0x2d: {  	v57 =	vshrl.u32 v3, $0x3  }
0x2e: {  	v4 =	vmul.u32 $0x18, v57  }
0x2f: {  	v3 =	vand.u32 $0x7, v3  }
0x30: {  	v3 =	vor.u32 v3, v4  }
0x31: {  	v4 =	vperm.xlane v3, v0;
	_ =	sdelay $0x1  }
0x32: {  	v4 =	vadd.s32 v1, v4;
	_ =	sdelay $0x1  }
0x33: {  	v3 =	vperm.xlane v3, v2;
	_ =	sdelay $0x1  }
0x34: {  	s0 =	rddreg [dreg:$0x7];
	v3 =	vadd.s32 v1, v3  }
0x35: {  	[tilespmem:s0], [sflag:$0x1] =	stream.indirect_vreg.gather [hbm4b:s3+s2], $0x80, v4, vm0, $0xb8;
	[tilespmem:$0xC080] =	vst v63  }
0x36: {  	s8 =	rddreg [dreg:$0x8]  }
0x37: {  	[tilespmem:s8], [sflag:$0x1] =	stream.indirect_vreg.gather [hbm4b:s4+s2], $0x80, v4, vm1, $0xb8;
	[tilespmem:$0xC080] =	vst v63  }
0x38: {  	s0 =	rddreg [dreg:$0x9]  }
0x39: {  	[tilespmem:s0], [sflag:$0x1] =	stream.indirect_vreg.gather [hbm4b:s3+s2], $0x80, v3, vm0, $0xb8;
	[tilespmem:$0xC080] =	vst v63  }
0x3a: {  	s8 =	rddreg [dreg:$0xa]  }
0x3b: {  	[tilespmem:s8], [sflag:$0x1] =	stream.indirect_vreg.gather [hbm4b:s4+s2], $0x80, v3, vm1, $0xb8;
	[tilespmem:$0xC080] =	vst v63  }
0x3c: {  	v3 =	vld [tilespmem:$0x20];
	_ =	sdelay $0x4  }
0x3d: {  	v58 =	vshrl.u32 v3, $0x3  }
0x3e: {  	v4 =	vmul.u32 $0x18, v58  }
0x3f: {  	v3 =	vand.u32 $0x7, v3  }
0x40: {  	v3 =	vor.u32 v3, v4  }
0x41: {  	v4 =	vperm.xlane v3, v0;
	_ =	sdelay $0x1  }
0x42: {  	v4 =	vadd.s32 v1, v4;
	_ =	sdelay $0x1  }
0x43: {  	v3 =	vperm.xlane v3, v2;
	_ =	sdelay $0x1  }
0x44: {  	s8 =	rddreg [dreg:$0xb];
	v3 =	vadd.s32 v1, v3  }
0x45: {  	[tilespmem:s8], [sflag:$0x1] =	stream.indirect_vreg.gather [hbm4b:s3+s2], $0x80, v4, vm0, $0xb8;
	[tilespmem:$0xC080] =	vst v63  }
0x46: {  	s8 =	simm.s32 $0x3880  }
0x47: {  	[tilespmem:s8], [sflag:$0x1] =	stream.indirect_vreg.gather [hbm4b:s4+s2], $0x80, v4, vm1, $0xb8;
	[tilespmem:$0xC080] =	vst v63  }
0x48: {  	_ = 	snop  }
0x49: {  	[tilespmem:s9], [sflag:$0x1] =	stream.indirect_vreg.gather [hbm4b:s3+s2], $0x80, v3, vm0, $0xb8;
	[tilespmem:$0xC080] =	vst v63  }
0x4a: {  	_ = 	snop  }
0x4b: {  	[tilespmem:s10], [sflag:$0x1] =	stream.indirect_vreg.gather [hbm4b:s4+s2], $0x80, v3, vm1, $0xb8;
	[tilespmem:$0xC080] =	vst v63  }
0x4c: {  	v3 =	vld [tilespmem:$0x30];
	_ =	sdelay $0x4  }
0x4d: {  	v59 =	vshrl.u32 v3, $0x3  }
0x4e: {  	v4 =	vmul.u32 $0x18, v59  }
0x4f: {  	v3 =	vand.u32 $0x7, v3  }
0x50: {  	v3 =	vor.u32 v3, v4  }
0x51: {  	v4 =	vperm.xlane v3, v0;
	_ =	sdelay $0x1  }
0x52: {  	v4 =	vadd.s32 v1, v4;
	_ =	sdelay $0x1  }
0x53: {  	v3 =	vperm.xlane v3, v2;
	_ =	sdelay $0x1  }
0x54: {  	v3 =	vadd.s32 v1, v3  }
0x55: {  	[tilespmem:s11], [sflag:$0x1] =	stream.indirect_vreg.gather [hbm4b:s3+s2], $0x80, v4, vm0, $0xb8;
	[tilespmem:$0xC080] =	vst v63  }
0x56: {  	_ = 	snop  }
0x57: {  	[tilespmem:s12], [sflag:$0x1] =	stream.indirect_vreg.gather [hbm4b:s4+s2], $0x80, v4, vm1, $0xb8;
	[tilespmem:$0xC080] =	vst v63  }
0x58: {  	_ = 	snop  }
0x59: {  	[tilespmem:s13], [sflag:$0x1] =	stream.indirect_vreg.gather [hbm4b:s3+s2], $0x80, v3, vm0, $0xb8;
	[tilespmem:$0xC080] =	vst v63  }
0x5a: {  	_ = 	snop  }
0x5b: {  	[tilespmem:s14], [sflag:$0x1] =	stream.indirect_vreg.gather [hbm4b:s4+s2], $0x80, v3, vm1, $0xb8;
	[tilespmem:$0xC080] =	vst v63  }
0x5c: {  	v3 =	vld [tilespmem:$0x40];
	_ =	sdelay $0x4  }
0x5d: {  	v60 =	vshrl.u32 v3, $0x3  }
0x5e: {  	v4 =	vmul.u32 $0x18, v60  }
0x5f: {  	v3 =	vand.u32 $0x7, v3  }
0x60: {  	v3 =	vor.u32 v3, v4  }
0x61: {  	v4 =	vperm.xlane v3, v0;
	_ =	sdelay $0x1  }
0x62: {  	v4 =	vadd.s32 v1, v4;
	_ =	sdelay $0x1  }
0x63: {  	v3 =	vperm.xlane v3, v2;
	_ =	sdelay $0x1  }
0x64: {  	v3 =	vadd.s32 v1, v3  }
0x65: {  	[tilespmem:s15], [sflag:$0x1] =	stream.indirect_vreg.gather [hbm4b:s3+s2], $0x80, v4, vm0, $0xb8;
	[tilespmem:$0xC080] =	vst v63  }
0x66: {  	_ = 	snop  }
0x67: {  	[tilespmem:s16], [sflag:$0x1] =	stream.indirect_vreg.gather [hbm4b:s4+s2], $0x80, v4, vm1, $0xb8;
	[tilespmem:$0xC080] =	vst v63  }
0x68: {  	_ = 	snop  }
0x69: {  	[tilespmem:s17], [sflag:$0x1] =	stream.indirect_vreg.gather [hbm4b:s3+s2], $0x80, v3, vm0, $0xb8;
	[tilespmem:$0xC080] =	vst v63  }
0x6a: {  	_ = 	snop  }
0x6b: {  	[tilespmem:s18], [sflag:$0x1] =	stream.indirect_vreg.gather [hbm4b:s4+s2], $0x80, v3, vm1, $0xb8;
	[tilespmem:$0xC080] =	vst v63  }
0x6c: {  	v3 =	vld [tilespmem:$0x50];
	_ =	sdelay $0x4  }
0x6d: {  	v61 =	vshrl.u32 v3, $0x3  }
0x6e: {  	v4 =	vmul.u32 $0x18, v61  }
0x6f: {  	v3 =	vand.u32 $0x7, v3  }
0x70: {  	v3 =	vor.u32 v3, v4  }
0x71: {  	v4 =	vperm.xlane v3, v0;
	_ =	sdelay $0x1  }
0x72: {  	v4 =	vadd.s32 v1, v4;
	_ =	sdelay $0x1  }
0x73: {  	v3 =	vperm.xlane v3, v2;
	_ =	sdelay $0x1  }
0x74: {  	v3 =	vadd.s32 v1, v3  }
0x75: {  	[tilespmem:s19], [sflag:$0x1] =	stream.indirect_vreg.gather [hbm4b:s3+s2], $0x80, v4, vm0, $0xb8;
	[tilespmem:$0xC080] =	vst v63  }
0x76: {  	_ = 	snop  }
0x77: {  	[tilespmem:s20], [sflag:$0x1] =	stream.indirect_vreg.gather [hbm4b:s4+s2], $0x80, v4, vm1, $0xb8;
	[tilespmem:$0xC080] =	vst v63  }
0x78: {  	_ = 	snop  }
0x79: {  	[tilespmem:s21], [sflag:$0x1] =	stream.indirect_vreg.gather [hbm4b:s3+s2], $0x80, v3, vm0, $0xb8;
	[tilespmem:$0xC080] =	vst v63  }
0x7a: {  	_ = 	snop  }
0x7b: {  	[tilespmem:s22], [sflag:$0x1] =	stream.indirect_vreg.gather [hbm4b:s4+s2], $0x80, v3, vm1, $0xb8;
	[tilespmem:$0xC080] =	vst v63  }
0x7c: {  	v3 =	vld [tilespmem:$0x60];
	_ =	sdelay $0x4  }
0x7d: {  	v62 =	vshrl.u32 v3, $0x3  }
0x7e: {  	v4 =	vmul.u32 $0x18, v62  }
0x7f: {  	v3 =	vand.u32 $0x7, v3  }
0x80: {  	v3 =	vor.u32 v3, v4  }
0x81: {  	v4 =	vperm.xlane v3, v0;
	_ =	sdelay $0x1  }
0x82: {  	v4 =	vadd.s32 v1, v4;
	_ =	sdelay $0x1  }
0x83: {  	v3 =	vperm.xlane v3, v2;
	_ =	sdelay $0x1  }
0x84: {  	v3 =	vadd.s32 v1, v3  }
0x85: {  	[tilespmem:s23], [sflag:$0x1] =	stream.indirect_vreg.gather [hbm4b:s3+s2], $0x80, v4, vm0, $0xb8;
	[tilespmem:$0xC080] =	vst v63  }
0x86: {  	_ = 	snop  }
0x87: {  	[tilespmem:s24], [sflag:$0x1] =	stream.indirect_vreg.gather [hbm4b:s4+s2], $0x80, v4, vm1, $0xb8;
	[tilespmem:$0xC080] =	vst v63  }
0x88: {  	_ = 	snop  }
0x89: {  	[tilespmem:s25], [sflag:$0x1] =	stream.indirect_vreg.gather [hbm4b:s3+s2], $0x80, v3, vm0, $0xb8;
	[tilespmem:$0xC080] =	vst v63  }
0x8a: {  	_ = 	snop  }
0x8b: {  	[tilespmem:s26], [sflag:$0x1] =	stream.indirect_vreg.gather [hbm4b:s4+s2], $0x80, v3, vm1, $0xb8;
	[tilespmem:$0xC080] =	vst v63  }
0x8c: {  	v3 =	vld [tilespmem:$0x70];
	_ =	sdelay $0x4  }
0x8d: {  	v63 =	vshrl.u32 v3, $0x3  }
0x8e: {  	v4 =	vmul.u32 $0x18, v63  }
0x8f: {  	v3 =	vand.u32 $0x7, v3  }
0x90: {  	v3 =	vor.u32 v3, v4  }
0x91: {  	v4 =	vperm.xlane v3, v0;
	_ =	sdelay $0x1  }
0x92: {  	v4 =	vadd.s32 v1, v4;
	_ =	sdelay $0x1  }
0x93: {  	v3 =	vperm.xlane v3, v2;
	_ =	sdelay $0x1  }
0x94: {  	v3 =	vadd.s32 v1, v3  }
0x95: {  	[tilespmem:s28], [sflag:$0x1] =	stream.indirect_vreg.gather [hbm4b:s3+s2], $0x80, v4, vm0, $0xb8;
	[tilespmem:$0xC080] =	vst v63  }
0x96: {  	_ = 	snop  }
0x97: {  	[tilespmem:s29], [sflag:$0x1] =	stream.indirect_vreg.gather [hbm4b:s4+s2], $0x80, v4, vm1, $0xb8;
	[tilespmem:$0xC080] =	vst v63  }
0x98: {  	_ = 	snop  }
0x99: {  	[tilespmem:s30], [sflag:$0x1] =	stream.indirect_vreg.gather [hbm4b:s3+s2], $0x80, v3, vm0, $0xb8;
	[tilespmem:$0xC080] =	vst v63  }
0x9a: {  	_ = 	snop  }
0x9b: {  	[tilespmem:s31], [sflag:$0x1] =	stream.indirect_vreg.gather [hbm4b:s4+s2], $0x80, v3, vm1, $0xb8;
	[tilespmem:$0xC080] =	vst v63  }
0x9c: {  	_ =	swait.ge [sflag:s1], $0xC000  }
0x9d: {  	p0 =	sne.s32 s5, $0x1;
	[sflag:s1] =	ssyncset.done $0x0  }
.Ltmp0:
0x9e: {  	s8 =	rddreg [dreg:$0x3];
	[sflag:s1] =	ssyncadd.s32 $0xFFFF4000;
	(pc) =	sbr.rel @p0 .LBB2_1-.Ltmp0, $4  }
0x9f: {  	[hbm4b:s8+s2] =	stream.linear.scatter [tilespmem:s7], [sflag:$0x2], $0xC000, $0x38;
	[tilespmem:$0xC080] =	vst v63  }
0xa0: {  	_ =	swait.ge [sflag:s6], $0xC000  }
0xa1: {  	[sflag:s6] =	ssyncset.done $0x0  }
0xa2: {  	s5 =	sadd.s32 $0xFFFFFFFF, s5;
	[sflag:s6] =	ssyncadd.s32 $0xFFFF4000  }
0xa3: {  	_ =	sfence.sel $0x180000  }
0xa4: {  	[bflag:$0x0] =	sbarrier.arrive $0xFFFF  }
0xa5: {  	_ =	strace $0x90000050  }
0xa6: {  	s0 =	stileid.u32;
	[bflag:$0x2] =	sbarrier.arrive $0xFFFF  }
0xa7: {  	p0 =	sne.s32 s0, $0x0;
	s0 =	rddreg [dreg:$0x1]  }
0xa8: {  	s0 =	sadd.s32 @!p0 $0x100000, s0  }
0xa9: {  	[sflag:s0] =	ssyncadd.tile.s32 @!p0 $0x1;
	_ =	shalt  }
.Lfunc_end2:
_tile_overlayer_lowered:
.L_overlay_start_2:
0xaa: {  	(tag) =	ssettag $0x2  }
0xab: {  	s0 =	rddreg [dreg:$0x0];
	s2 =	stileid.u32  }
0xac: {  	s1 =	rddreg [dreg:$0x1];
	p0 =	sne.s32 s2, $0x0  }
0xad: {  	s3 =	rddreg [dreg:$0x2];
	[bflag:$0x3] =	sbarrier.arrive $0xFFFF;
	s2 =	simm.s32 @!p0 $0x1C02  }
0xae: {  	[timem:s3], [sflag:s2] =	dma.local @!p0 [hbm:s0], s1  }
0xaf: {  	s0 =	simm.s32 @!p0 $0x2  }
0xb0: {  	_ =	swait.ge @!p0 [sflag:s0], s1  }
0xb1: {  	s1 =	ssub.s32 @!p0 $0x0, s1;
	[sflag:s0] =	ssyncset.done @!p0 $0x0  }
0xb2: {  	[sflag:s0] =	ssyncadd.s32 @!p0 s1  }
0xb3: {  	[bflag:$0x3] =	sbarrier.arrive $0xFFFF  }
0xb4: {  	_ =	shalt  }

// kernel: kernel.48.cloned.1.call-start
scs
__scs_entry_jumppad:
0x0: {  	(pc) =	sbr.rel $0x88, $3  }
0x1: {  	(tag) =	ssettag $0x0;
	lr =	simm.s32 $0x1  }
0x2: {  	[smem:$0x3F50] =	sst lr;
	_ =	strace $0xD0000000  }
0x3: {  	_ = 	snop  }
0x4: {  	_ = 	snop  }
0x5: {  	_ = 	snop  }
0x6: {  	_ = 	snop  }
0x7: {  	_ = 	snop  }
__scs_overlays_trampoline_lowered:
0x8: {  	[smem:$0x3F5F] =	sst s0  }
0x9: {  	[smem:$0x3F60] =	sst s1  }
0xa: {  	[smem:$0x3F61] =	sst s2  }
0xb: {  	[smem:$0x3F62] =	sst s3  }
0xc: {  	[smem:$0x3F63] =	sst s4  }
0xd: {  	[smem:$0x3F64] =	sst s5  }
0xe: {  	[smem:$0x3F65] =	sst s6  }
0xf: {  	[smem:$0x3F66] =	sst s7  }
0x10: {  	[smem:$0x3F67] =	sst s8  }
0x11: {  	[smem:$0x3F68] =	sst s9;
	s0 =	simm.s32 @!p0 $0x0  }
0x12: {  	s1 =	sld [smem:$0x3F4E];
	s0 =	simm.s32 @p0 $0x1  }
0x13: {  	[smem:$0x3F69] =	sst s0;
	s0 =	simm.s32 @!p1 $0x0  }
0x14: {  	s2 =	sld [smem:$0x3F4D];
	s0 =	simm.s32 @p1 $0x1  }
0x15: {  	[smem:$0x3F6A] =	sst s0;
	s0 =	simm.s32 @!p2 $0x0  }
0x16: {  	s3 =	sld [smem:$0x3FDB];
	s0 =	simm.s32 @p2 $0x1  }
0x17: {  	s4 =	simm.s32 $0x1BF5;
	[smem:$0x3F6C] =	sst s0  }
0x18: {  	s0 =	sld [smem:$0x3F4F];
	_ =	swait.ge [sflag:s4], $0x0  }
0x19: {  	s7 =	sld [smem:$0x3F50]  }
0x1a: {  	s8 =	sadd.s32 $0xFFFFE003, lr  }
0x1b: {  	s9 =	sadd.s32 $0xFFFFFEF7, lr;
	s5 =	simm.s32 $0xFFFFFFFF;
	p2 =	slt.u32 s8, $0xFFFFF086  }
0x1c: {  	p1 =	slt.u32 s9, $0xF7A;
	s5 =	simm.s32 @!p2 $0x0  }
0x1d: {  	s5 =	simm.s32 @p1 $0x1;
	p0 =	seq.s32 s7, s2  }
0x1e: {  	s7 =	smul.u32 @!p0 $0xF7A, s2;
	p2 =	seq.s32 @!p0 s5, $0x0  }
0x1f: {  	s9 =	smul.u32 $0xF7A, s1;
	s8 =	simm.s32 @!p0 $0x1BF5;
	p2 =	por !p2, p0  }
0x20: {  	[sflag:s8] =	ssyncset.s32 @!p0 $0xFFFFF086;
	s6 =	sadd.s32 @!p0 s3, s7;
	s7 =	simm.s32 @!p0 $0x108  }
0x21: {  	s3 =	sadd.s32 s3, s9;
	s6 =	sadd.s32 @!p0 $0x88, s6;
	s7 =	simm.s32 @p2 $0x1082  }
0x22: {  	[simem:s7], [sflag:s8] =	dma.local @!p0 [hbm:s6], $0xF7A  }
0x23: {  	s9 =	sor.u32 $0xD0000000, s2;
	s6 =	simm.s32 $0x108;
	_ =	swait.ge @!p0 [sflag:s8], $0x0  }
0x24: {  	s3 =	sadd.s32 $0x88, s3;
	s6 =	simm.s32 @!p1 $0x1082;
	[sflag:s4] =	ssyncset.s32 $0xFFFFF086  }
0x25: {  	[simem:s6], [sflag:s4] =	dma.local [hbm:s3], $0xF7A  }
0x26: {  	[smem:$0x3F50] =	sst s1;
	(tag) =	ssettag s2;
	_ =	strace s9  }
0x27: {  	s1 =	sld [smem:$0x3F60]  }
0x28: {  	s2 =	sld [smem:$0x3F61]  }
0x29: {  	s4 =	sld [smem:$0x3F63]  }
0x2a: {  	p0 =	seq.s32 s5, $0x0;
	s5 =	sld [smem:$0x3F64]  }
0x2b: {  	s6 =	sld [smem:$0x3F65]  }
0x2c: {  	s7 =	sld [smem:$0x3F66]  }
0x2d: {  	s3 =	simm.s32 $0x108;
	s8 =	sld [smem:$0x3F67]  }
0x2e: {  	s3 =	simm.s32 @!p0 $0x1082;
	s9 =	sld [smem:$0x3F68]  }
0x2f: {  	lr =	sadd.s32 s0, s3;
	s0 =	sld [smem:$0x3F5F]  }
0x30: {  	s3 =	sld [smem:$0x3F62]  }
0x31: {  	[smem:$0x3F6B] =	sst s10  }
0x32: {  	s10 =	sld [smem:$0x3F69];
	_ =	sdelay $0x3  }
0x33: {  	p0 =	seq.s32 s10, $0x1;
	s10 =	sld [smem:$0x3F6B];
	_ =	sdelay $0x3  }
0x34: {  	[smem:$0x3F6B] =	sst s10  }
0x35: {  	s10 =	sld [smem:$0x3F6A];
	_ =	sdelay $0x3  }
0x36: {  	p1 =	seq.s32 s10, $0x1;
	s10 =	sld [smem:$0x3F6B];
	_ =	sdelay $0x3  }
0x37: {  	[smem:$0x3F6B] =	sst s10  }
0x38: {  	s10 =	sld [smem:$0x3F6C]  }
0x39: {  	_ = 	snop;
	(pc) =	sbr.ind lr, $3  }
0x3a: {  	_ = 	snop  }
0x3b: {  	_ = 	snop  }
0x3c: {  	p2 =	seq.s32 s10, $0x1;
	s10 =	sld [smem:$0x3F6B]  }
0x3d: {  	_ =	shalt  }
0x3e: {  	_ =	shalt  }
0x3f: {  	_ =	shalt  }
0x40: {  	_ =	shalt  }
0x41: {  	_ =	shalt  }
0x42: {  	_ =	shalt  }
0x43: {  	_ =	shalt  }
0x44: {  	_ =	shalt  }
0x45: {  	_ =	shalt  }
0x46: {  	_ =	shalt  }
0x47: {  	_ =	shalt  }
0x48: {  	_ =	shalt  }
0x49: {  	_ =	shalt  }
0x4a: {  	_ =	shalt  }
0x4b: {  	_ =	shalt  }
0x4c: {  	_ =	shalt  }
0x4d: {  	_ =	shalt  }
0x4e: {  	_ =	shalt  }
0x4f: {  	_ =	shalt  }
0x50: {  	_ =	shalt  }
0x51: {  	_ =	shalt  }
0x52: {  	_ =	shalt  }
0x53: {  	_ =	shalt  }
0x54: {  	_ =	shalt  }
0x55: {  	_ =	shalt  }
0x56: {  	_ =	shalt  }
0x57: {  	_ =	shalt  }
0x58: {  	_ =	shalt  }
0x59: {  	_ =	shalt  }
0x5a: {  	_ =	shalt  }
0x5b: {  	_ =	shalt  }
0x5c: {  	_ =	shalt  }
0x5d: {  	_ =	shalt  }
0x5e: {  	_ =	shalt  }
0x5f: {  	_ =	shalt  }
0x60: {  	_ =	shalt  }
0x61: {  	_ =	shalt  }
0x62: {  	_ =	shalt  }
0x63: {  	_ =	shalt  }
0x64: {  	_ =	shalt  }
0x65: {  	_ =	shalt  }
0x66: {  	_ =	shalt  }
0x67: {  	_ =	shalt  }
0x68: {  	_ =	shalt  }
0x69: {  	_ =	shalt  }
0x6a: {  	_ =	shalt  }
0x6b: {  	_ =	shalt  }
0x6c: {  	_ =	shalt  }
0x6d: {  	_ =	shalt  }
0x6e: {  	_ =	shalt  }
0x6f: {  	_ =	shalt  }
0x70: {  	_ =	shalt  }
0x71: {  	_ =	shalt  }
0x72: {  	_ =	shalt  }
0x73: {  	_ =	shalt  }
0x74: {  	_ =	shalt  }
0x75: {  	_ =	shalt  }
0x76: {  	_ =	shalt  }
0x77: {  	_ =	shalt  }
0x78: {  	_ =	shalt  }
0x79: {  	_ =	shalt  }
0x7a: {  	_ =	shalt  }
0x7b: {  	_ =	shalt  }
0x7c: {  	_ =	shalt  }
0x7d: {  	_ =	shalt  }
0x7e: {  	_ =	shalt  }
0x7f: {  	_ =	shalt  }
0x80: {  	_ =	shalt  }
0x81: {  	_ =	shalt  }
0x82: {  	_ =	shalt  }
0x83: {  	_ =	shalt  }
0x84: {  	_ =	shalt  }
0x85: {  	_ =	shalt  }
0x86: {  	_ =	shalt  }
0x87: {  	_ =	shalt  }
.Lfunc_end0:
.L_simem_size_0:
called_computation.4_lowered:
.L_overlay_start_0:
0x88: {  	s2 =	sld [smem:$0x3FD9]  }
0x89: {  	s3 =	sld [smem:$0x3FFE];
	_ =	sdelay $0x1  }
0x8a: {  	s1 =	srdreg.scid  }
0x8b: {  	s0 =	sand.u32 $0x1, s1  }
0x8c: {  	s16 =	sshll.u32 s0, $0xA;
	s2 =	sadd.s32 s3, s2  }
0x8d: {  	s2 =	sadd.s32 s2, s16  }
0x8e: {  	[smem:$0x3F77] =	sst s2  }
0x8f: {  	_ = 	snop  }
0x90: {  	(tm) =	ssettm $0x1  }
0x91: {  	s17 =	sld [smem:$0x3FFB];
	_ =	sdelay $0x3  }
0x92: {  	_ =	strace s17  }
0x93: {  	s2 =	sld [smem:$0x3FFC];
	_ =	sdelay $0x3  }
0x94: {  	_ =	strace s2  }
0x95: {  	s2 =	sld [smem:$0x3FFD];
	_ =	sdelay $0x3  }
0x96: {  	_ =	strace s2  }
0x97: {  	_ =	strace $0x8FFFFFFF  }
0x98: {  	s18 =	sld [smem:$0x3FDB];
	_ =	sdelay $0x1  }
0x99: {  	s19 =	simm.s32 $_scs_section_size  }
0x9a: {  	s4 =	simm.s32 $_size__tile_overlayer_lowered;
	s5 =	simm.s32 $_tile_overlayer_lowered  }
0x9b: {  	s22 =	simm.s32 $0x1BFF;
	s21 =	sshll.u32 s5, $0x1;
	s2 =	sadd.s32 s19, s18  }
0x9c: {  	s6 =	simm.s32 $0x0;
	s20 =	sshll.u32 s4, $0x1;
	s4 =	sadd.s32 s21, s2  }
0x9d: {  	[timem:s6], [sflag:s22] =	dma.local [hbm:s4], s20  }
0x9e: {  	_ =	swait.ge [sflag:s22], s20  }
0x9f: {  	s3 =	ssub.s32 $0x0, s20;
	[sflag:s22] =	ssyncset.done $0x0  }
0xa0: {  	[sflag:s22] =	ssyncadd.s32 s3;
	_ =	sdelay $0x1  }
0xa1: {  	s23 =	simm.s32 $0x1B8B  }
0xa2: {  	_ =	swait.ge [sflag:s23], $0x1  }
0xa3: {  	[sflag:s23] =	ssyncset.done $0x0  }
0xa4: {  	s25 =	simm.s32 $0x1B8E;
	s24 =	sld [smem:$0x3FFE];
	[sflag:s23] =	ssyncadd.s32 $0xFFFFFFFF  }
0xa5: {  	s26 =	simm.s32 $execute0_lowered;
	[smem:$0x3FD2] =	sst s25  }
0xa6: {  	s4 =	sshll.u32 s26, $0x1;
	_ =	strace $0x80000052;
	[dreg:$0x1] =	wrdreg $0xFFFFFFFF  }
0xa7: {  	s28 =	simm.s32 $_size_execute0_lowered;
	s2 =	sadd.s32 s2, s4;
	[dreg:$0x0] =	wrdreg $0x0  }
0xa8: {  	s4 =	sshll.u32 s28, $0x1;
	[dreg:$0x2] =	wrdreg s2  }
0xa9: {  	[dreg:$0x3] =	wrdreg s4  }
0xaa: {  	[dreg:$0x4] =	wrdreg $0xC0  }
0xab: {  	_ =	task [dreg:s6], $0x5FFFF  }
0xac: {  	[dreg:$0x1] =	wrdreg $0xFFFFFFFF  }
0xad: {  	[dreg:$0x0] =	wrdreg $0x60  }
0xae: {  	[dreg:$0x2] =	wrdreg s24  }
0xaf: {  	[dreg:$0x3] =	wrdreg $0x9  }
0xb0: {  	_ =	task.clear_ibuf [dreg:s6], $0x4FFFF;
	_ =	strace $0x90000052  }
0xb1: {  	s29 =	simm.s32 $0x9;
	_ =	strace $0x80000054  }
0xb2: {  	_ =	swait.ge [sflag:s29], $0x1  }
0xb3: {  	[sflag:s29] =	ssyncadd.s32 $0xFFFFFFFF  }
0xb4: {  	_ =	strace $0x90000054  }
0xb5: {  	_ =	sfence  }
0xb6: {  	s30 =	sld [smem:$0x0];
	_ =	sdelay $0x2  }
0xb7: {  	s31 =	sshll.u32 s1, $0xD;
	s1 =	sshrl.u32 s1, $0x2  }
0xb8: {  	s3 =	sand.u32 $0x4000, s31;
	s1 =	sadd.s32 s1, s30  }
0xb9: {  	s0 =	sor.u32 s3, s0;
	s1 =	sshll.u32 s1, $0x11  }
0xba: {  	s0 =	sor.u32 s1, s0  }
0xbb: {  	s0 =	sadd.s32 $0x8F2B, s0  }
0xbc: {  	[sflag:s0] =	ssyncadd.remote.s32 $0x1  }
0xbd: {  	_ =	sfence.sel $0xFFFF  }
0xbe: {  	[dreg:$0x0] =	wrdreg $0xFFFFFFFF;
	(pc) =	sbr.abs _section_cstart, $3  }
0xbf: {  	[dreg:$0x1] =	wrdreg $0xFFFFFFFF  }
0xc0: {  	_ =	task.clear_ibuf [dreg:s6], $0x2FFFF;
	_ =	strace $0x9FFFFFFF  }
0xc1: {  	(tm) =	ssettm $0x7FFFFFFF  }
tec
execute0_lowered:
.L_overlay_start_1:
0x0: {  	(tag) =	ssettag $0x1  }
0x1: {  	s0 =	srdreg.scid;
	s1 =	stileid.u32  }
0x2: {  	s4 =	rddreg [dreg:$0x0];
	s0 =	sand.u32 $0x1, s0;
	s1 =	smul.u32 $0xC00, s1  }
0x3: {  	s16 =	simm.s32 $0x880;
	s5 =	simm.s32 $0xC80;
	s2 =	smul.u32 $0x600, s0  }
0x4: {  	s17 =	simm.s32 $0x1480;
	s18 =	simm.s32 $0x1880;
	s19 =	simm.s32 $0x2080  }
0x5: {  	s20 =	simm.s32 $0x2480;
	s1 =	sadd.s32 s2, s1;
	s2 =	simm.s32 $0x0  }
0x6: {  	s21 =	simm.s32 $0x2C80;
	s22 =	simm.s32 $0x3080;
	[smem:$0x7FF] =	sst s2  }
0x7: {  	s23 =	simm.s32 $0x3880;
	_ =	strace $0x80000053;
	[dreg:$0x3] =	wrdreg s16  }
0x8: {  	s25 =	simm.s32 $0x3C80;
	s7 =	simm.s32 $0x2;
	[dreg:$0x4] =	wrdreg s5  }
0x9: {  	s26 =	simm.s32 $0x4480;
	s8 =	simm.s32 $0x80;
	[dreg:$0x5] =	wrdreg s17  }
0xa: {  	s9 =	simm.s32 $0x4880;
	s0 =	ssub.s32 $0x2, s0;
	[dreg:$0x6] =	wrdreg s18  }
0xb: {  	s10 =	simm.s32 $0x5080;
	s6 =	sshrl.u32 s0, $0x1;
	[dreg:$0x7] =	wrdreg s19  }
0xc: {  	s11 =	simm.s32 $0x5480;
	s0 =	ssub.s32 s0, s6;
	[dreg:$0x8] =	wrdreg s20  }
0xd: {  	s12 =	simm.s32 $0x5C80;
	s0 =	smax.u32 s0, $0x1;
	[dreg:$0x9] =	wrdreg s21  }
0xe: {  	s13 =	simm.s32 $0x6080;
	s14 =	simm.s32 $0x6880;
	[dreg:$0xe] =	wrdreg s0  }
0xf: {  	s15 =	simm.s32 $0x6C80;
	s28 =	simm.s32 $0xB480;
	[dreg:$0xa] =	wrdreg s22  }
0x10: {  	s29 =	simm.s32 $0xBC80;
	s30 =	simm.s32 $0x1;
	[dreg:$0xb] =	wrdreg s23  }
0x11: {  	s31 =	simm.s32 $0x0;
	s1 =	sshrl.u32 s1, $0x3;
	[dreg:$0xc] =	wrdreg s25  }
0x12: {  	s3 =	sadd.s32 s1, s4;
	s1 =	smul.u32 $0x180, s1;
	[dreg:$0xd] =	wrdreg s26  }
0x13: {  	s16 =	simm.s32 $0x7480;
	s17 =	simm.s32 $0x7880;
	s18 =	simm.s32 $0x8080  }
0x14: {  	s19 =	simm.s32 $0x8480;
	s20 =	simm.s32 $0x8C80;
	s21 =	simm.s32 $0x9080  }
0x15: {  	s22 =	simm.s32 $0x9880;
	s23 =	simm.s32 $0x9C80;
	s25 =	simm.s32 $0xA880  }
0x16: {  	v2 =	vlaneseq.u32;
	s26 =	simm.s32 $0xB080;
	s3 =	sadd.s32 $0x14A00, s3;
	s1 =	sadd.s32 s1, s4  }
0x17: {  	vm0 =	vmmov $0xffff;
	vm1 =	vmmov $0xff;
	v1 =	vshrl.u32 v2, $0x3;
	[dreg:$0x2] =	wrdreg s3;
	s3 =	sadd.s32 $0x56400, s4;
	s24 =	sadd.s32 $0xB6400, s1  }
0x18: {  	v0 =	vand.u32 $0x7, v2;
	v2 =	vor.u32 $0x8, v2;
	v1 =	vmul.u32 $0x8, v1;
	s4 =	sadd.s32 $0x56500, s4;
	[dreg:$0xf] =	wrdreg s24;
	s24 =	simm.s32 $0xA480  }
.LBB2_1:
0x19: {  	s1 =	simm.s32 $0x0;
	s6 =	rddreg [dreg:$0xf]  }
.LBB2_2:
0x1a: {  	s5 =	rddreg [dreg:$0x2]  }
0x1b: {  	s5 =	sadd.s32 s1, s5  }
0x1c: {  	[tilespmem:s2], [sflag:$0x2] =	stream.linear.gather [hbm4b:s5+s2], $0x80, $0x38;
	[tilespmem:$0xC080] =	vst v63  }
0x1d: {  	_ =	swait.ge [sflag:s7], $0x80  }
0x1e: {  	[sflag:s7] =	ssyncset.done $0x0  }
0x1f: {  	[sflag:s7] =	ssyncadd.s32 $0xFFFFFF80  }
0x20: {  	v3 =	vld [tilespmem:$0x0];
	_ =	sdelay $0x4  }
0x21: {  	v4 =	vshrl.u32 v3, $0x3  }
0x22: {  	v4 =	vmul.u32 $0x18, v4  }
0x23: {  	v3 =	vand.u32 $0x7, v3  }
0x24: {  	v3 =	vor.u32 v3, v4  }
0x25: {  	v4 =	vperm.xlane v3, v0;
	_ =	sdelay $0x1  }
0x26: {  	v4 =	vadd.s32 v1, v4;
	_ =	sdelay $0x1  }
0x27: {  	v3 =	vperm.xlane v3, v2;
	_ =	sdelay $0x1  }
0x28: {  	v3 =	vadd.s32 v1, v3  }
0x29: {  	[tilespmem:s8], [sflag:$0x1] =	stream.indirect_vreg.gather [hbm4b:s3+s2], $0x80, v4, vm0, $0xb8;
	[tilespmem:$0xC080] =	vst v63  }
0x2a: {  	s5 =	rddreg [dreg:$0x3]  }
0x2b: {  	[tilespmem:s5], [sflag:$0x1] =	stream.indirect_vreg.gather [hbm4b:s4+s2], $0x80, v4, vm1, $0xb8;
	[tilespmem:$0xC080] =	vst v63  }
0x2c: {  	s0 =	rddreg [dreg:$0x4]  }
0x2d: {  	[tilespmem:s0], [sflag:$0x1] =	stream.indirect_vreg.gather [hbm4b:s3+s2], $0x80, v3, vm0, $0xb8;
	[tilespmem:$0xC080] =	vst v63  }
0x2e: {  	s5 =	rddreg [dreg:$0x5]  }
0x2f: {  	[tilespmem:s5], [sflag:$0x1] =	stream.indirect_vreg.gather [hbm4b:s4+s2], $0x80, v3, vm1, $0xb8;
	[tilespmem:$0xC080] =	vst v63  }
0x30: {  	v3 =	vld [tilespmem:$0x10];
	_ =	sdelay $0x4  }
0x31: {  	v57 =	vshrl.u32 v3, $0x3  }
0x32: {  	v4 =	vmul.u32 $0x18, v57  }
0x33: {  	v3 =	vand.u32 $0x7, v3  }
0x34: {  	v3 =	vor.u32 v3, v4  }
0x35: {  	v4 =	vperm.xlane v3, v0;
	_ =	sdelay $0x1  }
0x36: {  	v4 =	vadd.s32 v1, v4;
	_ =	sdelay $0x1  }
0x37: {  	v3 =	vperm.xlane v3, v2;
	_ =	sdelay $0x1  }
0x38: {  	s0 =	rddreg [dreg:$0x6];
	v3 =	vadd.s32 v1, v3  }
0x39: {  	[tilespmem:s0], [sflag:$0x1] =	stream.indirect_vreg.gather [hbm4b:s3+s2], $0x80, v4, vm0, $0xb8;
	[tilespmem:$0xC080] =	vst v63  }
0x3a: {  	s5 =	rddreg [dreg:$0x7]  }
0x3b: {  	[tilespmem:s5], [sflag:$0x1] =	stream.indirect_vreg.gather [hbm4b:s4+s2], $0x80, v4, vm1, $0xb8;
	[tilespmem:$0xC080] =	vst v63  }
0x3c: {  	s0 =	rddreg [dreg:$0x8]  }
0x3d: {  	[tilespmem:s0], [sflag:$0x1] =	stream.indirect_vreg.gather [hbm4b:s3+s2], $0x80, v3, vm0, $0xb8;
	[tilespmem:$0xC080] =	vst v63  }
0x3e: {  	s5 =	rddreg [dreg:$0x9]  }
0x3f: {  	[tilespmem:s5], [sflag:$0x1] =	stream.indirect_vreg.gather [hbm4b:s4+s2], $0x80, v3, vm1, $0xb8;
	[tilespmem:$0xC080] =	vst v63  }
0x40: {  	v3 =	vld [tilespmem:$0x20];
	_ =	sdelay $0x4  }
0x41: {  	v58 =	vshrl.u32 v3, $0x3  }
0x42: {  	v4 =	vmul.u32 $0x18, v58  }
0x43: {  	v3 =	vand.u32 $0x7, v3  }
0x44: {  	v3 =	vor.u32 v3, v4  }
0x45: {  	v4 =	vperm.xlane v3, v0;
	_ =	sdelay $0x1  }
0x46: {  	v4 =	vadd.s32 v1, v4;
	_ =	sdelay $0x1  }
0x47: {  	v3 =	vperm.xlane v3, v2;
	_ =	sdelay $0x1  }
0x48: {  	s0 =	rddreg [dreg:$0xa];
	v3 =	vadd.s32 v1, v3  }
0x49: {  	[tilespmem:s0], [sflag:$0x1] =	stream.indirect_vreg.gather [hbm4b:s3+s2], $0x80, v4, vm0, $0xb8;
	[tilespmem:$0xC080] =	vst v63  }
0x4a: {  	s5 =	rddreg [dreg:$0xb]  }
0x4b: {  	[tilespmem:s5], [sflag:$0x1] =	stream.indirect_vreg.gather [hbm4b:s4+s2], $0x80, v4, vm1, $0xb8;
	[tilespmem:$0xC080] =	vst v63  }
0x4c: {  	s0 =	rddreg [dreg:$0xc]  }
0x4d: {  	[tilespmem:s0], [sflag:$0x1] =	stream.indirect_vreg.gather [hbm4b:s3+s2], $0x80, v3, vm0, $0xb8;
	[tilespmem:$0xC080] =	vst v63  }
0x4e: {  	s5 =	rddreg [dreg:$0xd]  }
0x4f: {  	[tilespmem:s5], [sflag:$0x1] =	stream.indirect_vreg.gather [hbm4b:s4+s2], $0x80, v3, vm1, $0xb8;
	[tilespmem:$0xC080] =	vst v63  }
0x50: {  	v3 =	vld [tilespmem:$0x30];
	_ =	sdelay $0x4  }
0x51: {  	v59 =	vshrl.u32 v3, $0x3  }
0x52: {  	v4 =	vmul.u32 $0x18, v59  }
0x53: {  	v3 =	vand.u32 $0x7, v3  }
0x54: {  	v3 =	vor.u32 v3, v4  }
0x55: {  	v4 =	vperm.xlane v3, v0;
	_ =	sdelay $0x1  }
0x56: {  	v4 =	vadd.s32 v1, v4;
	_ =	sdelay $0x1  }
0x57: {  	v3 =	vperm.xlane v3, v2;
	_ =	sdelay $0x1  }
0x58: {  	v3 =	vadd.s32 v1, v3  }
0x59: {  	[tilespmem:s9], [sflag:$0x1] =	stream.indirect_vreg.gather [hbm4b:s3+s2], $0x80, v4, vm0, $0xb8;
	[tilespmem:$0xC080] =	vst v63  }
0x5a: {  	_ = 	snop  }
0x5b: {  	[tilespmem:s10], [sflag:$0x1] =	stream.indirect_vreg.gather [hbm4b:s4+s2], $0x80, v4, vm1, $0xb8;
	[tilespmem:$0xC080] =	vst v63  }
0x5c: {  	_ = 	snop  }
0x5d: {  	[tilespmem:s11], [sflag:$0x1] =	stream.indirect_vreg.gather [hbm4b:s3+s2], $0x80, v3, vm0, $0xb8;
	[tilespmem:$0xC080] =	vst v63  }
0x5e: {  	_ = 	snop  }
0x5f: {  	[tilespmem:s12], [sflag:$0x1] =	stream.indirect_vreg.gather [hbm4b:s4+s2], $0x80, v3, vm1, $0xb8;
	[tilespmem:$0xC080] =	vst v63  }
0x60: {  	v3 =	vld [tilespmem:$0x40];
	_ =	sdelay $0x4  }
0x61: {  	v60 =	vshrl.u32 v3, $0x3  }
0x62: {  	v4 =	vmul.u32 $0x18, v60  }
0x63: {  	v3 =	vand.u32 $0x7, v3  }
0x64: {  	v3 =	vor.u32 v3, v4  }
0x65: {  	v4 =	vperm.xlane v3, v0;
	_ =	sdelay $0x1  }
0x66: {  	v4 =	vadd.s32 v1, v4;
	_ =	sdelay $0x1  }
0x67: {  	v3 =	vperm.xlane v3, v2;
	_ =	sdelay $0x1  }
0x68: {  	v3 =	vadd.s32 v1, v3  }
0x69: {  	[tilespmem:s13], [sflag:$0x1] =	stream.indirect_vreg.gather [hbm4b:s3+s2], $0x80, v4, vm0, $0xb8;
	[tilespmem:$0xC080] =	vst v63  }
0x6a: {  	_ = 	snop  }
0x6b: {  	[tilespmem:s14], [sflag:$0x1] =	stream.indirect_vreg.gather [hbm4b:s4+s2], $0x80, v4, vm1, $0xb8;
	[tilespmem:$0xC080] =	vst v63  }
0x6c: {  	_ = 	snop  }
0x6d: {  	[tilespmem:s15], [sflag:$0x1] =	stream.indirect_vreg.gather [hbm4b:s3+s2], $0x80, v3, vm0, $0xb8;
	[tilespmem:$0xC080] =	vst v63  }
0x6e: {  	_ = 	snop  }
0x6f: {  	[tilespmem:s16], [sflag:$0x1] =	stream.indirect_vreg.gather [hbm4b:s4+s2], $0x80, v3, vm1, $0xb8;
	[tilespmem:$0xC080] =	vst v63  }
0x70: {  	v3 =	vld [tilespmem:$0x50];
	_ =	sdelay $0x4  }
0x71: {  	v61 =	vshrl.u32 v3, $0x3  }
0x72: {  	v4 =	vmul.u32 $0x18, v61  }
0x73: {  	v3 =	vand.u32 $0x7, v3  }
0x74: {  	v3 =	vor.u32 v3, v4  }
0x75: {  	v4 =	vperm.xlane v3, v0;
	_ =	sdelay $0x1  }
0x76: {  	v4 =	vadd.s32 v1, v4;
	_ =	sdelay $0x1  }
0x77: {  	v3 =	vperm.xlane v3, v2;
	_ =	sdelay $0x1  }
0x78: {  	v3 =	vadd.s32 v1, v3  }
0x79: {  	[tilespmem:s17], [sflag:$0x1] =	stream.indirect_vreg.gather [hbm4b:s3+s2], $0x80, v4, vm0, $0xb8;
	[tilespmem:$0xC080] =	vst v63  }
0x7a: {  	_ = 	snop  }
0x7b: {  	[tilespmem:s18], [sflag:$0x1] =	stream.indirect_vreg.gather [hbm4b:s4+s2], $0x80, v4, vm1, $0xb8;
	[tilespmem:$0xC080] =	vst v63  }
0x7c: {  	_ = 	snop  }
0x7d: {  	[tilespmem:s19], [sflag:$0x1] =	stream.indirect_vreg.gather [hbm4b:s3+s2], $0x80, v3, vm0, $0xb8;
	[tilespmem:$0xC080] =	vst v63  }
0x7e: {  	_ = 	snop  }
0x7f: {  	[tilespmem:s20], [sflag:$0x1] =	stream.indirect_vreg.gather [hbm4b:s4+s2], $0x80, v3, vm1, $0xb8;
	[tilespmem:$0xC080] =	vst v63  }
0x80: {  	v3 =	vld [tilespmem:$0x60];
	_ =	sdelay $0x4  }
0x81: {  	v62 =	vshrl.u32 v3, $0x3  }
0x82: {  	v4 =	vmul.u32 $0x18, v62  }
0x83: {  	v3 =	vand.u32 $0x7, v3  }
0x84: {  	v3 =	vor.u32 v3, v4  }
0x85: {  	v4 =	vperm.xlane v3, v0;
	_ =	sdelay $0x1  }
0x86: {  	v4 =	vadd.s32 v1, v4;
	_ =	sdelay $0x1  }
0x87: {  	v3 =	vperm.xlane v3, v2;
	_ =	sdelay $0x1  }
0x88: {  	v3 =	vadd.s32 v1, v3  }
0x89: {  	[tilespmem:s21], [sflag:$0x1] =	stream.indirect_vreg.gather [hbm4b:s3+s2], $0x80, v4, vm0, $0xb8;
	[tilespmem:$0xC080] =	vst v63  }
0x8a: {  	_ = 	snop  }
0x8b: {  	[tilespmem:s22], [sflag:$0x1] =	stream.indirect_vreg.gather [hbm4b:s4+s2], $0x80, v4, vm1, $0xb8;
	[tilespmem:$0xC080] =	vst v63  }
0x8c: {  	_ = 	snop  }
0x8d: {  	[tilespmem:s23], [sflag:$0x1] =	stream.indirect_vreg.gather [hbm4b:s3+s2], $0x80, v3, vm0, $0xb8;
	[tilespmem:$0xC080] =	vst v63  }
0x8e: {  	_ = 	snop  }
0x8f: {  	[tilespmem:s24], [sflag:$0x1] =	stream.indirect_vreg.gather [hbm4b:s4+s2], $0x80, v3, vm1, $0xb8;
	[tilespmem:$0xC080] =	vst v63  }
0x90: {  	v3 =	vld [tilespmem:$0x70];
	_ =	sdelay $0x4  }
0x91: {  	v63 =	vshrl.u32 v3, $0x3  }
0x92: {  	v4 =	vmul.u32 $0x18, v63  }
0x93: {  	v3 =	vand.u32 $0x7, v3  }
0x94: {  	v3 =	vor.u32 v3, v4  }
0x95: {  	v4 =	vperm.xlane v3, v0;
	_ =	sdelay $0x1  }
0x96: {  	v4 =	vadd.s32 v1, v4;
	_ =	sdelay $0x1  }
0x97: {  	v3 =	vperm.xlane v3, v2;
	_ =	sdelay $0x1  }
0x98: {  	v3 =	vadd.s32 v1, v3  }
0x99: {  	[tilespmem:s25], [sflag:$0x1] =	stream.indirect_vreg.gather [hbm4b:s3+s2], $0x80, v4, vm0, $0xb8;
	[tilespmem:$0xC080] =	vst v63  }
0x9a: {  	_ = 	snop  }
0x9b: {  	[tilespmem:s26], [sflag:$0x1] =	stream.indirect_vreg.gather [hbm4b:s4+s2], $0x80, v4, vm1, $0xb8;
	[tilespmem:$0xC080] =	vst v63  }
0x9c: {  	_ = 	snop  }
0x9d: {  	[tilespmem:s28], [sflag:$0x1] =	stream.indirect_vreg.gather [hbm4b:s3+s2], $0x80, v3, vm0, $0xb8;
	[tilespmem:$0xC080] =	vst v63  }
0x9e: {  	_ = 	snop  }
0x9f: {  	[tilespmem:s29], [sflag:$0x1] =	stream.indirect_vreg.gather [hbm4b:s4+s2], $0x80, v3, vm1, $0xb8;
	[tilespmem:$0xC080] =	vst v63  }
0xa0: {  	_ =	swait.ge [sflag:s30], $0xC000  }
0xa1: {  	p0 =	sne.s32 s1, $0xB0;
	[sflag:s30] =	ssyncset.done $0x0  }
.Ltmp0:
0xa2: {  	[sflag:s30] =	ssyncadd.s32 $0xFFFF4000;
	(pc) =	sbr.rel @p0 .LBB2_2-.Ltmp0, $4  }
0xa3: {  	[hbm4b:s6+s2] =	stream.linear.scatter [tilespmem:s8], [sflag:$0x2], $0xC000, $0x38;
	[tilespmem:$0xC080] =	vst v63  }
0xa4: {  	_ =	swait.ge [sflag:s7], $0xC000  }
0xa5: {  	[sflag:s7] =	ssyncset.done $0x0  }
0xa6: {  	s1 =	sadd.s32 $0x10, s1;
	s6 =	sadd.s32 $0x1800, s6;
	[sflag:s7] =	ssyncadd.s32 $0xFFFF4000  }
0xa7: {  	s31 =	sadd.s32 $0x1, s31;
	s0 =	rddreg [dreg:$0xe]  }
0xa8: {  	p0 =	sne.s32 s31, s0  }
.Ltmp1:
0xa9: {  	_ = 	snop;
	(pc) =	sbr.rel @p0 .LBB2_1-.Ltmp1, $1  }
0xaa: {  	_ =	sdelay $0x3  }
0xab: {  	_ =	sfence.sel $0x180000  }
0xac: {  	[bflag:$0x0] =	sbarrier.arrive $0xFFFF  }
0xad: {  	_ =	strace $0x90000053  }
0xae: {  	s0 =	stileid.u32;
	[bflag:$0x2] =	sbarrier.arrive $0xFFFF  }
0xaf: {  	p0 =	sne.s32 s0, $0x0;
	s0 =	rddreg [dreg:$0x1]  }
0xb0: {  	s0 =	sadd.s32 @!p0 $0x100000, s0  }
0xb1: {  	[sflag:s0] =	ssyncadd.tile.s32 @!p0 $0x1;
	_ =	shalt  }
.Lfunc_end2:
_tile_overlayer_lowered:
.L_overlay_start_2:
0xb2: {  	(tag) =	ssettag $0x2  }
0xb3: {  	s0 =	rddreg [dreg:$0x0];
	s2 =	stileid.u32  }
0xb4: {  	s1 =	rddreg [dreg:$0x1];
	p0 =	sne.s32 s2, $0x0  }
0xb5: {  	s3 =	rddreg [dreg:$0x2];
	[bflag:$0x3] =	sbarrier.arrive $0xFFFF;
	s2 =	simm.s32 @!p0 $0x1C02  }
0xb6: {  	[timem:s3], [sflag:s2] =	dma.local @!p0 [hbm:s0], s1  }
0xb7: {  	s0 =	simm.s32 @!p0 $0x2  }
0xb8: {  	_ =	swait.ge @!p0 [sflag:s0], s1  }
0xb9: {  	s1 =	ssub.s32 @!p0 $0x0, s1;
	[sflag:s0] =	ssyncset.done @!p0 $0x0  }
0xba: {  	[sflag:s0] =	ssyncadd.s32 @!p0 s1  }
0xbb: {  	[bflag:$0x3] =	sbarrier.arrive $0xFFFF  }
0xbc: {  	_ =	shalt  }

// kernel: kernel.51.cloned.1.call-start
scs
__scs_entry_jumppad:
0x0: {  	(pc) =	sbr.rel $0x88, $3  }
0x1: {  	(tag) =	ssettag $0x0;
	lr =	simm.s32 $0x1  }
0x2: {  	[smem:$0x3F50] =	sst lr;
	_ =	strace $0xD0000000  }
0x3: {  	_ = 	snop  }
0x4: {  	_ = 	snop  }
0x5: {  	_ = 	snop  }
0x6: {  	_ = 	snop  }
0x7: {  	_ = 	snop  }
__scs_overlays_trampoline_lowered:
0x8: {  	[smem:$0x3F5F] =	sst s0  }
0x9: {  	[smem:$0x3F60] =	sst s1  }
0xa: {  	[smem:$0x3F61] =	sst s2  }
0xb: {  	[smem:$0x3F62] =	sst s3  }
0xc: {  	[smem:$0x3F63] =	sst s4  }
0xd: {  	[smem:$0x3F64] =	sst s5  }
0xe: {  	[smem:$0x3F65] =	sst s6  }
0xf: {  	[smem:$0x3F66] =	sst s7  }
0x10: {  	[smem:$0x3F67] =	sst s8  }
0x11: {  	[smem:$0x3F68] =	sst s9;
	s0 =	simm.s32 @!p0 $0x0  }
0x12: {  	s1 =	sld [smem:$0x3F4E];
	s0 =	simm.s32 @p0 $0x1  }
0x13: {  	[smem:$0x3F69] =	sst s0;
	s0 =	simm.s32 @!p1 $0x0  }
0x14: {  	s2 =	sld [smem:$0x3F4D];
	s0 =	simm.s32 @p1 $0x1  }
0x15: {  	[smem:$0x3F6A] =	sst s0;
	s0 =	simm.s32 @!p2 $0x0  }
0x16: {  	s3 =	sld [smem:$0x3FDB];
	s0 =	simm.s32 @p2 $0x1  }
0x17: {  	s4 =	simm.s32 $0x1BF5;
	[smem:$0x3F6C] =	sst s0  }
0x18: {  	s0 =	sld [smem:$0x3F4F];
	_ =	swait.ge [sflag:s4], $0x0  }
0x19: {  	s7 =	sld [smem:$0x3F50]  }
0x1a: {  	s8 =	sadd.s32 $0xFFFFE003, lr  }
0x1b: {  	s9 =	sadd.s32 $0xFFFFFEF7, lr;
	s5 =	simm.s32 $0xFFFFFFFF;
	p2 =	slt.u32 s8, $0xFFFFF086  }
0x1c: {  	p1 =	slt.u32 s9, $0xF7A;
	s5 =	simm.s32 @!p2 $0x0  }
0x1d: {  	s5 =	simm.s32 @p1 $0x1;
	p0 =	seq.s32 s7, s2  }
0x1e: {  	s7 =	smul.u32 @!p0 $0xF7A, s2;
	p2 =	seq.s32 @!p0 s5, $0x0  }
0x1f: {  	s9 =	smul.u32 $0xF7A, s1;
	s8 =	simm.s32 @!p0 $0x1BF5;
	p2 =	por !p2, p0  }
0x20: {  	[sflag:s8] =	ssyncset.s32 @!p0 $0xFFFFF086;
	s6 =	sadd.s32 @!p0 s3, s7;
	s7 =	simm.s32 @!p0 $0x108  }
0x21: {  	s3 =	sadd.s32 s3, s9;
	s6 =	sadd.s32 @!p0 $0x88, s6;
	s7 =	simm.s32 @p2 $0x1082  }
0x22: {  	[simem:s7], [sflag:s8] =	dma.local @!p0 [hbm:s6], $0xF7A  }
0x23: {  	s9 =	sor.u32 $0xD0000000, s2;
	s6 =	simm.s32 $0x108;
	_ =	swait.ge @!p0 [sflag:s8], $0x0  }
0x24: {  	s3 =	sadd.s32 $0x88, s3;
	s6 =	simm.s32 @!p1 $0x1082;
	[sflag:s4] =	ssyncset.s32 $0xFFFFF086  }
0x25: {  	[simem:s6], [sflag:s4] =	dma.local [hbm:s3], $0xF7A  }
0x26: {  	[smem:$0x3F50] =	sst s1;
	(tag) =	ssettag s2;
	_ =	strace s9  }
0x27: {  	s1 =	sld [smem:$0x3F60]  }
0x28: {  	s2 =	sld [smem:$0x3F61]  }
0x29: {  	s4 =	sld [smem:$0x3F63]  }
0x2a: {  	p0 =	seq.s32 s5, $0x0;
	s5 =	sld [smem:$0x3F64]  }
0x2b: {  	s6 =	sld [smem:$0x3F65]  }
0x2c: {  	s7 =	sld [smem:$0x3F66]  }
0x2d: {  	s3 =	simm.s32 $0x108;
	s8 =	sld [smem:$0x3F67]  }
0x2e: {  	s3 =	simm.s32 @!p0 $0x1082;
	s9 =	sld [smem:$0x3F68]  }
0x2f: {  	lr =	sadd.s32 s0, s3;
	s0 =	sld [smem:$0x3F5F]  }
0x30: {  	s3 =	sld [smem:$0x3F62]  }
0x31: {  	[smem:$0x3F6B] =	sst s10  }
0x32: {  	s10 =	sld [smem:$0x3F69];
	_ =	sdelay $0x3  }
0x33: {  	p0 =	seq.s32 s10, $0x1;
	s10 =	sld [smem:$0x3F6B];
	_ =	sdelay $0x3  }
0x34: {  	[smem:$0x3F6B] =	sst s10  }
0x35: {  	s10 =	sld [smem:$0x3F6A];
	_ =	sdelay $0x3  }
0x36: {  	p1 =	seq.s32 s10, $0x1;
	s10 =	sld [smem:$0x3F6B];
	_ =	sdelay $0x3  }
0x37: {  	[smem:$0x3F6B] =	sst s10  }
0x38: {  	s10 =	sld [smem:$0x3F6C]  }
0x39: {  	_ = 	snop;
	(pc) =	sbr.ind lr, $3  }
0x3a: {  	_ = 	snop  }
0x3b: {  	_ = 	snop  }
0x3c: {  	p2 =	seq.s32 s10, $0x1;
	s10 =	sld [smem:$0x3F6B]  }
0x3d: {  	_ =	shalt  }
0x3e: {  	_ =	shalt  }
0x3f: {  	_ =	shalt  }
0x40: {  	_ =	shalt  }
0x41: {  	_ =	shalt  }
0x42: {  	_ =	shalt  }
0x43: {  	_ =	shalt  }
0x44: {  	_ =	shalt  }
0x45: {  	_ =	shalt  }
0x46: {  	_ =	shalt  }
0x47: {  	_ =	shalt  }
0x48: {  	_ =	shalt  }
0x49: {  	_ =	shalt  }
0x4a: {  	_ =	shalt  }
0x4b: {  	_ =	shalt  }
0x4c: {  	_ =	shalt  }
0x4d: {  	_ =	shalt  }
0x4e: {  	_ =	shalt  }
0x4f: {  	_ =	shalt  }
0x50: {  	_ =	shalt  }
0x51: {  	_ =	shalt  }
0x52: {  	_ =	shalt  }
0x53: {  	_ =	shalt  }
0x54: {  	_ =	shalt  }
0x55: {  	_ =	shalt  }
0x56: {  	_ =	shalt  }
0x57: {  	_ =	shalt  }
0x58: {  	_ =	shalt  }
0x59: {  	_ =	shalt  }
0x5a: {  	_ =	shalt  }
0x5b: {  	_ =	shalt  }
0x5c: {  	_ =	shalt  }
0x5d: {  	_ =	shalt  }
0x5e: {  	_ =	shalt  }
0x5f: {  	_ =	shalt  }
0x60: {  	_ =	shalt  }
0x61: {  	_ =	shalt  }
0x62: {  	_ =	shalt  }
0x63: {  	_ =	shalt  }
0x64: {  	_ =	shalt  }
0x65: {  	_ =	shalt  }
0x66: {  	_ =	shalt  }
0x67: {  	_ =	shalt  }
0x68: {  	_ =	shalt  }
0x69: {  	_ =	shalt  }
0x6a: {  	_ =	shalt  }
0x6b: {  	_ =	shalt  }
0x6c: {  	_ =	shalt  }
0x6d: {  	_ =	shalt  }
0x6e: {  	_ =	shalt  }
0x6f: {  	_ =	shalt  }
0x70: {  	_ =	shalt  }
0x71: {  	_ =	shalt  }
0x72: {  	_ =	shalt  }
0x73: {  	_ =	shalt  }
0x74: {  	_ =	shalt  }
0x75: {  	_ =	shalt  }
0x76: {  	_ =	shalt  }
0x77: {  	_ =	shalt  }
0x78: {  	_ =	shalt  }
0x79: {  	_ =	shalt  }
0x7a: {  	_ =	shalt  }
0x7b: {  	_ =	shalt  }
0x7c: {  	_ =	shalt  }
0x7d: {  	_ =	shalt  }
0x7e: {  	_ =	shalt  }
0x7f: {  	_ =	shalt  }
0x80: {  	_ =	shalt  }
0x81: {  	_ =	shalt  }
0x82: {  	_ =	shalt  }
0x83: {  	_ =	shalt  }
0x84: {  	_ =	shalt  }
0x85: {  	_ =	shalt  }
0x86: {  	_ =	shalt  }
0x87: {  	_ =	shalt  }
.Lfunc_end0:
.L_simem_size_0:
called_computation.5_lowered:
.L_overlay_start_0:
0x88: {  	s2 =	sld [smem:$0x3FD9]  }
0x89: {  	s3 =	sld [smem:$0x3FFE];
	_ =	sdelay $0x1  }
0x8a: {  	s1 =	srdreg.scid  }
0x8b: {  	s0 =	sand.u32 $0x1, s1  }
0x8c: {  	s16 =	sshll.u32 s0, $0xA;
	s2 =	sadd.s32 s3, s2  }
0x8d: {  	s2 =	sadd.s32 s2, s16  }
0x8e: {  	[smem:$0x3F77] =	sst s2  }
0x8f: {  	_ = 	snop  }
0x90: {  	(tm) =	ssettm $0x1  }
0x91: {  	s17 =	sld [smem:$0x3FFB];
	_ =	sdelay $0x3  }
0x92: {  	_ =	strace s17  }
0x93: {  	s2 =	sld [smem:$0x3FFC];
	_ =	sdelay $0x3  }
0x94: {  	_ =	strace s2  }
0x95: {  	s2 =	sld [smem:$0x3FFD];
	_ =	sdelay $0x3  }
0x96: {  	_ =	strace s2  }
0x97: {  	_ =	strace $0x8FFFFFFF  }
0x98: {  	s18 =	sld [smem:$0x3FDB];
	_ =	sdelay $0x1  }
0x99: {  	s19 =	simm.s32 $_scs_section_size  }
0x9a: {  	s4 =	simm.s32 $_size__tile_overlayer_lowered;
	s5 =	simm.s32 $_tile_overlayer_lowered  }
0x9b: {  	s22 =	simm.s32 $0x1BFF;
	s21 =	sshll.u32 s5, $0x1;
	s2 =	sadd.s32 s19, s18  }
0x9c: {  	s6 =	simm.s32 $0x0;
	s20 =	sshll.u32 s4, $0x1;
	s4 =	sadd.s32 s21, s2  }
0x9d: {  	[timem:s6], [sflag:s22] =	dma.local [hbm:s4], s20  }
0x9e: {  	_ =	swait.ge [sflag:s22], s20  }
0x9f: {  	s3 =	ssub.s32 $0x0, s20;
	[sflag:s22] =	ssyncset.done $0x0  }
0xa0: {  	[sflag:s22] =	ssyncadd.s32 s3;
	_ =	sdelay $0x1  }
0xa1: {  	s23 =	simm.s32 $0x1B8B  }
0xa2: {  	_ =	swait.ge [sflag:s23], $0x1  }
0xa3: {  	[sflag:s23] =	ssyncset.done $0x0  }
0xa4: {  	s25 =	simm.s32 $0x1B8E;
	s24 =	sld [smem:$0x3FFE];
	[sflag:s23] =	ssyncadd.s32 $0xFFFFFFFF  }
0xa5: {  	s26 =	simm.s32 $execute0_lowered;
	[smem:$0x3FD2] =	sst s25  }
0xa6: {  	s4 =	sshll.u32 s26, $0x1;
	_ =	strace $0x80000055;
	[dreg:$0x1] =	wrdreg $0xFFFFFFFF  }
0xa7: {  	s28 =	simm.s32 $_size_execute0_lowered;
	s2 =	sadd.s32 s2, s4;
	[dreg:$0x0] =	wrdreg $0x0  }
0xa8: {  	s4 =	sshll.u32 s28, $0x1;
	[dreg:$0x2] =	wrdreg s2  }
0xa9: {  	[dreg:$0x3] =	wrdreg s4  }
0xaa: {  	[dreg:$0x4] =	wrdreg $0xC0  }
0xab: {  	_ =	task [dreg:s6], $0x5FFFF  }
0xac: {  	[dreg:$0x1] =	wrdreg $0xFFFFFFFF  }
0xad: {  	[dreg:$0x0] =	wrdreg $0x60  }
0xae: {  	[dreg:$0x2] =	wrdreg s24  }
0xaf: {  	[dreg:$0x3] =	wrdreg $0x9  }
0xb0: {  	_ =	task.clear_ibuf [dreg:s6], $0x4FFFF;
	_ =	strace $0x90000055  }
0xb1: {  	s29 =	simm.s32 $0x9;
	_ =	strace $0x80000057  }
0xb2: {  	_ =	swait.ge [sflag:s29], $0x1  }
0xb3: {  	[sflag:s29] =	ssyncadd.s32 $0xFFFFFFFF  }
0xb4: {  	_ =	strace $0x90000057  }
0xb5: {  	_ =	sfence  }
0xb6: {  	s30 =	sld [smem:$0x0];
	_ =	sdelay $0x2  }
0xb7: {  	s31 =	sshll.u32 s1, $0xD;
	s1 =	sshrl.u32 s1, $0x2  }
0xb8: {  	s3 =	sand.u32 $0x4000, s31;
	s1 =	sadd.s32 s1, s30  }
0xb9: {  	s0 =	sor.u32 s3, s0;
	s1 =	sshll.u32 s1, $0x11  }
0xba: {  	s0 =	sor.u32 s1, s0  }
0xbb: {  	s0 =	sadd.s32 $0x8F2B, s0  }
0xbc: {  	[sflag:s0] =	ssyncadd.remote.s32 $0x1  }
0xbd: {  	_ =	sfence.sel $0xFFFF  }
0xbe: {  	[dreg:$0x0] =	wrdreg $0xFFFFFFFF;
	(pc) =	sbr.abs _section_cstart, $3  }
0xbf: {  	[dreg:$0x1] =	wrdreg $0xFFFFFFFF  }
0xc0: {  	_ =	task.clear_ibuf [dreg:s6], $0x2FFFF;
	_ =	strace $0x9FFFFFFF  }
0xc1: {  	(tm) =	ssettm $0x7FFFFFFF  }
tec
execute0_lowered:
.L_overlay_start_1:
0x0: {  	(tag) =	ssettag $0x1  }
0x1: {  	s1 =	srdreg.scid  }
0x2: {  	s0 =	stileid.u32;
	s1 =	sand.u32 $0x1, s1  }
0x3: {  	s2 =	sshll.u32 s0, $0x5;
	s3 =	sshll.u32 s1, $0x4  }
0x4: {  	s5 =	rddreg [dreg:$0x0];
	s3 =	sor.u32 s3, s2;
	s2 =	simm.s32 $0x0  }
0x5: {  	s26 =	simm.s32 $0x880;
	[smem:$0x7FF] =	sst s2  }
0x6: {  	s0 =	simm.s32 $0x1080;
	_ =	strace $0x80000056;
	[dreg:$0x4] =	wrdreg s26  }
0x7: {  	s6 =	simm.s32 $0x1C80;
	[dreg:$0x5] =	wrdreg s0  }
0x8: {  	s7 =	simm.s32 $0x2480;
	[dreg:$0x7] =	wrdreg s6  }
0x9: {  	s8 =	simm.s32 $0x2880;
	[dreg:$0x8] =	wrdreg s7  }
0xa: {  	s9 =	simm.s32 $0x3080;
	[dreg:$0x9] =	wrdreg s8  }
0xb: {  	s10 =	simm.s32 $0x3880;
	[dreg:$0xa] =	wrdreg s9  }
0xc: {  	s11 =	simm.s32 $0x3C80;
	[dreg:$0xb] =	wrdreg s10  }
0xd: {  	s12 =	simm.s32 $0x4480;
	[dreg:$0xc] =	wrdreg s11  }
0xe: {  	s13 =	simm.s32 $0x4C80;
	[dreg:$0xd] =	wrdreg s12  }
0xf: {  	s14 =	simm.s32 $0x5080;
	[dreg:$0xe] =	wrdreg s13  }
0x10: {  	s15 =	simm.s32 $0x5880;
	[dreg:$0xf] =	wrdreg s14  }
0x11: {  	s16 =	simm.s32 $0x6080;
	[dreg:$0x10] =	wrdreg s15  }
0x12: {  	s17 =	simm.s32 $0x6480;
	s18 =	simm.s32 $0x6C80;
	[dreg:$0x11] =	wrdreg s16  }
0x13: {  	s19 =	simm.s32 $0x7480;
	s20 =	simm.s32 $0x7880;
	[dreg:$0x12] =	wrdreg s17  }
0x14: {  	s21 =	simm.s32 $0x8080;
	s22 =	simm.s32 $0x8880;
	[dreg:$0x13] =	wrdreg s18  }
0x15: {  	s23 =	simm.s32 $0x8C80;
	s24 =	simm.s32 $0x9C80;
	[dreg:$0x14] =	wrdreg s19  }
0x16: {  	s28 =	simm.s32 $0x12880;
	s29 =	simm.s32 $0x12C80;
	[dreg:$0x15] =	wrdreg s20  }
0x17: {  	s30 =	simm.s32 $0x13480;
	s31 =	simm.s32 $0x13C80;
	[dreg:$0x16] =	wrdreg s21  }
0x18: {  	s4 =	smul.u32 $0x280, s3;
	s3 =	sadd.s32 s3, s5;
	[dreg:$0x17] =	wrdreg s22  }
0x19: {  	s1 =	ssub.s32 $0x2, s1;
	s3 =	sadd.s32 $0x16600, s3;
	[dreg:$0x18] =	wrdreg s23  }
0x1a: {  	s6 =	sshrl.u32 s1, $0x1;
	s7 =	simm.s32 $0x9480;
	[dreg:$0x1a] =	wrdreg s24  }
0x1b: {  	s8 =	simm.s32 $0x80;
	s26 =	simm.s32 $0xA880;
	s10 =	simm.s32 $0xB480  }
0x1c: {  	s11 =	simm.s32 $0xBC80;
	s12 =	simm.s32 $0xC480;
	s13 =	simm.s32 $0xC880  }
0x1d: {  	s14 =	simm.s32 $0xD080;
	s15 =	simm.s32 $0xD880;
	s16 =	simm.s32 $0xDC80  }
0x1e: {  	s17 =	simm.s32 $0xE480;
	s18 =	simm.s32 $0xEC80;
	s19 =	simm.s32 $0xF080  }
0x1f: {  	s20 =	simm.s32 $0xF880;
	s21 =	simm.s32 $0x10080;
	s22 =	simm.s32 $0x10480  }
0x20: {  	s23 =	simm.s32 $0x10C80;
	s24 =	simm.s32 $0x11480;
	[dreg:$0x2] =	wrdreg s3  }
0x21: {  	s4 =	sadd.s32 s4, s5;
	s3 =	sadd.s32 $0x16800, s5;
	[dreg:$0x19] =	wrdreg s7  }
0x22: {  	s1 =	ssub.s32 s1, s6;
	s7 =	simm.s32 $0x2;
	[dreg:$0x1c] =	wrdreg s26  }
0x23: {  	s26 =	simm.s32 $0x12080;
	s25 =	sadd.s32 $0x3E800, s4;
	s4 =	simm.s32 $0x1480  }
0x24: {  	v2 =	vlaneseq.u32;
	s6 =	smax.u32 s1, $0x1;
	s1 =	simm.s32 $0x1;
	[dreg:$0x3] =	wrdreg s25  }
0x25: {  	vm0 =	vmmov $0xffff;
	vm1 =	vmmov $0xff;
	v1 =	vshrl.u32 v2, $0x3;
	[dreg:$0x6] =	wrdreg s4;
	s4 =	sadd.s32 $0x16900, s5;
	s25 =	simm.s32 $0xA080  }
0x26: {  	v0 =	vand.u32 $0x7, v2;
	v2 =	vor.u32 $0x8, v2;
	v1 =	vmul.u32 $0x8, v1;
	s5 =	sadd.s32 $0x16A00, s5;
	[dreg:$0x1b] =	wrdreg s25;
	s25 =	simm.s32 $0x11880  }
.LBB2_1:
0x27: {  	s0 =	rddreg [dreg:$0x2]  }
0x28: {  	[tilespmem:s2], [sflag:$0x2] =	stream.linear.gather [hbm4b:s0+s2], $0x80, $0x38;
	[tilespmem:$0x14080] =	vst v63  }
0x29: {  	_ =	swait.ge [sflag:s7], $0x80  }
0x2a: {  	[sflag:s7] =	ssyncset.done $0x0  }
0x2b: {  	[sflag:s7] =	ssyncadd.s32 $0xFFFFFF80  }
0x2c: {  	v3 =	vld [tilespmem:$0x0];
	_ =	sdelay $0x4  }
0x2d: {  	v4 =	vshrl.u32 v3, $0x3  }
0x2e: {  	v4 =	vmul.u32 $0x28, v4  }
0x2f: {  	v3 =	vand.u32 $0x7, v3  }
0x30: {  	v3 =	vor.u32 v3, v4  }
0x31: {  	v4 =	vperm.xlane v3, v0;
	_ =	sdelay $0x1  }
0x32: {  	v4 =	vadd.s32 v1, v4;
	_ =	sdelay $0x3  }
0x33: {  	v3 =	vperm.xlane v3, v2  }
0x34: {  	[tilespmem:s8], [sflag:$0x1] =	stream.indirect_vreg.gather [hbm4b:s3+s2], $0x80, v4, vm0, $0xb8;
	[tilespmem:$0x14080] =	vst v63  }
0x35: {  	s0 =	rddreg [dreg:$0x4];
	v3 =	vadd.s32 v1, v3  }
0x36: {  	[tilespmem:s0], [sflag:$0x1] =	stream.indirect_vreg.gather [hbm4b:s4+s2], $0x80, v4, vm0, $0xb8;
	[tilespmem:$0x14080] =	vst v63  }
0x37: {  	s9 =	rddreg [dreg:$0x5]  }
0x38: {  	[tilespmem:s9], [sflag:$0x1] =	stream.indirect_vreg.gather [hbm4b:s5+s2], $0x80, v4, vm1, $0xb8;
	[tilespmem:$0x14080] =	vst v63  }
0x39: {  	s0 =	rddreg [dreg:$0x6]  }
0x3a: {  	[tilespmem:s0], [sflag:$0x1] =	stream.indirect_vreg.gather [hbm4b:s3+s2], $0x80, v3, vm0, $0xb8;
	[tilespmem:$0x14080] =	vst v63  }
0x3b: {  	s9 =	rddreg [dreg:$0x7]  }
0x3c: {  	[tilespmem:s9], [sflag:$0x1] =	stream.indirect_vreg.gather [hbm4b:s4+s2], $0x80, v3, vm0, $0xb8;
	[tilespmem:$0x14080] =	vst v63  }
0x3d: {  	s0 =	rddreg [dreg:$0x8]  }
0x3e: {  	[tilespmem:s0], [sflag:$0x1] =	stream.indirect_vreg.gather [hbm4b:s5+s2], $0x80, v3, vm1, $0xb8;
	[tilespmem:$0x14080] =	vst v63  }
0x3f: {  	v3 =	vld [tilespmem:$0x10];
	_ =	sdelay $0x4  }
0x40: {  	v57 =	vshrl.u32 v3, $0x3  }
0x41: {  	v4 =	vmul.u32 $0x28, v57  }
0x42: {  	v3 =	vand.u32 $0x7, v3  }
0x43: {  	v3 =	vor.u32 v3, v4  }
0x44: {  	v4 =	vperm.xlane v3, v0;
	_ =	sdelay $0x1  }
0x45: {  	v4 =	vadd.s32 v1, v4;
	_ =	sdelay $0x3  }
0x46: {  	s0 =	rddreg [dreg:$0x9];
	v3 =	vperm.xlane v3, v2  }
0x47: {  	[tilespmem:s0], [sflag:$0x1] =	stream.indirect_vreg.gather [hbm4b:s3+s2], $0x80, v4, vm0, $0xb8;
	[tilespmem:$0x14080] =	vst v63  }
0x48: {  	s9 =	rddreg [dreg:$0xa];
	v3 =	vadd.s32 v1, v3  }
0x49: {  	[tilespmem:s9], [sflag:$0x1] =	stream.indirect_vreg.gather [hbm4b:s4+s2], $0x80, v4, vm0, $0xb8;
	[tilespmem:$0x14080] =	vst v63  }
0x4a: {  	s0 =	rddreg [dreg:$0xb]  }
0x4b: {  	[tilespmem:s0], [sflag:$0x1] =	stream.indirect_vreg.gather [hbm4b:s5+s2], $0x80, v4, vm1, $0xb8;
	[tilespmem:$0x14080] =	vst v63  }
0x4c: {  	s9 =	rddreg [dreg:$0xc]  }
0x4d: {  	[tilespmem:s9], [sflag:$0x1] =	stream.indirect_vreg.gather [hbm4b:s3+s2], $0x80, v3, vm0, $0xb8;
	[tilespmem:$0x14080] =	vst v63  }
0x4e: {  	s0 =	rddreg [dreg:$0xd]  }
0x4f: {  	[tilespmem:s0], [sflag:$0x1] =	stream.indirect_vreg.gather [hbm4b:s4+s2], $0x80, v3, vm0, $0xb8;
	[tilespmem:$0x14080] =	vst v63  }
0x50: {  	s9 =	rddreg [dreg:$0xe]  }
0x51: {  	[tilespmem:s9], [sflag:$0x1] =	stream.indirect_vreg.gather [hbm4b:s5+s2], $0x80, v3, vm1, $0xb8;
	[tilespmem:$0x14080] =	vst v63  }
0x52: {  	v3 =	vld [tilespmem:$0x20];
	_ =	sdelay $0x4  }
0x53: {  	v58 =	vshrl.u32 v3, $0x3  }
0x54: {  	v4 =	vmul.u32 $0x28, v58  }
0x55: {  	v3 =	vand.u32 $0x7, v3  }
0x56: {  	v3 =	vor.u32 v3, v4  }
0x57: {  	v4 =	vperm.xlane v3, v0;
	_ =	sdelay $0x1  }
0x58: {  	v4 =	vadd.s32 v1, v4;
	_ =	sdelay $0x3  }
0x59: {  	s0 =	rddreg [dreg:$0xf];
	v3 =	vperm.xlane v3, v2  }
0x5a: {  	[tilespmem:s0], [sflag:$0x1] =	stream.indirect_vreg.gather [hbm4b:s3+s2], $0x80, v4, vm0, $0xb8;
	[tilespmem:$0x14080] =	vst v63  }
0x5b: {  	s9 =	rddreg [dreg:$0x10];
	v3 =	vadd.s32 v1, v3  }
0x5c: {  	[tilespmem:s9], [sflag:$0x1] =	stream.indirect_vreg.gather [hbm4b:s4+s2], $0x80, v4, vm0, $0xb8;
	[tilespmem:$0x14080] =	vst v63  }
0x5d: {  	s0 =	rddreg [dreg:$0x11]  }
0x5e: {  	[tilespmem:s0], [sflag:$0x1] =	stream.indirect_vreg.gather [hbm4b:s5+s2], $0x80, v4, vm1, $0xb8;
	[tilespmem:$0x14080] =	vst v63  }
0x5f: {  	s9 =	rddreg [dreg:$0x12]  }
0x60: {  	[tilespmem:s9], [sflag:$0x1] =	stream.indirect_vreg.gather [hbm4b:s3+s2], $0x80, v3, vm0, $0xb8;
	[tilespmem:$0x14080] =	vst v63  }
0x61: {  	s0 =	rddreg [dreg:$0x13]  }
0x62: {  	[tilespmem:s0], [sflag:$0x1] =	stream.indirect_vreg.gather [hbm4b:s4+s2], $0x80, v3, vm0, $0xb8;
	[tilespmem:$0x14080] =	vst v63  }
0x63: {  	s9 =	rddreg [dreg:$0x14]  }
0x64: {  	[tilespmem:s9], [sflag:$0x1] =	stream.indirect_vreg.gather [hbm4b:s5+s2], $0x80, v3, vm1, $0xb8;
	[tilespmem:$0x14080] =	vst v63  }
0x65: {  	v3 =	vld [tilespmem:$0x30];
	_ =	sdelay $0x4  }
0x66: {  	v59 =	vshrl.u32 v3, $0x3  }
0x67: {  	v4 =	vmul.u32 $0x28, v59  }
0x68: {  	v3 =	vand.u32 $0x7, v3  }
0x69: {  	v3 =	vor.u32 v3, v4  }
0x6a: {  	v4 =	vperm.xlane v3, v0;
	_ =	sdelay $0x1  }
0x6b: {  	v4 =	vadd.s32 v1, v4;
	_ =	sdelay $0x3  }
0x6c: {  	s0 =	rddreg [dreg:$0x15];
	v3 =	vperm.xlane v3, v2  }
0x6d: {  	[tilespmem:s0], [sflag:$0x1] =	stream.indirect_vreg.gather [hbm4b:s3+s2], $0x80, v4, vm0, $0xb8;
	[tilespmem:$0x14080] =	vst v63  }
0x6e: {  	s9 =	rddreg [dreg:$0x16];
	v3 =	vadd.s32 v1, v3  }
0x6f: {  	[tilespmem:s9], [sflag:$0x1] =	stream.indirect_vreg.gather [hbm4b:s4+s2], $0x80, v4, vm0, $0xb8;
	[tilespmem:$0x14080] =	vst v63  }
0x70: {  	s0 =	rddreg [dreg:$0x17]  }
0x71: {  	[tilespmem:s0], [sflag:$0x1] =	stream.indirect_vreg.gather [hbm4b:s5+s2], $0x80, v4, vm1, $0xb8;
	[tilespmem:$0x14080] =	vst v63  }
0x72: {  	s9 =	rddreg [dreg:$0x18]  }
0x73: {  	[tilespmem:s9], [sflag:$0x1] =	stream.indirect_vreg.gather [hbm4b:s3+s2], $0x80, v3, vm0, $0xb8;
	[tilespmem:$0x14080] =	vst v63  }
0x74: {  	s0 =	rddreg [dreg:$0x19]  }
0x75: {  	[tilespmem:s0], [sflag:$0x1] =	stream.indirect_vreg.gather [hbm4b:s4+s2], $0x80, v3, vm0, $0xb8;
	[tilespmem:$0x14080] =	vst v63  }
0x76: {  	s9 =	rddreg [dreg:$0x1a]  }
0x77: {  	[tilespmem:s9], [sflag:$0x1] =	stream.indirect_vreg.gather [hbm4b:s5+s2], $0x80, v3, vm1, $0xb8;
	[tilespmem:$0x14080] =	vst v63  }
0x78: {  	v3 =	vld [tilespmem:$0x40];
	_ =	sdelay $0x4  }
0x79: {  	v60 =	vshrl.u32 v3, $0x3  }
0x7a: {  	v4 =	vmul.u32 $0x28, v60  }
0x7b: {  	v3 =	vand.u32 $0x7, v3  }
0x7c: {  	v3 =	vor.u32 v3, v4  }
0x7d: {  	v4 =	vperm.xlane v3, v0;
	_ =	sdelay $0x1  }
0x7e: {  	v4 =	vadd.s32 v1, v4;
	_ =	sdelay $0x3  }
0x7f: {  	s0 =	rddreg [dreg:$0x1b];
	v3 =	vperm.xlane v3, v2  }
0x80: {  	[tilespmem:s0], [sflag:$0x1] =	stream.indirect_vreg.gather [hbm4b:s3+s2], $0x80, v4, vm0, $0xb8;
	[tilespmem:$0x14080] =	vst v63  }
0x81: {  	s9 =	rddreg [dreg:$0x1c];
	v3 =	vadd.s32 v1, v3  }
0x82: {  	[tilespmem:s9], [sflag:$0x1] =	stream.indirect_vreg.gather [hbm4b:s4+s2], $0x80, v4, vm0, $0xb8;
	[tilespmem:$0x14080] =	vst v63  }
0x83: {  	s9 =	simm.s32 $0xB080  }
0x84: {  	[tilespmem:s9], [sflag:$0x1] =	stream.indirect_vreg.gather [hbm4b:s5+s2], $0x80, v4, vm1, $0xb8;
	[tilespmem:$0x14080] =	vst v63  }
0x85: {  	_ = 	snop  }
0x86: {  	[tilespmem:s10], [sflag:$0x1] =	stream.indirect_vreg.gather [hbm4b:s3+s2], $0x80, v3, vm0, $0xb8;
	[tilespmem:$0x14080] =	vst v63  }
0x87: {  	_ = 	snop  }
0x88: {  	[tilespmem:s11], [sflag:$0x1] =	stream.indirect_vreg.gather [hbm4b:s4+s2], $0x80, v3, vm0, $0xb8;
	[tilespmem:$0x14080] =	vst v63  }
0x89: {  	_ = 	snop  }
0x8a: {  	[tilespmem:s12], [sflag:$0x1] =	stream.indirect_vreg.gather [hbm4b:s5+s2], $0x80, v3, vm1, $0xb8;
	[tilespmem:$0x14080] =	vst v63  }
0x8b: {  	v3 =	vld [tilespmem:$0x50];
	_ =	sdelay $0x4  }
0x8c: {  	v61 =	vshrl.u32 v3, $0x3  }
0x8d: {  	v4 =	vmul.u32 $0x28, v61  }
0x8e: {  	v3 =	vand.u32 $0x7, v3  }
0x8f: {  	v3 =	vor.u32 v3, v4  }
0x90: {  	v4 =	vperm.xlane v3, v0;
	_ =	sdelay $0x1  }
0x91: {  	v4 =	vadd.s32 v1, v4;
	_ =	sdelay $0x3  }
0x92: {  	v3 =	vperm.xlane v3, v2  }
0x93: {  	[tilespmem:s13], [sflag:$0x1] =	stream.indirect_vreg.gather [hbm4b:s3+s2], $0x80, v4, vm0, $0xb8;
	[tilespmem:$0x14080] =	vst v63  }
0x94: {  	v3 =	vadd.s32 v1, v3  }
0x95: {  	[tilespmem:s14], [sflag:$0x1] =	stream.indirect_vreg.gather [hbm4b:s4+s2], $0x80, v4, vm0, $0xb8;
	[tilespmem:$0x14080] =	vst v63  }
0x96: {  	_ = 	snop  }
0x97: {  	[tilespmem:s15], [sflag:$0x1] =	stream.indirect_vreg.gather [hbm4b:s5+s2], $0x80, v4, vm1, $0xb8;
	[tilespmem:$0x14080] =	vst v63  }
0x98: {  	_ = 	snop  }
0x99: {  	[tilespmem:s16], [sflag:$0x1] =	stream.indirect_vreg.gather [hbm4b:s3+s2], $0x80, v3, vm0, $0xb8;
	[tilespmem:$0x14080] =	vst v63  }
0x9a: {  	_ = 	snop  }
0x9b: {  	[tilespmem:s17], [sflag:$0x1] =	stream.indirect_vreg.gather [hbm4b:s4+s2], $0x80, v3, vm0, $0xb8;
	[tilespmem:$0x14080] =	vst v63  }
0x9c: {  	_ = 	snop  }
0x9d: {  	[tilespmem:s18], [sflag:$0x1] =	stream.indirect_vreg.gather [hbm4b:s5+s2], $0x80, v3, vm1, $0xb8;
	[tilespmem:$0x14080] =	vst v63  }
0x9e: {  	v3 =	vld [tilespmem:$0x60];
	_ =	sdelay $0x4  }
0x9f: {  	v62 =	vshrl.u32 v3, $0x3  }
0xa0: {  	v4 =	vmul.u32 $0x28, v62  }
0xa1: {  	v3 =	vand.u32 $0x7, v3  }
0xa2: {  	v3 =	vor.u32 v3, v4  }
0xa3: {  	v4 =	vperm.xlane v3, v0;
	_ =	sdelay $0x1  }
0xa4: {  	v4 =	vadd.s32 v1, v4;
	_ =	sdelay $0x3  }
0xa5: {  	v3 =	vperm.xlane v3, v2  }
0xa6: {  	[tilespmem:s19], [sflag:$0x1] =	stream.indirect_vreg.gather [hbm4b:s3+s2], $0x80, v4, vm0, $0xb8;
	[tilespmem:$0x14080] =	vst v63  }
0xa7: {  	v3 =	vadd.s32 v1, v3  }
0xa8: {  	[tilespmem:s20], [sflag:$0x1] =	stream.indirect_vreg.gather [hbm4b:s4+s2], $0x80, v4, vm0, $0xb8;
	[tilespmem:$0x14080] =	vst v63  }
0xa9: {  	_ = 	snop  }
0xaa: {  	[tilespmem:s21], [sflag:$0x1] =	stream.indirect_vreg.gather [hbm4b:s5+s2], $0x80, v4, vm1, $0xb8;
	[tilespmem:$0x14080] =	vst v63  }
0xab: {  	_ = 	snop  }
0xac: {  	[tilespmem:s22], [sflag:$0x1] =	stream.indirect_vreg.gather [hbm4b:s3+s2], $0x80, v3, vm0, $0xb8;
	[tilespmem:$0x14080] =	vst v63  }
0xad: {  	_ = 	snop  }
0xae: {  	[tilespmem:s23], [sflag:$0x1] =	stream.indirect_vreg.gather [hbm4b:s4+s2], $0x80, v3, vm0, $0xb8;
	[tilespmem:$0x14080] =	vst v63  }
0xaf: {  	_ = 	snop  }
0xb0: {  	[tilespmem:s24], [sflag:$0x1] =	stream.indirect_vreg.gather [hbm4b:s5+s2], $0x80, v3, vm1, $0xb8;
	[tilespmem:$0x14080] =	vst v63  }
0xb1: {  	v3 =	vld [tilespmem:$0x70];
	_ =	sdelay $0x4  }
0xb2: {  	v63 =	vshrl.u32 v3, $0x3  }
0xb3: {  	v4 =	vmul.u32 $0x28, v63  }
0xb4: {  	v3 =	vand.u32 $0x7, v3  }
0xb5: {  	v3 =	vor.u32 v3, v4  }
0xb6: {  	v4 =	vperm.xlane v3, v0;
	_ =	sdelay $0x1  }
0xb7: {  	v4 =	vadd.s32 v1, v4;
	_ =	sdelay $0x3  }
0xb8: {  	v3 =	vperm.xlane v3, v2  }
0xb9: {  	[tilespmem:s25], [sflag:$0x1] =	stream.indirect_vreg.gather [hbm4b:s3+s2], $0x80, v4, vm0, $0xb8;
	[tilespmem:$0x14080] =	vst v63  }
0xba: {  	v3 =	vadd.s32 v1, v3  }
0xbb: {  	[tilespmem:s26], [sflag:$0x1] =	stream.indirect_vreg.gather [hbm4b:s4+s2], $0x80, v4, vm0, $0xb8;
	[tilespmem:$0x14080] =	vst v63  }
0xbc: {  	_ = 	snop  }
0xbd: {  	[tilespmem:s28], [sflag:$0x1] =	stream.indirect_vreg.gather [hbm4b:s5+s2], $0x80, v4, vm1, $0xb8;
	[tilespmem:$0x14080] =	vst v63  }
0xbe: {  	_ = 	snop  }
0xbf: {  	[tilespmem:s29], [sflag:$0x1] =	stream.indirect_vreg.gather [hbm4b:s3+s2], $0x80, v3, vm0, $0xb8;
	[tilespmem:$0x14080] =	vst v63  }
0xc0: {  	_ = 	snop  }
0xc1: {  	[tilespmem:s30], [sflag:$0x1] =	stream.indirect_vreg.gather [hbm4b:s4+s2], $0x80, v3, vm0, $0xb8;
	[tilespmem:$0x14080] =	vst v63  }
0xc2: {  	_ = 	snop  }
0xc3: {  	[tilespmem:s31], [sflag:$0x1] =	stream.indirect_vreg.gather [hbm4b:s5+s2], $0x80, v3, vm1, $0xb8;
	[tilespmem:$0x14080] =	vst v63  }
0xc4: {  	_ =	swait.ge [sflag:s1], $0x14000  }
0xc5: {  	p0 =	sne.s32 s6, $0x1;
	[sflag:s1] =	ssyncset.done $0x0  }
.Ltmp0:
0xc6: {  	s9 =	rddreg [dreg:$0x3];
	[sflag:s1] =	ssyncadd.s32 $0xFFFEC000;
	(pc) =	sbr.rel @p0 .LBB2_1-.Ltmp0, $4  }
0xc7: {  	[hbm4b:s9+s2] =	stream.linear.scatter [tilespmem:s8], [sflag:$0x2], $0x14000, $0x38;
	[tilespmem:$0x14080] =	vst v63  }
0xc8: {  	_ =	swait.ge [sflag:s7], $0x14000  }
0xc9: {  	[sflag:s7] =	ssyncset.done $0x0  }
0xca: {  	s6 =	sadd.s32 $0xFFFFFFFF, s6;
	[sflag:s7] =	ssyncadd.s32 $0xFFFEC000  }
0xcb: {  	_ =	sfence.sel $0x180000  }
0xcc: {  	[bflag:$0x0] =	sbarrier.arrive $0xFFFF  }
0xcd: {  	_ =	strace $0x90000056  }
0xce: {  	s0 =	stileid.u32;
	[bflag:$0x2] =	sbarrier.arrive $0xFFFF  }
0xcf: {  	p0 =	sne.s32 s0, $0x0;
	s0 =	rddreg [dreg:$0x1]  }
0xd0: {  	s0 =	sadd.s32 @!p0 $0x100000, s0  }
0xd1: {  	[sflag:s0] =	ssyncadd.tile.s32 @!p0 $0x1;
	_ =	shalt  }
.Lfunc_end2:
_tile_overlayer_lowered:
.L_overlay_start_2:
0xd2: {  	(tag) =	ssettag $0x2  }
0xd3: {  	s0 =	rddreg [dreg:$0x0];
	s2 =	stileid.u32  }
0xd4: {  	s1 =	rddreg [dreg:$0x1];
	p0 =	sne.s32 s2, $0x0  }
0xd5: {  	s3 =	rddreg [dreg:$0x2];
	[bflag:$0x3] =	sbarrier.arrive $0xFFFF;
	s2 =	simm.s32 @!p0 $0x1C02  }
0xd6: {  	[timem:s3], [sflag:s2] =	dma.local @!p0 [hbm:s0], s1  }
0xd7: {  	s0 =	simm.s32 @!p0 $0x2  }
0xd8: {  	_ =	swait.ge @!p0 [sflag:s0], s1  }
0xd9: {  	s1 =	ssub.s32 @!p0 $0x0, s1;
	[sflag:s0] =	ssyncset.done @!p0 $0x0  }
0xda: {  	[sflag:s0] =	ssyncadd.s32 @!p0 s1  }
0xdb: {  	[bflag:$0x3] =	sbarrier.arrive $0xFFFF  }
0xdc: {  	_ =	shalt  }

// kernel: kernel.54.cloned.1.call-start
scs
__scs_entry_jumppad:
0x0: {  	(pc) =	sbr.rel $0x88, $3  }
0x1: {  	(tag) =	ssettag $0x0;
	lr =	simm.s32 $0x1  }
0x2: {  	[smem:$0x3F50] =	sst lr;
	_ =	strace $0xD0000000  }
0x3: {  	_ = 	snop  }
0x4: {  	_ = 	snop  }
0x5: {  	_ = 	snop  }
0x6: {  	_ = 	snop  }
0x7: {  	_ = 	snop  }
__scs_overlays_trampoline_lowered:
0x8: {  	[smem:$0x3F5F] =	sst s0  }
0x9: {  	[smem:$0x3F60] =	sst s1  }
0xa: {  	[smem:$0x3F61] =	sst s2  }
0xb: {  	[smem:$0x3F62] =	sst s3  }
0xc: {  	[smem:$0x3F63] =	sst s4  }
0xd: {  	[smem:$0x3F64] =	sst s5  }
0xe: {  	[smem:$0x3F65] =	sst s6  }
0xf: {  	[smem:$0x3F66] =	sst s7  }
0x10: {  	[smem:$0x3F67] =	sst s8  }
0x11: {  	[smem:$0x3F68] =	sst s9;
	s0 =	simm.s32 @!p0 $0x0  }
0x12: {  	s1 =	sld [smem:$0x3F4E];
	s0 =	simm.s32 @p0 $0x1  }
0x13: {  	[smem:$0x3F69] =	sst s0;
	s0 =	simm.s32 @!p1 $0x0  }
0x14: {  	s2 =	sld [smem:$0x3F4D];
	s0 =	simm.s32 @p1 $0x1  }
0x15: {  	[smem:$0x3F6A] =	sst s0;
	s0 =	simm.s32 @!p2 $0x0  }
0x16: {  	s3 =	sld [smem:$0x3FDB];
	s0 =	simm.s32 @p2 $0x1  }
0x17: {  	s4 =	simm.s32 $0x1BF5;
	[smem:$0x3F6C] =	sst s0  }
0x18: {  	s0 =	sld [smem:$0x3F4F];
	_ =	swait.ge [sflag:s4], $0x0  }
0x19: {  	s7 =	sld [smem:$0x3F50]  }
0x1a: {  	s8 =	sadd.s32 $0xFFFFE003, lr  }
0x1b: {  	s9 =	sadd.s32 $0xFFFFFEF7, lr;
	s5 =	simm.s32 $0xFFFFFFFF;
	p2 =	slt.u32 s8, $0xFFFFF086  }
0x1c: {  	p1 =	slt.u32 s9, $0xF7A;
	s5 =	simm.s32 @!p2 $0x0  }
0x1d: {  	s5 =	simm.s32 @p1 $0x1;
	p0 =	seq.s32 s7, s2  }
0x1e: {  	s7 =	smul.u32 @!p0 $0xF7A, s2;
	p2 =	seq.s32 @!p0 s5, $0x0  }
0x1f: {  	s9 =	smul.u32 $0xF7A, s1;
	s8 =	simm.s32 @!p0 $0x1BF5;
	p2 =	por !p2, p0  }
0x20: {  	[sflag:s8] =	ssyncset.s32 @!p0 $0xFFFFF086;
	s6 =	sadd.s32 @!p0 s3, s7;
	s7 =	simm.s32 @!p0 $0x108  }
0x21: {  	s3 =	sadd.s32 s3, s9;
	s6 =	sadd.s32 @!p0 $0x88, s6;
	s7 =	simm.s32 @p2 $0x1082  }
0x22: {  	[simem:s7], [sflag:s8] =	dma.local @!p0 [hbm:s6], $0xF7A  }
0x23: {  	s9 =	sor.u32 $0xD0000000, s2;
	s6 =	simm.s32 $0x108;
	_ =	swait.ge @!p0 [sflag:s8], $0x0  }
0x24: {  	s3 =	sadd.s32 $0x88, s3;
	s6 =	simm.s32 @!p1 $0x1082;
	[sflag:s4] =	ssyncset.s32 $0xFFFFF086  }
0x25: {  	[simem:s6], [sflag:s4] =	dma.local [hbm:s3], $0xF7A  }
0x26: {  	[smem:$0x3F50] =	sst s1;
	(tag) =	ssettag s2;
	_ =	strace s9  }
0x27: {  	s1 =	sld [smem:$0x3F60]  }
0x28: {  	s2 =	sld [smem:$0x3F61]  }
0x29: {  	s4 =	sld [smem:$0x3F63]  }
0x2a: {  	p0 =	seq.s32 s5, $0x0;
	s5 =	sld [smem:$0x3F64]  }
0x2b: {  	s6 =	sld [smem:$0x3F65]  }
0x2c: {  	s7 =	sld [smem:$0x3F66]  }
0x2d: {  	s3 =	simm.s32 $0x108;
	s8 =	sld [smem:$0x3F67]  }
0x2e: {  	s3 =	simm.s32 @!p0 $0x1082;
	s9 =	sld [smem:$0x3F68]  }
0x2f: {  	lr =	sadd.s32 s0, s3;
	s0 =	sld [smem:$0x3F5F]  }
0x30: {  	s3 =	sld [smem:$0x3F62]  }
0x31: {  	[smem:$0x3F6B] =	sst s10  }
0x32: {  	s10 =	sld [smem:$0x3F69];
	_ =	sdelay $0x3  }
0x33: {  	p0 =	seq.s32 s10, $0x1;
	s10 =	sld [smem:$0x3F6B];
	_ =	sdelay $0x3  }
0x34: {  	[smem:$0x3F6B] =	sst s10  }
0x35: {  	s10 =	sld [smem:$0x3F6A];
	_ =	sdelay $0x3  }
0x36: {  	p1 =	seq.s32 s10, $0x1;
	s10 =	sld [smem:$0x3F6B];
	_ =	sdelay $0x3  }
0x37: {  	[smem:$0x3F6B] =	sst s10  }
0x38: {  	s10 =	sld [smem:$0x3F6C]  }
0x39: {  	_ = 	snop;
	(pc) =	sbr.ind lr, $3  }
0x3a: {  	_ = 	snop  }
0x3b: {  	_ = 	snop  }
0x3c: {  	p2 =	seq.s32 s10, $0x1;
	s10 =	sld [smem:$0x3F6B]  }
0x3d: {  	_ =	shalt  }
0x3e: {  	_ =	shalt  }
0x3f: {  	_ =	shalt  }
0x40: {  	_ =	shalt  }
0x41: {  	_ =	shalt  }
0x42: {  	_ =	shalt  }
0x43: {  	_ =	shalt  }
0x44: {  	_ =	shalt  }
0x45: {  	_ =	shalt  }
0x46: {  	_ =	shalt  }
0x47: {  	_ =	shalt  }
0x48: {  	_ =	shalt  }
0x49: {  	_ =	shalt  }
0x4a: {  	_ =	shalt  }
0x4b: {  	_ =	shalt  }
0x4c: {  	_ =	shalt  }
0x4d: {  	_ =	shalt  }
0x4e: {  	_ =	shalt  }
0x4f: {  	_ =	shalt  }
0x50: {  	_ =	shalt  }
0x51: {  	_ =	shalt  }
0x52: {  	_ =	shalt  }
0x53: {  	_ =	shalt  }
0x54: {  	_ =	shalt  }
0x55: {  	_ =	shalt  }
0x56: {  	_ =	shalt  }
0x57: {  	_ =	shalt  }
0x58: {  	_ =	shalt  }
0x59: {  	_ =	shalt  }
0x5a: {  	_ =	shalt  }
0x5b: {  	_ =	shalt  }
0x5c: {  	_ =	shalt  }
0x5d: {  	_ =	shalt  }
0x5e: {  	_ =	shalt  }
0x5f: {  	_ =	shalt  }
0x60: {  	_ =	shalt  }
0x61: {  	_ =	shalt  }
0x62: {  	_ =	shalt  }
0x63: {  	_ =	shalt  }
0x64: {  	_ =	shalt  }
0x65: {  	_ =	shalt  }
0x66: {  	_ =	shalt  }
0x67: {  	_ =	shalt  }
0x68: {  	_ =	shalt  }
0x69: {  	_ =	shalt  }
0x6a: {  	_ =	shalt  }
0x6b: {  	_ =	shalt  }
0x6c: {  	_ =	shalt  }
0x6d: {  	_ =	shalt  }
0x6e: {  	_ =	shalt  }
0x6f: {  	_ =	shalt  }
0x70: {  	_ =	shalt  }
0x71: {  	_ =	shalt  }
0x72: {  	_ =	shalt  }
0x73: {  	_ =	shalt  }
0x74: {  	_ =	shalt  }
0x75: {  	_ =	shalt  }
0x76: {  	_ =	shalt  }
0x77: {  	_ =	shalt  }
0x78: {  	_ =	shalt  }
0x79: {  	_ =	shalt  }
0x7a: {  	_ =	shalt  }
0x7b: {  	_ =	shalt  }
0x7c: {  	_ =	shalt  }
0x7d: {  	_ =	shalt  }
0x7e: {  	_ =	shalt  }
0x7f: {  	_ =	shalt  }
0x80: {  	_ =	shalt  }
0x81: {  	_ =	shalt  }
0x82: {  	_ =	shalt  }
0x83: {  	_ =	shalt  }
0x84: {  	_ =	shalt  }
0x85: {  	_ =	shalt  }
0x86: {  	_ =	shalt  }
0x87: {  	_ =	shalt  }
.Lfunc_end0:
.L_simem_size_0:
called_computation.6_lowered:
.L_overlay_start_0:
0x88: {  	s2 =	sld [smem:$0x3FD9]  }
0x89: {  	s3 =	sld [smem:$0x3FFE];
	_ =	sdelay $0x1  }
0x8a: {  	s1 =	srdreg.scid  }
0x8b: {  	s0 =	sand.u32 $0x1, s1  }
0x8c: {  	s16 =	sshll.u32 s0, $0xA;
	s2 =	sadd.s32 s3, s2  }
0x8d: {  	s2 =	sadd.s32 s2, s16  }
0x8e: {  	[smem:$0x3F77] =	sst s2  }
0x8f: {  	_ = 	snop  }
0x90: {  	(tm) =	ssettm $0x1  }
0x91: {  	s17 =	sld [smem:$0x3FFB];
	_ =	sdelay $0x3  }
0x92: {  	_ =	strace s17  }
0x93: {  	s2 =	sld [smem:$0x3FFC];
	_ =	sdelay $0x3  }
0x94: {  	_ =	strace s2  }
0x95: {  	s2 =	sld [smem:$0x3FFD];
	_ =	sdelay $0x3  }
0x96: {  	_ =	strace s2  }
0x97: {  	_ =	strace $0x8FFFFFFF  }
0x98: {  	s18 =	sld [smem:$0x3FDB];
	_ =	sdelay $0x1  }
0x99: {  	s19 =	simm.s32 $_scs_section_size  }
0x9a: {  	s4 =	simm.s32 $_size__tile_overlayer_lowered;
	s5 =	simm.s32 $_tile_overlayer_lowered  }
0x9b: {  	s22 =	simm.s32 $0x1BFF;
	s21 =	sshll.u32 s5, $0x1;
	s2 =	sadd.s32 s19, s18  }
0x9c: {  	s6 =	simm.s32 $0x0;
	s20 =	sshll.u32 s4, $0x1;
	s4 =	sadd.s32 s21, s2  }
0x9d: {  	[timem:s6], [sflag:s22] =	dma.local [hbm:s4], s20  }
0x9e: {  	_ =	swait.ge [sflag:s22], s20  }
0x9f: {  	s3 =	ssub.s32 $0x0, s20;
	[sflag:s22] =	ssyncset.done $0x0  }
0xa0: {  	[sflag:s22] =	ssyncadd.s32 s3;
	_ =	sdelay $0x1  }
0xa1: {  	s23 =	simm.s32 $0x1B8B  }
0xa2: {  	_ =	swait.ge [sflag:s23], $0x1  }
0xa3: {  	[sflag:s23] =	ssyncset.done $0x0  }
0xa4: {  	s25 =	simm.s32 $0x1B8E;
	s24 =	sld [smem:$0x3FFE];
	[sflag:s23] =	ssyncadd.s32 $0xFFFFFFFF  }
0xa5: {  	s26 =	simm.s32 $execute0_lowered;
	[smem:$0x3FD2] =	sst s25  }
0xa6: {  	s4 =	sshll.u32 s26, $0x1;
	_ =	strace $0x80000058;
	[dreg:$0x1] =	wrdreg $0xFFFFFFFF  }
0xa7: {  	s28 =	simm.s32 $_size_execute0_lowered;
	s2 =	sadd.s32 s2, s4;
	[dreg:$0x0] =	wrdreg $0x0  }
0xa8: {  	s4 =	sshll.u32 s28, $0x1;
	[dreg:$0x2] =	wrdreg s2  }
0xa9: {  	[dreg:$0x3] =	wrdreg s4  }
0xaa: {  	[dreg:$0x4] =	wrdreg $0xC0  }
0xab: {  	_ =	task [dreg:s6], $0x5FFFF  }
0xac: {  	[dreg:$0x1] =	wrdreg $0xFFFFFFFF  }
0xad: {  	[dreg:$0x0] =	wrdreg $0x60  }
0xae: {  	[dreg:$0x2] =	wrdreg s24  }
0xaf: {  	[dreg:$0x3] =	wrdreg $0x9  }
0xb0: {  	_ =	task.clear_ibuf [dreg:s6], $0x4FFFF;
	_ =	strace $0x90000058  }
0xb1: {  	s29 =	simm.s32 $0x9;
	_ =	strace $0x8000005A  }
0xb2: {  	_ =	swait.ge [sflag:s29], $0x1  }
0xb3: {  	[sflag:s29] =	ssyncadd.s32 $0xFFFFFFFF  }
0xb4: {  	_ =	strace $0x9000005A  }
0xb5: {  	_ =	sfence  }
0xb6: {  	s30 =	sld [smem:$0x0];
	_ =	sdelay $0x2  }
0xb7: {  	s31 =	sshll.u32 s1, $0xD;
	s1 =	sshrl.u32 s1, $0x2  }
0xb8: {  	s3 =	sand.u32 $0x4000, s31;
	s1 =	sadd.s32 s1, s30  }
0xb9: {  	s0 =	sor.u32 s3, s0;
	s1 =	sshll.u32 s1, $0x11  }
0xba: {  	s0 =	sor.u32 s1, s0  }
0xbb: {  	s0 =	sadd.s32 $0x8F2B, s0  }
0xbc: {  	[sflag:s0] =	ssyncadd.remote.s32 $0x1  }
0xbd: {  	_ =	sfence.sel $0xFFFF  }
0xbe: {  	[dreg:$0x0] =	wrdreg $0xFFFFFFFF;
	(pc) =	sbr.abs _section_cstart, $3  }
0xbf: {  	[dreg:$0x1] =	wrdreg $0xFFFFFFFF  }
0xc0: {  	_ =	task.clear_ibuf [dreg:s6], $0x2FFFF;
	_ =	strace $0x9FFFFFFF  }
0xc1: {  	(tm) =	ssettm $0x7FFFFFFF  }
tec
execute0_lowered:
.L_overlay_start_1:
0x0: {  	(tag) =	ssettag $0x1  }
0x1: {  	s0 =	srdreg.scid;
	s2 =	stileid.u32  }
0x2: {  	s1 =	sand.u32 $0x1, s0;
	s2 =	smul.u32 $0x300, s2  }
0x3: {  	s3 =	smul.u32 $0x180, s1;
	_ =	sdelay $0x1  }
0x4: {  	s0 =	rddreg [dreg:$0x0];
	s3 =	sadd.s32 s3, s2;
	s2 =	simm.s32 $0x0  }
0x5: {  	s20 =	simm.s32 $0x880;
	[smem:$0x7FF] =	sst s2  }
0x6: {  	s21 =	simm.s32 $0x1080;
	_ =	strace $0x80000059;
	[dreg:$0x3] =	wrdreg s20  }
0x7: {  	s22 =	simm.s32 $0x1480;
	[dreg:$0x4] =	wrdreg s21  }
0x8: {  	s23 =	simm.s32 $0x1C80;
	[dreg:$0x5] =	wrdreg s22  }
0x9: {  	s24 =	simm.s32 $0x2480;
	[dreg:$0x6] =	wrdreg s23  }
0xa: {  	s25 =	simm.s32 $0x2880;
	[dreg:$0x7] =	wrdreg s24  }
0xb: {  	s26 =	simm.s32 $0x3080;
	[dreg:$0x8] =	wrdreg s25  }
0xc: {  	s5 =	simm.s32 $0x3880;
	[dreg:$0x9] =	wrdreg s26  }
0xd: {  	s6 =	simm.s32 $0x3C80;
	[dreg:$0xa] =	wrdreg s5  }
0xe: {  	s7 =	simm.s32 $0x4480;
	[dreg:$0xb] =	wrdreg s6  }
0xf: {  	s8 =	simm.s32 $0x4C80;
	[dreg:$0xc] =	wrdreg s7  }
0x10: {  	s9 =	simm.s32 $0x5080;
	[dreg:$0xd] =	wrdreg s8  }
0x11: {  	s10 =	simm.s32 $0x5880;
	s11 =	simm.s32 $0x6080;
	[dreg:$0xe] =	wrdreg s9  }
0x12: {  	s12 =	simm.s32 $0x6480;
	s13 =	simm.s32 $0x6C80;
	[dreg:$0xf] =	wrdreg s10  }
0x13: {  	s14 =	simm.s32 $0x7480;
	s15 =	simm.s32 $0x7880;
	[dreg:$0x10] =	wrdreg s11  }
0x14: {  	s16 =	simm.s32 $0x8080;
	s17 =	simm.s32 $0x8880;
	[dreg:$0x11] =	wrdreg s12  }
0x15: {  	s18 =	simm.s32 $0x8C80;
	s19 =	simm.s32 $0x9480;
	[dreg:$0x12] =	wrdreg s13  }
0x16: {  	s28 =	simm.s32 $0x13480;
	s29 =	simm.s32 $0x13C80;
	[dreg:$0x13] =	wrdreg s14  }
0x17: {  	s30 =	simm.s32 $0x1;
	s31 =	simm.s32 $0x0;
	[dreg:$0x14] =	wrdreg s15  }
0x18: {  	s1 =	ssub.s32 $0x2, s1;
	s3 =	sshrl.u32 s3, $0x3;
	[dreg:$0x15] =	wrdreg s16  }
0x19: {  	s4 =	sadd.s32 s3, s0;
	s5 =	smul.u32 $0x280, s3;
	[dreg:$0x16] =	wrdreg s17  }
0x1a: {  	s3 =	sadd.s32 $0x16800, s0;
	[dreg:$0x17] =	wrdreg s18;
	s20 =	sshrl.u32 s1, $0x1  }
0x1b: {  	[dreg:$0x18] =	wrdreg s19;
	s21 =	simm.s32 $0x9C80;
	s22 =	simm.s32 $0xA080  }
0x1c: {  	s6 =	simm.s32 $0xA880;
	s23 =	simm.s32 $0xB080;
	s24 =	simm.s32 $0xB480  }
0x1d: {  	s26 =	simm.s32 $0xBC80;
	s8 =	simm.s32 $0x2;
	s9 =	simm.s32 $0x80  }
0x1e: {  	s10 =	simm.s32 $0xC480;
	s11 =	simm.s32 $0xC880;
	[dreg:$0x19] =	wrdreg s21  }
0x1f: {  	s12 =	simm.s32 $0xD080;
	s13 =	simm.s32 $0xD880;
	[dreg:$0x1a] =	wrdreg s22  }
0x20: {  	s14 =	simm.s32 $0xDC80;
	s15 =	simm.s32 $0xE480;
	[dreg:$0x1b] =	wrdreg s6  }
0x21: {  	s16 =	simm.s32 $0xEC80;
	s17 =	simm.s32 $0xF080;
	[dreg:$0x1c] =	wrdreg s23  }
0x22: {  	s18 =	simm.s32 $0xF880;
	s19 =	simm.s32 $0x10080;
	[dreg:$0x1d] =	wrdreg s24  }
0x23: {  	s4 =	sadd.s32 $0x14A00, s4;
	s1 =	ssub.s32 s1, s20;
	[dreg:$0x1e] =	wrdreg s26  }
0x24: {  	s20 =	simm.s32 $0x10480;
	s21 =	simm.s32 $0x10C80;
	s22 =	simm.s32 $0x11480  }
0x25: {  	s23 =	simm.s32 $0x11880;
	s24 =	simm.s32 $0x12080;
	s26 =	simm.s32 $0x12C80  }
0x26: {  	v2 =	vlaneseq.u32;
	[dreg:$0x2] =	wrdreg s4;
	s7 =	sadd.s32 s5, s0;
	s1 =	smax.u32 s1, $0x1  }
0x27: {  	vm0 =	vmmov $0xffff;
	vm1 =	vmmov $0xff;
	v1 =	vshrl.u32 v2, $0x3;
	s4 =	sadd.s32 $0x16900, s0;
	[dreg:$0x1f] =	wrdreg s1;
	s25 =	sadd.s32 $0x3E800, s7  }
0x28: {  	v0 =	vand.u32 $0x7, v2;
	v2 =	vor.u32 $0x8, v2;
	v1 =	vmul.u32 $0x8, v1;
	s5 =	sadd.s32 $0x16A00, s0;
	[smem:$0x7FD] =	sst s25;
	s25 =	simm.s32 $0x12880  }
.LBB2_1:
0x29: {  	s1 =	simm.s32 $0x0;
	s7 =	sld [smem:$0x7FD]  }
.LBB2_2:
0x2a: {  	s6 =	rddreg [dreg:$0x2]  }
0x2b: {  	s6 =	sadd.s32 s1, s6  }
0x2c: {  	[tilespmem:s2], [sflag:$0x2] =	stream.linear.gather [hbm4b:s6+s2], $0x80, $0x38;
	[tilespmem:$0x14080] =	vst v63  }
0x2d: {  	_ =	swait.ge [sflag:s8], $0x80  }
0x2e: {  	[sflag:s8] =	ssyncset.done $0x0  }
0x2f: {  	[sflag:s8] =	ssyncadd.s32 $0xFFFFFF80  }
0x30: {  	v3 =	vld [tilespmem:$0x0];
	_ =	sdelay $0x4  }
0x31: {  	v4 =	vshrl.u32 v3, $0x3  }
0x32: {  	v4 =	vmul.u32 $0x28, v4  }
0x33: {  	v3 =	vand.u32 $0x7, v3  }
0x34: {  	v3 =	vor.u32 v3, v4  }
0x35: {  	v4 =	vperm.xlane v3, v0;
	_ =	sdelay $0x1  }
0x36: {  	v4 =	vadd.s32 v1, v4;
	_ =	sdelay $0x3  }
0x37: {  	v3 =	vperm.xlane v3, v2  }
0x38: {  	[tilespmem:s9], [sflag:$0x1] =	stream.indirect_vreg.gather [hbm4b:s3+s2], $0x80, v4, vm0, $0xb8;
	[tilespmem:$0x14080] =	vst v63  }
0x39: {  	s6 =	rddreg [dreg:$0x3];
	v3 =	vadd.s32 v1, v3  }
0x3a: {  	[tilespmem:s6], [sflag:$0x1] =	stream.indirect_vreg.gather [hbm4b:s4+s2], $0x80, v4, vm0, $0xb8;
	[tilespmem:$0x14080] =	vst v63  }
0x3b: {  	s0 =	rddreg [dreg:$0x4]  }
0x3c: {  	[tilespmem:s0], [sflag:$0x1] =	stream.indirect_vreg.gather [hbm4b:s5+s2], $0x80, v4, vm1, $0xb8;
	[tilespmem:$0x14080] =	vst v63  }
0x3d: {  	s6 =	rddreg [dreg:$0x5]  }
0x3e: {  	[tilespmem:s6], [sflag:$0x1] =	stream.indirect_vreg.gather [hbm4b:s3+s2], $0x80, v3, vm0, $0xb8;
	[tilespmem:$0x14080] =	vst v63  }
0x3f: {  	s0 =	rddreg [dreg:$0x6]  }
0x40: {  	[tilespmem:s0], [sflag:$0x1] =	stream.indirect_vreg.gather [hbm4b:s4+s2], $0x80, v3, vm0, $0xb8;
	[tilespmem:$0x14080] =	vst v63  }
0x41: {  	s6 =	rddreg [dreg:$0x7]  }
0x42: {  	[tilespmem:s6], [sflag:$0x1] =	stream.indirect_vreg.gather [hbm4b:s5+s2], $0x80, v3, vm1, $0xb8;
	[tilespmem:$0x14080] =	vst v63  }
0x43: {  	v3 =	vld [tilespmem:$0x10];
	_ =	sdelay $0x4  }
0x44: {  	v57 =	vshrl.u32 v3, $0x3  }
0x45: {  	v4 =	vmul.u32 $0x28, v57  }
0x46: {  	v3 =	vand.u32 $0x7, v3  }
0x47: {  	v3 =	vor.u32 v3, v4  }
0x48: {  	v4 =	vperm.xlane v3, v0;
	_ =	sdelay $0x1  }
0x49: {  	v4 =	vadd.s32 v1, v4;
	_ =	sdelay $0x3  }
0x4a: {  	s0 =	rddreg [dreg:$0x8];
	v3 =	vperm.xlane v3, v2  }
0x4b: {  	[tilespmem:s0], [sflag:$0x1] =	stream.indirect_vreg.gather [hbm4b:s3+s2], $0x80, v4, vm0, $0xb8;
	[tilespmem:$0x14080] =	vst v63  }
0x4c: {  	s6 =	rddreg [dreg:$0x9];
	v3 =	vadd.s32 v1, v3  }
0x4d: {  	[tilespmem:s6], [sflag:$0x1] =	stream.indirect_vreg.gather [hbm4b:s4+s2], $0x80, v4, vm0, $0xb8;
	[tilespmem:$0x14080] =	vst v63  }
0x4e: {  	s0 =	rddreg [dreg:$0xa]  }
0x4f: {  	[tilespmem:s0], [sflag:$0x1] =	stream.indirect_vreg.gather [hbm4b:s5+s2], $0x80, v4, vm1, $0xb8;
	[tilespmem:$0x14080] =	vst v63  }
0x50: {  	s6 =	rddreg [dreg:$0xb]  }
0x51: {  	[tilespmem:s6], [sflag:$0x1] =	stream.indirect_vreg.gather [hbm4b:s3+s2], $0x80, v3, vm0, $0xb8;
	[tilespmem:$0x14080] =	vst v63  }
0x52: {  	s0 =	rddreg [dreg:$0xc]  }
0x53: {  	[tilespmem:s0], [sflag:$0x1] =	stream.indirect_vreg.gather [hbm4b:s4+s2], $0x80, v3, vm0, $0xb8;
	[tilespmem:$0x14080] =	vst v63  }
0x54: {  	s6 =	rddreg [dreg:$0xd]  }
0x55: {  	[tilespmem:s6], [sflag:$0x1] =	stream.indirect_vreg.gather [hbm4b:s5+s2], $0x80, v3, vm1, $0xb8;
	[tilespmem:$0x14080] =	vst v63  }
0x56: {  	v3 =	vld [tilespmem:$0x20];
	_ =	sdelay $0x4  }
0x57: {  	v58 =	vshrl.u32 v3, $0x3  }
0x58: {  	v4 =	vmul.u32 $0x28, v58  }
0x59: {  	v3 =	vand.u32 $0x7, v3  }
0x5a: {  	v3 =	vor.u32 v3, v4  }
0x5b: {  	v4 =	vperm.xlane v3, v0;
	_ =	sdelay $0x1  }
0x5c: {  	v4 =	vadd.s32 v1, v4;
	_ =	sdelay $0x3  }
0x5d: {  	s0 =	rddreg [dreg:$0xe];
	v3 =	vperm.xlane v3, v2  }
0x5e: {  	[tilespmem:s0], [sflag:$0x1] =	stream.indirect_vreg.gather [hbm4b:s3+s2], $0x80, v4, vm0, $0xb8;
	[tilespmem:$0x14080] =	vst v63  }
0x5f: {  	s6 =	rddreg [dreg:$0xf];
	v3 =	vadd.s32 v1, v3  }
0x60: {  	[tilespmem:s6], [sflag:$0x1] =	stream.indirect_vreg.gather [hbm4b:s4+s2], $0x80, v4, vm0, $0xb8;
	[tilespmem:$0x14080] =	vst v63  }
0x61: {  	s0 =	rddreg [dreg:$0x10]  }
0x62: {  	[tilespmem:s0], [sflag:$0x1] =	stream.indirect_vreg.gather [hbm4b:s5+s2], $0x80, v4, vm1, $0xb8;
	[tilespmem:$0x14080] =	vst v63  }
0x63: {  	s6 =	rddreg [dreg:$0x11]  }
0x64: {  	[tilespmem:s6], [sflag:$0x1] =	stream.indirect_vreg.gather [hbm4b:s3+s2], $0x80, v3, vm0, $0xb8;
	[tilespmem:$0x14080] =	vst v63  }
0x65: {  	s0 =	rddreg [dreg:$0x12]  }
0x66: {  	[tilespmem:s0], [sflag:$0x1] =	stream.indirect_vreg.gather [hbm4b:s4+s2], $0x80, v3, vm0, $0xb8;
	[tilespmem:$0x14080] =	vst v63  }
0x67: {  	s6 =	rddreg [dreg:$0x13]  }
0x68: {  	[tilespmem:s6], [sflag:$0x1] =	stream.indirect_vreg.gather [hbm4b:s5+s2], $0x80, v3, vm1, $0xb8;
	[tilespmem:$0x14080] =	vst v63  }
0x69: {  	v3 =	vld [tilespmem:$0x30];
	_ =	sdelay $0x4  }
0x6a: {  	v59 =	vshrl.u32 v3, $0x3  }
0x6b: {  	v4 =	vmul.u32 $0x28, v59  }
0x6c: {  	v3 =	vand.u32 $0x7, v3  }
0x6d: {  	v3 =	vor.u32 v3, v4  }
0x6e: {  	v4 =	vperm.xlane v3, v0;
	_ =	sdelay $0x1  }
0x6f: {  	v4 =	vadd.s32 v1, v4;
	_ =	sdelay $0x3  }
0x70: {  	s0 =	rddreg [dreg:$0x14];
	v3 =	vperm.xlane v3, v2  }
0x71: {  	[tilespmem:s0], [sflag:$0x1] =	stream.indirect_vreg.gather [hbm4b:s3+s2], $0x80, v4, vm0, $0xb8;
	[tilespmem:$0x14080] =	vst v63  }
0x72: {  	s6 =	rddreg [dreg:$0x15];
	v3 =	vadd.s32 v1, v3  }
0x73: {  	[tilespmem:s6], [sflag:$0x1] =	stream.indirect_vreg.gather [hbm4b:s4+s2], $0x80, v4, vm0, $0xb8;
	[tilespmem:$0x14080] =	vst v63  }
0x74: {  	s0 =	rddreg [dreg:$0x16]  }
0x75: {  	[tilespmem:s0], [sflag:$0x1] =	stream.indirect_vreg.gather [hbm4b:s5+s2], $0x80, v4, vm1, $0xb8;
	[tilespmem:$0x14080] =	vst v63  }
0x76: {  	s6 =	rddreg [dreg:$0x17]  }
0x77: {  	[tilespmem:s6], [sflag:$0x1] =	stream.indirect_vreg.gather [hbm4b:s3+s2], $0x80, v3, vm0, $0xb8;
	[tilespmem:$0x14080] =	vst v63  }
0x78: {  	s0 =	rddreg [dreg:$0x18]  }
0x79: {  	[tilespmem:s0], [sflag:$0x1] =	stream.indirect_vreg.gather [hbm4b:s4+s2], $0x80, v3, vm0, $0xb8;
	[tilespmem:$0x14080] =	vst v63  }
0x7a: {  	s6 =	rddreg [dreg:$0x19]  }
0x7b: {  	[tilespmem:s6], [sflag:$0x1] =	stream.indirect_vreg.gather [hbm4b:s5+s2], $0x80, v3, vm1, $0xb8;
	[tilespmem:$0x14080] =	vst v63  }
0x7c: {  	v3 =	vld [tilespmem:$0x40];
	_ =	sdelay $0x4  }
0x7d: {  	v60 =	vshrl.u32 v3, $0x3  }
0x7e: {  	v4 =	vmul.u32 $0x28, v60  }
0x7f: {  	v3 =	vand.u32 $0x7, v3  }
0x80: {  	v3 =	vor.u32 v3, v4  }
0x81: {  	v4 =	vperm.xlane v3, v0;
	_ =	sdelay $0x1  }
0x82: {  	v4 =	vadd.s32 v1, v4;
	_ =	sdelay $0x3  }
0x83: {  	s0 =	rddreg [dreg:$0x1a];
	v3 =	vperm.xlane v3, v2  }
0x84: {  	[tilespmem:s0], [sflag:$0x1] =	stream.indirect_vreg.gather [hbm4b:s3+s2], $0x80, v4, vm0, $0xb8;
	[tilespmem:$0x14080] =	vst v63  }
0x85: {  	s6 =	rddreg [dreg:$0x1b];
	v3 =	vadd.s32 v1, v3  }
0x86: {  	[tilespmem:s6], [sflag:$0x1] =	stream.indirect_vreg.gather [hbm4b:s4+s2], $0x80, v4, vm0, $0xb8;
	[tilespmem:$0x14080] =	vst v63  }
0x87: {  	s0 =	rddreg [dreg:$0x1c]  }
0x88: {  	[tilespmem:s0], [sflag:$0x1] =	stream.indirect_vreg.gather [hbm4b:s5+s2], $0x80, v4, vm1, $0xb8;
	[tilespmem:$0x14080] =	vst v63  }
0x89: {  	s6 =	rddreg [dreg:$0x1d]  }
0x8a: {  	[tilespmem:s6], [sflag:$0x1] =	stream.indirect_vreg.gather [hbm4b:s3+s2], $0x80, v3, vm0, $0xb8;
	[tilespmem:$0x14080] =	vst v63  }
0x8b: {  	s0 =	rddreg [dreg:$0x1e]  }
0x8c: {  	[tilespmem:s0], [sflag:$0x1] =	stream.indirect_vreg.gather [hbm4b:s4+s2], $0x80, v3, vm0, $0xb8;
	[tilespmem:$0x14080] =	vst v63  }
0x8d: {  	_ = 	snop  }
0x8e: {  	[tilespmem:s10], [sflag:$0x1] =	stream.indirect_vreg.gather [hbm4b:s5+s2], $0x80, v3, vm1, $0xb8;
	[tilespmem:$0x14080] =	vst v63  }
0x8f: {  	v3 =	vld [tilespmem:$0x50];
	_ =	sdelay $0x4  }
0x90: {  	v61 =	vshrl.u32 v3, $0x3  }
0x91: {  	v4 =	vmul.u32 $0x28, v61  }
0x92: {  	v3 =	vand.u32 $0x7, v3  }
0x93: {  	v3 =	vor.u32 v3, v4  }
0x94: {  	v4 =	vperm.xlane v3, v0;
	_ =	sdelay $0x1  }
0x95: {  	v4 =	vadd.s32 v1, v4;
	_ =	sdelay $0x3  }
0x96: {  	v3 =	vperm.xlane v3, v2  }
0x97: {  	[tilespmem:s11], [sflag:$0x1] =	stream.indirect_vreg.gather [hbm4b:s3+s2], $0x80, v4, vm0, $0xb8;
	[tilespmem:$0x14080] =	vst v63  }
0x98: {  	v3 =	vadd.s32 v1, v3  }
0x99: {  	[tilespmem:s12], [sflag:$0x1] =	stream.indirect_vreg.gather [hbm4b:s4+s2], $0x80, v4, vm0, $0xb8;
	[tilespmem:$0x14080] =	vst v63  }
0x9a: {  	_ = 	snop  }
0x9b: {  	[tilespmem:s13], [sflag:$0x1] =	stream.indirect_vreg.gather [hbm4b:s5+s2], $0x80, v4, vm1, $0xb8;
	[tilespmem:$0x14080] =	vst v63  }
0x9c: {  	_ = 	snop  }
0x9d: {  	[tilespmem:s14], [sflag:$0x1] =	stream.indirect_vreg.gather [hbm4b:s3+s2], $0x80, v3, vm0, $0xb8;
	[tilespmem:$0x14080] =	vst v63  }
0x9e: {  	_ = 	snop  }
0x9f: {  	[tilespmem:s15], [sflag:$0x1] =	stream.indirect_vreg.gather [hbm4b:s4+s2], $0x80, v3, vm0, $0xb8;
	[tilespmem:$0x14080] =	vst v63  }
0xa0: {  	_ = 	snop  }
0xa1: {  	[tilespmem:s16], [sflag:$0x1] =	stream.indirect_vreg.gather [hbm4b:s5+s2], $0x80, v3, vm1, $0xb8;
	[tilespmem:$0x14080] =	vst v63  }
0xa2: {  	v3 =	vld [tilespmem:$0x60];
	_ =	sdelay $0x4  }
0xa3: {  	v62 =	vshrl.u32 v3, $0x3  }
0xa4: {  	v4 =	vmul.u32 $0x28, v62  }
0xa5: {  	v3 =	vand.u32 $0x7, v3  }
0xa6: {  	v3 =	vor.u32 v3, v4  }
0xa7: {  	v4 =	vperm.xlane v3, v0;
	_ =	sdelay $0x1  }
0xa8: {  	v4 =	vadd.s32 v1, v4;
	_ =	sdelay $0x3  }
0xa9: {  	v3 =	vperm.xlane v3, v2  }
0xaa: {  	[tilespmem:s17], [sflag:$0x1] =	stream.indirect_vreg.gather [hbm4b:s3+s2], $0x80, v4, vm0, $0xb8;
	[tilespmem:$0x14080] =	vst v63  }
0xab: {  	v3 =	vadd.s32 v1, v3  }
0xac: {  	[tilespmem:s18], [sflag:$0x1] =	stream.indirect_vreg.gather [hbm4b:s4+s2], $0x80, v4, vm0, $0xb8;
	[tilespmem:$0x14080] =	vst v63  }
0xad: {  	_ = 	snop  }
0xae: {  	[tilespmem:s19], [sflag:$0x1] =	stream.indirect_vreg.gather [hbm4b:s5+s2], $0x80, v4, vm1, $0xb8;
	[tilespmem:$0x14080] =	vst v63  }
0xaf: {  	_ = 	snop  }
0xb0: {  	[tilespmem:s20], [sflag:$0x1] =	stream.indirect_vreg.gather [hbm4b:s3+s2], $0x80, v3, vm0, $0xb8;
	[tilespmem:$0x14080] =	vst v63  }
0xb1: {  	_ = 	snop  }
0xb2: {  	[tilespmem:s21], [sflag:$0x1] =	stream.indirect_vreg.gather [hbm4b:s4+s2], $0x80, v3, vm0, $0xb8;
	[tilespmem:$0x14080] =	vst v63  }
0xb3: {  	_ = 	snop  }
0xb4: {  	[tilespmem:s22], [sflag:$0x1] =	stream.indirect_vreg.gather [hbm4b:s5+s2], $0x80, v3, vm1, $0xb8;
	[tilespmem:$0x14080] =	vst v63  }
0xb5: {  	v3 =	vld [tilespmem:$0x70];
	_ =	sdelay $0x4  }
0xb6: {  	v63 =	vshrl.u32 v3, $0x3  }
0xb7: {  	v4 =	vmul.u32 $0x28, v63  }
0xb8: {  	v3 =	vand.u32 $0x7, v3  }
0xb9: {  	v3 =	vor.u32 v3, v4  }
0xba: {  	v4 =	vperm.xlane v3, v0;
	_ =	sdelay $0x1  }
0xbb: {  	v4 =	vadd.s32 v1, v4;
	_ =	sdelay $0x3  }
0xbc: {  	v3 =	vperm.xlane v3, v2  }
0xbd: {  	[tilespmem:s23], [sflag:$0x1] =	stream.indirect_vreg.gather [hbm4b:s3+s2], $0x80, v4, vm0, $0xb8;
	[tilespmem:$0x14080] =	vst v63  }
0xbe: {  	v3 =	vadd.s32 v1, v3  }
0xbf: {  	[tilespmem:s24], [sflag:$0x1] =	stream.indirect_vreg.gather [hbm4b:s4+s2], $0x80, v4, vm0, $0xb8;
	[tilespmem:$0x14080] =	vst v63  }
0xc0: {  	_ = 	snop  }
0xc1: {  	[tilespmem:s25], [sflag:$0x1] =	stream.indirect_vreg.gather [hbm4b:s5+s2], $0x80, v4, vm1, $0xb8;
	[tilespmem:$0x14080] =	vst v63  }
0xc2: {  	_ = 	snop  }
0xc3: {  	[tilespmem:s26], [sflag:$0x1] =	stream.indirect_vreg.gather [hbm4b:s3+s2], $0x80, v3, vm0, $0xb8;
	[tilespmem:$0x14080] =	vst v63  }
0xc4: {  	_ = 	snop  }
0xc5: {  	[tilespmem:s28], [sflag:$0x1] =	stream.indirect_vreg.gather [hbm4b:s4+s2], $0x80, v3, vm0, $0xb8;
	[tilespmem:$0x14080] =	vst v63  }
0xc6: {  	_ = 	snop  }
0xc7: {  	[tilespmem:s29], [sflag:$0x1] =	stream.indirect_vreg.gather [hbm4b:s5+s2], $0x80, v3, vm1, $0xb8;
	[tilespmem:$0x14080] =	vst v63  }
0xc8: {  	_ =	swait.ge [sflag:s30], $0x14000  }
0xc9: {  	p0 =	sne.s32 s1, $0x20;
	[sflag:s30] =	ssyncset.done $0x0  }
.Ltmp0:
0xca: {  	[sflag:s30] =	ssyncadd.s32 $0xFFFEC000;
	(pc) =	sbr.rel @p0 .LBB2_2-.Ltmp0, $4  }
0xcb: {  	[hbm4b:s7+s2] =	stream.linear.scatter [tilespmem:s9], [sflag:$0x2], $0x14000, $0x38;
	[tilespmem:$0x14080] =	vst v63  }
0xcc: {  	_ =	swait.ge [sflag:s8], $0x14000  }
0xcd: {  	[sflag:s8] =	ssyncset.done $0x0  }
0xce: {  	s1 =	sadd.s32 $0x10, s1;
	s7 =	sadd.s32 $0x2800, s7;
	[sflag:s8] =	ssyncadd.s32 $0xFFFEC000  }
0xcf: {  	s31 =	sadd.s32 $0x1, s31;
	s0 =	rddreg [dreg:$0x1f]  }
0xd0: {  	p0 =	sne.s32 s31, s0  }
.Ltmp1:
0xd1: {  	_ = 	snop;
	(pc) =	sbr.rel @p0 .LBB2_1-.Ltmp1, $1  }
0xd2: {  	_ =	sdelay $0x3  }
0xd3: {  	_ =	sfence.sel $0x180000  }
0xd4: {  	[bflag:$0x0] =	sbarrier.arrive $0xFFFF  }
0xd5: {  	_ =	strace $0x90000059  }
0xd6: {  	s0 =	stileid.u32;
	[bflag:$0x2] =	sbarrier.arrive $0xFFFF  }
0xd7: {  	p0 =	sne.s32 s0, $0x0;
	s0 =	rddreg [dreg:$0x1]  }
0xd8: {  	s0 =	sadd.s32 @!p0 $0x100000, s0  }
0xd9: {  	[sflag:s0] =	ssyncadd.tile.s32 @!p0 $0x1;
	_ =	shalt  }
.Lfunc_end2:
_tile_overlayer_lowered:
.L_overlay_start_2:
0xda: {  	(tag) =	ssettag $0x2  }
0xdb: {  	s0 =	rddreg [dreg:$0x0];
	s2 =	stileid.u32  }
0xdc: {  	s1 =	rddreg [dreg:$0x1];
	p0 =	sne.s32 s2, $0x0  }
0xdd: {  	s3 =	rddreg [dreg:$0x2];
	[bflag:$0x3] =	sbarrier.arrive $0xFFFF;
	s2 =	simm.s32 @!p0 $0x1C02  }
0xde: {  	[timem:s3], [sflag:s2] =	dma.local @!p0 [hbm:s0], s1  }
0xdf: {  	s0 =	simm.s32 @!p0 $0x2  }
0xe0: {  	_ =	swait.ge @!p0 [sflag:s0], s1  }
0xe1: {  	s1 =	ssub.s32 @!p0 $0x0, s1;
	[sflag:s0] =	ssyncset.done @!p0 $0x0  }
0xe2: {  	[sflag:s0] =	ssyncadd.s32 @!p0 s1  }
0xe3: {  	[bflag:$0x3] =	sbarrier.arrive $0xFFFF  }
0xe4: {  	_ =	shalt  }

</sc_bundles>
